<compile_context>
chip_gen: v7x
topology: tpu7x:2x2x1
jax: 0.10.2.dev20260603
libtpu: 0.0.44.dev20260713+nightly
codegen_flags: <defaults>
</compile_context>

<pallas_src>
import jax
import jax.numpy as jnp
from jax import lax
from jax.experimental import pallas as pl
from jax.experimental.pallas import tpu as pltpu
from jax.experimental.pallas import tpu_sc as plsc

_MIN_Y = 0.2
_MAX_Y = 0.8
_MIN_MM = 0.1
_MAX_MM = 0.2
_PAD_VALUE = -80.0
_MAXY = _MAX_Y - _MAX_MM

_B, _H, _W = 64, 256, 2048
_NW = 32
_SPW = _B // _NW
_RPW = _SPW * _H
_CH = 8
_NCH = _RPW // _CH
_CPS = _H // _CH
_NBUF = 5
_LOOK = 2


def _mask_params(b, h):
    key = jax.random.key(42)
    k1, k2, k3 = jax.random.split(key, 3)
    coin = jax.random.uniform(k1, (b,), dtype=jnp.float32)
    start_f = jax.random.uniform(k2, (b,), dtype=jnp.float32, minval=_MIN_Y, maxval=_MAXY)
    width_f = jax.random.uniform(k3, (b,), dtype=jnp.float32, minval=_MIN_MM, maxval=_MAX_MM)
    start = jnp.floor(start_f * h).astype(jnp.int32)
    width = jnp.floor(width_f * h).astype(jnp.int32)
    width = jnp.where(coin <= 1.0, width, 0)
    return start, start + width


def _sc_body(x_hbm, params_hbm, out_hbm, se_v, buf_v, isem, osem):
    wid = lax.axis_index("s") * 2 + lax.axis_index("c")
    base = wid * _RPW

    pltpu.sync_copy(params_hbm.at[pl.ds(wid, 1)], se_v)
    pv = se_v[0, :]
    s0, e0, s1, e1 = pv[0], pv[1], pv[2], pv[3]

    def _chunk_info(c):
        r0 = (c % _CPS) * _CH
        in_second = c >= _CPS
        s = jnp.where(in_second, s1, s0)
        e = jnp.where(in_second, e1, e0)
        lo = jnp.clip(s - r0, 0, _CH)
        hi = jnp.clip(e - r0, 0, _CH)
        need_read = jnp.logical_not((lo == 0) & (hi == _CH))
        return base + c * _CH, lo, hi, need_read

    def _issue_in(c, slot):
        g0, _, _, need_read = _chunk_info(c)

        @pl.when(need_read)
        def _():
            pltpu.async_copy(x_hbm.at[pl.ds(g0, _CH)], buf_v.at[slot], isem)

    def _wait_in(c, slot):
        _, _, _, need_read = _chunk_info(c)

        @pl.when(need_read)
        def _():
            pltpu.make_async_copy(
                x_hbm.at[pl.ds(0, _CH)], buf_v.at[slot], isem
            ).wait()

    def _wait_out(slot):
        pltpu.make_async_copy(
            buf_v.at[slot], out_hbm.at[pl.ds(0, _CH)], osem
        ).wait()

    for c in range(_LOOK):
        _issue_in(c, c % _NBUF)

    def _step(c, k):
        nxt = c + _LOOK
        slot_n = (k + _LOOK) % _NBUF

        @pl.when(nxt < _NCH)
        def _():
            @pl.when(nxt >= _NBUF)
            def _():
                _wait_out(slot_n)

            _issue_in(nxt, slot_n)

        _wait_in(c, k)

        g0, lo, hi, _ = _chunk_info(c)

        def _fill_row(r, _):
            def _col(j, _):
                buf_v[k, r, pl.ds(j * 16, 16)] = jnp.full(
                    (16,), _PAD_VALUE, jnp.float32
                )
                return 0

            lax.fori_loop(0, _W // 16, _col, 0, unroll=8)
            return 0

        lax.fori_loop(lo, hi, _fill_row, 0)

        pltpu.async_copy(buf_v.at[k], out_hbm.at[pl.ds(g0, _CH)], osem)

    def _group(g, _):
        for k in range(_NBUF):
            _step(g * _NBUF + k, k)
        return 0

    ngroups = _NCH // _NBUF
    lax.fori_loop(0, ngroups, _group, 0)
    for c in range(ngroups * _NBUF, _NCH):
        _step(c, c % _NBUF)

    for c in range(_NCH - _NBUF, _NCH):
        _wait_out(c % _NBUF)


def kernel(x):
    b, c, h, w = x.shape
    start, end = _mask_params(b, h)
    se = jnp.stack([start, end], axis=1).reshape(_NW, 2 * _SPW)
    params = jnp.zeros((_NW, 16), jnp.int32).at[:, : 2 * _SPW].set(se)
    x2 = x.reshape(b * h, w)
    mesh = plsc.VectorSubcoreMesh(core_axis_name="c", subcore_axis_name="s")
    f = pl.kernel(
        _sc_body,
        out_type=jax.ShapeDtypeStruct((b * h, w), jnp.float32),
        mesh=mesh,
        scratch_types=[
            pltpu.VMEM((1, 16), jnp.int32),
            pltpu.VMEM((_NBUF, _CH, _W), jnp.float32),
            pltpu.SemaphoreType.DMA,
            pltpu.SemaphoreType.DMA,
        ],
    )
    out = f(x2, params)
    return out.reshape(b, c, h, w)

# --- scband reference (transcript-rebuilt; emitter-appended) ---
"""Pipeline reference for scband-spec-frequency-mask-64561948393919 (READ-ONLY COPY).

The authoritative reference and input builder live on the scoring server;
editing this copy changes nothing except your own understanding.
"""

import jax, jax.numpy as jnp
import numpy as np

MIN_Y = 0.2
MAX_Y = 0.8
MIN_MM = 0.1
MAX_MM = 0.2
PAD_VALUE = -80.0
P = 1.0
MAXY = MAX_Y - MAX_MM  # 0.6, matches torch module's self.maxy


def setup_inputs(seed: int = 0) -> dict:
    key = jax.random.key(seed)
    x = jax.random.normal(key, (64, 1, 256, 2048), dtype=jnp.float32)
    return {"x": x}


def reference(x):
    # Faithful translation of SpecFrequencyMask.forward in training mode.
    # Per-batch element: draw start ~ U(miny, maxy), width ~ U(min_mm, max_mm),
    # convert to integer mel-bin indices, and overwrite x[i, :, start:start+width, :]
    # with pad_value (scatter-overwrite on contiguous row slices), gated by
    # a per-sample Bernoulli(p) coin flip (rand <= p => apply mask).
    b, c, h, w = x.shape
    key = jax.random.key(42)
    k1, k2, k3 = jax.random.split(key, 3)
    coin = jax.random.uniform(k1, (b,), dtype=jnp.float32)
    start_f = jax.random.uniform(k2, (b,), dtype=jnp.float32, minval=MIN_Y, maxval=MAXY)
    width_f = jax.random.uniform(k3, (b,), dtype=jnp.float32, minval=MIN_MM, maxval=MAX_MM)
    start = jnp.floor(start_f * h).astype(jnp.int32)   # int(start * h)
    width = jnp.floor(width_f * h).astype(jnp.int32)   # int(width * h)
    rows = jnp.arange(h, dtype=jnp.int32)
    row_mask = (rows[None, :] >= start[:, None]) & (rows[None, :] < (start + width)[:, None])  # [b, h]
    apply = coin <= P  # torch: skip if rand(1) > p
    mask = row_mask & apply[:, None]  # [b, h]
    mask4 = mask[:, None, :, None]    # [b, 1, h, 1] broadcast over channels and time
    out = jnp.where(mask4, jnp.float32(PAD_VALUE), x)
    return out

if __name__ == "__main__":
    import jax
    _d = setup_inputs()
    print(jax.jit(kernel)(*tuple(_d.values())))

</pallas_src>

<mosaic_0001>
#map = affine_map<(d0, d1) -> (0, 0)>
module attributes {stable_mosaic.version = 14 : i64} {
  func.func @_sc_body(%arg0: i32, %arg1: i32, %arg2: memref<16384x2048xf32, #tpu.memory_space<hbm>>, %arg3: memref<32x16xi32, #tpu.memory_space<hbm>>, %arg4: memref<16384x2048xf32, #tpu.memory_space<hbm>>, %arg5: memref<1x16xi32, #tpu.memory_space<vmem>>, %arg6: memref<5x8x2048xf32, #tpu.memory_space<vmem>>, %arg7: memref<!tpu.dma_semaphore, #tpu.memory_space<semaphore_mem>>, %arg8: memref<!tpu.dma_semaphore, #tpu.memory_space<semaphore_mem>>) attributes {dimension_semantics = [#tpu.dimension_semantics<core_parallel>, #tpu.dimension_semantics<subcore_parallel>], iteration_bounds = array<i64: 2, 16>, scalar_prefetch = 0 : i64, scratch_operands = 4 : i64, tpu.core_type = #tpu.core_type<sc_vector_subcore>, window_params = [{transform_indices = #map}, {transform_indices = #map}, {transform_indices = #map}]} {
    %mul3A = arith.constant 2 : i32
    %mul3A_0 = arith.muli %arg1, %mul3A : i32
    %add3A = arith.addi %mul3A_0, %arg0 : i32
    %mul3A_1 = arith.constant 512 : i32
    %mul3A_2 = arith.muli %add3A, %mul3A_1 : i32
    "tpu.region"() ({
      %run_scoped3A = tpu.sem_alloc : memref<!tpu.dma_semaphore, #tpu.memory_space<semaphore_mem>>
      %dma_start3A_531 = arith.constant 0 : i32
      %dma_start3A_532 = tpu.memref_slice %arg3[%add3A, %dma_start3A_531] : memref<32x16xi32, #tpu.memory_space<hbm>> -> memref<1x16xi32, #tpu.memory_space<hbm>>
      %dma_start3A_533 = arith.constant 0 : i32
      %dma_start3A_534 = tpu.memref_slice %arg3[%add3A, %dma_start3A_533] : memref<32x16xi32, #tpu.memory_space<hbm>> -> memref<1x16xi32, #tpu.memory_space<hbm>>
      tpu.enqueue_dma source(%dma_start3A_534 : memref<1x16xi32, #tpu.memory_space<hbm>>) target(%arg5 : memref<1x16xi32, #tpu.memory_space<vmem>>) target_semaphore(%run_scoped3A : memref<!tpu.dma_semaphore, #tpu.memory_space<semaphore_mem>>)
      %dma_wait3A_535 = arith.constant 0 : i32
      %dma_wait3A_536 = tpu.memref_slice %arg3[%add3A, %dma_wait3A_535] : memref<32x16xi32, #tpu.memory_space<hbm>> -> memref<1x16xi32, #tpu.memory_space<hbm>>
      %dma_wait3A_537 = arith.constant 0 : i32
      %dma_wait3A_538 = tpu.memref_slice %arg3[%add3A, %dma_wait3A_537] : memref<32x16xi32, #tpu.memory_space<hbm>> -> memref<1x16xi32, #tpu.memory_space<hbm>>
      tpu.wait_dma2 semaphore(%run_scoped3A : memref<!tpu.dma_semaphore, #tpu.memory_space<semaphore_mem>>) src(%dma_wait3A_538 : memref<1x16xi32, #tpu.memory_space<hbm>>) dst(%arg5 : memref<1x16xi32, #tpu.memory_space<vmem>>)
      tpu.yield
    }) : () -> ()
    %get3A = arith.constant 0 : i32
    %get3A_3 = arith.index_cast %get3A : i32 to index
    %get3A_4 = arith.constant 0 : index
    %get3A_5 = tpu.vector_load %arg5[%get3A_3, %get3A_4] {strides = array<i32>} : memref<1x16xi32, #tpu.memory_space<vmem>>, vector<1x16xi32>,
    %get3A_6 = vector.shape_cast %get3A_5 : vector<1x16xi32> to vector<16xi32>
    %slice3A = vector.extract_strided_slice %get3A_6 {offsets = [0], sizes = [1], strides = [1]} : vector<16xi32> to vector<1xi32>
    %squeeze3A = vector.extract %slice3A[0] : i32 from vector<1xi32>
    %slice3A_7 = vector.extract_strided_slice %get3A_6 {offsets = [1], sizes = [1], strides = [1]} : vector<16xi32> to vector<1xi32>
    %squeeze3A_8 = vector.extract %slice3A_7[0] : i32 from vector<1xi32>
    %slice3A_9 = vector.extract_strided_slice %get3A_6 {offsets = [2], sizes = [1], strides = [1]} : vector<16xi32> to vector<1xi32>
    %squeeze3A_10 = vector.extract %slice3A_9[0] : i32 from vector<1xi32>
    %slice3A_11 = vector.extract_strided_slice %get3A_6 {offsets = [3], sizes = [1], strides = [1]} : vector<16xi32> to vector<1xi32>
    %squeeze3A_12 = vector.extract %slice3A_11[0] : i32 from vector<1xi32>
    %jit3A = arith.constant false
    %select_n3A = arith.select %jit3A, %squeeze3A_10, %squeeze3A : i32
    %jit3A_13 = arith.constant false
    %select_n3A_14 = arith.select %jit3A_13, %squeeze3A_12, %squeeze3A_8 : i32
    %sub3A = arith.constant 0 : i32
    %sub3A_15 = arith.subi %select_n3A, %sub3A : i32
    %jit3A_16 = arith.constant 0 : i32
    %jit3A_17 = arith.constant 8 : i32
    %max3A = arith.maxsi %jit3A_16, %sub3A_15 : i32
    %min3A = arith.minsi %jit3A_17, %max3A : i32
    %sub3A_18 = arith.constant 0 : i32
    %sub3A_19 = arith.subi %select_n3A_14, %sub3A_18 : i32
    %jit3A_20 = arith.constant 0 : i32
    %jit3A_21 = arith.constant 8 : i32
    %max3A_22 = arith.maxsi %jit3A_20, %sub3A_19 : i32
    %min3A_23 = arith.minsi %jit3A_21, %max3A_22 : i32
    %eq3A = arith.constant 0 : i32
    %eq3A_24 = arith.cmpi eq, %min3A, %eq3A : i32
    %eq3A_25 = arith.constant 8 : i32
    %eq3A_26 = arith.cmpi eq, %min3A_23, %eq3A_25 : i32
    %and3A = arith.andi %eq3A_24, %eq3A_26 : i1
    %not3A = arith.constant true
    %not3A_27 = arith.xori %and3A, %not3A : i1
    %add3A_28 = arith.constant 0 : i32
    %add3A_29 = arith.addi %mul3A_2, %add3A_28 : i32
    %convert_element_type3A = arith.extui %not3A_27 : i1 to i32
    %cond3A = arith.constant 0 : i32
    %cond3A_30 = arith.cmpi ne, %convert_element_type3A, %cond3A : i32
    scf.if %cond3A_30 {
      %dma_start3A_531 = arith.constant 0 : i32
      %dma_start3A_532 = arith.constant 0 : i32
      %dma_start3A_533 = arith.constant 0 : i32
      %dma_start3A_534 = tpu.memref_slice %arg6[%dma_start3A_531, %dma_start3A_532, %dma_start3A_533] : memref<5x8x2048xf32, #tpu.memory_space<vmem>> -> memref<1x8x2048xf32, #tpu.memory_space<vmem>>
      %dma_start3A_535 = tpu.memref_squeeze %dma_start3A_534 : memref<1x8x2048xf32, #tpu.memory_space<vmem>> -> memref<8x2048xf32, #tpu.memory_space<vmem>>
      %dma_start3A_536 = arith.constant 0 : i32
      %dma_start3A_537 = tpu.memref_slice %arg2[%add3A_29, %dma_start3A_536] : memref<16384x2048xf32, #tpu.memory_space<hbm>> -> memref<8x2048xf32, #tpu.memory_space<hbm>>
      %dma_start3A_538 = arith.constant 0 : i32
      %dma_start3A_539 = arith.constant 0 : i32
      %dma_start3A_540 = tpu.memref_slice %arg6[%dma_start3A_531, %dma_start3A_538, %dma_start3A_539] : memref<5x8x2048xf32, #tpu.memory_space<vmem>> -> memref<1x8x2048xf32, #tpu.memory_space<vmem>>
      %dma_start3A_541 = tpu.memref_squeeze %dma_start3A_540 : memref<1x8x2048xf32, #tpu.memory_space<vmem>> -> memref<8x2048xf32, #tpu.memory_space<vmem>>
      %dma_start3A_542 = arith.constant 0 : i32
      %dma_start3A_543 = tpu.memref_slice %arg2[%add3A_29, %dma_start3A_542] : memref<16384x2048xf32, #tpu.memory_space<hbm>> -> memref<8x2048xf32, #tpu.memory_space<hbm>>
      tpu.enqueue_dma source(%dma_start3A_543 : memref<8x2048xf32, #tpu.memory_space<hbm>>) target(%dma_start3A_541 : memref<8x2048xf32, #tpu.memory_space<vmem>>) target_semaphore(%arg7 : memref<!tpu.dma_semaphore, #tpu.memory_space<semaphore_mem>>)
    } else {
    }
    %jit3A_31 = arith.constant false
    %select_n3A_32 = arith.select %jit3A_31, %squeeze3A_10, %squeeze3A : i32
    %jit3A_33 = arith.constant false
    %select_n3A_34 = arith.select %jit3A_33, %squeeze3A_12, %squeeze3A_8 : i32
    %sub3A_35 = arith.constant 8 : i32
    %sub3A_36 = arith.subi %select_n3A_32, %sub3A_35 : i32
    %jit3A_37 = arith.constant 0 : i32
    %jit3A_38 = arith.constant 8 : i32
    %max3A_39 = arith.maxsi %jit3A_37, %sub3A_36 : i32
    %min3A_40 = arith.minsi %jit3A_38, %max3A_39 : i32
    %sub3A_41 = arith.constant 8 : i32
    %sub3A_42 = arith.subi %select_n3A_34, %sub3A_41 : i32
    %jit3A_43 = arith.constant 0 : i32
    %jit3A_44 = arith.constant 8 : i32
    %max3A_45 = arith.maxsi %jit3A_43, %sub3A_42 : i32
    %min3A_46 = arith.minsi %jit3A_44, %max3A_45 : i32
    %eq3A_47 = arith.constant 0 : i32
    %eq3A_48 = arith.cmpi eq, %min3A_40, %eq3A_47 : i32
    %eq3A_49 = arith.constant 8 : i32
    %eq3A_50 = arith.cmpi eq, %min3A_46, %eq3A_49 : i32
    %and3A_51 = arith.andi %eq3A_48, %eq3A_50 : i1
    %not3A_52 = arith.constant true
    %not3A_53 = arith.xori %and3A_51, %not3A_52 : i1
    %add3A_54 = arith.constant 8 : i32
    %add3A_55 = arith.addi %mul3A_2, %add3A_54 : i32
    %convert_element_type3A_56 = arith.extui %not3A_53 : i1 to i32
    %cond3A_57 = arith.constant 0 : i32
    %cond3A_58 = arith.cmpi ne, %convert_element_type3A_56, %cond3A_57 : i32
    scf.if %cond3A_58 {
      %dma_start3A_531 = arith.constant 1 : i32
      %dma_start3A_532 = arith.constant 0 : i32
      %dma_start3A_533 = arith.constant 0 : i32
      %dma_start3A_534 = tpu.memref_slice %arg6[%dma_start3A_531, %dma_start3A_532, %dma_start3A_533] : memref<5x8x2048xf32, #tpu.memory_space<vmem>> -> memref<1x8x2048xf32, #tpu.memory_space<vmem>>
      %dma_start3A_535 = tpu.memref_squeeze %dma_start3A_534 : memref<1x8x2048xf32, #tpu.memory_space<vmem>> -> memref<8x2048xf32, #tpu.memory_space<vmem>>
      %dma_start3A_536 = arith.constant 0 : i32
      %dma_start3A_537 = tpu.memref_slice %arg2[%add3A_55, %dma_start3A_536] : memref<16384x2048xf32, #tpu.memory_space<hbm>> -> memref<8x2048xf32, #tpu.memory_space<hbm>>
      %dma_start3A_538 = arith.constant 0 : i32
      %dma_start3A_539 = arith.constant 0 : i32
      %dma_start3A_540 = tpu.memref_slice %arg6[%dma_start3A_531, %dma_start3A_538, %dma_start3A_539] : memref<5x8x2048xf32, #tpu.memory_space<vmem>> -> memref<1x8x2048xf32, #tpu.memory_space<vmem>>
      %dma_start3A_541 = tpu.memref_squeeze %dma_start3A_540 : memref<1x8x2048xf32, #tpu.memory_space<vmem>> -> memref<8x2048xf32, #tpu.memory_space<vmem>>
      %dma_start3A_542 = arith.constant 0 : i32
      %dma_start3A_543 = tpu.memref_slice %arg2[%add3A_55, %dma_start3A_542] : memref<16384x2048xf32, #tpu.memory_space<hbm>> -> memref<8x2048xf32, #tpu.memory_space<hbm>>
      tpu.enqueue_dma source(%dma_start3A_543 : memref<8x2048xf32, #tpu.memory_space<hbm>>) target(%dma_start3A_541 : memref<8x2048xf32, #tpu.memory_space<vmem>>) target_semaphore(%arg7 : memref<!tpu.dma_semaphore, #tpu.memory_space<semaphore_mem>>)
    } else {
    }
    %scan3A = arith.constant 0 : i32
    %scan3A_59 = arith.constant 0 : i32
    %scan3A_60 = arith.constant 12 : i32
    %scan3A_61 = arith.addi %scan3A_59, %scan3A_60 : i32
    %scan3A_62 = arith.constant 1 : i32
    %scan3A_63 = scf.for %scan3A_531 = %scan3A_59 to %scan3A_61 step %scan3A_62 iter_args(%scan3A_532 = %scan3A) -> (i32)  : i32 {
      %mul3A_533 = arith.constant 5 : i32
      %mul3A_534 = arith.muli %scan3A_531, %mul3A_533 : i32
      %add3A_535 = arith.constant 0 : i32
      %add3A_536 = arith.addi %mul3A_534, %add3A_535 : i32
      %add3A_537 = arith.constant 2 : i32
      %add3A_538 = arith.addi %add3A_536, %add3A_537 : i32
      %lt3A = arith.constant 64 : i32
      %lt3A_539 = arith.cmpi slt, %add3A_538, %lt3A : i32
      %convert_element_type3A_540 = arith.extui %lt3A_539 : i1 to i32
      %cond3A_541 = arith.constant 0 : i32
      %cond3A_542 = arith.cmpi ne, %convert_element_type3A_540, %cond3A_541 : i32
      scf.if %cond3A_542 {
        %ge3A_1140 = arith.constant 5 : i32
        %ge3A_1141 = arith.cmpi sge, %add3A_538, %ge3A_1140 : i32
        %convert_element_type3A_1142 = arith.extui %ge3A_1141 : i1 to i32
        %cond3A_1143 = arith.constant 0 : i32
        %cond3A_1144 = arith.cmpi ne, %convert_element_type3A_1142, %cond3A_1143 : i32
        scf.if %cond3A_1144 {
          %dma_wait3A_1190 = arith.constant 2 : i32
          %dma_wait3A_1191 = arith.constant 0 : i32
          %dma_wait3A_1192 = arith.constant 0 : i32
          %dma_wait3A_1193 = tpu.memref_slice %arg6[%dma_wait3A_1190, %dma_wait3A_1191, %dma_wait3A_1192] : memref<5x8x2048xf32, #tpu.memory_space<vmem>> -> memref<1x8x2048xf32, #tpu.memory_space<vmem>>
          %dma_wait3A_1194 = tpu.memref_squeeze %dma_wait3A_1193 : memref<1x8x2048xf32, #tpu.memory_space<vmem>> -> memref<8x2048xf32, #tpu.memory_space<vmem>>
          %dma_wait3A_1195 = arith.constant 0 : i32
          %dma_wait3A_1196 = arith.constant 0 : i32
          %dma_wait3A_1197 = tpu.memref_slice %arg4[%dma_wait3A_1195, %dma_wait3A_1196] : memref<16384x2048xf32, #tpu.memory_space<hbm>> -> memref<8x2048xf32, #tpu.memory_space<hbm>>
          %dma_wait3A_1198 = arith.constant 0 : i32
          %dma_wait3A_1199 = arith.constant 0 : i32
          %dma_wait3A_1200 = tpu.memref_slice %arg4[%dma_wait3A_1198, %dma_wait3A_1199] : memref<16384x2048xf32, #tpu.memory_space<hbm>> -> memref<8x2048xf32, #tpu.memory_space<hbm>>
          %dma_wait3A_1201 = arith.constant 0 : i32
          %dma_wait3A_1202 = arith.constant 0 : i32
          %dma_wait3A_1203 = tpu.memref_slice %arg6[%dma_wait3A_1190, %dma_wait3A_1201, %dma_wait3A_1202] : memref<5x8x2048xf32, #tpu.memory_space<vmem>> -> memref<1x8x2048xf32, #tpu.memory_space<vmem>>
          %dma_wait3A_1204 = tpu.memref_squeeze %dma_wait3A_1203 : memref<1x8x2048xf32, #tpu.memory_space<vmem>> -> memref<8x2048xf32, #tpu.memory_space<vmem>>
          tpu.wait_dma2 semaphore(%arg8 : memref<!tpu.dma_semaphore, #tpu.memory_space<semaphore_mem>>) src(%dma_wait3A_1204 : memref<8x2048xf32, #tpu.memory_space<vmem>>) dst(%dma_wait3A_1200 : memref<8x2048xf32, #tpu.memory_space<hbm>>)
        } else {
        }
        %jit3A_1145 = arith.constant 32 : i32
        %eq3A_1146 = arith.constant 0 : i32
        %eq3A_1147 = arith.cmpi eq, %jit3A_1145, %eq3A_1146 : i32
        %jit3A_1148 = arith.constant 1 : i32
        %select_n3A_1149 = arith.select %eq3A_1147, %jit3A_1148, %jit3A_1145 : i32
        %rem3A_1150 = arith.remsi %add3A_538, %select_n3A_1149 : i32
        %ne3A_1151 = arith.constant 0 : i32
        %ne3A_1152 = arith.cmpi ne, %rem3A_1150, %ne3A_1151 : i32
        %lt3A_1153 = arith.constant 0 : i32
        %lt3A_1154 = arith.cmpi slt, %rem3A_1150, %lt3A_1153 : i32
        %lt3A_1155 = arith.constant 0 : i32
        %lt3A_1156 = arith.cmpi slt, %select_n3A_1149, %lt3A_1155 : i32
        %ne3A_1157 = arith.xori %lt3A_1154, %lt3A_1156 : i1
        %and3A_1158 = arith.andi %ne3A_1157, %ne3A_1152 : i1
        %add3A_1159 = arith.addi %rem3A_1150, %select_n3A_1149 : i32
        %select_n3A_1160 = arith.select %and3A_1158, %add3A_1159, %rem3A_1150 : i32
        %mul3A_1161 = arith.constant 8 : i32
        %mul3A_1162 = arith.muli %select_n3A_1160, %mul3A_1161 : i32
        %ge3A_1163 = arith.constant 32 : i32
        %ge3A_1164 = arith.cmpi sge, %add3A_538, %ge3A_1163 : i32
        %select_n3A_1165 = arith.select %ge3A_1164, %squeeze3A_10, %squeeze3A : i32
        %select_n3A_1166 = arith.select %ge3A_1164, %squeeze3A_12, %squeeze3A_8 : i32
        %sub3A_1167 = arith.subi %select_n3A_1165, %mul3A_1162 : i32
        %jit3A_1168 = arith.constant 0 : i32
        %jit3A_1169 = arith.constant 8 : i32
        %max3A_1170 = arith.maxsi %jit3A_1168, %sub3A_1167 : i32
        %min3A_1171 = arith.minsi %jit3A_1169, %max3A_1170 : i32
        %sub3A_1172 = arith.subi %select_n3A_1166, %mul3A_1162 : i32
        %jit3A_1173 = arith.constant 0 : i32
        %jit3A_1174 = arith.constant 8 : i32
        %max3A_1175 = arith.maxsi %jit3A_1173, %sub3A_1172 : i32
        %min3A_1176 = arith.minsi %jit3A_1174, %max3A_1175 : i32
        %eq3A_1177 = arith.constant 0 : i32
        %eq3A_1178 = arith.cmpi eq, %min3A_1171, %eq3A_1177 : i32
        %eq3A_1179 = arith.constant 8 : i32
        %eq3A_1180 = arith.cmpi eq, %min3A_1176, %eq3A_1179 : i32
        %and3A_1181 = arith.andi %eq3A_1178, %eq3A_1180 : i1
        %not3A_1182 = arith.constant true
        %not3A_1183 = arith.xori %and3A_1181, %not3A_1182 : i1
        %mul3A_1184 = arith.constant 8 : i32
        %mul3A_1185 = arith.muli %add3A_538, %mul3A_1184 : i32
        %add3A_1186 = arith.addi %mul3A_2, %mul3A_1185 : i32
        %convert_element_type3A_1187 = arith.extui %not3A_1183 : i1 to i32
        %cond3A_1188 = arith.constant 0 : i32
        %cond3A_1189 = arith.cmpi ne, %convert_element_type3A_1187, %cond3A_1188 : i32
        scf.if %cond3A_1189 {
          %dma_start3A_1190 = arith.constant 2 : i32
          %dma_start3A_1191 = arith.constant 0 : i32
          %dma_start3A_1192 = arith.constant 0 : i32
          %dma_start3A_1193 = tpu.memref_slice %arg6[%dma_start3A_1190, %dma_start3A_1191, %dma_start3A_1192] : memref<5x8x2048xf32, #tpu.memory_space<vmem>> -> memref<1x8x2048xf32, #tpu.memory_space<vmem>>
          %dma_start3A_1194 = tpu.memref_squeeze %dma_start3A_1193 : memref<1x8x2048xf32, #tpu.memory_space<vmem>> -> memref<8x2048xf32, #tpu.memory_space<vmem>>
          %dma_start3A_1195 = arith.constant 0 : i32
          %dma_start3A_1196 = tpu.memref_slice %arg2[%add3A_1186, %dma_start3A_1195] : memref<16384x2048xf32, #tpu.memory_space<hbm>> -> memref<8x2048xf32, #tpu.memory_space<hbm>>
          %dma_start3A_1197 = arith.constant 0 : i32
          %dma_start3A_1198 = arith.constant 0 : i32
          %dma_start3A_1199 = tpu.memref_slice %arg6[%dma_start3A_1190, %dma_start3A_1197, %dma_start3A_1198] : memref<5x8x2048xf32, #tpu.memory_space<vmem>> -> memref<1x8x2048xf32, #tpu.memory_space<vmem>>
          %dma_start3A_1200 = tpu.memref_squeeze %dma_start3A_1199 : memref<1x8x2048xf32, #tpu.memory_space<vmem>> -> memref<8x2048xf32, #tpu.memory_space<vmem>>
          %dma_start3A_1201 = arith.constant 0 : i32
          %dma_start3A_1202 = tpu.memref_slice %arg2[%add3A_1186, %dma_start3A_1201] : memref<16384x2048xf32, #tpu.memory_space<hbm>> -> memref<8x2048xf32, #tpu.memory_space<hbm>>
          tpu.enqueue_dma source(%dma_start3A_1202 : memref<8x2048xf32, #tpu.memory_space<hbm>>) target(%dma_start3A_1200 : memref<8x2048xf32, #tpu.memory_space<vmem>>) target_semaphore(%arg7 : memref<!tpu.dma_semaphore, #tpu.memory_space<semaphore_mem>>)
        } else {
        }
      } else {
      }
      %jit3A_543 = arith.constant 32 : i32
      %eq3A_544 = arith.constant 0 : i32
      %eq3A_545 = arith.cmpi eq, %jit3A_543, %eq3A_544 : i32
      %jit3A_546 = arith.constant 1 : i32
      %select_n3A_547 = arith.select %eq3A_545, %jit3A_546, %jit3A_543 : i32
      %rem3A = arith.remsi %add3A_536, %select_n3A_547 : i32
      %ne3A = arith.constant 0 : i32
      %ne3A_548 = arith.cmpi ne, %rem3A, %ne3A : i32
      %lt3A_549 = arith.constant 0 : i32
      %lt3A_550 = arith.cmpi slt, %rem3A, %lt3A_549 : i32
      %lt3A_551 = arith.constant 0 : i32
      %lt3A_552 = arith.cmpi slt, %select_n3A_547, %lt3A_551 : i32
      %ne3A_553 = arith.xori %lt3A_550, %lt3A_552 : i1
      %and3A_554 = arith.andi %ne3A_553, %ne3A_548 : i1
      %add3A_555 = arith.addi %rem3A, %select_n3A_547 : i32
      %select_n3A_556 = arith.select %and3A_554, %add3A_555, %rem3A : i32
      %mul3A_557 = arith.constant 8 : i32
      %mul3A_558 = arith.muli %select_n3A_556, %mul3A_557 : i32
      %ge3A = arith.constant 32 : i32
      %ge3A_559 = arith.cmpi sge, %add3A_536, %ge3A : i32
      %select_n3A_560 = arith.select %ge3A_559, %squeeze3A_10, %squeeze3A : i32
      %select_n3A_561 = arith.select %ge3A_559, %squeeze3A_12, %squeeze3A_8 : i32
      %sub3A_562 = arith.subi %select_n3A_560, %mul3A_558 : i32
      %jit3A_563 = arith.constant 0 : i32
      %jit3A_564 = arith.constant 8 : i32
      %max3A_565 = arith.maxsi %jit3A_563, %sub3A_562 : i32
      %min3A_566 = arith.minsi %jit3A_564, %max3A_565 : i32
      %sub3A_567 = arith.subi %select_n3A_561, %mul3A_558 : i32
      %jit3A_568 = arith.constant 0 : i32
      %jit3A_569 = arith.constant 8 : i32
      %max3A_570 = arith.maxsi %jit3A_568, %sub3A_567 : i32
      %min3A_571 = arith.minsi %jit3A_569, %max3A_570 : i32
      %eq3A_572 = arith.constant 0 : i32
      %eq3A_573 = arith.cmpi eq, %min3A_566, %eq3A_572 : i32
      %eq3A_574 = arith.constant 8 : i32
      %eq3A_575 = arith.cmpi eq, %min3A_571, %eq3A_574 : i32
      %and3A_576 = arith.andi %eq3A_573, %eq3A_575 : i1
      %not3A_577 = arith.constant true
      %not3A_578 = arith.xori %and3A_576, %not3A_577 : i1
      %mul3A_579 = arith.constant 8 : i32
      %mul3A_580 = arith.muli %add3A_536, %mul3A_579 : i32
      %add3A_581 = arith.addi %mul3A_2, %mul3A_580 : i32
      %convert_element_type3A_582 = arith.extui %not3A_578 : i1 to i32
      %cond3A_583 = arith.constant 0 : i32
      %cond3A_584 = arith.cmpi ne, %convert_element_type3A_582, %cond3A_583 : i32
      scf.if %cond3A_584 {
        %dma_wait3A_1140 = arith.constant 0 : i32
        %dma_wait3A_1141 = arith.constant 0 : i32
        %dma_wait3A_1142 = arith.constant 0 : i32
        %dma_wait3A_1143 = tpu.memref_slice %arg6[%dma_wait3A_1140, %dma_wait3A_1141, %dma_wait3A_1142] : memref<5x8x2048xf32, #tpu.memory_space<vmem>> -> memref<1x8x2048xf32, #tpu.memory_space<vmem>>
        %dma_wait3A_1144 = tpu.memref_squeeze %dma_wait3A_1143 : memref<1x8x2048xf32, #tpu.memory_space<vmem>> -> memref<8x2048xf32, #tpu.memory_space<vmem>>
        %dma_wait3A_1145 = arith.constant 0 : i32
        %dma_wait3A_1146 = arith.constant 0 : i32
        %dma_wait3A_1147 = tpu.memref_slice %arg2[%dma_wait3A_1145, %dma_wait3A_1146] : memref<16384x2048xf32, #tpu.memory_space<hbm>> -> memref<8x2048xf32, #tpu.memory_space<hbm>>
        %dma_wait3A_1148 = arith.constant 0 : i32
        %dma_wait3A_1149 = arith.constant 0 : i32
        %dma_wait3A_1150 = tpu.memref_slice %arg6[%dma_wait3A_1140, %dma_wait3A_1148, %dma_wait3A_1149] : memref<5x8x2048xf32, #tpu.memory_space<vmem>> -> memref<1x8x2048xf32, #tpu.memory_space<vmem>>
        %dma_wait3A_1151 = tpu.memref_squeeze %dma_wait3A_1150 : memref<1x8x2048xf32, #tpu.memory_space<vmem>> -> memref<8x2048xf32, #tpu.memory_space<vmem>>
        %dma_wait3A_1152 = arith.constant 0 : i32
        %dma_wait3A_1153 = arith.constant 0 : i32
        %dma_wait3A_1154 = tpu.memref_slice %arg2[%dma_wait3A_1152, %dma_wait3A_1153] : memref<16384x2048xf32, #tpu.memory_space<hbm>> -> memref<8x2048xf32, #tpu.memory_space<hbm>>
        tpu.wait_dma2 semaphore(%arg7 : memref<!tpu.dma_semaphore, #tpu.memory_space<semaphore_mem>>) src(%dma_wait3A_1154 : memref<8x2048xf32, #tpu.memory_space<hbm>>) dst(%dma_wait3A_1151 : memref<8x2048xf32, #tpu.memory_space<vmem>>)
      } else {
      }
      %jit3A_585 = arith.constant 32 : i32
      %eq3A_586 = arith.constant 0 : i32
      %eq3A_587 = arith.cmpi eq, %jit3A_585, %eq3A_586 : i32
      %jit3A_588 = arith.constant 1 : i32
      %select_n3A_589 = arith.select %eq3A_587, %jit3A_588, %jit3A_585 : i32
      %rem3A_590 = arith.remsi %add3A_536, %select_n3A_589 : i32
      %ne3A_591 = arith.constant 0 : i32
      %ne3A_592 = arith.cmpi ne, %rem3A_590, %ne3A_591 : i32
      %lt3A_593 = arith.constant 0 : i32
      %lt3A_594 = arith.cmpi slt, %rem3A_590, %lt3A_593 : i32
      %lt3A_595 = arith.constant 0 : i32
      %lt3A_596 = arith.cmpi slt, %select_n3A_589, %lt3A_595 : i32
      %ne3A_597 = arith.xori %lt3A_594, %lt3A_596 : i1
      %and3A_598 = arith.andi %ne3A_597, %ne3A_592 : i1
      %add3A_599 = arith.addi %rem3A_590, %select_n3A_589 : i32
      %select_n3A_600 = arith.select %and3A_598, %add3A_599, %rem3A_590 : i32
      %mul3A_601 = arith.constant 8 : i32
      %mul3A_602 = arith.muli %select_n3A_600, %mul3A_601 : i32
      %ge3A_603 = arith.constant 32 : i32
      %ge3A_604 = arith.cmpi sge, %add3A_536, %ge3A_603 : i32
      %select_n3A_605 = arith.select %ge3A_604, %squeeze3A_10, %squeeze3A : i32
      %select_n3A_606 = arith.select %ge3A_604, %squeeze3A_12, %squeeze3A_8 : i32
      %sub3A_607 = arith.subi %select_n3A_605, %mul3A_602 : i32
      %jit3A_608 = arith.constant 0 : i32
      %jit3A_609 = arith.constant 8 : i32
      %max3A_610 = arith.maxsi %jit3A_608, %sub3A_607 : i32
      %min3A_611 = arith.minsi %jit3A_609, %max3A_610 : i32
      %sub3A_612 = arith.subi %select_n3A_606, %mul3A_602 : i32
      %jit3A_613 = arith.constant 0 : i32
      %jit3A_614 = arith.constant 8 : i32
      %max3A_615 = arith.maxsi %jit3A_613, %sub3A_612 : i32
      %min3A_616 = arith.minsi %jit3A_614, %max3A_615 : i32
      %eq3A_617 = arith.constant 0 : i32
      %eq3A_618 = arith.cmpi eq, %min3A_611, %eq3A_617 : i32
      %eq3A_619 = arith.constant 8 : i32
      %eq3A_620 = arith.cmpi eq, %min3A_616, %eq3A_619 : i32
      %and3A_621 = arith.andi %eq3A_618, %eq3A_620 : i1
      %not3A_622 = arith.constant true
      %not3A_623 = arith.xori %and3A_621, %not3A_622 : i1
      %mul3A_624 = arith.constant 8 : i32
      %mul3A_625 = arith.muli %add3A_536, %mul3A_624 : i32
      %add3A_626 = arith.addi %mul3A_2, %mul3A_625 : i32
      %while3A_627 = arith.constant 0 : i32
      %while3A_628 = arith.subi %min3A_616, %min3A_611 : i32
      %while3A_629 = arith.addi %min3A_611, %while3A_628 : i32
      %while3A_630 = arith.constant 1 : i32
      %while3A_631 = arith.divsi %while3A_628, %while3A_630 : i32
      %while3A_632 = arith.muli %while3A_631, %while3A_630 : i32
      %while3A_633 = arith.addi %min3A_611, %while3A_632 : i32
      %while3A_634 = arith.constant 1 : i32
      %while3A_635 = scf.for %while3A_1140 = %min3A_611 to %while3A_633 step %while3A_634 iter_args(%while3A_1141 = %while3A_627) -> (i32)  : i32 {
        %scan3A_1142 = arith.constant 0 : i32
        %scan3A_1143 = arith.constant 0 : i32
        %scan3A_1144 = arith.constant 128 : i32
        %scan3A_1145 = arith.addi %scan3A_1143, %scan3A_1144 : i32
        %scan3A_1146 = arith.constant 8 : i32
        %scan3A_1147 = scf.for %scan3A_1150 = %scan3A_1143 to %scan3A_1145 step %scan3A_1146 iter_args(%scan3A_1151 = %scan3A_1142) -> (i32)  : i32 {
          %broadcast_in_dim3A = arith.constant -8.000000e+01 : f32
          %broadcast_in_dim3A_1152 = vector.broadcast %broadcast_in_dim3A : f32 to vector<16xf32>
          %mul3A_1153 = arith.constant 16 : i32
          %mul3A_1154 = arith.muli %scan3A_1150, %mul3A_1153 : i32
          %swap3A = arith.constant 0 : i32
          %swap3A_1155 = arith.index_cast %swap3A : i32 to index
          %swap3A_1156 = arith.index_cast %while3A_1140 : i32 to index
          %swap3A_1157 = arith.index_cast %mul3A_1154 : i32 to index
          %swap3A_1158 = tpu.vector_load %arg6[%swap3A_1155, %swap3A_1156, %swap3A_1157] {strides = array<i32>} : memref<5x8x2048xf32, #tpu.memory_space<vmem>>, vector<1x1x16xf32>,
          %swap3A_1159 = vector.shape_cast %swap3A_1158 : vector<1x1x16xf32> to vector<16xf32>
          %swap3A_1160 = vector.shape_cast %broadcast_in_dim3A_1152 : vector<16xf32> to vector<1x1x16xf32>
          tpu.vector_store %arg6[%swap3A_1155, %swap3A_1156, %swap3A_1157], %swap3A_1160 {strides = array<i32>} : memref<5x8x2048xf32, #tpu.memory_space<vmem>>, vector<1x1x16xf32>,
          %scan3A_1161 = arith.constant 0 : i32
          %scan3A_1162 = arith.constant 1 : i32
          %scan3A_1163 = arith.addi %scan3A_1150, %scan3A_1162 : i32
          %broadcast_in_dim3A_1164 = arith.constant -8.000000e+01 : f32
          %broadcast_in_dim3A_1165 = vector.broadcast %broadcast_in_dim3A_1164 : f32 to vector<16xf32>
          %mul3A_1166 = arith.constant 16 : i32
          %mul3A_1167 = arith.muli %scan3A_1163, %mul3A_1166 : i32
          %swap3A_1168 = arith.constant 0 : i32
          %swap3A_1169 = arith.index_cast %swap3A_1168 : i32 to index
          %swap3A_1170 = arith.index_cast %while3A_1140 : i32 to index
          %swap3A_1171 = arith.index_cast %mul3A_1167 : i32 to index
          %swap3A_1172 = tpu.vector_load %arg6[%swap3A_1169, %swap3A_1170, %swap3A_1171] {strides = array<i32>} : memref<5x8x2048xf32, #tpu.memory_space<vmem>>, vector<1x1x16xf32>,
          %swap3A_1173 = vector.shape_cast %swap3A_1172 : vector<1x1x16xf32> to vector<16xf32>
          %swap3A_1174 = vector.shape_cast %broadcast_in_dim3A_1165 : vector<16xf32> to vector<1x1x16xf32>
          tpu.vector_store %arg6[%swap3A_1169, %swap3A_1170, %swap3A_1171], %swap3A_1174 {strides = array<i32>} : memref<5x8x2048xf32, #tpu.memory_space<vmem>>, vector<1x1x16xf32>,
          %scan3A_1175 = arith.constant 0 : i32
          %scan3A_1176 = arith.constant 2 : i32
          %scan3A_1177 = arith.addi %scan3A_1150, %scan3A_1176 : i32
          %broadcast_in_dim3A_1178 = arith.constant -8.000000e+01 : f32
          %broadcast_in_dim3A_1179 = vector.broadcast %broadcast_in_dim3A_1178 : f32 to vector<16xf32>
          %mul3A_1180 = arith.constant 16 : i32
          %mul3A_1181 = arith.muli %scan3A_1177, %mul3A_1180 : i32
          %swap3A_1182 = arith.constant 0 : i32
          %swap3A_1183 = arith.index_cast %swap3A_1182 : i32 to index
          %swap3A_1184 = arith.index_cast %while3A_1140 : i32 to index
          %swap3A_1185 = arith.index_cast %mul3A_1181 : i32 to index
          %swap3A_1186 = tpu.vector_load %arg6[%swap3A_1183, %swap3A_1184, %swap3A_1185] {strides = array<i32>} : memref<5x8x2048xf32, #tpu.memory_space<vmem>>, vector<1x1x16xf32>,
          %swap3A_1187 = vector.shape_cast %swap3A_1186 : vector<1x1x16xf32> to vector<16xf32>
          %swap3A_1188 = vector.shape_cast %broadcast_in_dim3A_1179 : vector<16xf32> to vector<1x1x16xf32>
          tpu.vector_store %arg6[%swap3A_1183, %swap3A_1184, %swap3A_1185], %swap3A_1188 {strides = array<i32>} : memref<5x8x2048xf32, #tpu.memory_space<vmem>>, vector<1x1x16xf32>,
          %scan3A_1189 = arith.constant 0 : i32
          %scan3A_1190 = arith.constant 3 : i32
          %scan3A_1191 = arith.addi %scan3A_1150, %scan3A_1190 : i32
          %broadcast_in_dim3A_1192 = arith.constant -8.000000e+01 : f32
          %broadcast_in_dim3A_1193 = vector.broadcast %broadcast_in_dim3A_1192 : f32 to vector<16xf32>
          %mul3A_1194 = arith.constant 16 : i32
          %mul3A_1195 = arith.muli %scan3A_1191, %mul3A_1194 : i32
          %swap3A_1196 = arith.constant 0 : i32
          %swap3A_1197 = arith.index_cast %swap3A_1196 : i32 to index
          %swap3A_1198 = arith.index_cast %while3A_1140 : i32 to index
          %swap3A_1199 = arith.index_cast %mul3A_1195 : i32 to index
          %swap3A_1200 = tpu.vector_load %arg6[%swap3A_1197, %swap3A_1198, %swap3A_1199] {strides = array<i32>} : memref<5x8x2048xf32, #tpu.memory_space<vmem>>, vector<1x1x16xf32>,
          %swap3A_1201 = vector.shape_cast %swap3A_1200 : vector<1x1x16xf32> to vector<16xf32>
          %swap3A_1202 = vector.shape_cast %broadcast_in_dim3A_1193 : vector<16xf32> to vector<1x1x16xf32>
          tpu.vector_store %arg6[%swap3A_1197, %swap3A_1198, %swap3A_1199], %swap3A_1202 {strides = array<i32>} : memref<5x8x2048xf32, #tpu.memory_space<vmem>>, vector<1x1x16xf32>,
          %scan3A_1203 = arith.constant 0 : i32
          %scan3A_1204 = arith.constant 4 : i32
          %scan3A_1205 = arith.addi %scan3A_1150, %scan3A_1204 : i32
          %broadcast_in_dim3A_1206 = arith.constant -8.000000e+01 : f32
          %broadcast_in_dim3A_1207 = vector.broadcast %broadcast_in_dim3A_1206 : f32 to vector<16xf32>
          %mul3A_1208 = arith.constant 16 : i32
          %mul3A_1209 = arith.muli %scan3A_1205, %mul3A_1208 : i32
          %swap3A_1210 = arith.constant 0 : i32
          %swap3A_1211 = arith.index_cast %swap3A_1210 : i32 to index
          %swap3A_1212 = arith.index_cast %while3A_1140 : i32 to index
          %swap3A_1213 = arith.index_cast %mul3A_1209 : i32 to index
          %swap3A_1214 = tpu.vector_load %arg6[%swap3A_1211, %swap3A_1212, %swap3A_1213] {strides = array<i32>} : memref<5x8x2048xf32, #tpu.memory_space<vmem>>, vector<1x1x16xf32>,
          %swap3A_1215 = vector.shape_cast %swap3A_1214 : vector<1x1x16xf32> to vector<16xf32>
          %swap3A_1216 = vector.shape_cast %broadcast_in_dim3A_1207 : vector<16xf32> to vector<1x1x16xf32>
          tpu.vector_store %arg6[%swap3A_1211, %swap3A_1212, %swap3A_1213], %swap3A_1216 {strides = array<i32>} : memref<5x8x2048xf32, #tpu.memory_space<vmem>>, vector<1x1x16xf32>,
          %scan3A_1217 = arith.constant 0 : i32
          %scan3A_1218 = arith.constant 5 : i32
          %scan3A_1219 = arith.addi %scan3A_1150, %scan3A_1218 : i32
          %broadcast_in_dim3A_1220 = arith.constant -8.000000e+01 : f32
          %broadcast_in_dim3A_1221 = vector.broadcast %broadcast_in_dim3A_1220 : f32 to vector<16xf32>
          %mul3A_1222 = arith.constant 16 : i32
          %mul3A_1223 = arith.muli %scan3A_1219, %mul3A_1222 : i32
          %swap3A_1224 = arith.constant 0 : i32
          %swap3A_1225 = arith.index_cast %swap3A_1224 : i32 to index
          %swap3A_1226 = arith.index_cast %while3A_1140 : i32 to index
          %swap3A_1227 = arith.index_cast %mul3A_1223 : i32 to index
          %swap3A_1228 = tpu.vector_load %arg6[%swap3A_1225, %swap3A_1226, %swap3A_1227] {strides = array<i32>} : memref<5x8x2048xf32, #tpu.memory_space<vmem>>, vector<1x1x16xf32>,
          %swap3A_1229 = vector.shape_cast %swap3A_1228 : vector<1x1x16xf32> to vector<16xf32>
          %swap3A_1230 = vector.shape_cast %broadcast_in_dim3A_1221 : vector<16xf32> to vector<1x1x16xf32>
          tpu.vector_store %arg6[%swap3A_1225, %swap3A_1226, %swap3A_1227], %swap3A_1230 {strides = array<i32>} : memref<5x8x2048xf32, #tpu.memory_space<vmem>>, vector<1x1x16xf32>,
          %scan3A_1231 = arith.constant 0 : i32
          %scan3A_1232 = arith.constant 6 : i32
          %scan3A_1233 = arith.addi %scan3A_1150, %scan3A_1232 : i32
          %broadcast_in_dim3A_1234 = arith.constant -8.000000e+01 : f32
          %broadcast_in_dim3A_1235 = vector.broadcast %broadcast_in_dim3A_1234 : f32 to vector<16xf32>
          %mul3A_1236 = arith.constant 16 : i32
          %mul3A_1237 = arith.muli %scan3A_1233, %mul3A_1236 : i32
          %swap3A_1238 = arith.constant 0 : i32
          %swap3A_1239 = arith.index_cast %swap3A_1238 : i32 to index
          %swap3A_1240 = arith.index_cast %while3A_1140 : i32 to index
          %swap3A_1241 = arith.index_cast %mul3A_1237 : i32 to index
          %swap3A_1242 = tpu.vector_load %arg6[%swap3A_1239, %swap3A_1240, %swap3A_1241] {strides = array<i32>} : memref<5x8x2048xf32, #tpu.memory_space<vmem>>, vector<1x1x16xf32>,
          %swap3A_1243 = vector.shape_cast %swap3A_1242 : vector<1x1x16xf32> to vector<16xf32>
          %swap3A_1244 = vector.shape_cast %broadcast_in_dim3A_1235 : vector<16xf32> to vector<1x1x16xf32>
          tpu.vector_store %arg6[%swap3A_1239, %swap3A_1240, %swap3A_1241], %swap3A_1244 {strides = array<i32>} : memref<5x8x2048xf32, #tpu.memory_space<vmem>>, vector<1x1x16xf32>,
          %scan3A_1245 = arith.constant 0 : i32
          %scan3A_1246 = arith.constant 7 : i32
          %scan3A_1247 = arith.addi %scan3A_1150, %scan3A_1246 : i32
          %broadcast_in_dim3A_1248 = arith.constant -8.000000e+01 : f32
          %broadcast_in_dim3A_1249 = vector.broadcast %broadcast_in_dim3A_1248 : f32 to vector<16xf32>
          %mul3A_1250 = arith.constant 16 : i32
          %mul3A_1251 = arith.muli %scan3A_1247, %mul3A_1250 : i32
          %swap3A_1252 = arith.constant 0 : i32
          %swap3A_1253 = arith.index_cast %swap3A_1252 : i32 to index
          %swap3A_1254 = arith.index_cast %while3A_1140 : i32 to index
          %swap3A_1255 = arith.index_cast %mul3A_1251 : i32 to index
          %swap3A_1256 = tpu.vector_load %arg6[%swap3A_1253, %swap3A_1254, %swap3A_1255] {strides = array<i32>} : memref<5x8x2048xf32, #tpu.memory_space<vmem>>, vector<1x1x16xf32>,
          %swap3A_1257 = vector.shape_cast %swap3A_1256 : vector<1x1x16xf32> to vector<16xf32>
          %swap3A_1258 = vector.shape_cast %broadcast_in_dim3A_1249 : vector<16xf32> to vector<1x1x16xf32>
          tpu.vector_store %arg6[%swap3A_1253, %swap3A_1254, %swap3A_1255], %swap3A_1258 {strides = array<i32>} : memref<5x8x2048xf32, #tpu.memory_space<vmem>>, vector<1x1x16xf32>,
          %scan3A_1259 = arith.constant 0 : i32
          scf.yield %scan3A_1259 : i32
        }
        %scan3A_1148 = arith.constant 128 : i32
        %while3A_1149 = arith.constant 0 : i32
        scf.yield %while3A_1149 : i32
      }
      %while3A_636 = arith.constant 1 : i32
      %while3A_637 = scf.for %while3A_1140 = %while3A_633 to %while3A_629 step %while3A_636 iter_args(%while3A_1141 = %while3A_635) -> (i32)  : i32 {
        %scan3A_1142 = arith.constant 0 : i32
        %scan3A_1143 = arith.constant 0 : i32
        %scan3A_1144 = arith.constant 128 : i32
        %scan3A_1145 = arith.addi %scan3A_1143, %scan3A_1144 : i32
        %scan3A_1146 = arith.constant 8 : i32
        %scan3A_1147 = scf.for %scan3A_1150 = %scan3A_1143 to %scan3A_1145 step %scan3A_1146 iter_args(%scan3A_1151 = %scan3A_1142) -> (i32)  : i32 {
          %broadcast_in_dim3A = arith.constant -8.000000e+01 : f32
          %broadcast_in_dim3A_1152 = vector.broadcast %broadcast_in_dim3A : f32 to vector<16xf32>
          %mul3A_1153 = arith.constant 16 : i32
          %mul3A_1154 = arith.muli %scan3A_1150, %mul3A_1153 : i32
          %swap3A = arith.constant 0 : i32
          %swap3A_1155 = arith.index_cast %swap3A : i32 to index
          %swap3A_1156 = arith.index_cast %while3A_1140 : i32 to index
          %swap3A_1157 = arith.index_cast %mul3A_1154 : i32 to index
          %swap3A_1158 = tpu.vector_load %arg6[%swap3A_1155, %swap3A_1156, %swap3A_1157] {strides = array<i32>} : memref<5x8x2048xf32, #tpu.memory_space<vmem>>, vector<1x1x16xf32>,
          %swap3A_1159 = vector.shape_cast %swap3A_1158 : vector<1x1x16xf32> to vector<16xf32>
          %swap3A_1160 = vector.shape_cast %broadcast_in_dim3A_1152 : vector<16xf32> to vector<1x1x16xf32>
          tpu.vector_store %arg6[%swap3A_1155, %swap3A_1156, %swap3A_1157], %swap3A_1160 {strides = array<i32>} : memref<5x8x2048xf32, #tpu.memory_space<vmem>>, vector<1x1x16xf32>,
          %scan3A_1161 = arith.constant 0 : i32
          %scan3A_1162 = arith.constant 1 : i32
          %scan3A_1163 = arith.addi %scan3A_1150, %scan3A_1162 : i32
          %broadcast_in_dim3A_1164 = arith.constant -8.000000e+01 : f32
          %broadcast_in_dim3A_1165 = vector.broadcast %broadcast_in_dim3A_1164 : f32 to vector<16xf32>
          %mul3A_1166 = arith.constant 16 : i32
          %mul3A_1167 = arith.muli %scan3A_1163, %mul3A_1166 : i32
          %swap3A_1168 = arith.constant 0 : i32
          %swap3A_1169 = arith.index_cast %swap3A_1168 : i32 to index
          %swap3A_1170 = arith.index_cast %while3A_1140 : i32 to index
          %swap3A_1171 = arith.index_cast %mul3A_1167 : i32 to index
          %swap3A_1172 = tpu.vector_load %arg6[%swap3A_1169, %swap3A_1170, %swap3A_1171] {strides = array<i32>} : memref<5x8x2048xf32, #tpu.memory_space<vmem>>, vector<1x1x16xf32>,
          %swap3A_1173 = vector.shape_cast %swap3A_1172 : vector<1x1x16xf32> to vector<16xf32>
          %swap3A_1174 = vector.shape_cast %broadcast_in_dim3A_1165 : vector<16xf32> to vector<1x1x16xf32>
          tpu.vector_store %arg6[%swap3A_1169, %swap3A_1170, %swap3A_1171], %swap3A_1174 {strides = array<i32>} : memref<5x8x2048xf32, #tpu.memory_space<vmem>>, vector<1x1x16xf32>,
          %scan3A_1175 = arith.constant 0 : i32
          %scan3A_1176 = arith.constant 2 : i32
          %scan3A_1177 = arith.addi %scan3A_1150, %scan3A_1176 : i32
          %broadcast_in_dim3A_1178 = arith.constant -8.000000e+01 : f32
          %broadcast_in_dim3A_1179 = vector.broadcast %broadcast_in_dim3A_1178 : f32 to vector<16xf32>
          %mul3A_1180 = arith.constant 16 : i32
          %mul3A_1181 = arith.muli %scan3A_1177, %mul3A_1180 : i32
          %swap3A_1182 = arith.constant 0 : i32
          %swap3A_1183 = arith.index_cast %swap3A_1182 : i32 to index
          %swap3A_1184 = arith.index_cast %while3A_1140 : i32 to index
          %swap3A_1185 = arith.index_cast %mul3A_1181 : i32 to index
          %swap3A_1186 = tpu.vector_load %arg6[%swap3A_1183, %swap3A_1184, %swap3A_1185] {strides = array<i32>} : memref<5x8x2048xf32, #tpu.memory_space<vmem>>, vector<1x1x16xf32>,
          %swap3A_1187 = vector.shape_cast %swap3A_1186 : vector<1x1x16xf32> to vector<16xf32>
          %swap3A_1188 = vector.shape_cast %broadcast_in_dim3A_1179 : vector<16xf32> to vector<1x1x16xf32>
          tpu.vector_store %arg6[%swap3A_1183, %swap3A_1184, %swap3A_1185], %swap3A_1188 {strides = array<i32>} : memref<5x8x2048xf32, #tpu.memory_space<vmem>>, vector<1x1x16xf32>,
          %scan3A_1189 = arith.constant 0 : i32
          %scan3A_1190 = arith.constant 3 : i32
          %scan3A_1191 = arith.addi %scan3A_1150, %scan3A_1190 : i32
          %broadcast_in_dim3A_1192 = arith.constant -8.000000e+01 : f32
          %broadcast_in_dim3A_1193 = vector.broadcast %broadcast_in_dim3A_1192 : f32 to vector<16xf32>
          %mul3A_1194 = arith.constant 16 : i32
          %mul3A_1195 = arith.muli %scan3A_1191, %mul3A_1194 : i32
          %swap3A_1196 = arith.constant 0 : i32
          %swap3A_1197 = arith.index_cast %swap3A_1196 : i32 to index
          %swap3A_1198 = arith.index_cast %while3A_1140 : i32 to index
          %swap3A_1199 = arith.index_cast %mul3A_1195 : i32 to index
          %swap3A_1200 = tpu.vector_load %arg6[%swap3A_1197, %swap3A_1198, %swap3A_1199] {strides = array<i32>} : memref<5x8x2048xf32, #tpu.memory_space<vmem>>, vector<1x1x16xf32>,
          %swap3A_1201 = vector.shape_cast %swap3A_1200 : vector<1x1x16xf32> to vector<16xf32>
          %swap3A_1202 = vector.shape_cast %broadcast_in_dim3A_1193 : vector<16xf32> to vector<1x1x16xf32>
          tpu.vector_store %arg6[%swap3A_1197, %swap3A_1198, %swap3A_1199], %swap3A_1202 {strides = array<i32>} : memref<5x8x2048xf32, #tpu.memory_space<vmem>>, vector<1x1x16xf32>,
          %scan3A_1203 = arith.constant 0 : i32
          %scan3A_1204 = arith.constant 4 : i32
          %scan3A_1205 = arith.addi %scan3A_1150, %scan3A_1204 : i32
          %broadcast_in_dim3A_1206 = arith.constant -8.000000e+01 : f32
          %broadcast_in_dim3A_1207 = vector.broadcast %broadcast_in_dim3A_1206 : f32 to vector<16xf32>
          %mul3A_1208 = arith.constant 16 : i32
          %mul3A_1209 = arith.muli %scan3A_1205, %mul3A_1208 : i32
          %swap3A_1210 = arith.constant 0 : i32
          %swap3A_1211 = arith.index_cast %swap3A_1210 : i32 to index
          %swap3A_1212 = arith.index_cast %while3A_1140 : i32 to index
          %swap3A_1213 = arith.index_cast %mul3A_1209 : i32 to index
          %swap3A_1214 = tpu.vector_load %arg6[%swap3A_1211, %swap3A_1212, %swap3A_1213] {strides = array<i32>} : memref<5x8x2048xf32, #tpu.memory_space<vmem>>, vector<1x1x16xf32>,
          %swap3A_1215 = vector.shape_cast %swap3A_1214 : vector<1x1x16xf32> to vector<16xf32>
          %swap3A_1216 = vector.shape_cast %broadcast_in_dim3A_1207 : vector<16xf32> to vector<1x1x16xf32>
          tpu.vector_store %arg6[%swap3A_1211, %swap3A_1212, %swap3A_1213], %swap3A_1216 {strides = array<i32>} : memref<5x8x2048xf32, #tpu.memory_space<vmem>>, vector<1x1x16xf32>,
          %scan3A_1217 = arith.constant 0 : i32
          %scan3A_1218 = arith.constant 5 : i32
          %scan3A_1219 = arith.addi %scan3A_1150, %scan3A_1218 : i32
          %broadcast_in_dim3A_1220 = arith.constant -8.000000e+01 : f32
          %broadcast_in_dim3A_1221 = vector.broadcast %broadcast_in_dim3A_1220 : f32 to vector<16xf32>
          %mul3A_1222 = arith.constant 16 : i32
          %mul3A_1223 = arith.muli %scan3A_1219, %mul3A_1222 : i32
          %swap3A_1224 = arith.constant 0 : i32
          %swap3A_1225 = arith.index_cast %swap3A_1224 : i32 to index
          %swap3A_1226 = arith.index_cast %while3A_1140 : i32 to index
          %swap3A_1227 = arith.index_cast %mul3A_1223 : i32 to index
          %swap3A_1228 = tpu.vector_load %arg6[%swap3A_1225, %swap3A_1226, %swap3A_1227] {strides = array<i32>} : memref<5x8x2048xf32, #tpu.memory_space<vmem>>, vector<1x1x16xf32>,
          %swap3A_1229 = vector.shape_cast %swap3A_1228 : vector<1x1x16xf32> to vector<16xf32>
          %swap3A_1230 = vector.shape_cast %broadcast_in_dim3A_1221 : vector<16xf32> to vector<1x1x16xf32>
          tpu.vector_store %arg6[%swap3A_1225, %swap3A_1226, %swap3A_1227], %swap3A_1230 {strides = array<i32>} : memref<5x8x2048xf32, #tpu.memory_space<vmem>>, vector<1x1x16xf32>,
          %scan3A_1231 = arith.constant 0 : i32
          %scan3A_1232 = arith.constant 6 : i32
          %scan3A_1233 = arith.addi %scan3A_1150, %scan3A_1232 : i32
          %broadcast_in_dim3A_1234 = arith.constant -8.000000e+01 : f32
          %broadcast_in_dim3A_1235 = vector.broadcast %broadcast_in_dim3A_1234 : f32 to vector<16xf32>
          %mul3A_1236 = arith.constant 16 : i32
          %mul3A_1237 = arith.muli %scan3A_1233, %mul3A_1236 : i32
          %swap3A_1238 = arith.constant 0 : i32
          %swap3A_1239 = arith.index_cast %swap3A_1238 : i32 to index
          %swap3A_1240 = arith.index_cast %while3A_1140 : i32 to index
          %swap3A_1241 = arith.index_cast %mul3A_1237 : i32 to index
          %swap3A_1242 = tpu.vector_load %arg6[%swap3A_1239, %swap3A_1240, %swap3A_1241] {strides = array<i32>} : memref<5x8x2048xf32, #tpu.memory_space<vmem>>, vector<1x1x16xf32>,
          %swap3A_1243 = vector.shape_cast %swap3A_1242 : vector<1x1x16xf32> to vector<16xf32>
          %swap3A_1244 = vector.shape_cast %broadcast_in_dim3A_1235 : vector<16xf32> to vector<1x1x16xf32>
          tpu.vector_store %arg6[%swap3A_1239, %swap3A_1240, %swap3A_1241], %swap3A_1244 {strides = array<i32>} : memref<5x8x2048xf32, #tpu.memory_space<vmem>>, vector<1x1x16xf32>,
          %scan3A_1245 = arith.constant 0 : i32
          %scan3A_1246 = arith.constant 7 : i32
          %scan3A_1247 = arith.addi %scan3A_1150, %scan3A_1246 : i32
          %broadcast_in_dim3A_1248 = arith.constant -8.000000e+01 : f32
          %broadcast_in_dim3A_1249 = vector.broadcast %broadcast_in_dim3A_1248 : f32 to vector<16xf32>
          %mul3A_1250 = arith.constant 16 : i32
          %mul3A_1251 = arith.muli %scan3A_1247, %mul3A_1250 : i32
          %swap3A_1252 = arith.constant 0 : i32
          %swap3A_1253 = arith.index_cast %swap3A_1252 : i32 to index
          %swap3A_1254 = arith.index_cast %while3A_1140 : i32 to index
          %swap3A_1255 = arith.index_cast %mul3A_1251 : i32 to index
          %swap3A_1256 = tpu.vector_load %arg6[%swap3A_1253, %swap3A_1254, %swap3A_1255] {strides = array<i32>} : memref<5x8x2048xf32, #tpu.memory_space<vmem>>, vector<1x1x16xf32>,
          %swap3A_1257 = vector.shape_cast %swap3A_1256 : vector<1x1x16xf32> to vector<16xf32>
          %swap3A_1258 = vector.shape_cast %broadcast_in_dim3A_1249 : vector<16xf32> to vector<1x1x16xf32>
          tpu.vector_store %arg6[%swap3A_1253, %swap3A_1254, %swap3A_1255], %swap3A_1258 {strides = array<i32>} : memref<5x8x2048xf32, #tpu.memory_space<vmem>>, vector<1x1x16xf32>,
          %scan3A_1259 = arith.constant 0 : i32
          scf.yield %scan3A_1259 : i32
        }
        %scan3A_1148 = arith.constant 128 : i32
        %while3A_1149 = arith.constant 0 : i32
        scf.yield %while3A_1149 : i32
      }
      %dma_start3A_638 = arith.constant 0 : i32
      %dma_start3A_639 = arith.constant 0 : i32
      %dma_start3A_640 = arith.constant 0 : i32
      %dma_start3A_641 = tpu.memref_slice %arg6[%dma_start3A_638, %dma_start3A_639, %dma_start3A_640] : memref<5x8x2048xf32, #tpu.memory_space<vmem>> -> memref<1x8x2048xf32, #tpu.memory_space<vmem>>
      %dma_start3A_642 = tpu.memref_squeeze %dma_start3A_641 : memref<1x8x2048xf32, #tpu.memory_space<vmem>> -> memref<8x2048xf32, #tpu.memory_space<vmem>>
      %dma_start3A_643 = arith.constant 0 : i32
      %dma_start3A_644 = tpu.memref_slice %arg4[%add3A_626, %dma_start3A_643] : memref<16384x2048xf32, #tpu.memory_space<hbm>> -> memref<8x2048xf32, #tpu.memory_space<hbm>>
      %dma_start3A_645 = arith.constant 0 : i32
      %dma_start3A_646 = tpu.memref_slice %arg4[%add3A_626, %dma_start3A_645] : memref<16384x2048xf32, #tpu.memory_space<hbm>> -> memref<8x2048xf32, #tpu.memory_space<hbm>>
      %dma_start3A_647 = arith.constant 0 : i32
      %dma_start3A_648 = arith.constant 0 : i32
      %dma_start3A_649 = tpu.memref_slice %arg6[%dma_start3A_638, %dma_start3A_647, %dma_start3A_648] : memref<5x8x2048xf32, #tpu.memory_space<vmem>> -> memref<1x8x2048xf32, #tpu.memory_space<vmem>>
      %dma_start3A_650 = tpu.memref_squeeze %dma_start3A_649 : memref<1x8x2048xf32, #tpu.memory_space<vmem>> -> memref<8x2048xf32, #tpu.memory_space<vmem>>
      tpu.enqueue_dma source(%dma_start3A_650 : memref<8x2048xf32, #tpu.memory_space<vmem>>) target(%dma_start3A_646 : memref<8x2048xf32, #tpu.memory_space<hbm>>) target_semaphore(%arg8 : memref<!tpu.dma_semaphore, #tpu.memory_space<semaphore_mem>>)
      %mul3A_651 = arith.constant 5 : i32
      %mul3A_652 = arith.muli %scan3A_531, %mul3A_651 : i32
      %add3A_653 = arith.constant 1 : i32
      %add3A_654 = arith.addi %mul3A_652, %add3A_653 : i32
      %add3A_655 = arith.constant 2 : i32
      %add3A_656 = arith.addi %add3A_654, %add3A_655 : i32
      %lt3A_657 = arith.constant 64 : i32
      %lt3A_658 = arith.cmpi slt, %add3A_656, %lt3A_657 : i32
      %convert_element_type3A_659 = arith.extui %lt3A_658 : i1 to i32
      %cond3A_660 = arith.constant 0 : i32
      %cond3A_661 = arith.cmpi ne, %convert_element_type3A_659, %cond3A_660 : i32
      scf.if %cond3A_661 {
        %ge3A_1140 = arith.constant 5 : i32
        %ge3A_1141 = arith.cmpi sge, %add3A_656, %ge3A_1140 : i32
        %convert_element_type3A_1142 = arith.extui %ge3A_1141 : i1 to i32
        %cond3A_1143 = arith.constant 0 : i32
        %cond3A_1144 = arith.cmpi ne, %convert_element_type3A_1142, %cond3A_1143 : i32
        scf.if %cond3A_1144 {
          %dma_wait3A_1190 = arith.constant 3 : i32
          %dma_wait3A_1191 = arith.constant 0 : i32
          %dma_wait3A_1192 = arith.constant 0 : i32
          %dma_wait3A_1193 = tpu.memref_slice %arg6[%dma_wait3A_1190, %dma_wait3A_1191, %dma_wait3A_1192] : memref<5x8x2048xf32, #tpu.memory_space<vmem>> -> memref<1x8x2048xf32, #tpu.memory_space<vmem>>
          %dma_wait3A_1194 = tpu.memref_squeeze %dma_wait3A_1193 : memref<1x8x2048xf32, #tpu.memory_space<vmem>> -> memref<8x2048xf32, #tpu.memory_space<vmem>>
          %dma_wait3A_1195 = arith.constant 0 : i32
          %dma_wait3A_1196 = arith.constant 0 : i32
          %dma_wait3A_1197 = tpu.memref_slice %arg4[%dma_wait3A_1195, %dma_wait3A_1196] : memref<16384x2048xf32, #tpu.memory_space<hbm>> -> memref<8x2048xf32, #tpu.memory_space<hbm>>
          %dma_wait3A_1198 = arith.constant 0 : i32
          %dma_wait3A_1199 = arith.constant 0 : i32
          %dma_wait3A_1200 = tpu.memref_slice %arg4[%dma_wait3A_1198, %dma_wait3A_1199] : memref<16384x2048xf32, #tpu.memory_space<hbm>> -> memref<8x2048xf32, #tpu.memory_space<hbm>>
          %dma_wait3A_1201 = arith.constant 0 : i32
          %dma_wait3A_1202 = arith.constant 0 : i32
          %dma_wait3A_1203 = tpu.memref_slice %arg6[%dma_wait3A_1190, %dma_wait3A_1201, %dma_wait3A_1202] : memref<5x8x2048xf32, #tpu.memory_space<vmem>> -> memref<1x8x2048xf32, #tpu.memory_space<vmem>>
          %dma_wait3A_1204 = tpu.memref_squeeze %dma_wait3A_1203 : memref<1x8x2048xf32, #tpu.memory_space<vmem>> -> memref<8x2048xf32, #tpu.memory_space<vmem>>
          tpu.wait_dma2 semaphore(%arg8 : memref<!tpu.dma_semaphore, #tpu.memory_space<semaphore_mem>>) src(%dma_wait3A_1204 : memref<8x2048xf32, #tpu.memory_space<vmem>>) dst(%dma_wait3A_1200 : memref<8x2048xf32, #tpu.memory_space<hbm>>)
        } else {
        }
        %jit3A_1145 = arith.constant 32 : i32
        %eq3A_1146 = arith.constant 0 : i32
        %eq3A_1147 = arith.cmpi eq, %jit3A_1145, %eq3A_1146 : i32
        %jit3A_1148 = arith.constant 1 : i32
        %select_n3A_1149 = arith.select %eq3A_1147, %jit3A_1148, %jit3A_1145 : i32
        %rem3A_1150 = arith.remsi %add3A_656, %select_n3A_1149 : i32
        %ne3A_1151 = arith.constant 0 : i32
        %ne3A_1152 = arith.cmpi ne, %rem3A_1150, %ne3A_1151 : i32
        %lt3A_1153 = arith.constant 0 : i32
        %lt3A_1154 = arith.cmpi slt, %rem3A_1150, %lt3A_1153 : i32
        %lt3A_1155 = arith.constant 0 : i32
        %lt3A_1156 = arith.cmpi slt, %select_n3A_1149, %lt3A_1155 : i32
        %ne3A_1157 = arith.xori %lt3A_1154, %lt3A_1156 : i1
        %and3A_1158 = arith.andi %ne3A_1157, %ne3A_1152 : i1
        %add3A_1159 = arith.addi %rem3A_1150, %select_n3A_1149 : i32
        %select_n3A_1160 = arith.select %and3A_1158, %add3A_1159, %rem3A_1150 : i32
        %mul3A_1161 = arith.constant 8 : i32
        %mul3A_1162 = arith.muli %select_n3A_1160, %mul3A_1161 : i32
        %ge3A_1163 = arith.constant 32 : i32
        %ge3A_1164 = arith.cmpi sge, %add3A_656, %ge3A_1163 : i32
        %select_n3A_1165 = arith.select %ge3A_1164, %squeeze3A_10, %squeeze3A : i32
        %select_n3A_1166 = arith.select %ge3A_1164, %squeeze3A_12, %squeeze3A_8 : i32
        %sub3A_1167 = arith.subi %select_n3A_1165, %mul3A_1162 : i32
        %jit3A_1168 = arith.constant 0 : i32
        %jit3A_1169 = arith.constant 8 : i32
        %max3A_1170 = arith.maxsi %jit3A_1168, %sub3A_1167 : i32
        %min3A_1171 = arith.minsi %jit3A_1169, %max3A_1170 : i32
        %sub3A_1172 = arith.subi %select_n3A_1166, %mul3A_1162 : i32
        %jit3A_1173 = arith.constant 0 : i32
        %jit3A_1174 = arith.constant 8 : i32
        %max3A_1175 = arith.maxsi %jit3A_1173, %sub3A_1172 : i32
        %min3A_1176 = arith.minsi %jit3A_1174, %max3A_1175 : i32
        %eq3A_1177 = arith.constant 0 : i32
        %eq3A_1178 = arith.cmpi eq, %min3A_1171, %eq3A_1177 : i32
        %eq3A_1179 = arith.constant 8 : i32
        %eq3A_1180 = arith.cmpi eq, %min3A_1176, %eq3A_1179 : i32
        %and3A_1181 = arith.andi %eq3A_1178, %eq3A_1180 : i1
        %not3A_1182 = arith.constant true
        %not3A_1183 = arith.xori %and3A_1181, %not3A_1182 : i1
        %mul3A_1184 = arith.constant 8 : i32
        %mul3A_1185 = arith.muli %add3A_656, %mul3A_1184 : i32
        %add3A_1186 = arith.addi %mul3A_2, %mul3A_1185 : i32
        %convert_element_type3A_1187 = arith.extui %not3A_1183 : i1 to i32
        %cond3A_1188 = arith.constant 0 : i32
        %cond3A_1189 = arith.cmpi ne, %convert_element_type3A_1187, %cond3A_1188 : i32
        scf.if %cond3A_1189 {
          %dma_start3A_1190 = arith.constant 3 : i32
          %dma_start3A_1191 = arith.constant 0 : i32
          %dma_start3A_1192 = arith.constant 0 : i32
          %dma_start3A_1193 = tpu.memref_slice %arg6[%dma_start3A_1190, %dma_start3A_1191, %dma_start3A_1192] : memref<5x8x2048xf32, #tpu.memory_space<vmem>> -> memref<1x8x2048xf32, #tpu.memory_space<vmem>>
          %dma_start3A_1194 = tpu.memref_squeeze %dma_start3A_1193 : memref<1x8x2048xf32, #tpu.memory_space<vmem>> -> memref<8x2048xf32, #tpu.memory_space<vmem>>
          %dma_start3A_1195 = arith.constant 0 : i32
          %dma_start3A_1196 = tpu.memref_slice %arg2[%add3A_1186, %dma_start3A_1195] : memref<16384x2048xf32, #tpu.memory_space<hbm>> -> memref<8x2048xf32, #tpu.memory_space<hbm>>
          %dma_start3A_1197 = arith.constant 0 : i32
          %dma_start3A_1198 = arith.constant 0 : i32
          %dma_start3A_1199 = tpu.memref_slice %arg6[%dma_start3A_1190, %dma_start3A_1197, %dma_start3A_1198] : memref<5x8x2048xf32, #tpu.memory_space<vmem>> -> memref<1x8x2048xf32, #tpu.memory_space<vmem>>
          %dma_start3A_1200 = tpu.memref_squeeze %dma_start3A_1199 : memref<1x8x2048xf32, #tpu.memory_space<vmem>> -> memref<8x2048xf32, #tpu.memory_space<vmem>>
          %dma_start3A_1201 = arith.constant 0 : i32
          %dma_start3A_1202 = tpu.memref_slice %arg2[%add3A_1186, %dma_start3A_1201] : memref<16384x2048xf32, #tpu.memory_space<hbm>> -> memref<8x2048xf32, #tpu.memory_space<hbm>>
          tpu.enqueue_dma source(%dma_start3A_1202 : memref<8x2048xf32, #tpu.memory_space<hbm>>) target(%dma_start3A_1200 : memref<8x2048xf32, #tpu.memory_space<vmem>>) target_semaphore(%arg7 : memref<!tpu.dma_semaphore, #tpu.memory_space<semaphore_mem>>)
        } else {
        }
      } else {
      }
      %jit3A_662 = arith.constant 32 : i32
      %eq3A_663 = arith.constant 0 : i32
      %eq3A_664 = arith.cmpi eq, %jit3A_662, %eq3A_663 : i32
      %jit3A_665 = arith.constant 1 : i32
      %select_n3A_666 = arith.select %eq3A_664, %jit3A_665, %jit3A_662 : i32
      %rem3A_667 = arith.remsi %add3A_654, %select_n3A_666 : i32
      %ne3A_668 = arith.constant 0 : i32
      %ne3A_669 = arith.cmpi ne, %rem3A_667, %ne3A_668 : i32
      %lt3A_670 = arith.constant 0 : i32
      %lt3A_671 = arith.cmpi slt, %rem3A_667, %lt3A_670 : i32
      %lt3A_672 = arith.constant 0 : i32
      %lt3A_673 = arith.cmpi slt, %select_n3A_666, %lt3A_672 : i32
      %ne3A_674 = arith.xori %lt3A_671, %lt3A_673 : i1
      %and3A_675 = arith.andi %ne3A_674, %ne3A_669 : i1
      %add3A_676 = arith.addi %rem3A_667, %select_n3A_666 : i32
      %select_n3A_677 = arith.select %and3A_675, %add3A_676, %rem3A_667 : i32
      %mul3A_678 = arith.constant 8 : i32
      %mul3A_679 = arith.muli %select_n3A_677, %mul3A_678 : i32
      %ge3A_680 = arith.constant 32 : i32
      %ge3A_681 = arith.cmpi sge, %add3A_654, %ge3A_680 : i32
      %select_n3A_682 = arith.select %ge3A_681, %squeeze3A_10, %squeeze3A : i32
      %select_n3A_683 = arith.select %ge3A_681, %squeeze3A_12, %squeeze3A_8 : i32
      %sub3A_684 = arith.subi %select_n3A_682, %mul3A_679 : i32
      %jit3A_685 = arith.constant 0 : i32
      %jit3A_686 = arith.constant 8 : i32
      %max3A_687 = arith.maxsi %jit3A_685, %sub3A_684 : i32
      %min3A_688 = arith.minsi %jit3A_686, %max3A_687 : i32
      %sub3A_689 = arith.subi %select_n3A_683, %mul3A_679 : i32
      %jit3A_690 = arith.constant 0 : i32
      %jit3A_691 = arith.constant 8 : i32
      %max3A_692 = arith.maxsi %jit3A_690, %sub3A_689 : i32
      %min3A_693 = arith.minsi %jit3A_691, %max3A_692 : i32
      %eq3A_694 = arith.constant 0 : i32
      %eq3A_695 = arith.cmpi eq, %min3A_688, %eq3A_694 : i32
      %eq3A_696 = arith.constant 8 : i32
      %eq3A_697 = arith.cmpi eq, %min3A_693, %eq3A_696 : i32
      %and3A_698 = arith.andi %eq3A_695, %eq3A_697 : i1
      %not3A_699 = arith.constant true
      %not3A_700 = arith.xori %and3A_698, %not3A_699 : i1
      %mul3A_701 = arith.constant 8 : i32
      %mul3A_702 = arith.muli %add3A_654, %mul3A_701 : i32
      %add3A_703 = arith.addi %mul3A_2, %mul3A_702 : i32
      %convert_element_type3A_704 = arith.extui %not3A_700 : i1 to i32
      %cond3A_705 = arith.constant 0 : i32
      %cond3A_706 = arith.cmpi ne, %convert_element_type3A_704, %cond3A_705 : i32
      scf.if %cond3A_706 {
        %dma_wait3A_1140 = arith.constant 1 : i32
        %dma_wait3A_1141 = arith.constant 0 : i32
        %dma_wait3A_1142 = arith.constant 0 : i32
        %dma_wait3A_1143 = tpu.memref_slice %arg6[%dma_wait3A_1140, %dma_wait3A_1141, %dma_wait3A_1142] : memref<5x8x2048xf32, #tpu.memory_space<vmem>> -> memref<1x8x2048xf32, #tpu.memory_space<vmem>>
        %dma_wait3A_1144 = tpu.memref_squeeze %dma_wait3A_1143 : memref<1x8x2048xf32, #tpu.memory_space<vmem>> -> memref<8x2048xf32, #tpu.memory_space<vmem>>
        %dma_wait3A_1145 = arith.constant 0 : i32
        %dma_wait3A_1146 = arith.constant 0 : i32
        %dma_wait3A_1147 = tpu.memref_slice %arg2[%dma_wait3A_1145, %dma_wait3A_1146] : memref<16384x2048xf32, #tpu.memory_space<hbm>> -> memref<8x2048xf32, #tpu.memory_space<hbm>>
        %dma_wait3A_1148 = arith.constant 0 : i32
        %dma_wait3A_1149 = arith.constant 0 : i32
        %dma_wait3A_1150 = tpu.memref_slice %arg6[%dma_wait3A_1140, %dma_wait3A_1148, %dma_wait3A_1149] : memref<5x8x2048xf32, #tpu.memory_space<vmem>> -> memref<1x8x2048xf32, #tpu.memory_space<vmem>>
        %dma_wait3A_1151 = tpu.memref_squeeze %dma_wait3A_1150 : memref<1x8x2048xf32, #tpu.memory_space<vmem>> -> memref<8x2048xf32, #tpu.memory_space<vmem>>
        %dma_wait3A_1152 = arith.constant 0 : i32
        %dma_wait3A_1153 = arith.constant 0 : i32
        %dma_wait3A_1154 = tpu.memref_slice %arg2[%dma_wait3A_1152, %dma_wait3A_1153] : memref<16384x2048xf32, #tpu.memory_space<hbm>> -> memref<8x2048xf32, #tpu.memory_space<hbm>>
        tpu.wait_dma2 semaphore(%arg7 : memref<!tpu.dma_semaphore, #tpu.memory_space<semaphore_mem>>) src(%dma_wait3A_1154 : memref<8x2048xf32, #tpu.memory_space<hbm>>) dst(%dma_wait3A_1151 : memref<8x2048xf32, #tpu.memory_space<vmem>>)
      } else {
      }
      %jit3A_707 = arith.constant 32 : i32
      %eq3A_708 = arith.constant 0 : i32
      %eq3A_709 = arith.cmpi eq, %jit3A_707, %eq3A_708 : i32
      %jit3A_710 = arith.constant 1 : i32
      %select_n3A_711 = arith.select %eq3A_709, %jit3A_710, %jit3A_707 : i32
      %rem3A_712 = arith.remsi %add3A_654, %select_n3A_711 : i32
      %ne3A_713 = arith.constant 0 : i32
      %ne3A_714 = arith.cmpi ne, %rem3A_712, %ne3A_713 : i32
      %lt3A_715 = arith.constant 0 : i32
      %lt3A_716 = arith.cmpi slt, %rem3A_712, %lt3A_715 : i32
      %lt3A_717 = arith.constant 0 : i32
      %lt3A_718 = arith.cmpi slt, %select_n3A_711, %lt3A_717 : i32
      %ne3A_719 = arith.xori %lt3A_716, %lt3A_718 : i1
      %and3A_720 = arith.andi %ne3A_719, %ne3A_714 : i1
      %add3A_721 = arith.addi %rem3A_712, %select_n3A_711 : i32
      %select_n3A_722 = arith.select %and3A_720, %add3A_721, %rem3A_712 : i32
      %mul3A_723 = arith.constant 8 : i32
      %mul3A_724 = arith.muli %select_n3A_722, %mul3A_723 : i32
      %ge3A_725 = arith.constant 32 : i32
      %ge3A_726 = arith.cmpi sge, %add3A_654, %ge3A_725 : i32
      %select_n3A_727 = arith.select %ge3A_726, %squeeze3A_10, %squeeze3A : i32
      %select_n3A_728 = arith.select %ge3A_726, %squeeze3A_12, %squeeze3A_8 : i32
      %sub3A_729 = arith.subi %select_n3A_727, %mul3A_724 : i32
      %jit3A_730 = arith.constant 0 : i32
      %jit3A_731 = arith.constant 8 : i32
      %max3A_732 = arith.maxsi %jit3A_730, %sub3A_729 : i32
      %min3A_733 = arith.minsi %jit3A_731, %max3A_732 : i32
      %sub3A_734 = arith.subi %select_n3A_728, %mul3A_724 : i32
      %jit3A_735 = arith.constant 0 : i32
      %jit3A_736 = arith.constant 8 : i32
      %max3A_737 = arith.maxsi %jit3A_735, %sub3A_734 : i32
      %min3A_738 = arith.minsi %jit3A_736, %max3A_737 : i32
      %eq3A_739 = arith.constant 0 : i32
      %eq3A_740 = arith.cmpi eq, %min3A_733, %eq3A_739 : i32
      %eq3A_741 = arith.constant 8 : i32
      %eq3A_742 = arith.cmpi eq, %min3A_738, %eq3A_741 : i32
      %and3A_743 = arith.andi %eq3A_740, %eq3A_742 : i1
      %not3A_744 = arith.constant true
      %not3A_745 = arith.xori %and3A_743, %not3A_744 : i1
      %mul3A_746 = arith.constant 8 : i32
      %mul3A_747 = arith.muli %add3A_654, %mul3A_746 : i32
      %add3A_748 = arith.addi %mul3A_2, %mul3A_747 : i32
      %while3A_749 = arith.constant 0 : i32
      %while3A_750 = arith.subi %min3A_738, %min3A_733 : i32
      %while3A_751 = arith.addi %min3A_733, %while3A_750 : i32
      %while3A_752 = arith.constant 1 : i32
      %while3A_753 = arith.divsi %while3A_750, %while3A_752 : i32
      %while3A_754 = arith.muli %while3A_753, %while3A_752 : i32
      %while3A_755 = arith.addi %min3A_733, %while3A_754 : i32
      %while3A_756 = arith.constant 1 : i32
      %while3A_757 = scf.for %while3A_1140 = %min3A_733 to %while3A_755 step %while3A_756 iter_args(%while3A_1141 = %while3A_749) -> (i32)  : i32 {
        %scan3A_1142 = arith.constant 0 : i32
        %scan3A_1143 = arith.constant 0 : i32
        %scan3A_1144 = arith.constant 128 : i32
        %scan3A_1145 = arith.addi %scan3A_1143, %scan3A_1144 : i32
        %scan3A_1146 = arith.constant 8 : i32
        %scan3A_1147 = scf.for %scan3A_1150 = %scan3A_1143 to %scan3A_1145 step %scan3A_1146 iter_args(%scan3A_1151 = %scan3A_1142) -> (i32)  : i32 {
          %broadcast_in_dim3A = arith.constant -8.000000e+01 : f32
          %broadcast_in_dim3A_1152 = vector.broadcast %broadcast_in_dim3A : f32 to vector<16xf32>
          %mul3A_1153 = arith.constant 16 : i32
          %mul3A_1154 = arith.muli %scan3A_1150, %mul3A_1153 : i32
          %swap3A = arith.constant 1 : i32
          %swap3A_1155 = arith.index_cast %swap3A : i32 to index
          %swap3A_1156 = arith.index_cast %while3A_1140 : i32 to index
          %swap3A_1157 = arith.index_cast %mul3A_1154 : i32 to index
          %swap3A_1158 = tpu.vector_load %arg6[%swap3A_1155, %swap3A_1156, %swap3A_1157] {strides = array<i32>} : memref<5x8x2048xf32, #tpu.memory_space<vmem>>, vector<1x1x16xf32>,
          %swap3A_1159 = vector.shape_cast %swap3A_1158 : vector<1x1x16xf32> to vector<16xf32>
          %swap3A_1160 = vector.shape_cast %broadcast_in_dim3A_1152 : vector<16xf32> to vector<1x1x16xf32>
          tpu.vector_store %arg6[%swap3A_1155, %swap3A_1156, %swap3A_1157], %swap3A_1160 {strides = array<i32>} : memref<5x8x2048xf32, #tpu.memory_space<vmem>>, vector<1x1x16xf32>,
          %scan3A_1161 = arith.constant 0 : i32
          %scan3A_1162 = arith.constant 1 : i32
          %scan3A_1163 = arith.addi %scan3A_1150, %scan3A_1162 : i32
          %broadcast_in_dim3A_1164 = arith.constant -8.000000e+01 : f32
          %broadcast_in_dim3A_1165 = vector.broadcast %broadcast_in_dim3A_1164 : f32 to vector<16xf32>
          %mul3A_1166 = arith.constant 16 : i32
          %mul3A_1167 = arith.muli %scan3A_1163, %mul3A_1166 : i32
          %swap3A_1168 = arith.constant 1 : i32
          %swap3A_1169 = arith.index_cast %swap3A_1168 : i32 to index
          %swap3A_1170 = arith.index_cast %while3A_1140 : i32 to index
          %swap3A_1171 = arith.index_cast %mul3A_1167 : i32 to index
          %swap3A_1172 = tpu.vector_load %arg6[%swap3A_1169, %swap3A_1170, %swap3A_1171] {strides = array<i32>} : memref<5x8x2048xf32, #tpu.memory_space<vmem>>, vector<1x1x16xf32>,
          %swap3A_1173 = vector.shape_cast %swap3A_1172 : vector<1x1x16xf32> to vector<16xf32>
          %swap3A_1174 = vector.shape_cast %broadcast_in_dim3A_1165 : vector<16xf32> to vector<1x1x16xf32>
          tpu.vector_store %arg6[%swap3A_1169, %swap3A_1170, %swap3A_1171], %swap3A_1174 {strides = array<i32>} : memref<5x8x2048xf32, #tpu.memory_space<vmem>>, vector<1x1x16xf32>,
          %scan3A_1175 = arith.constant 0 : i32
          %scan3A_1176 = arith.constant 2 : i32
          %scan3A_1177 = arith.addi %scan3A_1150, %scan3A_1176 : i32
          %broadcast_in_dim3A_1178 = arith.constant -8.000000e+01 : f32
          %broadcast_in_dim3A_1179 = vector.broadcast %broadcast_in_dim3A_1178 : f32 to vector<16xf32>
          %mul3A_1180 = arith.constant 16 : i32
          %mul3A_1181 = arith.muli %scan3A_1177, %mul3A_1180 : i32
          %swap3A_1182 = arith.constant 1 : i32
          %swap3A_1183 = arith.index_cast %swap3A_1182 : i32 to index
          %swap3A_1184 = arith.index_cast %while3A_1140 : i32 to index
          %swap3A_1185 = arith.index_cast %mul3A_1181 : i32 to index
          %swap3A_1186 = tpu.vector_load %arg6[%swap3A_1183, %swap3A_1184, %swap3A_1185] {strides = array<i32>} : memref<5x8x2048xf32, #tpu.memory_space<vmem>>, vector<1x1x16xf32>,
          %swap3A_1187 = vector.shape_cast %swap3A_1186 : vector<1x1x16xf32> to vector<16xf32>
          %swap3A_1188 = vector.shape_cast %broadcast_in_dim3A_1179 : vector<16xf32> to vector<1x1x16xf32>
          tpu.vector_store %arg6[%swap3A_1183, %swap3A_1184, %swap3A_1185], %swap3A_1188 {strides = array<i32>} : memref<5x8x2048xf32, #tpu.memory_space<vmem>>, vector<1x1x16xf32>,
          %scan3A_1189 = arith.constant 0 : i32
          %scan3A_1190 = arith.constant 3 : i32
          %scan3A_1191 = arith.addi %scan3A_1150, %scan3A_1190 : i32
          %broadcast_in_dim3A_1192 = arith.constant -8.000000e+01 : f32
          %broadcast_in_dim3A_1193 = vector.broadcast %broadcast_in_dim3A_1192 : f32 to vector<16xf32>
          %mul3A_1194 = arith.constant 16 : i32
          %mul3A_1195 = arith.muli %scan3A_1191, %mul3A_1194 : i32
          %swap3A_1196 = arith.constant 1 : i32
          %swap3A_1197 = arith.index_cast %swap3A_1196 : i32 to index
          %swap3A_1198 = arith.index_cast %while3A_1140 : i32 to index
          %swap3A_1199 = arith.index_cast %mul3A_1195 : i32 to index
          %swap3A_1200 = tpu.vector_load %arg6[%swap3A_1197, %swap3A_1198, %swap3A_1199] {strides = array<i32>} : memref<5x8x2048xf32, #tpu.memory_space<vmem>>, vector<1x1x16xf32>,
          %swap3A_1201 = vector.shape_cast %swap3A_1200 : vector<1x1x16xf32> to vector<16xf32>
          %swap3A_1202 = vector.shape_cast %broadcast_in_dim3A_1193 : vector<16xf32> to vector<1x1x16xf32>
          tpu.vector_store %arg6[%swap3A_1197, %swap3A_1198, %swap3A_1199], %swap3A_1202 {strides = array<i32>} : memref<5x8x2048xf32, #tpu.memory_space<vmem>>, vector<1x1x16xf32>,
          %scan3A_1203 = arith.constant 0 : i32
          %scan3A_1204 = arith.constant 4 : i32
          %scan3A_1205 = arith.addi %scan3A_1150, %scan3A_1204 : i32
          %broadcast_in_dim3A_1206 = arith.constant -8.000000e+01 : f32
          %broadcast_in_dim3A_1207 = vector.broadcast %broadcast_in_dim3A_1206 : f32 to vector<16xf32>
          %mul3A_1208 = arith.constant 16 : i32
          %mul3A_1209 = arith.muli %scan3A_1205, %mul3A_1208 : i32
          %swap3A_1210 = arith.constant 1 : i32
          %swap3A_1211 = arith.index_cast %swap3A_1210 : i32 to index
          %swap3A_1212 = arith.index_cast %while3A_1140 : i32 to index
          %swap3A_1213 = arith.index_cast %mul3A_1209 : i32 to index
          %swap3A_1214 = tpu.vector_load %arg6[%swap3A_1211, %swap3A_1212, %swap3A_1213] {strides = array<i32>} : memref<5x8x2048xf32, #tpu.memory_space<vmem>>, vector<1x1x16xf32>,
          %swap3A_1215 = vector.shape_cast %swap3A_1214 : vector<1x1x16xf32> to vector<16xf32>
          %swap3A_1216 = vector.shape_cast %broadcast_in_dim3A_1207 : vector<16xf32> to vector<1x1x16xf32>
          tpu.vector_store %arg6[%swap3A_1211, %swap3A_1212, %swap3A_1213], %swap3A_1216 {strides = array<i32>} : memref<5x8x2048xf32, #tpu.memory_space<vmem>>, vector<1x1x16xf32>,
          %scan3A_1217 = arith.constant 0 : i32
          %scan3A_1218 = arith.constant 5 : i32
          %scan3A_1219 = arith.addi %scan3A_1150, %scan3A_1218 : i32
          %broadcast_in_dim3A_1220 = arith.constant -8.000000e+01 : f32
          %broadcast_in_dim3A_1221 = vector.broadcast %broadcast_in_dim3A_1220 : f32 to vector<16xf32>
          %mul3A_1222 = arith.constant 16 : i32
          %mul3A_1223 = arith.muli %scan3A_1219, %mul3A_1222 : i32
          %swap3A_1224 = arith.constant 1 : i32
          %swap3A_1225 = arith.index_cast %swap3A_1224 : i32 to index
          %swap3A_1226 = arith.index_cast %while3A_1140 : i32 to index
          %swap3A_1227 = arith.index_cast %mul3A_1223 : i32 to index
          %swap3A_1228 = tpu.vector_load %arg6[%swap3A_1225, %swap3A_1226, %swap3A_1227] {strides = array<i32>} : memref<5x8x2048xf32, #tpu.memory_space<vmem>>, vector<1x1x16xf32>,
          %swap3A_1229 = vector.shape_cast %swap3A_1228 : vector<1x1x16xf32> to vector<16xf32>
          %swap3A_1230 = vector.shape_cast %broadcast_in_dim3A_1221 : vector<16xf32> to vector<1x1x16xf32>
          tpu.vector_store %arg6[%swap3A_1225, %swap3A_1226, %swap3A_1227], %swap3A_1230 {strides = array<i32>} : memref<5x8x2048xf32, #tpu.memory_space<vmem>>, vector<1x1x16xf32>,
          %scan3A_1231 = arith.constant 0 : i32
          %scan3A_1232 = arith.constant 6 : i32
          %scan3A_1233 = arith.addi %scan3A_1150, %scan3A_1232 : i32
          %broadcast_in_dim3A_1234 = arith.constant -8.000000e+01 : f32
          %broadcast_in_dim3A_1235 = vector.broadcast %broadcast_in_dim3A_1234 : f32 to vector<16xf32>
          %mul3A_1236 = arith.constant 16 : i32
          %mul3A_1237 = arith.muli %scan3A_1233, %mul3A_1236 : i32
          %swap3A_1238 = arith.constant 1 : i32
          %swap3A_1239 = arith.index_cast %swap3A_1238 : i32 to index
          %swap3A_1240 = arith.index_cast %while3A_1140 : i32 to index
          %swap3A_1241 = arith.index_cast %mul3A_1237 : i32 to index
          %swap3A_1242 = tpu.vector_load %arg6[%swap3A_1239, %swap3A_1240, %swap3A_1241] {strides = array<i32>} : memref<5x8x2048xf32, #tpu.memory_space<vmem>>, vector<1x1x16xf32>,
          %swap3A_1243 = vector.shape_cast %swap3A_1242 : vector<1x1x16xf32> to vector<16xf32>
          %swap3A_1244 = vector.shape_cast %broadcast_in_dim3A_1235 : vector<16xf32> to vector<1x1x16xf32>
          tpu.vector_store %arg6[%swap3A_1239, %swap3A_1240, %swap3A_1241], %swap3A_1244 {strides = array<i32>} : memref<5x8x2048xf32, #tpu.memory_space<vmem>>, vector<1x1x16xf32>,
          %scan3A_1245 = arith.constant 0 : i32
          %scan3A_1246 = arith.constant 7 : i32
          %scan3A_1247 = arith.addi %scan3A_1150, %scan3A_1246 : i32
          %broadcast_in_dim3A_1248 = arith.constant -8.000000e+01 : f32
          %broadcast_in_dim3A_1249 = vector.broadcast %broadcast_in_dim3A_1248 : f32 to vector<16xf32>
          %mul3A_1250 = arith.constant 16 : i32
          %mul3A_1251 = arith.muli %scan3A_1247, %mul3A_1250 : i32
          %swap3A_1252 = arith.constant 1 : i32
          %swap3A_1253 = arith.index_cast %swap3A_1252 : i32 to index
          %swap3A_1254 = arith.index_cast %while3A_1140 : i32 to index
          %swap3A_1255 = arith.index_cast %mul3A_1251 : i32 to index
          %swap3A_1256 = tpu.vector_load %arg6[%swap3A_1253, %swap3A_1254, %swap3A_1255] {strides = array<i32>} : memref<5x8x2048xf32, #tpu.memory_space<vmem>>, vector<1x1x16xf32>,
          %swap3A_1257 = vector.shape_cast %swap3A_1256 : vector<1x1x16xf32> to vector<16xf32>
          %swap3A_1258 = vector.shape_cast %broadcast_in_dim3A_1249 : vector<16xf32> to vector<1x1x16xf32>
          tpu.vector_store %arg6[%swap3A_1253, %swap3A_1254, %swap3A_1255], %swap3A_1258 {strides = array<i32>} : memref<5x8x2048xf32, #tpu.memory_space<vmem>>, vector<1x1x16xf32>,
          %scan3A_1259 = arith.constant 0 : i32
          scf.yield %scan3A_1259 : i32
        }
        %scan3A_1148 = arith.constant 128 : i32
        %while3A_1149 = arith.constant 0 : i32
        scf.yield %while3A_1149 : i32
      }
      %while3A_758 = arith.constant 1 : i32
      %while3A_759 = scf.for %while3A_1140 = %while3A_755 to %while3A_751 step %while3A_758 iter_args(%while3A_1141 = %while3A_757) -> (i32)  : i32 {
        %scan3A_1142 = arith.constant 0 : i32
        %scan3A_1143 = arith.constant 0 : i32
        %scan3A_1144 = arith.constant 128 : i32
        %scan3A_1145 = arith.addi %scan3A_1143, %scan3A_1144 : i32
        %scan3A_1146 = arith.constant 8 : i32
        %scan3A_1147 = scf.for %scan3A_1150 = %scan3A_1143 to %scan3A_1145 step %scan3A_1146 iter_args(%scan3A_1151 = %scan3A_1142) -> (i32)  : i32 {
          %broadcast_in_dim3A = arith.constant -8.000000e+01 : f32
          %broadcast_in_dim3A_1152 = vector.broadcast %broadcast_in_dim3A : f32 to vector<16xf32>
          %mul3A_1153 = arith.constant 16 : i32
          %mul3A_1154 = arith.muli %scan3A_1150, %mul3A_1153 : i32
          %swap3A = arith.constant 1 : i32
          %swap3A_1155 = arith.index_cast %swap3A : i32 to index
          %swap3A_1156 = arith.index_cast %while3A_1140 : i32 to index
          %swap3A_1157 = arith.index_cast %mul3A_1154 : i32 to index
          %swap3A_1158 = tpu.vector_load %arg6[%swap3A_1155, %swap3A_1156, %swap3A_1157] {strides = array<i32>} : memref<5x8x2048xf32, #tpu.memory_space<vmem>>, vector<1x1x16xf32>,
          %swap3A_1159 = vector.shape_cast %swap3A_1158 : vector<1x1x16xf32> to vector<16xf32>
          %swap3A_1160 = vector.shape_cast %broadcast_in_dim3A_1152 : vector<16xf32> to vector<1x1x16xf32>
          tpu.vector_store %arg6[%swap3A_1155, %swap3A_1156, %swap3A_1157], %swap3A_1160 {strides = array<i32>} : memref<5x8x2048xf32, #tpu.memory_space<vmem>>, vector<1x1x16xf32>,
          %scan3A_1161 = arith.constant 0 : i32
          %scan3A_1162 = arith.constant 1 : i32
          %scan3A_1163 = arith.addi %scan3A_1150, %scan3A_1162 : i32
          %broadcast_in_dim3A_1164 = arith.constant -8.000000e+01 : f32
          %broadcast_in_dim3A_1165 = vector.broadcast %broadcast_in_dim3A_1164 : f32 to vector<16xf32>
          %mul3A_1166 = arith.constant 16 : i32
          %mul3A_1167 = arith.muli %scan3A_1163, %mul3A_1166 : i32
          %swap3A_1168 = arith.constant 1 : i32
          %swap3A_1169 = arith.index_cast %swap3A_1168 : i32 to index
          %swap3A_1170 = arith.index_cast %while3A_1140 : i32 to index
          %swap3A_1171 = arith.index_cast %mul3A_1167 : i32 to index
          %swap3A_1172 = tpu.vector_load %arg6[%swap3A_1169, %swap3A_1170, %swap3A_1171] {strides = array<i32>} : memref<5x8x2048xf32, #tpu.memory_space<vmem>>, vector<1x1x16xf32>,
          %swap3A_1173 = vector.shape_cast %swap3A_1172 : vector<1x1x16xf32> to vector<16xf32>
          %swap3A_1174 = vector.shape_cast %broadcast_in_dim3A_1165 : vector<16xf32> to vector<1x1x16xf32>
          tpu.vector_store %arg6[%swap3A_1169, %swap3A_1170, %swap3A_1171], %swap3A_1174 {strides = array<i32>} : memref<5x8x2048xf32, #tpu.memory_space<vmem>>, vector<1x1x16xf32>,
          %scan3A_1175 = arith.constant 0 : i32
          %scan3A_1176 = arith.constant 2 : i32
          %scan3A_1177 = arith.addi %scan3A_1150, %scan3A_1176 : i32
          %broadcast_in_dim3A_1178 = arith.constant -8.000000e+01 : f32
          %broadcast_in_dim3A_1179 = vector.broadcast %broadcast_in_dim3A_1178 : f32 to vector<16xf32>
          %mul3A_1180 = arith.constant 16 : i32
          %mul3A_1181 = arith.muli %scan3A_1177, %mul3A_1180 : i32
          %swap3A_1182 = arith.constant 1 : i32
          %swap3A_1183 = arith.index_cast %swap3A_1182 : i32 to index
          %swap3A_1184 = arith.index_cast %while3A_1140 : i32 to index
          %swap3A_1185 = arith.index_cast %mul3A_1181 : i32 to index
          %swap3A_1186 = tpu.vector_load %arg6[%swap3A_1183, %swap3A_1184, %swap3A_1185] {strides = array<i32>} : memref<5x8x2048xf32, #tpu.memory_space<vmem>>, vector<1x1x16xf32>,
          %swap3A_1187 = vector.shape_cast %swap3A_1186 : vector<1x1x16xf32> to vector<16xf32>
          %swap3A_1188 = vector.shape_cast %broadcast_in_dim3A_1179 : vector<16xf32> to vector<1x1x16xf32>
          tpu.vector_store %arg6[%swap3A_1183, %swap3A_1184, %swap3A_1185], %swap3A_1188 {strides = array<i32>} : memref<5x8x2048xf32, #tpu.memory_space<vmem>>, vector<1x1x16xf32>,
          %scan3A_1189 = arith.constant 0 : i32
          %scan3A_1190 = arith.constant 3 : i32
          %scan3A_1191 = arith.addi %scan3A_1150, %scan3A_1190 : i32
          %broadcast_in_dim3A_1192 = arith.constant -8.000000e+01 : f32
          %broadcast_in_dim3A_1193 = vector.broadcast %broadcast_in_dim3A_1192 : f32 to vector<16xf32>
          %mul3A_1194 = arith.constant 16 : i32
          %mul3A_1195 = arith.muli %scan3A_1191, %mul3A_1194 : i32
          %swap3A_1196 = arith.constant 1 : i32
          %swap3A_1197 = arith.index_cast %swap3A_1196 : i32 to index
          %swap3A_1198 = arith.index_cast %while3A_1140 : i32 to index
          %swap3A_1199 = arith.index_cast %mul3A_1195 : i32 to index
          %swap3A_1200 = tpu.vector_load %arg6[%swap3A_1197, %swap3A_1198, %swap3A_1199] {strides = array<i32>} : memref<5x8x2048xf32, #tpu.memory_space<vmem>>, vector<1x1x16xf32>,
          %swap3A_1201 = vector.shape_cast %swap3A_1200 : vector<1x1x16xf32> to vector<16xf32>
          %swap3A_1202 = vector.shape_cast %broadcast_in_dim3A_1193 : vector<16xf32> to vector<1x1x16xf32>
          tpu.vector_store %arg6[%swap3A_1197, %swap3A_1198, %swap3A_1199], %swap3A_1202 {strides = array<i32>} : memref<5x8x2048xf32, #tpu.memory_space<vmem>>, vector<1x1x16xf32>,
          %scan3A_1203 = arith.constant 0 : i32
          %scan3A_1204 = arith.constant 4 : i32
          %scan3A_1205 = arith.addi %scan3A_1150, %scan3A_1204 : i32
          %broadcast_in_dim3A_1206 = arith.constant -8.000000e+01 : f32
          %broadcast_in_dim3A_1207 = vector.broadcast %broadcast_in_dim3A_1206 : f32 to vector<16xf32>
          %mul3A_1208 = arith.constant 16 : i32
          %mul3A_1209 = arith.muli %scan3A_1205, %mul3A_1208 : i32
          %swap3A_1210 = arith.constant 1 : i32
          %swap3A_1211 = arith.index_cast %swap3A_1210 : i32 to index
          %swap3A_1212 = arith.index_cast %while3A_1140 : i32 to index
          %swap3A_1213 = arith.index_cast %mul3A_1209 : i32 to index
          %swap3A_1214 = tpu.vector_load %arg6[%swap3A_1211, %swap3A_1212, %swap3A_1213] {strides = array<i32>} : memref<5x8x2048xf32, #tpu.memory_space<vmem>>, vector<1x1x16xf32>,
          %swap3A_1215 = vector.shape_cast %swap3A_1214 : vector<1x1x16xf32> to vector<16xf32>
          %swap3A_1216 = vector.shape_cast %broadcast_in_dim3A_1207 : vector<16xf32> to vector<1x1x16xf32>
          tpu.vector_store %arg6[%swap3A_1211, %swap3A_1212, %swap3A_1213], %swap3A_1216 {strides = array<i32>} : memref<5x8x2048xf32, #tpu.memory_space<vmem>>, vector<1x1x16xf32>,
          %scan3A_1217 = arith.constant 0 : i32
          %scan3A_1218 = arith.constant 5 : i32
          %scan3A_1219 = arith.addi %scan3A_1150, %scan3A_1218 : i32
          %broadcast_in_dim3A_1220 = arith.constant -8.000000e+01 : f32
          %broadcast_in_dim3A_1221 = vector.broadcast %broadcast_in_dim3A_1220 : f32 to vector<16xf32>
          %mul3A_1222 = arith.constant 16 : i32
          %mul3A_1223 = arith.muli %scan3A_1219, %mul3A_1222 : i32
          %swap3A_1224 = arith.constant 1 : i32
          %swap3A_1225 = arith.index_cast %swap3A_1224 : i32 to index
          %swap3A_1226 = arith.index_cast %while3A_1140 : i32 to index
          %swap3A_1227 = arith.index_cast %mul3A_1223 : i32 to index
          %swap3A_1228 = tpu.vector_load %arg6[%swap3A_1225, %swap3A_1226, %swap3A_1227] {strides = array<i32>} : memref<5x8x2048xf32, #tpu.memory_space<vmem>>, vector<1x1x16xf32>,
          %swap3A_1229 = vector.shape_cast %swap3A_1228 : vector<1x1x16xf32> to vector<16xf32>
          %swap3A_1230 = vector.shape_cast %broadcast_in_dim3A_1221 : vector<16xf32> to vector<1x1x16xf32>
          tpu.vector_store %arg6[%swap3A_1225, %swap3A_1226, %swap3A_1227], %swap3A_1230 {strides = array<i32>} : memref<5x8x2048xf32, #tpu.memory_space<vmem>>, vector<1x1x16xf32>,
          %scan3A_1231 = arith.constant 0 : i32
          %scan3A_1232 = arith.constant 6 : i32
          %scan3A_1233 = arith.addi %scan3A_1150, %scan3A_1232 : i32
          %broadcast_in_dim3A_1234 = arith.constant -8.000000e+01 : f32
          %broadcast_in_dim3A_1235 = vector.broadcast %broadcast_in_dim3A_1234 : f32 to vector<16xf32>
          %mul3A_1236 = arith.constant 16 : i32
          %mul3A_1237 = arith.muli %scan3A_1233, %mul3A_1236 : i32
          %swap3A_1238 = arith.constant 1 : i32
          %swap3A_1239 = arith.index_cast %swap3A_1238 : i32 to index
          %swap3A_1240 = arith.index_cast %while3A_1140 : i32 to index
          %swap3A_1241 = arith.index_cast %mul3A_1237 : i32 to index
          %swap3A_1242 = tpu.vector_load %arg6[%swap3A_1239, %swap3A_1240, %swap3A_1241] {strides = array<i32>} : memref<5x8x2048xf32, #tpu.memory_space<vmem>>, vector<1x1x16xf32>,
          %swap3A_1243 = vector.shape_cast %swap3A_1242 : vector<1x1x16xf32> to vector<16xf32>
          %swap3A_1244 = vector.shape_cast %broadcast_in_dim3A_1235 : vector<16xf32> to vector<1x1x16xf32>
          tpu.vector_store %arg6[%swap3A_1239, %swap3A_1240, %swap3A_1241], %swap3A_1244 {strides = array<i32>} : memref<5x8x2048xf32, #tpu.memory_space<vmem>>, vector<1x1x16xf32>,
          %scan3A_1245 = arith.constant 0 : i32
          %scan3A_1246 = arith.constant 7 : i32
          %scan3A_1247 = arith.addi %scan3A_1150, %scan3A_1246 : i32
          %broadcast_in_dim3A_1248 = arith.constant -8.000000e+01 : f32
          %broadcast_in_dim3A_1249 = vector.broadcast %broadcast_in_dim3A_1248 : f32 to vector<16xf32>
          %mul3A_1250 = arith.constant 16 : i32
          %mul3A_1251 = arith.muli %scan3A_1247, %mul3A_1250 : i32
          %swap3A_1252 = arith.constant 1 : i32
          %swap3A_1253 = arith.index_cast %swap3A_1252 : i32 to index
          %swap3A_1254 = arith.index_cast %while3A_1140 : i32 to index
          %swap3A_1255 = arith.index_cast %mul3A_1251 : i32 to index
          %swap3A_1256 = tpu.vector_load %arg6[%swap3A_1253, %swap3A_1254, %swap3A_1255] {strides = array<i32>} : memref<5x8x2048xf32, #tpu.memory_space<vmem>>, vector<1x1x16xf32>,
          %swap3A_1257 = vector.shape_cast %swap3A_1256 : vector<1x1x16xf32> to vector<16xf32>
          %swap3A_1258 = vector.shape_cast %broadcast_in_dim3A_1249 : vector<16xf32> to vector<1x1x16xf32>
          tpu.vector_store %arg6[%swap3A_1253, %swap3A_1254, %swap3A_1255], %swap3A_1258 {strides = array<i32>} : memref<5x8x2048xf32, #tpu.memory_space<vmem>>, vector<1x1x16xf32>,
          %scan3A_1259 = arith.constant 0 : i32
          scf.yield %scan3A_1259 : i32
        }
        %scan3A_1148 = arith.constant 128 : i32
        %while3A_1149 = arith.constant 0 : i32
        scf.yield %while3A_1149 : i32
      }
      %dma_start3A_760 = arith.constant 1 : i32
      %dma_start3A_761 = arith.constant 0 : i32
      %dma_start3A_762 = arith.constant 0 : i32
      %dma_start3A_763 = tpu.memref_slice %arg6[%dma_start3A_760, %dma_start3A_761, %dma_start3A_762] : memref<5x8x2048xf32, #tpu.memory_space<vmem>> -> memref<1x8x2048xf32, #tpu.memory_space<vmem>>
      %dma_start3A_764 = tpu.memref_squeeze %dma_start3A_763 : memref<1x8x2048xf32, #tpu.memory_space<vmem>> -> memref<8x2048xf32, #tpu.memory_space<vmem>>
      %dma_start3A_765 = arith.constant 0 : i32
      %dma_start3A_766 = tpu.memref_slice %arg4[%add3A_748, %dma_start3A_765] : memref<16384x2048xf32, #tpu.memory_space<hbm>> -> memref<8x2048xf32, #tpu.memory_space<hbm>>
      %dma_start3A_767 = arith.constant 0 : i32
      %dma_start3A_768 = tpu.memref_slice %arg4[%add3A_748, %dma_start3A_767] : memref<16384x2048xf32, #tpu.memory_space<hbm>> -> memref<8x2048xf32, #tpu.memory_space<hbm>>
      %dma_start3A_769 = arith.constant 0 : i32
      %dma_start3A_770 = arith.constant 0 : i32
      %dma_start3A_771 = tpu.memref_slice %arg6[%dma_start3A_760, %dma_start3A_769, %dma_start3A_770] : memref<5x8x2048xf32, #tpu.memory_space<vmem>> -> memref<1x8x2048xf32, #tpu.memory_space<vmem>>
      %dma_start3A_772 = tpu.memref_squeeze %dma_start3A_771 : memref<1x8x2048xf32, #tpu.memory_space<vmem>> -> memref<8x2048xf32, #tpu.memory_space<vmem>>
      tpu.enqueue_dma source(%dma_start3A_772 : memref<8x2048xf32, #tpu.memory_space<vmem>>) target(%dma_start3A_768 : memref<8x2048xf32, #tpu.memory_space<hbm>>) target_semaphore(%arg8 : memref<!tpu.dma_semaphore, #tpu.memory_space<semaphore_mem>>)
      %mul3A_773 = arith.constant 5 : i32
      %mul3A_774 = arith.muli %scan3A_531, %mul3A_773 : i32
      %add3A_775 = arith.constant 2 : i32
      %add3A_776 = arith.addi %mul3A_774, %add3A_775 : i32
      %add3A_777 = arith.constant 2 : i32
      %add3A_778 = arith.addi %add3A_776, %add3A_777 : i32
      %lt3A_779 = arith.constant 64 : i32
      %lt3A_780 = arith.cmpi slt, %add3A_778, %lt3A_779 : i32
      %convert_element_type3A_781 = arith.extui %lt3A_780 : i1 to i32
      %cond3A_782 = arith.constant 0 : i32
      %cond3A_783 = arith.cmpi ne, %convert_element_type3A_781, %cond3A_782 : i32
      scf.if %cond3A_783 {
        %ge3A_1140 = arith.constant 5 : i32
        %ge3A_1141 = arith.cmpi sge, %add3A_778, %ge3A_1140 : i32
        %convert_element_type3A_1142 = arith.extui %ge3A_1141 : i1 to i32
        %cond3A_1143 = arith.constant 0 : i32
        %cond3A_1144 = arith.cmpi ne, %convert_element_type3A_1142, %cond3A_1143 : i32
        scf.if %cond3A_1144 {
          %dma_wait3A_1190 = arith.constant 4 : i32
          %dma_wait3A_1191 = arith.constant 0 : i32
          %dma_wait3A_1192 = arith.constant 0 : i32
          %dma_wait3A_1193 = tpu.memref_slice %arg6[%dma_wait3A_1190, %dma_wait3A_1191, %dma_wait3A_1192] : memref<5x8x2048xf32, #tpu.memory_space<vmem>> -> memref<1x8x2048xf32, #tpu.memory_space<vmem>>
          %dma_wait3A_1194 = tpu.memref_squeeze %dma_wait3A_1193 : memref<1x8x2048xf32, #tpu.memory_space<vmem>> -> memref<8x2048xf32, #tpu.memory_space<vmem>>
          %dma_wait3A_1195 = arith.constant 0 : i32
          %dma_wait3A_1196 = arith.constant 0 : i32
          %dma_wait3A_1197 = tpu.memref_slice %arg4[%dma_wait3A_1195, %dma_wait3A_1196] : memref<16384x2048xf32, #tpu.memory_space<hbm>> -> memref<8x2048xf32, #tpu.memory_space<hbm>>
          %dma_wait3A_1198 = arith.constant 0 : i32
          %dma_wait3A_1199 = arith.constant 0 : i32
          %dma_wait3A_1200 = tpu.memref_slice %arg4[%dma_wait3A_1198, %dma_wait3A_1199] : memref<16384x2048xf32, #tpu.memory_space<hbm>> -> memref<8x2048xf32, #tpu.memory_space<hbm>>
          %dma_wait3A_1201 = arith.constant 0 : i32
          %dma_wait3A_1202 = arith.constant 0 : i32
          %dma_wait3A_1203 = tpu.memref_slice %arg6[%dma_wait3A_1190, %dma_wait3A_1201, %dma_wait3A_1202] : memref<5x8x2048xf32, #tpu.memory_space<vmem>> -> memref<1x8x2048xf32, #tpu.memory_space<vmem>>
          %dma_wait3A_1204 = tpu.memref_squeeze %dma_wait3A_1203 : memref<1x8x2048xf32, #tpu.memory_space<vmem>> -> memref<8x2048xf32, #tpu.memory_space<vmem>>
          tpu.wait_dma2 semaphore(%arg8 : memref<!tpu.dma_semaphore, #tpu.memory_space<semaphore_mem>>) src(%dma_wait3A_1204 : memref<8x2048xf32, #tpu.memory_space<vmem>>) dst(%dma_wait3A_1200 : memref<8x2048xf32, #tpu.memory_space<hbm>>)
        } else {
        }
        %jit3A_1145 = arith.constant 32 : i32
        %eq3A_1146 = arith.constant 0 : i32
        %eq3A_1147 = arith.cmpi eq, %jit3A_1145, %eq3A_1146 : i32
        %jit3A_1148 = arith.constant 1 : i32
        %select_n3A_1149 = arith.select %eq3A_1147, %jit3A_1148, %jit3A_1145 : i32
        %rem3A_1150 = arith.remsi %add3A_778, %select_n3A_1149 : i32
        %ne3A_1151 = arith.constant 0 : i32
        %ne3A_1152 = arith.cmpi ne, %rem3A_1150, %ne3A_1151 : i32
        %lt3A_1153 = arith.constant 0 : i32
        %lt3A_1154 = arith.cmpi slt, %rem3A_1150, %lt3A_1153 : i32
        %lt3A_1155 = arith.constant 0 : i32
        %lt3A_1156 = arith.cmpi slt, %select_n3A_1149, %lt3A_1155 : i32
        %ne3A_1157 = arith.xori %lt3A_1154, %lt3A_1156 : i1
        %and3A_1158 = arith.andi %ne3A_1157, %ne3A_1152 : i1
        %add3A_1159 = arith.addi %rem3A_1150, %select_n3A_1149 : i32
        %select_n3A_1160 = arith.select %and3A_1158, %add3A_1159, %rem3A_1150 : i32
        %mul3A_1161 = arith.constant 8 : i32
        %mul3A_1162 = arith.muli %select_n3A_1160, %mul3A_1161 : i32
        %ge3A_1163 = arith.constant 32 : i32
        %ge3A_1164 = arith.cmpi sge, %add3A_778, %ge3A_1163 : i32
        %select_n3A_1165 = arith.select %ge3A_1164, %squeeze3A_10, %squeeze3A : i32
        %select_n3A_1166 = arith.select %ge3A_1164, %squeeze3A_12, %squeeze3A_8 : i32
        %sub3A_1167 = arith.subi %select_n3A_1165, %mul3A_1162 : i32
        %jit3A_1168 = arith.constant 0 : i32
        %jit3A_1169 = arith.constant 8 : i32
        %max3A_1170 = arith.maxsi %jit3A_1168, %sub3A_1167 : i32
        %min3A_1171 = arith.minsi %jit3A_1169, %max3A_1170 : i32
        %sub3A_1172 = arith.subi %select_n3A_1166, %mul3A_1162 : i32
        %jit3A_1173 = arith.constant 0 : i32
        %jit3A_1174 = arith.constant 8 : i32
        %max3A_1175 = arith.maxsi %jit3A_1173, %sub3A_1172 : i32
        %min3A_1176 = arith.minsi %jit3A_1174, %max3A_1175 : i32
        %eq3A_1177 = arith.constant 0 : i32
        %eq3A_1178 = arith.cmpi eq, %min3A_1171, %eq3A_1177 : i32
        %eq3A_1179 = arith.constant 8 : i32
        %eq3A_1180 = arith.cmpi eq, %min3A_1176, %eq3A_1179 : i32
        %and3A_1181 = arith.andi %eq3A_1178, %eq3A_1180 : i1
        %not3A_1182 = arith.constant true
        %not3A_1183 = arith.xori %and3A_1181, %not3A_1182 : i1
        %mul3A_1184 = arith.constant 8 : i32
        %mul3A_1185 = arith.muli %add3A_778, %mul3A_1184 : i32
        %add3A_1186 = arith.addi %mul3A_2, %mul3A_1185 : i32
        %convert_element_type3A_1187 = arith.extui %not3A_1183 : i1 to i32
        %cond3A_1188 = arith.constant 0 : i32
        %cond3A_1189 = arith.cmpi ne, %convert_element_type3A_1187, %cond3A_1188 : i32
        scf.if %cond3A_1189 {
          %dma_start3A_1190 = arith.constant 4 : i32
          %dma_start3A_1191 = arith.constant 0 : i32
          %dma_start3A_1192 = arith.constant 0 : i32
          %dma_start3A_1193 = tpu.memref_slice %arg6[%dma_start3A_1190, %dma_start3A_1191, %dma_start3A_1192] : memref<5x8x2048xf32, #tpu.memory_space<vmem>> -> memref<1x8x2048xf32, #tpu.memory_space<vmem>>
          %dma_start3A_1194 = tpu.memref_squeeze %dma_start3A_1193 : memref<1x8x2048xf32, #tpu.memory_space<vmem>> -> memref<8x2048xf32, #tpu.memory_space<vmem>>
          %dma_start3A_1195 = arith.constant 0 : i32
          %dma_start3A_1196 = tpu.memref_slice %arg2[%add3A_1186, %dma_start3A_1195] : memref<16384x2048xf32, #tpu.memory_space<hbm>> -> memref<8x2048xf32, #tpu.memory_space<hbm>>
          %dma_start3A_1197 = arith.constant 0 : i32
          %dma_start3A_1198 = arith.constant 0 : i32
          %dma_start3A_1199 = tpu.memref_slice %arg6[%dma_start3A_1190, %dma_start3A_1197, %dma_start3A_1198] : memref<5x8x2048xf32, #tpu.memory_space<vmem>> -> memref<1x8x2048xf32, #tpu.memory_space<vmem>>
          %dma_start3A_1200 = tpu.memref_squeeze %dma_start3A_1199 : memref<1x8x2048xf32, #tpu.memory_space<vmem>> -> memref<8x2048xf32, #tpu.memory_space<vmem>>
          %dma_start3A_1201 = arith.constant 0 : i32
          %dma_start3A_1202 = tpu.memref_slice %arg2[%add3A_1186, %dma_start3A_1201] : memref<16384x2048xf32, #tpu.memory_space<hbm>> -> memref<8x2048xf32, #tpu.memory_space<hbm>>
          tpu.enqueue_dma source(%dma_start3A_1202 : memref<8x2048xf32, #tpu.memory_space<hbm>>) target(%dma_start3A_1200 : memref<8x2048xf32, #tpu.memory_space<vmem>>) target_semaphore(%arg7 : memref<!tpu.dma_semaphore, #tpu.memory_space<semaphore_mem>>)
        } else {
        }
      } else {
      }
      %jit3A_784 = arith.constant 32 : i32
      %eq3A_785 = arith.constant 0 : i32
      %eq3A_786 = arith.cmpi eq, %jit3A_784, %eq3A_785 : i32
      %jit3A_787 = arith.constant 1 : i32
      %select_n3A_788 = arith.select %eq3A_786, %jit3A_787, %jit3A_784 : i32
      %rem3A_789 = arith.remsi %add3A_776, %select_n3A_788 : i32
      %ne3A_790 = arith.constant 0 : i32
      %ne3A_791 = arith.cmpi ne, %rem3A_789, %ne3A_790 : i32
      %lt3A_792 = arith.constant 0 : i32
      %lt3A_793 = arith.cmpi slt, %rem3A_789, %lt3A_792 : i32
      %lt3A_794 = arith.constant 0 : i32
      %lt3A_795 = arith.cmpi slt, %select_n3A_788, %lt3A_794 : i32
      %ne3A_796 = arith.xori %lt3A_793, %lt3A_795 : i1
      %and3A_797 = arith.andi %ne3A_796, %ne3A_791 : i1
      %add3A_798 = arith.addi %rem3A_789, %select_n3A_788 : i32
      %select_n3A_799 = arith.select %and3A_797, %add3A_798, %rem3A_789 : i32
      %mul3A_800 = arith.constant 8 : i32
      %mul3A_801 = arith.muli %select_n3A_799, %mul3A_800 : i32
      %ge3A_802 = arith.constant 32 : i32
      %ge3A_803 = arith.cmpi sge, %add3A_776, %ge3A_802 : i32
      %select_n3A_804 = arith.select %ge3A_803, %squeeze3A_10, %squeeze3A : i32
      %select_n3A_805 = arith.select %ge3A_803, %squeeze3A_12, %squeeze3A_8 : i32
      %sub3A_806 = arith.subi %select_n3A_804, %mul3A_801 : i32
      %jit3A_807 = arith.constant 0 : i32
      %jit3A_808 = arith.constant 8 : i32
      %max3A_809 = arith.maxsi %jit3A_807, %sub3A_806 : i32
      %min3A_810 = arith.minsi %jit3A_808, %max3A_809 : i32
      %sub3A_811 = arith.subi %select_n3A_805, %mul3A_801 : i32
      %jit3A_812 = arith.constant 0 : i32
      %jit3A_813 = arith.constant 8 : i32
      %max3A_814 = arith.maxsi %jit3A_812, %sub3A_811 : i32
      %min3A_815 = arith.minsi %jit3A_813, %max3A_814 : i32
      %eq3A_816 = arith.constant 0 : i32
      %eq3A_817 = arith.cmpi eq, %min3A_810, %eq3A_816 : i32
      %eq3A_818 = arith.constant 8 : i32
      %eq3A_819 = arith.cmpi eq, %min3A_815, %eq3A_818 : i32
      %and3A_820 = arith.andi %eq3A_817, %eq3A_819 : i1
      %not3A_821 = arith.constant true
      %not3A_822 = arith.xori %and3A_820, %not3A_821 : i1
      %mul3A_823 = arith.constant 8 : i32
      %mul3A_824 = arith.muli %add3A_776, %mul3A_823 : i32
      %add3A_825 = arith.addi %mul3A_2, %mul3A_824 : i32
      %convert_element_type3A_826 = arith.extui %not3A_822 : i1 to i32
      %cond3A_827 = arith.constant 0 : i32
      %cond3A_828 = arith.cmpi ne, %convert_element_type3A_826, %cond3A_827 : i32
      scf.if %cond3A_828 {
        %dma_wait3A_1140 = arith.constant 2 : i32
        %dma_wait3A_1141 = arith.constant 0 : i32
        %dma_wait3A_1142 = arith.constant 0 : i32
        %dma_wait3A_1143 = tpu.memref_slice %arg6[%dma_wait3A_1140, %dma_wait3A_1141, %dma_wait3A_1142] : memref<5x8x2048xf32, #tpu.memory_space<vmem>> -> memref<1x8x2048xf32, #tpu.memory_space<vmem>>
        %dma_wait3A_1144 = tpu.memref_squeeze %dma_wait3A_1143 : memref<1x8x2048xf32, #tpu.memory_space<vmem>> -> memref<8x2048xf32, #tpu.memory_space<vmem>>
        %dma_wait3A_1145 = arith.constant 0 : i32
        %dma_wait3A_1146 = arith.constant 0 : i32
        %dma_wait3A_1147 = tpu.memref_slice %arg2[%dma_wait3A_1145, %dma_wait3A_1146] : memref<16384x2048xf32, #tpu.memory_space<hbm>> -> memref<8x2048xf32, #tpu.memory_space<hbm>>
        %dma_wait3A_1148 = arith.constant 0 : i32
        %dma_wait3A_1149 = arith.constant 0 : i32
        %dma_wait3A_1150 = tpu.memref_slice %arg6[%dma_wait3A_1140, %dma_wait3A_1148, %dma_wait3A_1149] : memref<5x8x2048xf32, #tpu.memory_space<vmem>> -> memref<1x8x2048xf32, #tpu.memory_space<vmem>>
        %dma_wait3A_1151 = tpu.memref_squeeze %dma_wait3A_1150 : memref<1x8x2048xf32, #tpu.memory_space<vmem>> -> memref<8x2048xf32, #tpu.memory_space<vmem>>
        %dma_wait3A_1152 = arith.constant 0 : i32
        %dma_wait3A_1153 = arith.constant 0 : i32
        %dma_wait3A_1154 = tpu.memref_slice %arg2[%dma_wait3A_1152, %dma_wait3A_1153] : memref<16384x2048xf32, #tpu.memory_space<hbm>> -> memref<8x2048xf32, #tpu.memory_space<hbm>>
        tpu.wait_dma2 semaphore(%arg7 : memref<!tpu.dma_semaphore, #tpu.memory_space<semaphore_mem>>) src(%dma_wait3A_1154 : memref<8x2048xf32, #tpu.memory_space<hbm>>) dst(%dma_wait3A_1151 : memref<8x2048xf32, #tpu.memory_space<vmem>>)
      } else {
      }
      %jit3A_829 = arith.constant 32 : i32
      %eq3A_830 = arith.constant 0 : i32
      %eq3A_831 = arith.cmpi eq, %jit3A_829, %eq3A_830 : i32
      %jit3A_832 = arith.constant 1 : i32
      %select_n3A_833 = arith.select %eq3A_831, %jit3A_832, %jit3A_829 : i32
      %rem3A_834 = arith.remsi %add3A_776, %select_n3A_833 : i32
      %ne3A_835 = arith.constant 0 : i32
      %ne3A_836 = arith.cmpi ne, %rem3A_834, %ne3A_835 : i32
      %lt3A_837 = arith.constant 0 : i32
      %lt3A_838 = arith.cmpi slt, %rem3A_834, %lt3A_837 : i32
      %lt3A_839 = arith.constant 0 : i32
      %lt3A_840 = arith.cmpi slt, %select_n3A_833, %lt3A_839 : i32
      %ne3A_841 = arith.xori %lt3A_838, %lt3A_840 : i1
      %and3A_842 = arith.andi %ne3A_841, %ne3A_836 : i1
      %add3A_843 = arith.addi %rem3A_834, %select_n3A_833 : i32
      %select_n3A_844 = arith.select %and3A_842, %add3A_843, %rem3A_834 : i32
      %mul3A_845 = arith.constant 8 : i32
      %mul3A_846 = arith.muli %select_n3A_844, %mul3A_845 : i32
      %ge3A_847 = arith.constant 32 : i32
      %ge3A_848 = arith.cmpi sge, %add3A_776, %ge3A_847 : i32
      %select_n3A_849 = arith.select %ge3A_848, %squeeze3A_10, %squeeze3A : i32
      %select_n3A_850 = arith.select %ge3A_848, %squeeze3A_12, %squeeze3A_8 : i32
      %sub3A_851 = arith.subi %select_n3A_849, %mul3A_846 : i32
      %jit3A_852 = arith.constant 0 : i32
      %jit3A_853 = arith.constant 8 : i32
      %max3A_854 = arith.maxsi %jit3A_852, %sub3A_851 : i32
      %min3A_855 = arith.minsi %jit3A_853, %max3A_854 : i32
      %sub3A_856 = arith.subi %select_n3A_850, %mul3A_846 : i32
      %jit3A_857 = arith.constant 0 : i32
      %jit3A_858 = arith.constant 8 : i32
      %max3A_859 = arith.maxsi %jit3A_857, %sub3A_856 : i32
      %min3A_860 = arith.minsi %jit3A_858, %max3A_859 : i32
      %eq3A_861 = arith.constant 0 : i32
      %eq3A_862 = arith.cmpi eq, %min3A_855, %eq3A_861 : i32
      %eq3A_863 = arith.constant 8 : i32
      %eq3A_864 = arith.cmpi eq, %min3A_860, %eq3A_863 : i32
      %and3A_865 = arith.andi %eq3A_862, %eq3A_864 : i1
      %not3A_866 = arith.constant true
      %not3A_867 = arith.xori %and3A_865, %not3A_866 : i1
      %mul3A_868 = arith.constant 8 : i32
      %mul3A_869 = arith.muli %add3A_776, %mul3A_868 : i32
      %add3A_870 = arith.addi %mul3A_2, %mul3A_869 : i32
      %while3A_871 = arith.constant 0 : i32
      %while3A_872 = arith.subi %min3A_860, %min3A_855 : i32
      %while3A_873 = arith.addi %min3A_855, %while3A_872 : i32
      %while3A_874 = arith.constant 1 : i32
      %while3A_875 = arith.divsi %while3A_872, %while3A_874 : i32
      %while3A_876 = arith.muli %while3A_875, %while3A_874 : i32
      %while3A_877 = arith.addi %min3A_855, %while3A_876 : i32
      %while3A_878 = arith.constant 1 : i32
      %while3A_879 = scf.for %while3A_1140 = %min3A_855 to %while3A_877 step %while3A_878 iter_args(%while3A_1141 = %while3A_871) -> (i32)  : i32 {
        %scan3A_1142 = arith.constant 0 : i32
        %scan3A_1143 = arith.constant 0 : i32
        %scan3A_1144 = arith.constant 128 : i32
        %scan3A_1145 = arith.addi %scan3A_1143, %scan3A_1144 : i32
        %scan3A_1146 = arith.constant 8 : i32
        %scan3A_1147 = scf.for %scan3A_1150 = %scan3A_1143 to %scan3A_1145 step %scan3A_1146 iter_args(%scan3A_1151 = %scan3A_1142) -> (i32)  : i32 {
          %broadcast_in_dim3A = arith.constant -8.000000e+01 : f32
          %broadcast_in_dim3A_1152 = vector.broadcast %broadcast_in_dim3A : f32 to vector<16xf32>
          %mul3A_1153 = arith.constant 16 : i32
          %mul3A_1154 = arith.muli %scan3A_1150, %mul3A_1153 : i32
          %swap3A = arith.constant 2 : i32
          %swap3A_1155 = arith.index_cast %swap3A : i32 to index
          %swap3A_1156 = arith.index_cast %while3A_1140 : i32 to index
          %swap3A_1157 = arith.index_cast %mul3A_1154 : i32 to index
          %swap3A_1158 = tpu.vector_load %arg6[%swap3A_1155, %swap3A_1156, %swap3A_1157] {strides = array<i32>} : memref<5x8x2048xf32, #tpu.memory_space<vmem>>, vector<1x1x16xf32>,
          %swap3A_1159 = vector.shape_cast %swap3A_1158 : vector<1x1x16xf32> to vector<16xf32>
          %swap3A_1160 = vector.shape_cast %broadcast_in_dim3A_1152 : vector<16xf32> to vector<1x1x16xf32>
          tpu.vector_store %arg6[%swap3A_1155, %swap3A_1156, %swap3A_1157], %swap3A_1160 {strides = array<i32>} : memref<5x8x2048xf32, #tpu.memory_space<vmem>>, vector<1x1x16xf32>,
          %scan3A_1161 = arith.constant 0 : i32
          %scan3A_1162 = arith.constant 1 : i32
          %scan3A_1163 = arith.addi %scan3A_1150, %scan3A_1162 : i32
          %broadcast_in_dim3A_1164 = arith.constant -8.000000e+01 : f32
          %broadcast_in_dim3A_1165 = vector.broadcast %broadcast_in_dim3A_1164 : f32 to vector<16xf32>
          %mul3A_1166 = arith.constant 16 : i32
          %mul3A_1167 = arith.muli %scan3A_1163, %mul3A_1166 : i32
          %swap3A_1168 = arith.constant 2 : i32
          %swap3A_1169 = arith.index_cast %swap3A_1168 : i32 to index
          %swap3A_1170 = arith.index_cast %while3A_1140 : i32 to index
          %swap3A_1171 = arith.index_cast %mul3A_1167 : i32 to index
          %swap3A_1172 = tpu.vector_load %arg6[%swap3A_1169, %swap3A_1170, %swap3A_1171] {strides = array<i32>} : memref<5x8x2048xf32, #tpu.memory_space<vmem>>, vector<1x1x16xf32>,
          %swap3A_1173 = vector.shape_cast %swap3A_1172 : vector<1x1x16xf32> to vector<16xf32>
          %swap3A_1174 = vector.shape_cast %broadcast_in_dim3A_1165 : vector<16xf32> to vector<1x1x16xf32>
          tpu.vector_store %arg6[%swap3A_1169, %swap3A_1170, %swap3A_1171], %swap3A_1174 {strides = array<i32>} : memref<5x8x2048xf32, #tpu.memory_space<vmem>>, vector<1x1x16xf32>,
          %scan3A_1175 = arith.constant 0 : i32
          %scan3A_1176 = arith.constant 2 : i32
          %scan3A_1177 = arith.addi %scan3A_1150, %scan3A_1176 : i32
          %broadcast_in_dim3A_1178 = arith.constant -8.000000e+01 : f32
          %broadcast_in_dim3A_1179 = vector.broadcast %broadcast_in_dim3A_1178 : f32 to vector<16xf32>
          %mul3A_1180 = arith.constant 16 : i32
          %mul3A_1181 = arith.muli %scan3A_1177, %mul3A_1180 : i32
          %swap3A_1182 = arith.constant 2 : i32
          %swap3A_1183 = arith.index_cast %swap3A_1182 : i32 to index
          %swap3A_1184 = arith.index_cast %while3A_1140 : i32 to index
          %swap3A_1185 = arith.index_cast %mul3A_1181 : i32 to index
          %swap3A_1186 = tpu.vector_load %arg6[%swap3A_1183, %swap3A_1184, %swap3A_1185] {strides = array<i32>} : memref<5x8x2048xf32, #tpu.memory_space<vmem>>, vector<1x1x16xf32>,
          %swap3A_1187 = vector.shape_cast %swap3A_1186 : vector<1x1x16xf32> to vector<16xf32>
          %swap3A_1188 = vector.shape_cast %broadcast_in_dim3A_1179 : vector<16xf32> to vector<1x1x16xf32>
          tpu.vector_store %arg6[%swap3A_1183, %swap3A_1184, %swap3A_1185], %swap3A_1188 {strides = array<i32>} : memref<5x8x2048xf32, #tpu.memory_space<vmem>>, vector<1x1x16xf32>,
          %scan3A_1189 = arith.constant 0 : i32
          %scan3A_1190 = arith.constant 3 : i32
          %scan3A_1191 = arith.addi %scan3A_1150, %scan3A_1190 : i32
          %broadcast_in_dim3A_1192 = arith.constant -8.000000e+01 : f32
          %broadcast_in_dim3A_1193 = vector.broadcast %broadcast_in_dim3A_1192 : f32 to vector<16xf32>
          %mul3A_1194 = arith.constant 16 : i32
          %mul3A_1195 = arith.muli %scan3A_1191, %mul3A_1194 : i32
          %swap3A_1196 = arith.constant 2 : i32
          %swap3A_1197 = arith.index_cast %swap3A_1196 : i32 to index
          %swap3A_1198 = arith.index_cast %while3A_1140 : i32 to index
          %swap3A_1199 = arith.index_cast %mul3A_1195 : i32 to index
          %swap3A_1200 = tpu.vector_load %arg6[%swap3A_1197, %swap3A_1198, %swap3A_1199] {strides = array<i32>} : memref<5x8x2048xf32, #tpu.memory_space<vmem>>, vector<1x1x16xf32>,
          %swap3A_1201 = vector.shape_cast %swap3A_1200 : vector<1x1x16xf32> to vector<16xf32>
          %swap3A_1202 = vector.shape_cast %broadcast_in_dim3A_1193 : vector<16xf32> to vector<1x1x16xf32>
          tpu.vector_store %arg6[%swap3A_1197, %swap3A_1198, %swap3A_1199], %swap3A_1202 {strides = array<i32>} : memref<5x8x2048xf32, #tpu.memory_space<vmem>>, vector<1x1x16xf32>,
          %scan3A_1203 = arith.constant 0 : i32
          %scan3A_1204 = arith.constant 4 : i32
          %scan3A_1205 = arith.addi %scan3A_1150, %scan3A_1204 : i32
          %broadcast_in_dim3A_1206 = arith.constant -8.000000e+01 : f32
          %broadcast_in_dim3A_1207 = vector.broadcast %broadcast_in_dim3A_1206 : f32 to vector<16xf32>
          %mul3A_1208 = arith.constant 16 : i32
          %mul3A_1209 = arith.muli %scan3A_1205, %mul3A_1208 : i32
          %swap3A_1210 = arith.constant 2 : i32
          %swap3A_1211 = arith.index_cast %swap3A_1210 : i32 to index
          %swap3A_1212 = arith.index_cast %while3A_1140 : i32 to index
          %swap3A_1213 = arith.index_cast %mul3A_1209 : i32 to index
          %swap3A_1214 = tpu.vector_load %arg6[%swap3A_1211, %swap3A_1212, %swap3A_1213] {strides = array<i32>} : memref<5x8x2048xf32, #tpu.memory_space<vmem>>, vector<1x1x16xf32>,
          %swap3A_1215 = vector.shape_cast %swap3A_1214 : vector<1x1x16xf32> to vector<16xf32>
          %swap3A_1216 = vector.shape_cast %broadcast_in_dim3A_1207 : vector<16xf32> to vector<1x1x16xf32>
          tpu.vector_store %arg6[%swap3A_1211, %swap3A_1212, %swap3A_1213], %swap3A_1216 {strides = array<i32>} : memref<5x8x2048xf32, #tpu.memory_space<vmem>>, vector<1x1x16xf32>,
          %scan3A_1217 = arith.constant 0 : i32
          %scan3A_1218 = arith.constant 5 : i32
          %scan3A_1219 = arith.addi %scan3A_1150, %scan3A_1218 : i32
          %broadcast_in_dim3A_1220 = arith.constant -8.000000e+01 : f32
          %broadcast_in_dim3A_1221 = vector.broadcast %broadcast_in_dim3A_1220 : f32 to vector<16xf32>
          %mul3A_1222 = arith.constant 16 : i32
          %mul3A_1223 = arith.muli %scan3A_1219, %mul3A_1222 : i32
          %swap3A_1224 = arith.constant 2 : i32
          %swap3A_1225 = arith.index_cast %swap3A_1224 : i32 to index
          %swap3A_1226 = arith.index_cast %while3A_1140 : i32 to index
          %swap3A_1227 = arith.index_cast %mul3A_1223 : i32 to index
          %swap3A_1228 = tpu.vector_load %arg6[%swap3A_1225, %swap3A_1226, %swap3A_1227] {strides = array<i32>} : memref<5x8x2048xf32, #tpu.memory_space<vmem>>, vector<1x1x16xf32>,
          %swap3A_1229 = vector.shape_cast %swap3A_1228 : vector<1x1x16xf32> to vector<16xf32>
          %swap3A_1230 = vector.shape_cast %broadcast_in_dim3A_1221 : vector<16xf32> to vector<1x1x16xf32>
          tpu.vector_store %arg6[%swap3A_1225, %swap3A_1226, %swap3A_1227], %swap3A_1230 {strides = array<i32>} : memref<5x8x2048xf32, #tpu.memory_space<vmem>>, vector<1x1x16xf32>,
          %scan3A_1231 = arith.constant 0 : i32
          %scan3A_1232 = arith.constant 6 : i32
          %scan3A_1233 = arith.addi %scan3A_1150, %scan3A_1232 : i32
          %broadcast_in_dim3A_1234 = arith.constant -8.000000e+01 : f32
          %broadcast_in_dim3A_1235 = vector.broadcast %broadcast_in_dim3A_1234 : f32 to vector<16xf32>
          %mul3A_1236 = arith.constant 16 : i32
          %mul3A_1237 = arith.muli %scan3A_1233, %mul3A_1236 : i32
          %swap3A_1238 = arith.constant 2 : i32
          %swap3A_1239 = arith.index_cast %swap3A_1238 : i32 to index
          %swap3A_1240 = arith.index_cast %while3A_1140 : i32 to index
          %swap3A_1241 = arith.index_cast %mul3A_1237 : i32 to index
          %swap3A_1242 = tpu.vector_load %arg6[%swap3A_1239, %swap3A_1240, %swap3A_1241] {strides = array<i32>} : memref<5x8x2048xf32, #tpu.memory_space<vmem>>, vector<1x1x16xf32>,
          %swap3A_1243 = vector.shape_cast %swap3A_1242 : vector<1x1x16xf32> to vector<16xf32>
          %swap3A_1244 = vector.shape_cast %broadcast_in_dim3A_1235 : vector<16xf32> to vector<1x1x16xf32>
          tpu.vector_store %arg6[%swap3A_1239, %swap3A_1240, %swap3A_1241], %swap3A_1244 {strides = array<i32>} : memref<5x8x2048xf32, #tpu.memory_space<vmem>>, vector<1x1x16xf32>,
          %scan3A_1245 = arith.constant 0 : i32
          %scan3A_1246 = arith.constant 7 : i32
          %scan3A_1247 = arith.addi %scan3A_1150, %scan3A_1246 : i32
          %broadcast_in_dim3A_1248 = arith.constant -8.000000e+01 : f32
          %broadcast_in_dim3A_1249 = vector.broadcast %broadcast_in_dim3A_1248 : f32 to vector<16xf32>
          %mul3A_1250 = arith.constant 16 : i32
          %mul3A_1251 = arith.muli %scan3A_1247, %mul3A_1250 : i32
          %swap3A_1252 = arith.constant 2 : i32
          %swap3A_1253 = arith.index_cast %swap3A_1252 : i32 to index
          %swap3A_1254 = arith.index_cast %while3A_1140 : i32 to index
          %swap3A_1255 = arith.index_cast %mul3A_1251 : i32 to index
          %swap3A_1256 = tpu.vector_load %arg6[%swap3A_1253, %swap3A_1254, %swap3A_1255] {strides = array<i32>} : memref<5x8x2048xf32, #tpu.memory_space<vmem>>, vector<1x1x16xf32>,
          %swap3A_1257 = vector.shape_cast %swap3A_1256 : vector<1x1x16xf32> to vector<16xf32>
          %swap3A_1258 = vector.shape_cast %broadcast_in_dim3A_1249 : vector<16xf32> to vector<1x1x16xf32>
          tpu.vector_store %arg6[%swap3A_1253, %swap3A_1254, %swap3A_1255], %swap3A_1258 {strides = array<i32>} : memref<5x8x2048xf32, #tpu.memory_space<vmem>>, vector<1x1x16xf32>,
          %scan3A_1259 = arith.constant 0 : i32
          scf.yield %scan3A_1259 : i32
        }
        %scan3A_1148 = arith.constant 128 : i32
        %while3A_1149 = arith.constant 0 : i32
        scf.yield %while3A_1149 : i32
      }
      %while3A_880 = arith.constant 1 : i32
      %while3A_881 = scf.for %while3A_1140 = %while3A_877 to %while3A_873 step %while3A_880 iter_args(%while3A_1141 = %while3A_879) -> (i32)  : i32 {
        %scan3A_1142 = arith.constant 0 : i32
        %scan3A_1143 = arith.constant 0 : i32
        %scan3A_1144 = arith.constant 128 : i32
        %scan3A_1145 = arith.addi %scan3A_1143, %scan3A_1144 : i32
        %scan3A_1146 = arith.constant 8 : i32
        %scan3A_1147 = scf.for %scan3A_1150 = %scan3A_1143 to %scan3A_1145 step %scan3A_1146 iter_args(%scan3A_1151 = %scan3A_1142) -> (i32)  : i32 {
          %broadcast_in_dim3A = arith.constant -8.000000e+01 : f32
          %broadcast_in_dim3A_1152 = vector.broadcast %broadcast_in_dim3A : f32 to vector<16xf32>
          %mul3A_1153 = arith.constant 16 : i32
          %mul3A_1154 = arith.muli %scan3A_1150, %mul3A_1153 : i32
          %swap3A = arith.constant 2 : i32
          %swap3A_1155 = arith.index_cast %swap3A : i32 to index
          %swap3A_1156 = arith.index_cast %while3A_1140 : i32 to index
          %swap3A_1157 = arith.index_cast %mul3A_1154 : i32 to index
          %swap3A_1158 = tpu.vector_load %arg6[%swap3A_1155, %swap3A_1156, %swap3A_1157] {strides = array<i32>} : memref<5x8x2048xf32, #tpu.memory_space<vmem>>, vector<1x1x16xf32>,
          %swap3A_1159 = vector.shape_cast %swap3A_1158 : vector<1x1x16xf32> to vector<16xf32>
          %swap3A_1160 = vector.shape_cast %broadcast_in_dim3A_1152 : vector<16xf32> to vector<1x1x16xf32>
          tpu.vector_store %arg6[%swap3A_1155, %swap3A_1156, %swap3A_1157], %swap3A_1160 {strides = array<i32>} : memref<5x8x2048xf32, #tpu.memory_space<vmem>>, vector<1x1x16xf32>,
          %scan3A_1161 = arith.constant 0 : i32
          %scan3A_1162 = arith.constant 1 : i32
          %scan3A_1163 = arith.addi %scan3A_1150, %scan3A_1162 : i32
          %broadcast_in_dim3A_1164 = arith.constant -8.000000e+01 : f32
          %broadcast_in_dim3A_1165 = vector.broadcast %broadcast_in_dim3A_1164 : f32 to vector<16xf32>
          %mul3A_1166 = arith.constant 16 : i32
          %mul3A_1167 = arith.muli %scan3A_1163, %mul3A_1166 : i32
          %swap3A_1168 = arith.constant 2 : i32
          %swap3A_1169 = arith.index_cast %swap3A_1168 : i32 to index
          %swap3A_1170 = arith.index_cast %while3A_1140 : i32 to index
          %swap3A_1171 = arith.index_cast %mul3A_1167 : i32 to index
          %swap3A_1172 = tpu.vector_load %arg6[%swap3A_1169, %swap3A_1170, %swap3A_1171] {strides = array<i32>} : memref<5x8x2048xf32, #tpu.memory_space<vmem>>, vector<1x1x16xf32>,
          %swap3A_1173 = vector.shape_cast %swap3A_1172 : vector<1x1x16xf32> to vector<16xf32>
          %swap3A_1174 = vector.shape_cast %broadcast_in_dim3A_1165 : vector<16xf32> to vector<1x1x16xf32>
          tpu.vector_store %arg6[%swap3A_1169, %swap3A_1170, %swap3A_1171], %swap3A_1174 {strides = array<i32>} : memref<5x8x2048xf32, #tpu.memory_space<vmem>>, vector<1x1x16xf32>,
          %scan3A_1175 = arith.constant 0 : i32
          %scan3A_1176 = arith.constant 2 : i32
          %scan3A_1177 = arith.addi %scan3A_1150, %scan3A_1176 : i32
          %broadcast_in_dim3A_1178 = arith.constant -8.000000e+01 : f32
          %broadcast_in_dim3A_1179 = vector.broadcast %broadcast_in_dim3A_1178 : f32 to vector<16xf32>
          %mul3A_1180 = arith.constant 16 : i32
          %mul3A_1181 = arith.muli %scan3A_1177, %mul3A_1180 : i32
          %swap3A_1182 = arith.constant 2 : i32
          %swap3A_1183 = arith.index_cast %swap3A_1182 : i32 to index
          %swap3A_1184 = arith.index_cast %while3A_1140 : i32 to index
          %swap3A_1185 = arith.index_cast %mul3A_1181 : i32 to index
          %swap3A_1186 = tpu.vector_load %arg6[%swap3A_1183, %swap3A_1184, %swap3A_1185] {strides = array<i32>} : memref<5x8x2048xf32, #tpu.memory_space<vmem>>, vector<1x1x16xf32>,
          %swap3A_1187 = vector.shape_cast %swap3A_1186 : vector<1x1x16xf32> to vector<16xf32>
          %swap3A_1188 = vector.shape_cast %broadcast_in_dim3A_1179 : vector<16xf32> to vector<1x1x16xf32>
          tpu.vector_store %arg6[%swap3A_1183, %swap3A_1184, %swap3A_1185], %swap3A_1188 {strides = array<i32>} : memref<5x8x2048xf32, #tpu.memory_space<vmem>>, vector<1x1x16xf32>,
          %scan3A_1189 = arith.constant 0 : i32
          %scan3A_1190 = arith.constant 3 : i32
          %scan3A_1191 = arith.addi %scan3A_1150, %scan3A_1190 : i32
          %broadcast_in_dim3A_1192 = arith.constant -8.000000e+01 : f32
          %broadcast_in_dim3A_1193 = vector.broadcast %broadcast_in_dim3A_1192 : f32 to vector<16xf32>
          %mul3A_1194 = arith.constant 16 : i32
          %mul3A_1195 = arith.muli %scan3A_1191, %mul3A_1194 : i32
          %swap3A_1196 = arith.constant 2 : i32
          %swap3A_1197 = arith.index_cast %swap3A_1196 : i32 to index
          %swap3A_1198 = arith.index_cast %while3A_1140 : i32 to index
          %swap3A_1199 = arith.index_cast %mul3A_1195 : i32 to index
          %swap3A_1200 = tpu.vector_load %arg6[%swap3A_1197, %swap3A_1198, %swap3A_1199] {strides = array<i32>} : memref<5x8x2048xf32, #tpu.memory_space<vmem>>, vector<1x1x16xf32>,
          %swap3A_1201 = vector.shape_cast %swap3A_1200 : vector<1x1x16xf32> to vector<16xf32>
          %swap3A_1202 = vector.shape_cast %broadcast_in_dim3A_1193 : vector<16xf32> to vector<1x1x16xf32>
          tpu.vector_store %arg6[%swap3A_1197, %swap3A_1198, %swap3A_1199], %swap3A_1202 {strides = array<i32>} : memref<5x8x2048xf32, #tpu.memory_space<vmem>>, vector<1x1x16xf32>,
          %scan3A_1203 = arith.constant 0 : i32
          %scan3A_1204 = arith.constant 4 : i32
          %scan3A_1205 = arith.addi %scan3A_1150, %scan3A_1204 : i32
          %broadcast_in_dim3A_1206 = arith.constant -8.000000e+01 : f32
          %broadcast_in_dim3A_1207 = vector.broadcast %broadcast_in_dim3A_1206 : f32 to vector<16xf32>
          %mul3A_1208 = arith.constant 16 : i32
          %mul3A_1209 = arith.muli %scan3A_1205, %mul3A_1208 : i32
          %swap3A_1210 = arith.constant 2 : i32
          %swap3A_1211 = arith.index_cast %swap3A_1210 : i32 to index
          %swap3A_1212 = arith.index_cast %while3A_1140 : i32 to index
          %swap3A_1213 = arith.index_cast %mul3A_1209 : i32 to index
          %swap3A_1214 = tpu.vector_load %arg6[%swap3A_1211, %swap3A_1212, %swap3A_1213] {strides = array<i32>} : memref<5x8x2048xf32, #tpu.memory_space<vmem>>, vector<1x1x16xf32>,
          %swap3A_1215 = vector.shape_cast %swap3A_1214 : vector<1x1x16xf32> to vector<16xf32>
          %swap3A_1216 = vector.shape_cast %broadcast_in_dim3A_1207 : vector<16xf32> to vector<1x1x16xf32>
          tpu.vector_store %arg6[%swap3A_1211, %swap3A_1212, %swap3A_1213], %swap3A_1216 {strides = array<i32>} : memref<5x8x2048xf32, #tpu.memory_space<vmem>>, vector<1x1x16xf32>,
          %scan3A_1217 = arith.constant 0 : i32
          %scan3A_1218 = arith.constant 5 : i32
          %scan3A_1219 = arith.addi %scan3A_1150, %scan3A_1218 : i32
          %broadcast_in_dim3A_1220 = arith.constant -8.000000e+01 : f32
          %broadcast_in_dim3A_1221 = vector.broadcast %broadcast_in_dim3A_1220 : f32 to vector<16xf32>
          %mul3A_1222 = arith.constant 16 : i32
          %mul3A_1223 = arith.muli %scan3A_1219, %mul3A_1222 : i32
          %swap3A_1224 = arith.constant 2 : i32
          %swap3A_1225 = arith.index_cast %swap3A_1224 : i32 to index
          %swap3A_1226 = arith.index_cast %while3A_1140 : i32 to index
          %swap3A_1227 = arith.index_cast %mul3A_1223 : i32 to index
          %swap3A_1228 = tpu.vector_load %arg6[%swap3A_1225, %swap3A_1226, %swap3A_1227] {strides = array<i32>} : memref<5x8x2048xf32, #tpu.memory_space<vmem>>, vector<1x1x16xf32>,
          %swap3A_1229 = vector.shape_cast %swap3A_1228 : vector<1x1x16xf32> to vector<16xf32>
          %swap3A_1230 = vector.shape_cast %broadcast_in_dim3A_1221 : vector<16xf32> to vector<1x1x16xf32>
          tpu.vector_store %arg6[%swap3A_1225, %swap3A_1226, %swap3A_1227], %swap3A_1230 {strides = array<i32>} : memref<5x8x2048xf32, #tpu.memory_space<vmem>>, vector<1x1x16xf32>,
          %scan3A_1231 = arith.constant 0 : i32
          %scan3A_1232 = arith.constant 6 : i32
          %scan3A_1233 = arith.addi %scan3A_1150, %scan3A_1232 : i32
          %broadcast_in_dim3A_1234 = arith.constant -8.000000e+01 : f32
          %broadcast_in_dim3A_1235 = vector.broadcast %broadcast_in_dim3A_1234 : f32 to vector<16xf32>
          %mul3A_1236 = arith.constant 16 : i32
          %mul3A_1237 = arith.muli %scan3A_1233, %mul3A_1236 : i32
          %swap3A_1238 = arith.constant 2 : i32
          %swap3A_1239 = arith.index_cast %swap3A_1238 : i32 to index
          %swap3A_1240 = arith.index_cast %while3A_1140 : i32 to index
          %swap3A_1241 = arith.index_cast %mul3A_1237 : i32 to index
          %swap3A_1242 = tpu.vector_load %arg6[%swap3A_1239, %swap3A_1240, %swap3A_1241] {strides = array<i32>} : memref<5x8x2048xf32, #tpu.memory_space<vmem>>, vector<1x1x16xf32>,
          %swap3A_1243 = vector.shape_cast %swap3A_1242 : vector<1x1x16xf32> to vector<16xf32>
          %swap3A_1244 = vector.shape_cast %broadcast_in_dim3A_1235 : vector<16xf32> to vector<1x1x16xf32>
          tpu.vector_store %arg6[%swap3A_1239, %swap3A_1240, %swap3A_1241], %swap3A_1244 {strides = array<i32>} : memref<5x8x2048xf32, #tpu.memory_space<vmem>>, vector<1x1x16xf32>,
          %scan3A_1245 = arith.constant 0 : i32
          %scan3A_1246 = arith.constant 7 : i32
          %scan3A_1247 = arith.addi %scan3A_1150, %scan3A_1246 : i32
          %broadcast_in_dim3A_1248 = arith.constant -8.000000e+01 : f32
          %broadcast_in_dim3A_1249 = vector.broadcast %broadcast_in_dim3A_1248 : f32 to vector<16xf32>
          %mul3A_1250 = arith.constant 16 : i32
          %mul3A_1251 = arith.muli %scan3A_1247, %mul3A_1250 : i32
          %swap3A_1252 = arith.constant 2 : i32
          %swap3A_1253 = arith.index_cast %swap3A_1252 : i32 to index
          %swap3A_1254 = arith.index_cast %while3A_1140 : i32 to index
          %swap3A_1255 = arith.index_cast %mul3A_1251 : i32 to index
          %swap3A_1256 = tpu.vector_load %arg6[%swap3A_1253, %swap3A_1254, %swap3A_1255] {strides = array<i32>} : memref<5x8x2048xf32, #tpu.memory_space<vmem>>, vector<1x1x16xf32>,
          %swap3A_1257 = vector.shape_cast %swap3A_1256 : vector<1x1x16xf32> to vector<16xf32>
          %swap3A_1258 = vector.shape_cast %broadcast_in_dim3A_1249 : vector<16xf32> to vector<1x1x16xf32>
          tpu.vector_store %arg6[%swap3A_1253, %swap3A_1254, %swap3A_1255], %swap3A_1258 {strides = array<i32>} : memref<5x8x2048xf32, #tpu.memory_space<vmem>>, vector<1x1x16xf32>,
          %scan3A_1259 = arith.constant 0 : i32
          scf.yield %scan3A_1259 : i32
        }
        %scan3A_1148 = arith.constant 128 : i32
        %while3A_1149 = arith.constant 0 : i32
        scf.yield %while3A_1149 : i32
      }
      %dma_start3A_882 = arith.constant 2 : i32
      %dma_start3A_883 = arith.constant 0 : i32
      %dma_start3A_884 = arith.constant 0 : i32
      %dma_start3A_885 = tpu.memref_slice %arg6[%dma_start3A_882, %dma_start3A_883, %dma_start3A_884] : memref<5x8x2048xf32, #tpu.memory_space<vmem>> -> memref<1x8x2048xf32, #tpu.memory_space<vmem>>
      %dma_start3A_886 = tpu.memref_squeeze %dma_start3A_885 : memref<1x8x2048xf32, #tpu.memory_space<vmem>> -> memref<8x2048xf32, #tpu.memory_space<vmem>>
      %dma_start3A_887 = arith.constant 0 : i32
      %dma_start3A_888 = tpu.memref_slice %arg4[%add3A_870, %dma_start3A_887] : memref<16384x2048xf32, #tpu.memory_space<hbm>> -> memref<8x2048xf32, #tpu.memory_space<hbm>>
      %dma_start3A_889 = arith.constant 0 : i32
      %dma_start3A_890 = tpu.memref_slice %arg4[%add3A_870, %dma_start3A_889] : memref<16384x2048xf32, #tpu.memory_space<hbm>> -> memref<8x2048xf32, #tpu.memory_space<hbm>>
      %dma_start3A_891 = arith.constant 0 : i32
      %dma_start3A_892 = arith.constant 0 : i32
      %dma_start3A_893 = tpu.memref_slice %arg6[%dma_start3A_882, %dma_start3A_891, %dma_start3A_892] : memref<5x8x2048xf32, #tpu.memory_space<vmem>> -> memref<1x8x2048xf32, #tpu.memory_space<vmem>>
      %dma_start3A_894 = tpu.memref_squeeze %dma_start3A_893 : memref<1x8x2048xf32, #tpu.memory_space<vmem>> -> memref<8x2048xf32, #tpu.memory_space<vmem>>
      tpu.enqueue_dma source(%dma_start3A_894 : memref<8x2048xf32, #tpu.memory_space<vmem>>) target(%dma_start3A_890 : memref<8x2048xf32, #tpu.memory_space<hbm>>) target_semaphore(%arg8 : memref<!tpu.dma_semaphore, #tpu.memory_space<semaphore_mem>>)
      %mul3A_895 = arith.constant 5 : i32
      %mul3A_896 = arith.muli %scan3A_531, %mul3A_895 : i32
      %add3A_897 = arith.constant 3 : i32
      %add3A_898 = arith.addi %mul3A_896, %add3A_897 : i32
      %add3A_899 = arith.constant 2 : i32
      %add3A_900 = arith.addi %add3A_898, %add3A_899 : i32
      %lt3A_901 = arith.constant 64 : i32
      %lt3A_902 = arith.cmpi slt, %add3A_900, %lt3A_901 : i32
      %convert_element_type3A_903 = arith.extui %lt3A_902 : i1 to i32
      %cond3A_904 = arith.constant 0 : i32
      %cond3A_905 = arith.cmpi ne, %convert_element_type3A_903, %cond3A_904 : i32
      scf.if %cond3A_905 {
        %ge3A_1140 = arith.constant 5 : i32
        %ge3A_1141 = arith.cmpi sge, %add3A_900, %ge3A_1140 : i32
        %convert_element_type3A_1142 = arith.extui %ge3A_1141 : i1 to i32
        %cond3A_1143 = arith.constant 0 : i32
        %cond3A_1144 = arith.cmpi ne, %convert_element_type3A_1142, %cond3A_1143 : i32
        scf.if %cond3A_1144 {
          %dma_wait3A_1190 = arith.constant 0 : i32
          %dma_wait3A_1191 = arith.constant 0 : i32
          %dma_wait3A_1192 = arith.constant 0 : i32
          %dma_wait3A_1193 = tpu.memref_slice %arg6[%dma_wait3A_1190, %dma_wait3A_1191, %dma_wait3A_1192] : memref<5x8x2048xf32, #tpu.memory_space<vmem>> -> memref<1x8x2048xf32, #tpu.memory_space<vmem>>
          %dma_wait3A_1194 = tpu.memref_squeeze %dma_wait3A_1193 : memref<1x8x2048xf32, #tpu.memory_space<vmem>> -> memref<8x2048xf32, #tpu.memory_space<vmem>>
          %dma_wait3A_1195 = arith.constant 0 : i32
          %dma_wait3A_1196 = arith.constant 0 : i32
          %dma_wait3A_1197 = tpu.memref_slice %arg4[%dma_wait3A_1195, %dma_wait3A_1196] : memref<16384x2048xf32, #tpu.memory_space<hbm>> -> memref<8x2048xf32, #tpu.memory_space<hbm>>
          %dma_wait3A_1198 = arith.constant 0 : i32
          %dma_wait3A_1199 = arith.constant 0 : i32
          %dma_wait3A_1200 = tpu.memref_slice %arg4[%dma_wait3A_1198, %dma_wait3A_1199] : memref<16384x2048xf32, #tpu.memory_space<hbm>> -> memref<8x2048xf32, #tpu.memory_space<hbm>>
          %dma_wait3A_1201 = arith.constant 0 : i32
          %dma_wait3A_1202 = arith.constant 0 : i32
          %dma_wait3A_1203 = tpu.memref_slice %arg6[%dma_wait3A_1190, %dma_wait3A_1201, %dma_wait3A_1202] : memref<5x8x2048xf32, #tpu.memory_space<vmem>> -> memref<1x8x2048xf32, #tpu.memory_space<vmem>>
          %dma_wait3A_1204 = tpu.memref_squeeze %dma_wait3A_1203 : memref<1x8x2048xf32, #tpu.memory_space<vmem>> -> memref<8x2048xf32, #tpu.memory_space<vmem>>
          tpu.wait_dma2 semaphore(%arg8 : memref<!tpu.dma_semaphore, #tpu.memory_space<semaphore_mem>>) src(%dma_wait3A_1204 : memref<8x2048xf32, #tpu.memory_space<vmem>>) dst(%dma_wait3A_1200 : memref<8x2048xf32, #tpu.memory_space<hbm>>)
        } else {
        }
        %jit3A_1145 = arith.constant 32 : i32
        %eq3A_1146 = arith.constant 0 : i32
        %eq3A_1147 = arith.cmpi eq, %jit3A_1145, %eq3A_1146 : i32
        %jit3A_1148 = arith.constant 1 : i32
        %select_n3A_1149 = arith.select %eq3A_1147, %jit3A_1148, %jit3A_1145 : i32
        %rem3A_1150 = arith.remsi %add3A_900, %select_n3A_1149 : i32
        %ne3A_1151 = arith.constant 0 : i32
        %ne3A_1152 = arith.cmpi ne, %rem3A_1150, %ne3A_1151 : i32
        %lt3A_1153 = arith.constant 0 : i32
        %lt3A_1154 = arith.cmpi slt, %rem3A_1150, %lt3A_1153 : i32
        %lt3A_1155 = arith.constant 0 : i32
        %lt3A_1156 = arith.cmpi slt, %select_n3A_1149, %lt3A_1155 : i32
        %ne3A_1157 = arith.xori %lt3A_1154, %lt3A_1156 : i1
        %and3A_1158 = arith.andi %ne3A_1157, %ne3A_1152 : i1
        %add3A_1159 = arith.addi %rem3A_1150, %select_n3A_1149 : i32
        %select_n3A_1160 = arith.select %and3A_1158, %add3A_1159, %rem3A_1150 : i32
        %mul3A_1161 = arith.constant 8 : i32
        %mul3A_1162 = arith.muli %select_n3A_1160, %mul3A_1161 : i32
        %ge3A_1163 = arith.constant 32 : i32
        %ge3A_1164 = arith.cmpi sge, %add3A_900, %ge3A_1163 : i32
        %select_n3A_1165 = arith.select %ge3A_1164, %squeeze3A_10, %squeeze3A : i32
        %select_n3A_1166 = arith.select %ge3A_1164, %squeeze3A_12, %squeeze3A_8 : i32
        %sub3A_1167 = arith.subi %select_n3A_1165, %mul3A_1162 : i32
        %jit3A_1168 = arith.constant 0 : i32
        %jit3A_1169 = arith.constant 8 : i32
        %max3A_1170 = arith.maxsi %jit3A_1168, %sub3A_1167 : i32
        %min3A_1171 = arith.minsi %jit3A_1169, %max3A_1170 : i32
        %sub3A_1172 = arith.subi %select_n3A_1166, %mul3A_1162 : i32
        %jit3A_1173 = arith.constant 0 : i32
        %jit3A_1174 = arith.constant 8 : i32
        %max3A_1175 = arith.maxsi %jit3A_1173, %sub3A_1172 : i32
        %min3A_1176 = arith.minsi %jit3A_1174, %max3A_1175 : i32
        %eq3A_1177 = arith.constant 0 : i32
        %eq3A_1178 = arith.cmpi eq, %min3A_1171, %eq3A_1177 : i32
        %eq3A_1179 = arith.constant 8 : i32
        %eq3A_1180 = arith.cmpi eq, %min3A_1176, %eq3A_1179 : i32
        %and3A_1181 = arith.andi %eq3A_1178, %eq3A_1180 : i1
        %not3A_1182 = arith.constant true
        %not3A_1183 = arith.xori %and3A_1181, %not3A_1182 : i1
        %mul3A_1184 = arith.constant 8 : i32
        %mul3A_1185 = arith.muli %add3A_900, %mul3A_1184 : i32
        %add3A_1186 = arith.addi %mul3A_2, %mul3A_1185 : i32
        %convert_element_type3A_1187 = arith.extui %not3A_1183 : i1 to i32
        %cond3A_1188 = arith.constant 0 : i32
        %cond3A_1189 = arith.cmpi ne, %convert_element_type3A_1187, %cond3A_1188 : i32
        scf.if %cond3A_1189 {
          %dma_start3A_1190 = arith.constant 0 : i32
          %dma_start3A_1191 = arith.constant 0 : i32
          %dma_start3A_1192 = arith.constant 0 : i32
          %dma_start3A_1193 = tpu.memref_slice %arg6[%dma_start3A_1190, %dma_start3A_1191, %dma_start3A_1192] : memref<5x8x2048xf32, #tpu.memory_space<vmem>> -> memref<1x8x2048xf32, #tpu.memory_space<vmem>>
          %dma_start3A_1194 = tpu.memref_squeeze %dma_start3A_1193 : memref<1x8x2048xf32, #tpu.memory_space<vmem>> -> memref<8x2048xf32, #tpu.memory_space<vmem>>
          %dma_start3A_1195 = arith.constant 0 : i32
          %dma_start3A_1196 = tpu.memref_slice %arg2[%add3A_1186, %dma_start3A_1195] : memref<16384x2048xf32, #tpu.memory_space<hbm>> -> memref<8x2048xf32, #tpu.memory_space<hbm>>
          %dma_start3A_1197 = arith.constant 0 : i32
          %dma_start3A_1198 = arith.constant 0 : i32
          %dma_start3A_1199 = tpu.memref_slice %arg6[%dma_start3A_1190, %dma_start3A_1197, %dma_start3A_1198] : memref<5x8x2048xf32, #tpu.memory_space<vmem>> -> memref<1x8x2048xf32, #tpu.memory_space<vmem>>
          %dma_start3A_1200 = tpu.memref_squeeze %dma_start3A_1199 : memref<1x8x2048xf32, #tpu.memory_space<vmem>> -> memref<8x2048xf32, #tpu.memory_space<vmem>>
          %dma_start3A_1201 = arith.constant 0 : i32
          %dma_start3A_1202 = tpu.memref_slice %arg2[%add3A_1186, %dma_start3A_1201] : memref<16384x2048xf32, #tpu.memory_space<hbm>> -> memref<8x2048xf32, #tpu.memory_space<hbm>>
          tpu.enqueue_dma source(%dma_start3A_1202 : memref<8x2048xf32, #tpu.memory_space<hbm>>) target(%dma_start3A_1200 : memref<8x2048xf32, #tpu.memory_space<vmem>>) target_semaphore(%arg7 : memref<!tpu.dma_semaphore, #tpu.memory_space<semaphore_mem>>)
        } else {
        }
      } else {
      }
      %jit3A_906 = arith.constant 32 : i32
      %eq3A_907 = arith.constant 0 : i32
      %eq3A_908 = arith.cmpi eq, %jit3A_906, %eq3A_907 : i32
      %jit3A_909 = arith.constant 1 : i32
      %select_n3A_910 = arith.select %eq3A_908, %jit3A_909, %jit3A_906 : i32
      %rem3A_911 = arith.remsi %add3A_898, %select_n3A_910 : i32
      %ne3A_912 = arith.constant 0 : i32
      %ne3A_913 = arith.cmpi ne, %rem3A_911, %ne3A_912 : i32
      %lt3A_914 = arith.constant 0 : i32
      %lt3A_915 = arith.cmpi slt, %rem3A_911, %lt3A_914 : i32
      %lt3A_916 = arith.constant 0 : i32
      %lt3A_917 = arith.cmpi slt, %select_n3A_910, %lt3A_916 : i32
      %ne3A_918 = arith.xori %lt3A_915, %lt3A_917 : i1
      %and3A_919 = arith.andi %ne3A_918, %ne3A_913 : i1
      %add3A_920 = arith.addi %rem3A_911, %select_n3A_910 : i32
      %select_n3A_921 = arith.select %and3A_919, %add3A_920, %rem3A_911 : i32
      %mul3A_922 = arith.constant 8 : i32
      %mul3A_923 = arith.muli %select_n3A_921, %mul3A_922 : i32
      %ge3A_924 = arith.constant 32 : i32
      %ge3A_925 = arith.cmpi sge, %add3A_898, %ge3A_924 : i32
      %select_n3A_926 = arith.select %ge3A_925, %squeeze3A_10, %squeeze3A : i32
      %select_n3A_927 = arith.select %ge3A_925, %squeeze3A_12, %squeeze3A_8 : i32
      %sub3A_928 = arith.subi %select_n3A_926, %mul3A_923 : i32
      %jit3A_929 = arith.constant 0 : i32
      %jit3A_930 = arith.constant 8 : i32
      %max3A_931 = arith.maxsi %jit3A_929, %sub3A_928 : i32
      %min3A_932 = arith.minsi %jit3A_930, %max3A_931 : i32
      %sub3A_933 = arith.subi %select_n3A_927, %mul3A_923 : i32
      %jit3A_934 = arith.constant 0 : i32
      %jit3A_935 = arith.constant 8 : i32
      %max3A_936 = arith.maxsi %jit3A_934, %sub3A_933 : i32
      %min3A_937 = arith.minsi %jit3A_935, %max3A_936 : i32
      %eq3A_938 = arith.constant 0 : i32
      %eq3A_939 = arith.cmpi eq, %min3A_932, %eq3A_938 : i32
      %eq3A_940 = arith.constant 8 : i32
      %eq3A_941 = arith.cmpi eq, %min3A_937, %eq3A_940 : i32
      %and3A_942 = arith.andi %eq3A_939, %eq3A_941 : i1
      %not3A_943 = arith.constant true
      %not3A_944 = arith.xori %and3A_942, %not3A_943 : i1
      %mul3A_945 = arith.constant 8 : i32
      %mul3A_946 = arith.muli %add3A_898, %mul3A_945 : i32
      %add3A_947 = arith.addi %mul3A_2, %mul3A_946 : i32
      %convert_element_type3A_948 = arith.extui %not3A_944 : i1 to i32
      %cond3A_949 = arith.constant 0 : i32
      %cond3A_950 = arith.cmpi ne, %convert_element_type3A_948, %cond3A_949 : i32
      scf.if %cond3A_950 {
        %dma_wait3A_1140 = arith.constant 3 : i32
        %dma_wait3A_1141 = arith.constant 0 : i32
        %dma_wait3A_1142 = arith.constant 0 : i32
        %dma_wait3A_1143 = tpu.memref_slice %arg6[%dma_wait3A_1140, %dma_wait3A_1141, %dma_wait3A_1142] : memref<5x8x2048xf32, #tpu.memory_space<vmem>> -> memref<1x8x2048xf32, #tpu.memory_space<vmem>>
        %dma_wait3A_1144 = tpu.memref_squeeze %dma_wait3A_1143 : memref<1x8x2048xf32, #tpu.memory_space<vmem>> -> memref<8x2048xf32, #tpu.memory_space<vmem>>
        %dma_wait3A_1145 = arith.constant 0 : i32
        %dma_wait3A_1146 = arith.constant 0 : i32
        %dma_wait3A_1147 = tpu.memref_slice %arg2[%dma_wait3A_1145, %dma_wait3A_1146] : memref<16384x2048xf32, #tpu.memory_space<hbm>> -> memref<8x2048xf32, #tpu.memory_space<hbm>>
        %dma_wait3A_1148 = arith.constant 0 : i32
        %dma_wait3A_1149 = arith.constant 0 : i32
        %dma_wait3A_1150 = tpu.memref_slice %arg6[%dma_wait3A_1140, %dma_wait3A_1148, %dma_wait3A_1149] : memref<5x8x2048xf32, #tpu.memory_space<vmem>> -> memref<1x8x2048xf32, #tpu.memory_space<vmem>>
        %dma_wait3A_1151 = tpu.memref_squeeze %dma_wait3A_1150 : memref<1x8x2048xf32, #tpu.memory_space<vmem>> -> memref<8x2048xf32, #tpu.memory_space<vmem>>
        %dma_wait3A_1152 = arith.constant 0 : i32
        %dma_wait3A_1153 = arith.constant 0 : i32
        %dma_wait3A_1154 = tpu.memref_slice %arg2[%dma_wait3A_1152, %dma_wait3A_1153] : memref<16384x2048xf32, #tpu.memory_space<hbm>> -> memref<8x2048xf32, #tpu.memory_space<hbm>>
        tpu.wait_dma2 semaphore(%arg7 : memref<!tpu.dma_semaphore, #tpu.memory_space<semaphore_mem>>) src(%dma_wait3A_1154 : memref<8x2048xf32, #tpu.memory_space<hbm>>) dst(%dma_wait3A_1151 : memref<8x2048xf32, #tpu.memory_space<vmem>>)
      } else {
      }
      %jit3A_951 = arith.constant 32 : i32
      %eq3A_952 = arith.constant 0 : i32
      %eq3A_953 = arith.cmpi eq, %jit3A_951, %eq3A_952 : i32
      %jit3A_954 = arith.constant 1 : i32
      %select_n3A_955 = arith.select %eq3A_953, %jit3A_954, %jit3A_951 : i32
      %rem3A_956 = arith.remsi %add3A_898, %select_n3A_955 : i32
      %ne3A_957 = arith.constant 0 : i32
      %ne3A_958 = arith.cmpi ne, %rem3A_956, %ne3A_957 : i32
      %lt3A_959 = arith.constant 0 : i32
      %lt3A_960 = arith.cmpi slt, %rem3A_956, %lt3A_959 : i32
      %lt3A_961 = arith.constant 0 : i32
      %lt3A_962 = arith.cmpi slt, %select_n3A_955, %lt3A_961 : i32
      %ne3A_963 = arith.xori %lt3A_960, %lt3A_962 : i1
      %and3A_964 = arith.andi %ne3A_963, %ne3A_958 : i1
      %add3A_965 = arith.addi %rem3A_956, %select_n3A_955 : i32
      %select_n3A_966 = arith.select %and3A_964, %add3A_965, %rem3A_956 : i32
      %mul3A_967 = arith.constant 8 : i32
      %mul3A_968 = arith.muli %select_n3A_966, %mul3A_967 : i32
      %ge3A_969 = arith.constant 32 : i32
      %ge3A_970 = arith.cmpi sge, %add3A_898, %ge3A_969 : i32
      %select_n3A_971 = arith.select %ge3A_970, %squeeze3A_10, %squeeze3A : i32
      %select_n3A_972 = arith.select %ge3A_970, %squeeze3A_12, %squeeze3A_8 : i32
      %sub3A_973 = arith.subi %select_n3A_971, %mul3A_968 : i32
      %jit3A_974 = arith.constant 0 : i32
      %jit3A_975 = arith.constant 8 : i32
      %max3A_976 = arith.maxsi %jit3A_974, %sub3A_973 : i32
      %min3A_977 = arith.minsi %jit3A_975, %max3A_976 : i32
      %sub3A_978 = arith.subi %select_n3A_972, %mul3A_968 : i32
      %jit3A_979 = arith.constant 0 : i32
      %jit3A_980 = arith.constant 8 : i32
      %max3A_981 = arith.maxsi %jit3A_979, %sub3A_978 : i32
      %min3A_982 = arith.minsi %jit3A_980, %max3A_981 : i32
      %eq3A_983 = arith.constant 0 : i32
      %eq3A_984 = arith.cmpi eq, %min3A_977, %eq3A_983 : i32
      %eq3A_985 = arith.constant 8 : i32
      %eq3A_986 = arith.cmpi eq, %min3A_982, %eq3A_985 : i32
      %and3A_987 = arith.andi %eq3A_984, %eq3A_986 : i1
      %not3A_988 = arith.constant true
      %not3A_989 = arith.xori %and3A_987, %not3A_988 : i1
      %mul3A_990 = arith.constant 8 : i32
      %mul3A_991 = arith.muli %add3A_898, %mul3A_990 : i32
      %add3A_992 = arith.addi %mul3A_2, %mul3A_991 : i32
      %while3A_993 = arith.constant 0 : i32
      %while3A_994 = arith.subi %min3A_982, %min3A_977 : i32
      %while3A_995 = arith.addi %min3A_977, %while3A_994 : i32
      %while3A_996 = arith.constant 1 : i32
      %while3A_997 = arith.divsi %while3A_994, %while3A_996 : i32
      %while3A_998 = arith.muli %while3A_997, %while3A_996 : i32
      %while3A_999 = arith.addi %min3A_977, %while3A_998 : i32
      %while3A_1000 = arith.constant 1 : i32
      %while3A_1001 = scf.for %while3A_1140 = %min3A_977 to %while3A_999 step %while3A_1000 iter_args(%while3A_1141 = %while3A_993) -> (i32)  : i32 {
        %scan3A_1142 = arith.constant 0 : i32
        %scan3A_1143 = arith.constant 0 : i32
        %scan3A_1144 = arith.constant 128 : i32
        %scan3A_1145 = arith.addi %scan3A_1143, %scan3A_1144 : i32
        %scan3A_1146 = arith.constant 8 : i32
        %scan3A_1147 = scf.for %scan3A_1150 = %scan3A_1143 to %scan3A_1145 step %scan3A_1146 iter_args(%scan3A_1151 = %scan3A_1142) -> (i32)  : i32 {
          %broadcast_in_dim3A = arith.constant -8.000000e+01 : f32
          %broadcast_in_dim3A_1152 = vector.broadcast %broadcast_in_dim3A : f32 to vector<16xf32>
          %mul3A_1153 = arith.constant 16 : i32
          %mul3A_1154 = arith.muli %scan3A_1150, %mul3A_1153 : i32
          %swap3A = arith.constant 3 : i32
          %swap3A_1155 = arith.index_cast %swap3A : i32 to index
          %swap3A_1156 = arith.index_cast %while3A_1140 : i32 to index
          %swap3A_1157 = arith.index_cast %mul3A_1154 : i32 to index
          %swap3A_1158 = tpu.vector_load %arg6[%swap3A_1155, %swap3A_1156, %swap3A_1157] {strides = array<i32>} : memref<5x8x2048xf32, #tpu.memory_space<vmem>>, vector<1x1x16xf32>,
          %swap3A_1159 = vector.shape_cast %swap3A_1158 : vector<1x1x16xf32> to vector<16xf32>
          %swap3A_1160 = vector.shape_cast %broadcast_in_dim3A_1152 : vector<16xf32> to vector<1x1x16xf32>
          tpu.vector_store %arg6[%swap3A_1155, %swap3A_1156, %swap3A_1157], %swap3A_1160 {strides = array<i32>} : memref<5x8x2048xf32, #tpu.memory_space<vmem>>, vector<1x1x16xf32>,
          %scan3A_1161 = arith.constant 0 : i32
          %scan3A_1162 = arith.constant 1 : i32
          %scan3A_1163 = arith.addi %scan3A_1150, %scan3A_1162 : i32
          %broadcast_in_dim3A_1164 = arith.constant -8.000000e+01 : f32
          %broadcast_in_dim3A_1165 = vector.broadcast %broadcast_in_dim3A_1164 : f32 to vector<16xf32>
          %mul3A_1166 = arith.constant 16 : i32
          %mul3A_1167 = arith.muli %scan3A_1163, %mul3A_1166 : i32
          %swap3A_1168 = arith.constant 3 : i32
          %swap3A_1169 = arith.index_cast %swap3A_1168 : i32 to index
          %swap3A_1170 = arith.index_cast %while3A_1140 : i32 to index
          %swap3A_1171 = arith.index_cast %mul3A_1167 : i32 to index
          %swap3A_1172 = tpu.vector_load %arg6[%swap3A_1169, %swap3A_1170, %swap3A_1171] {strides = array<i32>} : memref<5x8x2048xf32, #tpu.memory_space<vmem>>, vector<1x1x16xf32>,
          %swap3A_1173 = vector.shape_cast %swap3A_1172 : vector<1x1x16xf32> to vector<16xf32>
          %swap3A_1174 = vector.shape_cast %broadcast_in_dim3A_1165 : vector<16xf32> to vector<1x1x16xf32>
          tpu.vector_store %arg6[%swap3A_1169, %swap3A_1170, %swap3A_1171], %swap3A_1174 {strides = array<i32>} : memref<5x8x2048xf32, #tpu.memory_space<vmem>>, vector<1x1x16xf32>,
          %scan3A_1175 = arith.constant 0 : i32
          %scan3A_1176 = arith.constant 2 : i32
          %scan3A_1177 = arith.addi %scan3A_1150, %scan3A_1176 : i32
          %broadcast_in_dim3A_1178 = arith.constant -8.000000e+01 : f32
          %broadcast_in_dim3A_1179 = vector.broadcast %broadcast_in_dim3A_1178 : f32 to vector<16xf32>
          %mul3A_1180 = arith.constant 16 : i32
          %mul3A_1181 = arith.muli %scan3A_1177, %mul3A_1180 : i32
          %swap3A_1182 = arith.constant 3 : i32
          %swap3A_1183 = arith.index_cast %swap3A_1182 : i32 to index
          %swap3A_1184 = arith.index_cast %while3A_1140 : i32 to index
          %swap3A_1185 = arith.index_cast %mul3A_1181 : i32 to index
          %swap3A_1186 = tpu.vector_load %arg6[%swap3A_1183, %swap3A_1184, %swap3A_1185] {strides = array<i32>} : memref<5x8x2048xf32, #tpu.memory_space<vmem>>, vector<1x1x16xf32>,
          %swap3A_1187 = vector.shape_cast %swap3A_1186 : vector<1x1x16xf32> to vector<16xf32>
          %swap3A_1188 = vector.shape_cast %broadcast_in_dim3A_1179 : vector<16xf32> to vector<1x1x16xf32>
          tpu.vector_store %arg6[%swap3A_1183, %swap3A_1184, %swap3A_1185], %swap3A_1188 {strides = array<i32>} : memref<5x8x2048xf32, #tpu.memory_space<vmem>>, vector<1x1x16xf32>,
          %scan3A_1189 = arith.constant 0 : i32
          %scan3A_1190 = arith.constant 3 : i32
          %scan3A_1191 = arith.addi %scan3A_1150, %scan3A_1190 : i32
          %broadcast_in_dim3A_1192 = arith.constant -8.000000e+01 : f32
          %broadcast_in_dim3A_1193 = vector.broadcast %broadcast_in_dim3A_1192 : f32 to vector<16xf32>
          %mul3A_1194 = arith.constant 16 : i32
          %mul3A_1195 = arith.muli %scan3A_1191, %mul3A_1194 : i32
          %swap3A_1196 = arith.constant 3 : i32
          %swap3A_1197 = arith.index_cast %swap3A_1196 : i32 to index
          %swap3A_1198 = arith.index_cast %while3A_1140 : i32 to index
          %swap3A_1199 = arith.index_cast %mul3A_1195 : i32 to index
          %swap3A_1200 = tpu.vector_load %arg6[%swap3A_1197, %swap3A_1198, %swap3A_1199] {strides = array<i32>} : memref<5x8x2048xf32, #tpu.memory_space<vmem>>, vector<1x1x16xf32>,
          %swap3A_1201 = vector.shape_cast %swap3A_1200 : vector<1x1x16xf32> to vector<16xf32>
          %swap3A_1202 = vector.shape_cast %broadcast_in_dim3A_1193 : vector<16xf32> to vector<1x1x16xf32>
          tpu.vector_store %arg6[%swap3A_1197, %swap3A_1198, %swap3A_1199], %swap3A_1202 {strides = array<i32>} : memref<5x8x2048xf32, #tpu.memory_space<vmem>>, vector<1x1x16xf32>,
          %scan3A_1203 = arith.constant 0 : i32
          %scan3A_1204 = arith.constant 4 : i32
          %scan3A_1205 = arith.addi %scan3A_1150, %scan3A_1204 : i32
          %broadcast_in_dim3A_1206 = arith.constant -8.000000e+01 : f32
          %broadcast_in_dim3A_1207 = vector.broadcast %broadcast_in_dim3A_1206 : f32 to vector<16xf32>
          %mul3A_1208 = arith.constant 16 : i32
          %mul3A_1209 = arith.muli %scan3A_1205, %mul3A_1208 : i32
          %swap3A_1210 = arith.constant 3 : i32
          %swap3A_1211 = arith.index_cast %swap3A_1210 : i32 to index
          %swap3A_1212 = arith.index_cast %while3A_1140 : i32 to index
          %swap3A_1213 = arith.index_cast %mul3A_1209 : i32 to index
          %swap3A_1214 = tpu.vector_load %arg6[%swap3A_1211, %swap3A_1212, %swap3A_1213] {strides = array<i32>} : memref<5x8x2048xf32, #tpu.memory_space<vmem>>, vector<1x1x16xf32>,
          %swap3A_1215 = vector.shape_cast %swap3A_1214 : vector<1x1x16xf32> to vector<16xf32>
          %swap3A_1216 = vector.shape_cast %broadcast_in_dim3A_1207 : vector<16xf32> to vector<1x1x16xf32>
          tpu.vector_store %arg6[%swap3A_1211, %swap3A_1212, %swap3A_1213], %swap3A_1216 {strides = array<i32>} : memref<5x8x2048xf32, #tpu.memory_space<vmem>>, vector<1x1x16xf32>,
          %scan3A_1217 = arith.constant 0 : i32
          %scan3A_1218 = arith.constant 5 : i32
          %scan3A_1219 = arith.addi %scan3A_1150, %scan3A_1218 : i32
          %broadcast_in_dim3A_1220 = arith.constant -8.000000e+01 : f32
          %broadcast_in_dim3A_1221 = vector.broadcast %broadcast_in_dim3A_1220 : f32 to vector<16xf32>
          %mul3A_1222 = arith.constant 16 : i32
          %mul3A_1223 = arith.muli %scan3A_1219, %mul3A_1222 : i32
          %swap3A_1224 = arith.constant 3 : i32
          %swap3A_1225 = arith.index_cast %swap3A_1224 : i32 to index
          %swap3A_1226 = arith.index_cast %while3A_1140 : i32 to index
          %swap3A_1227 = arith.index_cast %mul3A_1223 : i32 to index
          %swap3A_1228 = tpu.vector_load %arg6[%swap3A_1225, %swap3A_1226, %swap3A_1227] {strides = array<i32>} : memref<5x8x2048xf32, #tpu.memory_space<vmem>>, vector<1x1x16xf32>,
          %swap3A_1229 = vector.shape_cast %swap3A_1228 : vector<1x1x16xf32> to vector<16xf32>
          %swap3A_1230 = vector.shape_cast %broadcast_in_dim3A_1221 : vector<16xf32> to vector<1x1x16xf32>
          tpu.vector_store %arg6[%swap3A_1225, %swap3A_1226, %swap3A_1227], %swap3A_1230 {strides = array<i32>} : memref<5x8x2048xf32, #tpu.memory_space<vmem>>, vector<1x1x16xf32>,
          %scan3A_1231 = arith.constant 0 : i32
          %scan3A_1232 = arith.constant 6 : i32
          %scan3A_1233 = arith.addi %scan3A_1150, %scan3A_1232 : i32
          %broadcast_in_dim3A_1234 = arith.constant -8.000000e+01 : f32
          %broadcast_in_dim3A_1235 = vector.broadcast %broadcast_in_dim3A_1234 : f32 to vector<16xf32>
          %mul3A_1236 = arith.constant 16 : i32
          %mul3A_1237 = arith.muli %scan3A_1233, %mul3A_1236 : i32
          %swap3A_1238 = arith.constant 3 : i32
          %swap3A_1239 = arith.index_cast %swap3A_1238 : i32 to index
          %swap3A_1240 = arith.index_cast %while3A_1140 : i32 to index
          %swap3A_1241 = arith.index_cast %mul3A_1237 : i32 to index
          %swap3A_1242 = tpu.vector_load %arg6[%swap3A_1239, %swap3A_1240, %swap3A_1241] {strides = array<i32>} : memref<5x8x2048xf32, #tpu.memory_space<vmem>>, vector<1x1x16xf32>,
          %swap3A_1243 = vector.shape_cast %swap3A_1242 : vector<1x1x16xf32> to vector<16xf32>
          %swap3A_1244 = vector.shape_cast %broadcast_in_dim3A_1235 : vector<16xf32> to vector<1x1x16xf32>
          tpu.vector_store %arg6[%swap3A_1239, %swap3A_1240, %swap3A_1241], %swap3A_1244 {strides = array<i32>} : memref<5x8x2048xf32, #tpu.memory_space<vmem>>, vector<1x1x16xf32>,
          %scan3A_1245 = arith.constant 0 : i32
          %scan3A_1246 = arith.constant 7 : i32
          %scan3A_1247 = arith.addi %scan3A_1150, %scan3A_1246 : i32
          %broadcast_in_dim3A_1248 = arith.constant -8.000000e+01 : f32
          %broadcast_in_dim3A_1249 = vector.broadcast %broadcast_in_dim3A_1248 : f32 to vector<16xf32>
          %mul3A_1250 = arith.constant 16 : i32
          %mul3A_1251 = arith.muli %scan3A_1247, %mul3A_1250 : i32
          %swap3A_1252 = arith.constant 3 : i32
          %swap3A_1253 = arith.index_cast %swap3A_1252 : i32 to index
          %swap3A_1254 = arith.index_cast %while3A_1140 : i32 to index
          %swap3A_1255 = arith.index_cast %mul3A_1251 : i32 to index
          %swap3A_1256 = tpu.vector_load %arg6[%swap3A_1253, %swap3A_1254, %swap3A_1255] {strides = array<i32>} : memref<5x8x2048xf32, #tpu.memory_space<vmem>>, vector<1x1x16xf32>,
          %swap3A_1257 = vector.shape_cast %swap3A_1256 : vector<1x1x16xf32> to vector<16xf32>
          %swap3A_1258 = vector.shape_cast %broadcast_in_dim3A_1249 : vector<16xf32> to vector<1x1x16xf32>
          tpu.vector_store %arg6[%swap3A_1253, %swap3A_1254, %swap3A_1255], %swap3A_1258 {strides = array<i32>} : memref<5x8x2048xf32, #tpu.memory_space<vmem>>, vector<1x1x16xf32>,
          %scan3A_1259 = arith.constant 0 : i32
          scf.yield %scan3A_1259 : i32
        }
        %scan3A_1148 = arith.constant 128 : i32
        %while3A_1149 = arith.constant 0 : i32
        scf.yield %while3A_1149 : i32
      }
      %while3A_1002 = arith.constant 1 : i32
      %while3A_1003 = scf.for %while3A_1140 = %while3A_999 to %while3A_995 step %while3A_1002 iter_args(%while3A_1141 = %while3A_1001) -> (i32)  : i32 {
        %scan3A_1142 = arith.constant 0 : i32
        %scan3A_1143 = arith.constant 0 : i32
        %scan3A_1144 = arith.constant 128 : i32
        %scan3A_1145 = arith.addi %scan3A_1143, %scan3A_1144 : i32
        %scan3A_1146 = arith.constant 8 : i32
        %scan3A_1147 = scf.for %scan3A_1150 = %scan3A_1143 to %scan3A_1145 step %scan3A_1146 iter_args(%scan3A_1151 = %scan3A_1142) -> (i32)  : i32 {
          %broadcast_in_dim3A = arith.constant -8.000000e+01 : f32
          %broadcast_in_dim3A_1152 = vector.broadcast %broadcast_in_dim3A : f32 to vector<16xf32>
          %mul3A_1153 = arith.constant 16 : i32
          %mul3A_1154 = arith.muli %scan3A_1150, %mul3A_1153 : i32
          %swap3A = arith.constant 3 : i32
          %swap3A_1155 = arith.index_cast %swap3A : i32 to index
          %swap3A_1156 = arith.index_cast %while3A_1140 : i32 to index
          %swap3A_1157 = arith.index_cast %mul3A_1154 : i32 to index
          %swap3A_1158 = tpu.vector_load %arg6[%swap3A_1155, %swap3A_1156, %swap3A_1157] {strides = array<i32>} : memref<5x8x2048xf32, #tpu.memory_space<vmem>>, vector<1x1x16xf32>,
          %swap3A_1159 = vector.shape_cast %swap3A_1158 : vector<1x1x16xf32> to vector<16xf32>
          %swap3A_1160 = vector.shape_cast %broadcast_in_dim3A_1152 : vector<16xf32> to vector<1x1x16xf32>
          tpu.vector_store %arg6[%swap3A_1155, %swap3A_1156, %swap3A_1157], %swap3A_1160 {strides = array<i32>} : memref<5x8x2048xf32, #tpu.memory_space<vmem>>, vector<1x1x16xf32>,
          %scan3A_1161 = arith.constant 0 : i32
          %scan3A_1162 = arith.constant 1 : i32
          %scan3A_1163 = arith.addi %scan3A_1150, %scan3A_1162 : i32
          %broadcast_in_dim3A_1164 = arith.constant -8.000000e+01 : f32
          %broadcast_in_dim3A_1165 = vector.broadcast %broadcast_in_dim3A_1164 : f32 to vector<16xf32>
          %mul3A_1166 = arith.constant 16 : i32
          %mul3A_1167 = arith.muli %scan3A_1163, %mul3A_1166 : i32
          %swap3A_1168 = arith.constant 3 : i32
          %swap3A_1169 = arith.index_cast %swap3A_1168 : i32 to index
          %swap3A_1170 = arith.index_cast %while3A_1140 : i32 to index
          %swap3A_1171 = arith.index_cast %mul3A_1167 : i32 to index
          %swap3A_1172 = tpu.vector_load %arg6[%swap3A_1169, %swap3A_1170, %swap3A_1171] {strides = array<i32>} : memref<5x8x2048xf32, #tpu.memory_space<vmem>>, vector<1x1x16xf32>,
          %swap3A_1173 = vector.shape_cast %swap3A_1172 : vector<1x1x16xf32> to vector<16xf32>
          %swap3A_1174 = vector.shape_cast %broadcast_in_dim3A_1165 : vector<16xf32> to vector<1x1x16xf32>
          tpu.vector_store %arg6[%swap3A_1169, %swap3A_1170, %swap3A_1171], %swap3A_1174 {strides = array<i32>} : memref<5x8x2048xf32, #tpu.memory_space<vmem>>, vector<1x1x16xf32>,
          %scan3A_1175 = arith.constant 0 : i32
          %scan3A_1176 = arith.constant 2 : i32
          %scan3A_1177 = arith.addi %scan3A_1150, %scan3A_1176 : i32
          %broadcast_in_dim3A_1178 = arith.constant -8.000000e+01 : f32
          %broadcast_in_dim3A_1179 = vector.broadcast %broadcast_in_dim3A_1178 : f32 to vector<16xf32>
          %mul3A_1180 = arith.constant 16 : i32
          %mul3A_1181 = arith.muli %scan3A_1177, %mul3A_1180 : i32
          %swap3A_1182 = arith.constant 3 : i32
          %swap3A_1183 = arith.index_cast %swap3A_1182 : i32 to index
          %swap3A_1184 = arith.index_cast %while3A_1140 : i32 to index
          %swap3A_1185 = arith.index_cast %mul3A_1181 : i32 to index
          %swap3A_1186 = tpu.vector_load %arg6[%swap3A_1183, %swap3A_1184, %swap3A_1185] {strides = array<i32>} : memref<5x8x2048xf32, #tpu.memory_space<vmem>>, vector<1x1x16xf32>,
          %swap3A_1187 = vector.shape_cast %swap3A_1186 : vector<1x1x16xf32> to vector<16xf32>
          %swap3A_1188 = vector.shape_cast %broadcast_in_dim3A_1179 : vector<16xf32> to vector<1x1x16xf32>
          tpu.vector_store %arg6[%swap3A_1183, %swap3A_1184, %swap3A_1185], %swap3A_1188 {strides = array<i32>} : memref<5x8x2048xf32, #tpu.memory_space<vmem>>, vector<1x1x16xf32>,
          %scan3A_1189 = arith.constant 0 : i32
          %scan3A_1190 = arith.constant 3 : i32
          %scan3A_1191 = arith.addi %scan3A_1150, %scan3A_1190 : i32
          %broadcast_in_dim3A_1192 = arith.constant -8.000000e+01 : f32
          %broadcast_in_dim3A_1193 = vector.broadcast %broadcast_in_dim3A_1192 : f32 to vector<16xf32>
          %mul3A_1194 = arith.constant 16 : i32
          %mul3A_1195 = arith.muli %scan3A_1191, %mul3A_1194 : i32
          %swap3A_1196 = arith.constant 3 : i32
          %swap3A_1197 = arith.index_cast %swap3A_1196 : i32 to index
          %swap3A_1198 = arith.index_cast %while3A_1140 : i32 to index
          %swap3A_1199 = arith.index_cast %mul3A_1195 : i32 to index
          %swap3A_1200 = tpu.vector_load %arg6[%swap3A_1197, %swap3A_1198, %swap3A_1199] {strides = array<i32>} : memref<5x8x2048xf32, #tpu.memory_space<vmem>>, vector<1x1x16xf32>,
          %swap3A_1201 = vector.shape_cast %swap3A_1200 : vector<1x1x16xf32> to vector<16xf32>
          %swap3A_1202 = vector.shape_cast %broadcast_in_dim3A_1193 : vector<16xf32> to vector<1x1x16xf32>
          tpu.vector_store %arg6[%swap3A_1197, %swap3A_1198, %swap3A_1199], %swap3A_1202 {strides = array<i32>} : memref<5x8x2048xf32, #tpu.memory_space<vmem>>, vector<1x1x16xf32>,
          %scan3A_1203 = arith.constant 0 : i32
          %scan3A_1204 = arith.constant 4 : i32
          %scan3A_1205 = arith.addi %scan3A_1150, %scan3A_1204 : i32
          %broadcast_in_dim3A_1206 = arith.constant -8.000000e+01 : f32
          %broadcast_in_dim3A_1207 = vector.broadcast %broadcast_in_dim3A_1206 : f32 to vector<16xf32>
          %mul3A_1208 = arith.constant 16 : i32
          %mul3A_1209 = arith.muli %scan3A_1205, %mul3A_1208 : i32
          %swap3A_1210 = arith.constant 3 : i32
          %swap3A_1211 = arith.index_cast %swap3A_1210 : i32 to index
          %swap3A_1212 = arith.index_cast %while3A_1140 : i32 to index
          %swap3A_1213 = arith.index_cast %mul3A_1209 : i32 to index
          %swap3A_1214 = tpu.vector_load %arg6[%swap3A_1211, %swap3A_1212, %swap3A_1213] {strides = array<i32>} : memref<5x8x2048xf32, #tpu.memory_space<vmem>>, vector<1x1x16xf32>,
          %swap3A_1215 = vector.shape_cast %swap3A_1214 : vector<1x1x16xf32> to vector<16xf32>
          %swap3A_1216 = vector.shape_cast %broadcast_in_dim3A_1207 : vector<16xf32> to vector<1x1x16xf32>
          tpu.vector_store %arg6[%swap3A_1211, %swap3A_1212, %swap3A_1213], %swap3A_1216 {strides = array<i32>} : memref<5x8x2048xf32, #tpu.memory_space<vmem>>, vector<1x1x16xf32>,
          %scan3A_1217 = arith.constant 0 : i32
          %scan3A_1218 = arith.constant 5 : i32
          %scan3A_1219 = arith.addi %scan3A_1150, %scan3A_1218 : i32
          %broadcast_in_dim3A_1220 = arith.constant -8.000000e+01 : f32
          %broadcast_in_dim3A_1221 = vector.broadcast %broadcast_in_dim3A_1220 : f32 to vector<16xf32>
          %mul3A_1222 = arith.constant 16 : i32
          %mul3A_1223 = arith.muli %scan3A_1219, %mul3A_1222 : i32
          %swap3A_1224 = arith.constant 3 : i32
          %swap3A_1225 = arith.index_cast %swap3A_1224 : i32 to index
          %swap3A_1226 = arith.index_cast %while3A_1140 : i32 to index
          %swap3A_1227 = arith.index_cast %mul3A_1223 : i32 to index
          %swap3A_1228 = tpu.vector_load %arg6[%swap3A_1225, %swap3A_1226, %swap3A_1227] {strides = array<i32>} : memref<5x8x2048xf32, #tpu.memory_space<vmem>>, vector<1x1x16xf32>,
          %swap3A_1229 = vector.shape_cast %swap3A_1228 : vector<1x1x16xf32> to vector<16xf32>
          %swap3A_1230 = vector.shape_cast %broadcast_in_dim3A_1221 : vector<16xf32> to vector<1x1x16xf32>
          tpu.vector_store %arg6[%swap3A_1225, %swap3A_1226, %swap3A_1227], %swap3A_1230 {strides = array<i32>} : memref<5x8x2048xf32, #tpu.memory_space<vmem>>, vector<1x1x16xf32>,
          %scan3A_1231 = arith.constant 0 : i32
          %scan3A_1232 = arith.constant 6 : i32
          %scan3A_1233 = arith.addi %scan3A_1150, %scan3A_1232 : i32
          %broadcast_in_dim3A_1234 = arith.constant -8.000000e+01 : f32
          %broadcast_in_dim3A_1235 = vector.broadcast %broadcast_in_dim3A_1234 : f32 to vector<16xf32>
          %mul3A_1236 = arith.constant 16 : i32
          %mul3A_1237 = arith.muli %scan3A_1233, %mul3A_1236 : i32
          %swap3A_1238 = arith.constant 3 : i32
          %swap3A_1239 = arith.index_cast %swap3A_1238 : i32 to index
          %swap3A_1240 = arith.index_cast %while3A_1140 : i32 to index
          %swap3A_1241 = arith.index_cast %mul3A_1237 : i32 to index
          %swap3A_1242 = tpu.vector_load %arg6[%swap3A_1239, %swap3A_1240, %swap3A_1241] {strides = array<i32>} : memref<5x8x2048xf32, #tpu.memory_space<vmem>>, vector<1x1x16xf32>,
          %swap3A_1243 = vector.shape_cast %swap3A_1242 : vector<1x1x16xf32> to vector<16xf32>
          %swap3A_1244 = vector.shape_cast %broadcast_in_dim3A_1235 : vector<16xf32> to vector<1x1x16xf32>
          tpu.vector_store %arg6[%swap3A_1239, %swap3A_1240, %swap3A_1241], %swap3A_1244 {strides = array<i32>} : memref<5x8x2048xf32, #tpu.memory_space<vmem>>, vector<1x1x16xf32>,
          %scan3A_1245 = arith.constant 0 : i32
          %scan3A_1246 = arith.constant 7 : i32
          %scan3A_1247 = arith.addi %scan3A_1150, %scan3A_1246 : i32
          %broadcast_in_dim3A_1248 = arith.constant -8.000000e+01 : f32
          %broadcast_in_dim3A_1249 = vector.broadcast %broadcast_in_dim3A_1248 : f32 to vector<16xf32>
          %mul3A_1250 = arith.constant 16 : i32
          %mul3A_1251 = arith.muli %scan3A_1247, %mul3A_1250 : i32
          %swap3A_1252 = arith.constant 3 : i32
          %swap3A_1253 = arith.index_cast %swap3A_1252 : i32 to index
          %swap3A_1254 = arith.index_cast %while3A_1140 : i32 to index
          %swap3A_1255 = arith.index_cast %mul3A_1251 : i32 to index
          %swap3A_1256 = tpu.vector_load %arg6[%swap3A_1253, %swap3A_1254, %swap3A_1255] {strides = array<i32>} : memref<5x8x2048xf32, #tpu.memory_space<vmem>>, vector<1x1x16xf32>,
          %swap3A_1257 = vector.shape_cast %swap3A_1256 : vector<1x1x16xf32> to vector<16xf32>
          %swap3A_1258 = vector.shape_cast %broadcast_in_dim3A_1249 : vector<16xf32> to vector<1x1x16xf32>
          tpu.vector_store %arg6[%swap3A_1253, %swap3A_1254, %swap3A_1255], %swap3A_1258 {strides = array<i32>} : memref<5x8x2048xf32, #tpu.memory_space<vmem>>, vector<1x1x16xf32>,
          %scan3A_1259 = arith.constant 0 : i32
          scf.yield %scan3A_1259 : i32
        }
        %scan3A_1148 = arith.constant 128 : i32
        %while3A_1149 = arith.constant 0 : i32
        scf.yield %while3A_1149 : i32
      }
      %dma_start3A_1004 = arith.constant 3 : i32
      %dma_start3A_1005 = arith.constant 0 : i32
      %dma_start3A_1006 = arith.constant 0 : i32
      %dma_start3A_1007 = tpu.memref_slice %arg6[%dma_start3A_1004, %dma_start3A_1005, %dma_start3A_1006] : memref<5x8x2048xf32, #tpu.memory_space<vmem>> -> memref<1x8x2048xf32, #tpu.memory_space<vmem>>
      %dma_start3A_1008 = tpu.memref_squeeze %dma_start3A_1007 : memref<1x8x2048xf32, #tpu.memory_space<vmem>> -> memref<8x2048xf32, #tpu.memory_space<vmem>>
      %dma_start3A_1009 = arith.constant 0 : i32
      %dma_start3A_1010 = tpu.memref_slice %arg4[%add3A_992, %dma_start3A_1009] : memref<16384x2048xf32, #tpu.memory_space<hbm>> -> memref<8x2048xf32, #tpu.memory_space<hbm>>
      %dma_start3A_1011 = arith.constant 0 : i32
      %dma_start3A_1012 = tpu.memref_slice %arg4[%add3A_992, %dma_start3A_1011] : memref<16384x2048xf32, #tpu.memory_space<hbm>> -> memref<8x2048xf32, #tpu.memory_space<hbm>>
      %dma_start3A_1013 = arith.constant 0 : i32
      %dma_start3A_1014 = arith.constant 0 : i32
      %dma_start3A_1015 = tpu.memref_slice %arg6[%dma_start3A_1004, %dma_start3A_1013, %dma_start3A_1014] : memref<5x8x2048xf32, #tpu.memory_space<vmem>> -> memref<1x8x2048xf32, #tpu.memory_space<vmem>>
      %dma_start3A_1016 = tpu.memref_squeeze %dma_start3A_1015 : memref<1x8x2048xf32, #tpu.memory_space<vmem>> -> memref<8x2048xf32, #tpu.memory_space<vmem>>
      tpu.enqueue_dma source(%dma_start3A_1016 : memref<8x2048xf32, #tpu.memory_space<vmem>>) target(%dma_start3A_1012 : memref<8x2048xf32, #tpu.memory_space<hbm>>) target_semaphore(%arg8 : memref<!tpu.dma_semaphore, #tpu.memory_space<semaphore_mem>>)
      %mul3A_1017 = arith.constant 5 : i32
      %mul3A_1018 = arith.muli %scan3A_531, %mul3A_1017 : i32
      %add3A_1019 = arith.constant 4 : i32
      %add3A_1020 = arith.addi %mul3A_1018, %add3A_1019 : i32
      %add3A_1021 = arith.constant 2 : i32
      %add3A_1022 = arith.addi %add3A_1020, %add3A_1021 : i32
      %lt3A_1023 = arith.constant 64 : i32
      %lt3A_1024 = arith.cmpi slt, %add3A_1022, %lt3A_1023 : i32
      %convert_element_type3A_1025 = arith.extui %lt3A_1024 : i1 to i32
      %cond3A_1026 = arith.constant 0 : i32
      %cond3A_1027 = arith.cmpi ne, %convert_element_type3A_1025, %cond3A_1026 : i32
      scf.if %cond3A_1027 {
        %ge3A_1140 = arith.constant 5 : i32
        %ge3A_1141 = arith.cmpi sge, %add3A_1022, %ge3A_1140 : i32
        %convert_element_type3A_1142 = arith.extui %ge3A_1141 : i1 to i32
        %cond3A_1143 = arith.constant 0 : i32
        %cond3A_1144 = arith.cmpi ne, %convert_element_type3A_1142, %cond3A_1143 : i32
        scf.if %cond3A_1144 {
          %dma_wait3A_1190 = arith.constant 1 : i32
          %dma_wait3A_1191 = arith.constant 0 : i32
          %dma_wait3A_1192 = arith.constant 0 : i32
          %dma_wait3A_1193 = tpu.memref_slice %arg6[%dma_wait3A_1190, %dma_wait3A_1191, %dma_wait3A_1192] : memref<5x8x2048xf32, #tpu.memory_space<vmem>> -> memref<1x8x2048xf32, #tpu.memory_space<vmem>>
          %dma_wait3A_1194 = tpu.memref_squeeze %dma_wait3A_1193 : memref<1x8x2048xf32, #tpu.memory_space<vmem>> -> memref<8x2048xf32, #tpu.memory_space<vmem>>
          %dma_wait3A_1195 = arith.constant 0 : i32
          %dma_wait3A_1196 = arith.constant 0 : i32
          %dma_wait3A_1197 = tpu.memref_slice %arg4[%dma_wait3A_1195, %dma_wait3A_1196] : memref<16384x2048xf32, #tpu.memory_space<hbm>> -> memref<8x2048xf32, #tpu.memory_space<hbm>>
          %dma_wait3A_1198 = arith.constant 0 : i32
          %dma_wait3A_1199 = arith.constant 0 : i32
          %dma_wait3A_1200 = tpu.memref_slice %arg4[%dma_wait3A_1198, %dma_wait3A_1199] : memref<16384x2048xf32, #tpu.memory_space<hbm>> -> memref<8x2048xf32, #tpu.memory_space<hbm>>
          %dma_wait3A_1201 = arith.constant 0 : i32
          %dma_wait3A_1202 = arith.constant 0 : i32
          %dma_wait3A_1203 = tpu.memref_slice %arg6[%dma_wait3A_1190, %dma_wait3A_1201, %dma_wait3A_1202] : memref<5x8x2048xf32, #tpu.memory_space<vmem>> -> memref<1x8x2048xf32, #tpu.memory_space<vmem>>
          %dma_wait3A_1204 = tpu.memref_squeeze %dma_wait3A_1203 : memref<1x8x2048xf32, #tpu.memory_space<vmem>> -> memref<8x2048xf32, #tpu.memory_space<vmem>>
          tpu.wait_dma2 semaphore(%arg8 : memref<!tpu.dma_semaphore, #tpu.memory_space<semaphore_mem>>) src(%dma_wait3A_1204 : memref<8x2048xf32, #tpu.memory_space<vmem>>) dst(%dma_wait3A_1200 : memref<8x2048xf32, #tpu.memory_space<hbm>>)
        } else {
        }
        %jit3A_1145 = arith.constant 32 : i32
        %eq3A_1146 = arith.constant 0 : i32
        %eq3A_1147 = arith.cmpi eq, %jit3A_1145, %eq3A_1146 : i32
        %jit3A_1148 = arith.constant 1 : i32
        %select_n3A_1149 = arith.select %eq3A_1147, %jit3A_1148, %jit3A_1145 : i32
        %rem3A_1150 = arith.remsi %add3A_1022, %select_n3A_1149 : i32
        %ne3A_1151 = arith.constant 0 : i32
        %ne3A_1152 = arith.cmpi ne, %rem3A_1150, %ne3A_1151 : i32
        %lt3A_1153 = arith.constant 0 : i32
        %lt3A_1154 = arith.cmpi slt, %rem3A_1150, %lt3A_1153 : i32
        %lt3A_1155 = arith.constant 0 : i32
        %lt3A_1156 = arith.cmpi slt, %select_n3A_1149, %lt3A_1155 : i32
        %ne3A_1157 = arith.xori %lt3A_1154, %lt3A_1156 : i1
        %and3A_1158 = arith.andi %ne3A_1157, %ne3A_1152 : i1
        %add3A_1159 = arith.addi %rem3A_1150, %select_n3A_1149 : i32
        %select_n3A_1160 = arith.select %and3A_1158, %add3A_1159, %rem3A_1150 : i32
        %mul3A_1161 = arith.constant 8 : i32
        %mul3A_1162 = arith.muli %select_n3A_1160, %mul3A_1161 : i32
        %ge3A_1163 = arith.constant 32 : i32
        %ge3A_1164 = arith.cmpi sge, %add3A_1022, %ge3A_1163 : i32
        %select_n3A_1165 = arith.select %ge3A_1164, %squeeze3A_10, %squeeze3A : i32
        %select_n3A_1166 = arith.select %ge3A_1164, %squeeze3A_12, %squeeze3A_8 : i32
        %sub3A_1167 = arith.subi %select_n3A_1165, %mul3A_1162 : i32
        %jit3A_1168 = arith.constant 0 : i32
        %jit3A_1169 = arith.constant 8 : i32
        %max3A_1170 = arith.maxsi %jit3A_1168, %sub3A_1167 : i32
        %min3A_1171 = arith.minsi %jit3A_1169, %max3A_1170 : i32
        %sub3A_1172 = arith.subi %select_n3A_1166, %mul3A_1162 : i32
        %jit3A_1173 = arith.constant 0 : i32
        %jit3A_1174 = arith.constant 8 : i32
        %max3A_1175 = arith.maxsi %jit3A_1173, %sub3A_1172 : i32
        %min3A_1176 = arith.minsi %jit3A_1174, %max3A_1175 : i32
        %eq3A_1177 = arith.constant 0 : i32
        %eq3A_1178 = arith.cmpi eq, %min3A_1171, %eq3A_1177 : i32
        %eq3A_1179 = arith.constant 8 : i32
        %eq3A_1180 = arith.cmpi eq, %min3A_1176, %eq3A_1179 : i32
        %and3A_1181 = arith.andi %eq3A_1178, %eq3A_1180 : i1
        %not3A_1182 = arith.constant true
        %not3A_1183 = arith.xori %and3A_1181, %not3A_1182 : i1
        %mul3A_1184 = arith.constant 8 : i32
        %mul3A_1185 = arith.muli %add3A_1022, %mul3A_1184 : i32
        %add3A_1186 = arith.addi %mul3A_2, %mul3A_1185 : i32
        %convert_element_type3A_1187 = arith.extui %not3A_1183 : i1 to i32
        %cond3A_1188 = arith.constant 0 : i32
        %cond3A_1189 = arith.cmpi ne, %convert_element_type3A_1187, %cond3A_1188 : i32
        scf.if %cond3A_1189 {
          %dma_start3A_1190 = arith.constant 1 : i32
          %dma_start3A_1191 = arith.constant 0 : i32
          %dma_start3A_1192 = arith.constant 0 : i32
          %dma_start3A_1193 = tpu.memref_slice %arg6[%dma_start3A_1190, %dma_start3A_1191, %dma_start3A_1192] : memref<5x8x2048xf32, #tpu.memory_space<vmem>> -> memref<1x8x2048xf32, #tpu.memory_space<vmem>>
          %dma_start3A_1194 = tpu.memref_squeeze %dma_start3A_1193 : memref<1x8x2048xf32, #tpu.memory_space<vmem>> -> memref<8x2048xf32, #tpu.memory_space<vmem>>
          %dma_start3A_1195 = arith.constant 0 : i32
          %dma_start3A_1196 = tpu.memref_slice %arg2[%add3A_1186, %dma_start3A_1195] : memref<16384x2048xf32, #tpu.memory_space<hbm>> -> memref<8x2048xf32, #tpu.memory_space<hbm>>
          %dma_start3A_1197 = arith.constant 0 : i32
          %dma_start3A_1198 = arith.constant 0 : i32
          %dma_start3A_1199 = tpu.memref_slice %arg6[%dma_start3A_1190, %dma_start3A_1197, %dma_start3A_1198] : memref<5x8x2048xf32, #tpu.memory_space<vmem>> -> memref<1x8x2048xf32, #tpu.memory_space<vmem>>
          %dma_start3A_1200 = tpu.memref_squeeze %dma_start3A_1199 : memref<1x8x2048xf32, #tpu.memory_space<vmem>> -> memref<8x2048xf32, #tpu.memory_space<vmem>>
          %dma_start3A_1201 = arith.constant 0 : i32
          %dma_start3A_1202 = tpu.memref_slice %arg2[%add3A_1186, %dma_start3A_1201] : memref<16384x2048xf32, #tpu.memory_space<hbm>> -> memref<8x2048xf32, #tpu.memory_space<hbm>>
          tpu.enqueue_dma source(%dma_start3A_1202 : memref<8x2048xf32, #tpu.memory_space<hbm>>) target(%dma_start3A_1200 : memref<8x2048xf32, #tpu.memory_space<vmem>>) target_semaphore(%arg7 : memref<!tpu.dma_semaphore, #tpu.memory_space<semaphore_mem>>)
        } else {
        }
      } else {
      }
      %jit3A_1028 = arith.constant 32 : i32
      %eq3A_1029 = arith.constant 0 : i32
      %eq3A_1030 = arith.cmpi eq, %jit3A_1028, %eq3A_1029 : i32
      %jit3A_1031 = arith.constant 1 : i32
      %select_n3A_1032 = arith.select %eq3A_1030, %jit3A_1031, %jit3A_1028 : i32
      %rem3A_1033 = arith.remsi %add3A_1020, %select_n3A_1032 : i32
      %ne3A_1034 = arith.constant 0 : i32
      %ne3A_1035 = arith.cmpi ne, %rem3A_1033, %ne3A_1034 : i32
      %lt3A_1036 = arith.constant 0 : i32
      %lt3A_1037 = arith.cmpi slt, %rem3A_1033, %lt3A_1036 : i32
      %lt3A_1038 = arith.constant 0 : i32
      %lt3A_1039 = arith.cmpi slt, %select_n3A_1032, %lt3A_1038 : i32
      %ne3A_1040 = arith.xori %lt3A_1037, %lt3A_1039 : i1
      %and3A_1041 = arith.andi %ne3A_1040, %ne3A_1035 : i1
      %add3A_1042 = arith.addi %rem3A_1033, %select_n3A_1032 : i32
      %select_n3A_1043 = arith.select %and3A_1041, %add3A_1042, %rem3A_1033 : i32
      %mul3A_1044 = arith.constant 8 : i32
      %mul3A_1045 = arith.muli %select_n3A_1043, %mul3A_1044 : i32
      %ge3A_1046 = arith.constant 32 : i32
      %ge3A_1047 = arith.cmpi sge, %add3A_1020, %ge3A_1046 : i32
      %select_n3A_1048 = arith.select %ge3A_1047, %squeeze3A_10, %squeeze3A : i32
      %select_n3A_1049 = arith.select %ge3A_1047, %squeeze3A_12, %squeeze3A_8 : i32
      %sub3A_1050 = arith.subi %select_n3A_1048, %mul3A_1045 : i32
      %jit3A_1051 = arith.constant 0 : i32
      %jit3A_1052 = arith.constant 8 : i32
      %max3A_1053 = arith.maxsi %jit3A_1051, %sub3A_1050 : i32
      %min3A_1054 = arith.minsi %jit3A_1052, %max3A_1053 : i32
      %sub3A_1055 = arith.subi %select_n3A_1049, %mul3A_1045 : i32
      %jit3A_1056 = arith.constant 0 : i32
      %jit3A_1057 = arith.constant 8 : i32
      %max3A_1058 = arith.maxsi %jit3A_1056, %sub3A_1055 : i32
      %min3A_1059 = arith.minsi %jit3A_1057, %max3A_1058 : i32
      %eq3A_1060 = arith.constant 0 : i32
      %eq3A_1061 = arith.cmpi eq, %min3A_1054, %eq3A_1060 : i32
      %eq3A_1062 = arith.constant 8 : i32
      %eq3A_1063 = arith.cmpi eq, %min3A_1059, %eq3A_1062 : i32
      %and3A_1064 = arith.andi %eq3A_1061, %eq3A_1063 : i1
      %not3A_1065 = arith.constant true
      %not3A_1066 = arith.xori %and3A_1064, %not3A_1065 : i1
      %mul3A_1067 = arith.constant 8 : i32
      %mul3A_1068 = arith.muli %add3A_1020, %mul3A_1067 : i32
      %add3A_1069 = arith.addi %mul3A_2, %mul3A_1068 : i32
      %convert_element_type3A_1070 = arith.extui %not3A_1066 : i1 to i32
      %cond3A_1071 = arith.constant 0 : i32
      %cond3A_1072 = arith.cmpi ne, %convert_element_type3A_1070, %cond3A_1071 : i32
      scf.if %cond3A_1072 {
        %dma_wait3A_1140 = arith.constant 4 : i32
        %dma_wait3A_1141 = arith.constant 0 : i32
        %dma_wait3A_1142 = arith.constant 0 : i32
        %dma_wait3A_1143 = tpu.memref_slice %arg6[%dma_wait3A_1140, %dma_wait3A_1141, %dma_wait3A_1142] : memref<5x8x2048xf32, #tpu.memory_space<vmem>> -> memref<1x8x2048xf32, #tpu.memory_space<vmem>>
        %dma_wait3A_1144 = tpu.memref_squeeze %dma_wait3A_1143 : memref<1x8x2048xf32, #tpu.memory_space<vmem>> -> memref<8x2048xf32, #tpu.memory_space<vmem>>
        %dma_wait3A_1145 = arith.constant 0 : i32
        %dma_wait3A_1146 = arith.constant 0 : i32
        %dma_wait3A_1147 = tpu.memref_slice %arg2[%dma_wait3A_1145, %dma_wait3A_1146] : memref<16384x2048xf32, #tpu.memory_space<hbm>> -> memref<8x2048xf32, #tpu.memory_space<hbm>>
        %dma_wait3A_1148 = arith.constant 0 : i32
        %dma_wait3A_1149 = arith.constant 0 : i32
        %dma_wait3A_1150 = tpu.memref_slice %arg6[%dma_wait3A_1140, %dma_wait3A_1148, %dma_wait3A_1149] : memref<5x8x2048xf32, #tpu.memory_space<vmem>> -> memref<1x8x2048xf32, #tpu.memory_space<vmem>>
        %dma_wait3A_1151 = tpu.memref_squeeze %dma_wait3A_1150 : memref<1x8x2048xf32, #tpu.memory_space<vmem>> -> memref<8x2048xf32, #tpu.memory_space<vmem>>
        %dma_wait3A_1152 = arith.constant 0 : i32
        %dma_wait3A_1153 = arith.constant 0 : i32
        %dma_wait3A_1154 = tpu.memref_slice %arg2[%dma_wait3A_1152, %dma_wait3A_1153] : memref<16384x2048xf32, #tpu.memory_space<hbm>> -> memref<8x2048xf32, #tpu.memory_space<hbm>>
        tpu.wait_dma2 semaphore(%arg7 : memref<!tpu.dma_semaphore, #tpu.memory_space<semaphore_mem>>) src(%dma_wait3A_1154 : memref<8x2048xf32, #tpu.memory_space<hbm>>) dst(%dma_wait3A_1151 : memref<8x2048xf32, #tpu.memory_space<vmem>>)
      } else {
      }
      %jit3A_1073 = arith.constant 32 : i32
      %eq3A_1074 = arith.constant 0 : i32
      %eq3A_1075 = arith.cmpi eq, %jit3A_1073, %eq3A_1074 : i32
      %jit3A_1076 = arith.constant 1 : i32
      %select_n3A_1077 = arith.select %eq3A_1075, %jit3A_1076, %jit3A_1073 : i32
      %rem3A_1078 = arith.remsi %add3A_1020, %select_n3A_1077 : i32
      %ne3A_1079 = arith.constant 0 : i32
      %ne3A_1080 = arith.cmpi ne, %rem3A_1078, %ne3A_1079 : i32
      %lt3A_1081 = arith.constant 0 : i32
      %lt3A_1082 = arith.cmpi slt, %rem3A_1078, %lt3A_1081 : i32
      %lt3A_1083 = arith.constant 0 : i32
      %lt3A_1084 = arith.cmpi slt, %select_n3A_1077, %lt3A_1083 : i32
      %ne3A_1085 = arith.xori %lt3A_1082, %lt3A_1084 : i1
      %and3A_1086 = arith.andi %ne3A_1085, %ne3A_1080 : i1
      %add3A_1087 = arith.addi %rem3A_1078, %select_n3A_1077 : i32
      %select_n3A_1088 = arith.select %and3A_1086, %add3A_1087, %rem3A_1078 : i32
      %mul3A_1089 = arith.constant 8 : i32
      %mul3A_1090 = arith.muli %select_n3A_1088, %mul3A_1089 : i32
      %ge3A_1091 = arith.constant 32 : i32
      %ge3A_1092 = arith.cmpi sge, %add3A_1020, %ge3A_1091 : i32
      %select_n3A_1093 = arith.select %ge3A_1092, %squeeze3A_10, %squeeze3A : i32
      %select_n3A_1094 = arith.select %ge3A_1092, %squeeze3A_12, %squeeze3A_8 : i32
      %sub3A_1095 = arith.subi %select_n3A_1093, %mul3A_1090 : i32
      %jit3A_1096 = arith.constant 0 : i32
      %jit3A_1097 = arith.constant 8 : i32
      %max3A_1098 = arith.maxsi %jit3A_1096, %sub3A_1095 : i32
      %min3A_1099 = arith.minsi %jit3A_1097, %max3A_1098 : i32
      %sub3A_1100 = arith.subi %select_n3A_1094, %mul3A_1090 : i32
      %jit3A_1101 = arith.constant 0 : i32
      %jit3A_1102 = arith.constant 8 : i32
      %max3A_1103 = arith.maxsi %jit3A_1101, %sub3A_1100 : i32
      %min3A_1104 = arith.minsi %jit3A_1102, %max3A_1103 : i32
      %eq3A_1105 = arith.constant 0 : i32
      %eq3A_1106 = arith.cmpi eq, %min3A_1099, %eq3A_1105 : i32
      %eq3A_1107 = arith.constant 8 : i32
      %eq3A_1108 = arith.cmpi eq, %min3A_1104, %eq3A_1107 : i32
      %and3A_1109 = arith.andi %eq3A_1106, %eq3A_1108 : i1
      %not3A_1110 = arith.constant true
      %not3A_1111 = arith.xori %and3A_1109, %not3A_1110 : i1
      %mul3A_1112 = arith.constant 8 : i32
      %mul3A_1113 = arith.muli %add3A_1020, %mul3A_1112 : i32
      %add3A_1114 = arith.addi %mul3A_2, %mul3A_1113 : i32
      %while3A_1115 = arith.constant 0 : i32
      %while3A_1116 = arith.subi %min3A_1104, %min3A_1099 : i32
      %while3A_1117 = arith.addi %min3A_1099, %while3A_1116 : i32
      %while3A_1118 = arith.constant 1 : i32
      %while3A_1119 = arith.divsi %while3A_1116, %while3A_1118 : i32
      %while3A_1120 = arith.muli %while3A_1119, %while3A_1118 : i32
      %while3A_1121 = arith.addi %min3A_1099, %while3A_1120 : i32
      %while3A_1122 = arith.constant 1 : i32
      %while3A_1123 = scf.for %while3A_1140 = %min3A_1099 to %while3A_1121 step %while3A_1122 iter_args(%while3A_1141 = %while3A_1115) -> (i32)  : i32 {
        %scan3A_1142 = arith.constant 0 : i32
        %scan3A_1143 = arith.constant 0 : i32
        %scan3A_1144 = arith.constant 128 : i32
        %scan3A_1145 = arith.addi %scan3A_1143, %scan3A_1144 : i32
        %scan3A_1146 = arith.constant 8 : i32
        %scan3A_1147 = scf.for %scan3A_1150 = %scan3A_1143 to %scan3A_1145 step %scan3A_1146 iter_args(%scan3A_1151 = %scan3A_1142) -> (i32)  : i32 {
          %broadcast_in_dim3A = arith.constant -8.000000e+01 : f32
          %broadcast_in_dim3A_1152 = vector.broadcast %broadcast_in_dim3A : f32 to vector<16xf32>
          %mul3A_1153 = arith.constant 16 : i32
          %mul3A_1154 = arith.muli %scan3A_1150, %mul3A_1153 : i32
          %swap3A = arith.constant 4 : i32
          %swap3A_1155 = arith.index_cast %swap3A : i32 to index
          %swap3A_1156 = arith.index_cast %while3A_1140 : i32 to index
          %swap3A_1157 = arith.index_cast %mul3A_1154 : i32 to index
          %swap3A_1158 = tpu.vector_load %arg6[%swap3A_1155, %swap3A_1156, %swap3A_1157] {strides = array<i32>} : memref<5x8x2048xf32, #tpu.memory_space<vmem>>, vector<1x1x16xf32>,
          %swap3A_1159 = vector.shape_cast %swap3A_1158 : vector<1x1x16xf32> to vector<16xf32>
          %swap3A_1160 = vector.shape_cast %broadcast_in_dim3A_1152 : vector<16xf32> to vector<1x1x16xf32>
          tpu.vector_store %arg6[%swap3A_1155, %swap3A_1156, %swap3A_1157], %swap3A_1160 {strides = array<i32>} : memref<5x8x2048xf32, #tpu.memory_space<vmem>>, vector<1x1x16xf32>,
          %scan3A_1161 = arith.constant 0 : i32
          %scan3A_1162 = arith.constant 1 : i32
          %scan3A_1163 = arith.addi %scan3A_1150, %scan3A_1162 : i32
          %broadcast_in_dim3A_1164 = arith.constant -8.000000e+01 : f32
          %broadcast_in_dim3A_1165 = vector.broadcast %broadcast_in_dim3A_1164 : f32 to vector<16xf32>
          %mul3A_1166 = arith.constant 16 : i32
          %mul3A_1167 = arith.muli %scan3A_1163, %mul3A_1166 : i32
          %swap3A_1168 = arith.constant 4 : i32
          %swap3A_1169 = arith.index_cast %swap3A_1168 : i32 to index
          %swap3A_1170 = arith.index_cast %while3A_1140 : i32 to index
          %swap3A_1171 = arith.index_cast %mul3A_1167 : i32 to index
          %swap3A_1172 = tpu.vector_load %arg6[%swap3A_1169, %swap3A_1170, %swap3A_1171] {strides = array<i32>} : memref<5x8x2048xf32, #tpu.memory_space<vmem>>, vector<1x1x16xf32>,
          %swap3A_1173 = vector.shape_cast %swap3A_1172 : vector<1x1x16xf32> to vector<16xf32>
          %swap3A_1174 = vector.shape_cast %broadcast_in_dim3A_1165 : vector<16xf32> to vector<1x1x16xf32>
          tpu.vector_store %arg6[%swap3A_1169, %swap3A_1170, %swap3A_1171], %swap3A_1174 {strides = array<i32>} : memref<5x8x2048xf32, #tpu.memory_space<vmem>>, vector<1x1x16xf32>,
          %scan3A_1175 = arith.constant 0 : i32
          %scan3A_1176 = arith.constant 2 : i32
          %scan3A_1177 = arith.addi %scan3A_1150, %scan3A_1176 : i32
          %broadcast_in_dim3A_1178 = arith.constant -8.000000e+01 : f32
          %broadcast_in_dim3A_1179 = vector.broadcast %broadcast_in_dim3A_1178 : f32 to vector<16xf32>
          %mul3A_1180 = arith.constant 16 : i32
          %mul3A_1181 = arith.muli %scan3A_1177, %mul3A_1180 : i32
          %swap3A_1182 = arith.constant 4 : i32
          %swap3A_1183 = arith.index_cast %swap3A_1182 : i32 to index
          %swap3A_1184 = arith.index_cast %while3A_1140 : i32 to index
          %swap3A_1185 = arith.index_cast %mul3A_1181 : i32 to index
          %swap3A_1186 = tpu.vector_load %arg6[%swap3A_1183, %swap3A_1184, %swap3A_1185] {strides = array<i32>} : memref<5x8x2048xf32, #tpu.memory_space<vmem>>, vector<1x1x16xf32>,
          %swap3A_1187 = vector.shape_cast %swap3A_1186 : vector<1x1x16xf32> to vector<16xf32>
          %swap3A_1188 = vector.shape_cast %broadcast_in_dim3A_1179 : vector<16xf32> to vector<1x1x16xf32>
          tpu.vector_store %arg6[%swap3A_1183, %swap3A_1184, %swap3A_1185], %swap3A_1188 {strides = array<i32>} : memref<5x8x2048xf32, #tpu.memory_space<vmem>>, vector<1x1x16xf32>,
          %scan3A_1189 = arith.constant 0 : i32
          %scan3A_1190 = arith.constant 3 : i32
          %scan3A_1191 = arith.addi %scan3A_1150, %scan3A_1190 : i32
          %broadcast_in_dim3A_1192 = arith.constant -8.000000e+01 : f32
          %broadcast_in_dim3A_1193 = vector.broadcast %broadcast_in_dim3A_1192 : f32 to vector<16xf32>
          %mul3A_1194 = arith.constant 16 : i32
          %mul3A_1195 = arith.muli %scan3A_1191, %mul3A_1194 : i32
          %swap3A_1196 = arith.constant 4 : i32
          %swap3A_1197 = arith.index_cast %swap3A_1196 : i32 to index
          %swap3A_1198 = arith.index_cast %while3A_1140 : i32 to index
          %swap3A_1199 = arith.index_cast %mul3A_1195 : i32 to index
          %swap3A_1200 = tpu.vector_load %arg6[%swap3A_1197, %swap3A_1198, %swap3A_1199] {strides = array<i32>} : memref<5x8x2048xf32, #tpu.memory_space<vmem>>, vector<1x1x16xf32>,
          %swap3A_1201 = vector.shape_cast %swap3A_1200 : vector<1x1x16xf32> to vector<16xf32>
          %swap3A_1202 = vector.shape_cast %broadcast_in_dim3A_1193 : vector<16xf32> to vector<1x1x16xf32>
          tpu.vector_store %arg6[%swap3A_1197, %swap3A_1198, %swap3A_1199], %swap3A_1202 {strides = array<i32>} : memref<5x8x2048xf32, #tpu.memory_space<vmem>>, vector<1x1x16xf32>,
          %scan3A_1203 = arith.constant 0 : i32
          %scan3A_1204 = arith.constant 4 : i32
          %scan3A_1205 = arith.addi %scan3A_1150, %scan3A_1204 : i32
          %broadcast_in_dim3A_1206 = arith.constant -8.000000e+01 : f32
          %broadcast_in_dim3A_1207 = vector.broadcast %broadcast_in_dim3A_1206 : f32 to vector<16xf32>
          %mul3A_1208 = arith.constant 16 : i32
          %mul3A_1209 = arith.muli %scan3A_1205, %mul3A_1208 : i32
          %swap3A_1210 = arith.constant 4 : i32
          %swap3A_1211 = arith.index_cast %swap3A_1210 : i32 to index
          %swap3A_1212 = arith.index_cast %while3A_1140 : i32 to index
          %swap3A_1213 = arith.index_cast %mul3A_1209 : i32 to index
          %swap3A_1214 = tpu.vector_load %arg6[%swap3A_1211, %swap3A_1212, %swap3A_1213] {strides = array<i32>} : memref<5x8x2048xf32, #tpu.memory_space<vmem>>, vector<1x1x16xf32>,
          %swap3A_1215 = vector.shape_cast %swap3A_1214 : vector<1x1x16xf32> to vector<16xf32>
          %swap3A_1216 = vector.shape_cast %broadcast_in_dim3A_1207 : vector<16xf32> to vector<1x1x16xf32>
          tpu.vector_store %arg6[%swap3A_1211, %swap3A_1212, %swap3A_1213], %swap3A_1216 {strides = array<i32>} : memref<5x8x2048xf32, #tpu.memory_space<vmem>>, vector<1x1x16xf32>,
          %scan3A_1217 = arith.constant 0 : i32
          %scan3A_1218 = arith.constant 5 : i32
          %scan3A_1219 = arith.addi %scan3A_1150, %scan3A_1218 : i32
          %broadcast_in_dim3A_1220 = arith.constant -8.000000e+01 : f32
          %broadcast_in_dim3A_1221 = vector.broadcast %broadcast_in_dim3A_1220 : f32 to vector<16xf32>
          %mul3A_1222 = arith.constant 16 : i32
          %mul3A_1223 = arith.muli %scan3A_1219, %mul3A_1222 : i32
          %swap3A_1224 = arith.constant 4 : i32
          %swap3A_1225 = arith.index_cast %swap3A_1224 : i32 to index
          %swap3A_1226 = arith.index_cast %while3A_1140 : i32 to index
          %swap3A_1227 = arith.index_cast %mul3A_1223 : i32 to index
          %swap3A_1228 = tpu.vector_load %arg6[%swap3A_1225, %swap3A_1226, %swap3A_1227] {strides = array<i32>} : memref<5x8x2048xf32, #tpu.memory_space<vmem>>, vector<1x1x16xf32>,
          %swap3A_1229 = vector.shape_cast %swap3A_1228 : vector<1x1x16xf32> to vector<16xf32>
          %swap3A_1230 = vector.shape_cast %broadcast_in_dim3A_1221 : vector<16xf32> to vector<1x1x16xf32>
          tpu.vector_store %arg6[%swap3A_1225, %swap3A_1226, %swap3A_1227], %swap3A_1230 {strides = array<i32>} : memref<5x8x2048xf32, #tpu.memory_space<vmem>>, vector<1x1x16xf32>,
          %scan3A_1231 = arith.constant 0 : i32
          %scan3A_1232 = arith.constant 6 : i32
          %scan3A_1233 = arith.addi %scan3A_1150, %scan3A_1232 : i32
          %broadcast_in_dim3A_1234 = arith.constant -8.000000e+01 : f32
          %broadcast_in_dim3A_1235 = vector.broadcast %broadcast_in_dim3A_1234 : f32 to vector<16xf32>
          %mul3A_1236 = arith.constant 16 : i32
          %mul3A_1237 = arith.muli %scan3A_1233, %mul3A_1236 : i32
          %swap3A_1238 = arith.constant 4 : i32
          %swap3A_1239 = arith.index_cast %swap3A_1238 : i32 to index
          %swap3A_1240 = arith.index_cast %while3A_1140 : i32 to index
          %swap3A_1241 = arith.index_cast %mul3A_1237 : i32 to index
          %swap3A_1242 = tpu.vector_load %arg6[%swap3A_1239, %swap3A_1240, %swap3A_1241] {strides = array<i32>} : memref<5x8x2048xf32, #tpu.memory_space<vmem>>, vector<1x1x16xf32>,
          %swap3A_1243 = vector.shape_cast %swap3A_1242 : vector<1x1x16xf32> to vector<16xf32>
          %swap3A_1244 = vector.shape_cast %broadcast_in_dim3A_1235 : vector<16xf32> to vector<1x1x16xf32>
          tpu.vector_store %arg6[%swap3A_1239, %swap3A_1240, %swap3A_1241], %swap3A_1244 {strides = array<i32>} : memref<5x8x2048xf32, #tpu.memory_space<vmem>>, vector<1x1x16xf32>,
          %scan3A_1245 = arith.constant 0 : i32
          %scan3A_1246 = arith.constant 7 : i32
          %scan3A_1247 = arith.addi %scan3A_1150, %scan3A_1246 : i32
          %broadcast_in_dim3A_1248 = arith.constant -8.000000e+01 : f32
          %broadcast_in_dim3A_1249 = vector.broadcast %broadcast_in_dim3A_1248 : f32 to vector<16xf32>
          %mul3A_1250 = arith.constant 16 : i32
          %mul3A_1251 = arith.muli %scan3A_1247, %mul3A_1250 : i32
          %swap3A_1252 = arith.constant 4 : i32
          %swap3A_1253 = arith.index_cast %swap3A_1252 : i32 to index
          %swap3A_1254 = arith.index_cast %while3A_1140 : i32 to index
          %swap3A_1255 = arith.index_cast %mul3A_1251 : i32 to index
          %swap3A_1256 = tpu.vector_load %arg6[%swap3A_1253, %swap3A_1254, %swap3A_1255] {strides = array<i32>} : memref<5x8x2048xf32, #tpu.memory_space<vmem>>, vector<1x1x16xf32>,
          %swap3A_1257 = vector.shape_cast %swap3A_1256 : vector<1x1x16xf32> to vector<16xf32>
          %swap3A_1258 = vector.shape_cast %broadcast_in_dim3A_1249 : vector<16xf32> to vector<1x1x16xf32>
          tpu.vector_store %arg6[%swap3A_1253, %swap3A_1254, %swap3A_1255], %swap3A_1258 {strides = array<i32>} : memref<5x8x2048xf32, #tpu.memory_space<vmem>>, vector<1x1x16xf32>,
          %scan3A_1259 = arith.constant 0 : i32
          scf.yield %scan3A_1259 : i32
        }
        %scan3A_1148 = arith.constant 128 : i32
        %while3A_1149 = arith.constant 0 : i32
        scf.yield %while3A_1149 : i32
      }
      %while3A_1124 = arith.constant 1 : i32
      %while3A_1125 = scf.for %while3A_1140 = %while3A_1121 to %while3A_1117 step %while3A_1124 iter_args(%while3A_1141 = %while3A_1123) -> (i32)  : i32 {
        %scan3A_1142 = arith.constant 0 : i32
        %scan3A_1143 = arith.constant 0 : i32
        %scan3A_1144 = arith.constant 128 : i32
        %scan3A_1145 = arith.addi %scan3A_1143, %scan3A_1144 : i32
        %scan3A_1146 = arith.constant 8 : i32
        %scan3A_1147 = scf.for %scan3A_1150 = %scan3A_1143 to %scan3A_1145 step %scan3A_1146 iter_args(%scan3A_1151 = %scan3A_1142) -> (i32)  : i32 {
          %broadcast_in_dim3A = arith.constant -8.000000e+01 : f32
          %broadcast_in_dim3A_1152 = vector.broadcast %broadcast_in_dim3A : f32 to vector<16xf32>
          %mul3A_1153 = arith.constant 16 : i32
          %mul3A_1154 = arith.muli %scan3A_1150, %mul3A_1153 : i32
          %swap3A = arith.constant 4 : i32
          %swap3A_1155 = arith.index_cast %swap3A : i32 to index
          %swap3A_1156 = arith.index_cast %while3A_1140 : i32 to index
          %swap3A_1157 = arith.index_cast %mul3A_1154 : i32 to index
          %swap3A_1158 = tpu.vector_load %arg6[%swap3A_1155, %swap3A_1156, %swap3A_1157] {strides = array<i32>} : memref<5x8x2048xf32, #tpu.memory_space<vmem>>, vector<1x1x16xf32>,
          %swap3A_1159 = vector.shape_cast %swap3A_1158 : vector<1x1x16xf32> to vector<16xf32>
          %swap3A_1160 = vector.shape_cast %broadcast_in_dim3A_1152 : vector<16xf32> to vector<1x1x16xf32>
          tpu.vector_store %arg6[%swap3A_1155, %swap3A_1156, %swap3A_1157], %swap3A_1160 {strides = array<i32>} : memref<5x8x2048xf32, #tpu.memory_space<vmem>>, vector<1x1x16xf32>,
          %scan3A_1161 = arith.constant 0 : i32
          %scan3A_1162 = arith.constant 1 : i32
          %scan3A_1163 = arith.addi %scan3A_1150, %scan3A_1162 : i32
          %broadcast_in_dim3A_1164 = arith.constant -8.000000e+01 : f32
          %broadcast_in_dim3A_1165 = vector.broadcast %broadcast_in_dim3A_1164 : f32 to vector<16xf32>
          %mul3A_1166 = arith.constant 16 : i32
          %mul3A_1167 = arith.muli %scan3A_1163, %mul3A_1166 : i32
          %swap3A_1168 = arith.constant 4 : i32
          %swap3A_1169 = arith.index_cast %swap3A_1168 : i32 to index
          %swap3A_1170 = arith.index_cast %while3A_1140 : i32 to index
          %swap3A_1171 = arith.index_cast %mul3A_1167 : i32 to index
          %swap3A_1172 = tpu.vector_load %arg6[%swap3A_1169, %swap3A_1170, %swap3A_1171] {strides = array<i32>} : memref<5x8x2048xf32, #tpu.memory_space<vmem>>, vector<1x1x16xf32>,
          %swap3A_1173 = vector.shape_cast %swap3A_1172 : vector<1x1x16xf32> to vector<16xf32>
          %swap3A_1174 = vector.shape_cast %broadcast_in_dim3A_1165 : vector<16xf32> to vector<1x1x16xf32>
          tpu.vector_store %arg6[%swap3A_1169, %swap3A_1170, %swap3A_1171], %swap3A_1174 {strides = array<i32>} : memref<5x8x2048xf32, #tpu.memory_space<vmem>>, vector<1x1x16xf32>,
          %scan3A_1175 = arith.constant 0 : i32
          %scan3A_1176 = arith.constant 2 : i32
          %scan3A_1177 = arith.addi %scan3A_1150, %scan3A_1176 : i32
          %broadcast_in_dim3A_1178 = arith.constant -8.000000e+01 : f32
          %broadcast_in_dim3A_1179 = vector.broadcast %broadcast_in_dim3A_1178 : f32 to vector<16xf32>
          %mul3A_1180 = arith.constant 16 : i32
          %mul3A_1181 = arith.muli %scan3A_1177, %mul3A_1180 : i32
          %swap3A_1182 = arith.constant 4 : i32
          %swap3A_1183 = arith.index_cast %swap3A_1182 : i32 to index
          %swap3A_1184 = arith.index_cast %while3A_1140 : i32 to index
          %swap3A_1185 = arith.index_cast %mul3A_1181 : i32 to index
          %swap3A_1186 = tpu.vector_load %arg6[%swap3A_1183, %swap3A_1184, %swap3A_1185] {strides = array<i32>} : memref<5x8x2048xf32, #tpu.memory_space<vmem>>, vector<1x1x16xf32>,
          %swap3A_1187 = vector.shape_cast %swap3A_1186 : vector<1x1x16xf32> to vector<16xf32>
          %swap3A_1188 = vector.shape_cast %broadcast_in_dim3A_1179 : vector<16xf32> to vector<1x1x16xf32>
          tpu.vector_store %arg6[%swap3A_1183, %swap3A_1184, %swap3A_1185], %swap3A_1188 {strides = array<i32>} : memref<5x8x2048xf32, #tpu.memory_space<vmem>>, vector<1x1x16xf32>,
          %scan3A_1189 = arith.constant 0 : i32
          %scan3A_1190 = arith.constant 3 : i32
          %scan3A_1191 = arith.addi %scan3A_1150, %scan3A_1190 : i32
          %broadcast_in_dim3A_1192 = arith.constant -8.000000e+01 : f32
          %broadcast_in_dim3A_1193 = vector.broadcast %broadcast_in_dim3A_1192 : f32 to vector<16xf32>
          %mul3A_1194 = arith.constant 16 : i32
          %mul3A_1195 = arith.muli %scan3A_1191, %mul3A_1194 : i32
          %swap3A_1196 = arith.constant 4 : i32
          %swap3A_1197 = arith.index_cast %swap3A_1196 : i32 to index
          %swap3A_1198 = arith.index_cast %while3A_1140 : i32 to index
          %swap3A_1199 = arith.index_cast %mul3A_1195 : i32 to index
          %swap3A_1200 = tpu.vector_load %arg6[%swap3A_1197, %swap3A_1198, %swap3A_1199] {strides = array<i32>} : memref<5x8x2048xf32, #tpu.memory_space<vmem>>, vector<1x1x16xf32>,
          %swap3A_1201 = vector.shape_cast %swap3A_1200 : vector<1x1x16xf32> to vector<16xf32>
          %swap3A_1202 = vector.shape_cast %broadcast_in_dim3A_1193 : vector<16xf32> to vector<1x1x16xf32>
          tpu.vector_store %arg6[%swap3A_1197, %swap3A_1198, %swap3A_1199], %swap3A_1202 {strides = array<i32>} : memref<5x8x2048xf32, #tpu.memory_space<vmem>>, vector<1x1x16xf32>,
          %scan3A_1203 = arith.constant 0 : i32
          %scan3A_1204 = arith.constant 4 : i32
          %scan3A_1205 = arith.addi %scan3A_1150, %scan3A_1204 : i32
          %broadcast_in_dim3A_1206 = arith.constant -8.000000e+01 : f32
          %broadcast_in_dim3A_1207 = vector.broadcast %broadcast_in_dim3A_1206 : f32 to vector<16xf32>
          %mul3A_1208 = arith.constant 16 : i32
          %mul3A_1209 = arith.muli %scan3A_1205, %mul3A_1208 : i32
          %swap3A_1210 = arith.constant 4 : i32
          %swap3A_1211 = arith.index_cast %swap3A_1210 : i32 to index
          %swap3A_1212 = arith.index_cast %while3A_1140 : i32 to index
          %swap3A_1213 = arith.index_cast %mul3A_1209 : i32 to index
          %swap3A_1214 = tpu.vector_load %arg6[%swap3A_1211, %swap3A_1212, %swap3A_1213] {strides = array<i32>} : memref<5x8x2048xf32, #tpu.memory_space<vmem>>, vector<1x1x16xf32>,
          %swap3A_1215 = vector.shape_cast %swap3A_1214 : vector<1x1x16xf32> to vector<16xf32>
          %swap3A_1216 = vector.shape_cast %broadcast_in_dim3A_1207 : vector<16xf32> to vector<1x1x16xf32>
          tpu.vector_store %arg6[%swap3A_1211, %swap3A_1212, %swap3A_1213], %swap3A_1216 {strides = array<i32>} : memref<5x8x2048xf32, #tpu.memory_space<vmem>>, vector<1x1x16xf32>,
          %scan3A_1217 = arith.constant 0 : i32
          %scan3A_1218 = arith.constant 5 : i32
          %scan3A_1219 = arith.addi %scan3A_1150, %scan3A_1218 : i32
          %broadcast_in_dim3A_1220 = arith.constant -8.000000e+01 : f32
          %broadcast_in_dim3A_1221 = vector.broadcast %broadcast_in_dim3A_1220 : f32 to vector<16xf32>
          %mul3A_1222 = arith.constant 16 : i32
          %mul3A_1223 = arith.muli %scan3A_1219, %mul3A_1222 : i32
          %swap3A_1224 = arith.constant 4 : i32
          %swap3A_1225 = arith.index_cast %swap3A_1224 : i32 to index
          %swap3A_1226 = arith.index_cast %while3A_1140 : i32 to index
          %swap3A_1227 = arith.index_cast %mul3A_1223 : i32 to index
          %swap3A_1228 = tpu.vector_load %arg6[%swap3A_1225, %swap3A_1226, %swap3A_1227] {strides = array<i32>} : memref<5x8x2048xf32, #tpu.memory_space<vmem>>, vector<1x1x16xf32>,
          %swap3A_1229 = vector.shape_cast %swap3A_1228 : vector<1x1x16xf32> to vector<16xf32>
          %swap3A_1230 = vector.shape_cast %broadcast_in_dim3A_1221 : vector<16xf32> to vector<1x1x16xf32>
          tpu.vector_store %arg6[%swap3A_1225, %swap3A_1226, %swap3A_1227], %swap3A_1230 {strides = array<i32>} : memref<5x8x2048xf32, #tpu.memory_space<vmem>>, vector<1x1x16xf32>,
          %scan3A_1231 = arith.constant 0 : i32
          %scan3A_1232 = arith.constant 6 : i32
          %scan3A_1233 = arith.addi %scan3A_1150, %scan3A_1232 : i32
          %broadcast_in_dim3A_1234 = arith.constant -8.000000e+01 : f32
          %broadcast_in_dim3A_1235 = vector.broadcast %broadcast_in_dim3A_1234 : f32 to vector<16xf32>
          %mul3A_1236 = arith.constant 16 : i32
          %mul3A_1237 = arith.muli %scan3A_1233, %mul3A_1236 : i32
          %swap3A_1238 = arith.constant 4 : i32
          %swap3A_1239 = arith.index_cast %swap3A_1238 : i32 to index
          %swap3A_1240 = arith.index_cast %while3A_1140 : i32 to index
          %swap3A_1241 = arith.index_cast %mul3A_1237 : i32 to index
          %swap3A_1242 = tpu.vector_load %arg6[%swap3A_1239, %swap3A_1240, %swap3A_1241] {strides = array<i32>} : memref<5x8x2048xf32, #tpu.memory_space<vmem>>, vector<1x1x16xf32>,
          %swap3A_1243 = vector.shape_cast %swap3A_1242 : vector<1x1x16xf32> to vector<16xf32>
          %swap3A_1244 = vector.shape_cast %broadcast_in_dim3A_1235 : vector<16xf32> to vector<1x1x16xf32>
          tpu.vector_store %arg6[%swap3A_1239, %swap3A_1240, %swap3A_1241], %swap3A_1244 {strides = array<i32>} : memref<5x8x2048xf32, #tpu.memory_space<vmem>>, vector<1x1x16xf32>,
          %scan3A_1245 = arith.constant 0 : i32
          %scan3A_1246 = arith.constant 7 : i32
          %scan3A_1247 = arith.addi %scan3A_1150, %scan3A_1246 : i32
          %broadcast_in_dim3A_1248 = arith.constant -8.000000e+01 : f32
          %broadcast_in_dim3A_1249 = vector.broadcast %broadcast_in_dim3A_1248 : f32 to vector<16xf32>
          %mul3A_1250 = arith.constant 16 : i32
          %mul3A_1251 = arith.muli %scan3A_1247, %mul3A_1250 : i32
          %swap3A_1252 = arith.constant 4 : i32
          %swap3A_1253 = arith.index_cast %swap3A_1252 : i32 to index
          %swap3A_1254 = arith.index_cast %while3A_1140 : i32 to index
          %swap3A_1255 = arith.index_cast %mul3A_1251 : i32 to index
          %swap3A_1256 = tpu.vector_load %arg6[%swap3A_1253, %swap3A_1254, %swap3A_1255] {strides = array<i32>} : memref<5x8x2048xf32, #tpu.memory_space<vmem>>, vector<1x1x16xf32>,
          %swap3A_1257 = vector.shape_cast %swap3A_1256 : vector<1x1x16xf32> to vector<16xf32>
          %swap3A_1258 = vector.shape_cast %broadcast_in_dim3A_1249 : vector<16xf32> to vector<1x1x16xf32>
          tpu.vector_store %arg6[%swap3A_1253, %swap3A_1254, %swap3A_1255], %swap3A_1258 {strides = array<i32>} : memref<5x8x2048xf32, #tpu.memory_space<vmem>>, vector<1x1x16xf32>,
          %scan3A_1259 = arith.constant 0 : i32
          scf.yield %scan3A_1259 : i32
        }
        %scan3A_1148 = arith.constant 128 : i32
        %while3A_1149 = arith.constant 0 : i32
        scf.yield %while3A_1149 : i32
      }
      %dma_start3A_1126 = arith.constant 4 : i32
      %dma_start3A_1127 = arith.constant 0 : i32
      %dma_start3A_1128 = arith.constant 0 : i32
      %dma_start3A_1129 = tpu.memref_slice %arg6[%dma_start3A_1126, %dma_start3A_1127, %dma_start3A_1128] : memref<5x8x2048xf32, #tpu.memory_space<vmem>> -> memref<1x8x2048xf32, #tpu.memory_space<vmem>>
      %dma_start3A_1130 = tpu.memref_squeeze %dma_start3A_1129 : memref<1x8x2048xf32, #tpu.memory_space<vmem>> -> memref<8x2048xf32, #tpu.memory_space<vmem>>
      %dma_start3A_1131 = arith.constant 0 : i32
      %dma_start3A_1132 = tpu.memref_slice %arg4[%add3A_1114, %dma_start3A_1131] : memref<16384x2048xf32, #tpu.memory_space<hbm>> -> memref<8x2048xf32, #tpu.memory_space<hbm>>
      %dma_start3A_1133 = arith.constant 0 : i32
      %dma_start3A_1134 = tpu.memref_slice %arg4[%add3A_1114, %dma_start3A_1133] : memref<16384x2048xf32, #tpu.memory_space<hbm>> -> memref<8x2048xf32, #tpu.memory_space<hbm>>
      %dma_start3A_1135 = arith.constant 0 : i32
      %dma_start3A_1136 = arith.constant 0 : i32
      %dma_start3A_1137 = tpu.memref_slice %arg6[%dma_start3A_1126, %dma_start3A_1135, %dma_start3A_1136] : memref<5x8x2048xf32, #tpu.memory_space<vmem>> -> memref<1x8x2048xf32, #tpu.memory_space<vmem>>
      %dma_start3A_1138 = tpu.memref_squeeze %dma_start3A_1137 : memref<1x8x2048xf32, #tpu.memory_space<vmem>> -> memref<8x2048xf32, #tpu.memory_space<vmem>>
      tpu.enqueue_dma source(%dma_start3A_1138 : memref<8x2048xf32, #tpu.memory_space<vmem>>) target(%dma_start3A_1134 : memref<8x2048xf32, #tpu.memory_space<hbm>>) target_semaphore(%arg8 : memref<!tpu.dma_semaphore, #tpu.memory_space<semaphore_mem>>)
      %scan3A_1139 = arith.constant 0 : i32
      scf.yield %scan3A_1139 : i32
    }
    %scan3A_64 = arith.constant 12 : i32
    %dma_wait3A = arith.constant 2 : i32
    %dma_wait3A_65 = arith.constant 0 : i32
    %dma_wait3A_66 = arith.constant 0 : i32
    %dma_wait3A_67 = tpu.memref_slice %arg6[%dma_wait3A, %dma_wait3A_65, %dma_wait3A_66] : memref<5x8x2048xf32, #tpu.memory_space<vmem>> -> memref<1x8x2048xf32, #tpu.memory_space<vmem>>
    %dma_wait3A_68 = tpu.memref_squeeze %dma_wait3A_67 : memref<1x8x2048xf32, #tpu.memory_space<vmem>> -> memref<8x2048xf32, #tpu.memory_space<vmem>>
    %dma_wait3A_69 = arith.constant 0 : i32
    %dma_wait3A_70 = arith.constant 0 : i32
    %dma_wait3A_71 = tpu.memref_slice %arg4[%dma_wait3A_69, %dma_wait3A_70] : memref<16384x2048xf32, #tpu.memory_space<hbm>> -> memref<8x2048xf32, #tpu.memory_space<hbm>>
    %dma_wait3A_72 = arith.constant 0 : i32
    %dma_wait3A_73 = arith.constant 0 : i32
    %dma_wait3A_74 = tpu.memref_slice %arg4[%dma_wait3A_72, %dma_wait3A_73] : memref<16384x2048xf32, #tpu.memory_space<hbm>> -> memref<8x2048xf32, #tpu.memory_space<hbm>>
    %dma_wait3A_75 = arith.constant 0 : i32
    %dma_wait3A_76 = arith.constant 0 : i32
    %dma_wait3A_77 = tpu.memref_slice %arg6[%dma_wait3A, %dma_wait3A_75, %dma_wait3A_76] : memref<5x8x2048xf32, #tpu.memory_space<vmem>> -> memref<1x8x2048xf32, #tpu.memory_space<vmem>>
    %dma_wait3A_78 = tpu.memref_squeeze %dma_wait3A_77 : memref<1x8x2048xf32, #tpu.memory_space<vmem>> -> memref<8x2048xf32, #tpu.memory_space<vmem>>
    tpu.wait_dma2 semaphore(%arg8 : memref<!tpu.dma_semaphore, #tpu.memory_space<semaphore_mem>>) src(%dma_wait3A_78 : memref<8x2048xf32, #tpu.memory_space<vmem>>) dst(%dma_wait3A_74 : memref<8x2048xf32, #tpu.memory_space<hbm>>)
    %jit3A_79 = arith.constant true
    %select_n3A_80 = arith.select %jit3A_79, %squeeze3A_10, %squeeze3A : i32
    %jit3A_81 = arith.constant true
    %select_n3A_82 = arith.select %jit3A_81, %squeeze3A_12, %squeeze3A_8 : i32
    %sub3A_83 = arith.constant 240 : i32
    %sub3A_84 = arith.subi %select_n3A_80, %sub3A_83 : i32
    %jit3A_85 = arith.constant 0 : i32
    %jit3A_86 = arith.constant 8 : i32
    %max3A_87 = arith.maxsi %jit3A_85, %sub3A_84 : i32
    %min3A_88 = arith.minsi %jit3A_86, %max3A_87 : i32
    %sub3A_89 = arith.constant 240 : i32
    %sub3A_90 = arith.subi %select_n3A_82, %sub3A_89 : i32
    %jit3A_91 = arith.constant 0 : i32
    %jit3A_92 = arith.constant 8 : i32
    %max3A_93 = arith.maxsi %jit3A_91, %sub3A_90 : i32
    %min3A_94 = arith.minsi %jit3A_92, %max3A_93 : i32
    %eq3A_95 = arith.constant 0 : i32
    %eq3A_96 = arith.cmpi eq, %min3A_88, %eq3A_95 : i32
    %eq3A_97 = arith.constant 8 : i32
    %eq3A_98 = arith.cmpi eq, %min3A_94, %eq3A_97 : i32
    %and3A_99 = arith.andi %eq3A_96, %eq3A_98 : i1
    %not3A_100 = arith.constant true
    %not3A_101 = arith.xori %and3A_99, %not3A_100 : i1
    %add3A_102 = arith.constant 496 : i32
    %add3A_103 = arith.addi %mul3A_2, %add3A_102 : i32
    %convert_element_type3A_104 = arith.extui %not3A_101 : i1 to i32
    %cond3A_105 = arith.constant 0 : i32
    %cond3A_106 = arith.cmpi ne, %convert_element_type3A_104, %cond3A_105 : i32
    scf.if %cond3A_106 {
      %dma_start3A_531 = arith.constant 2 : i32
      %dma_start3A_532 = arith.constant 0 : i32
      %dma_start3A_533 = arith.constant 0 : i32
      %dma_start3A_534 = tpu.memref_slice %arg6[%dma_start3A_531, %dma_start3A_532, %dma_start3A_533] : memref<5x8x2048xf32, #tpu.memory_space<vmem>> -> memref<1x8x2048xf32, #tpu.memory_space<vmem>>
      %dma_start3A_535 = tpu.memref_squeeze %dma_start3A_534 : memref<1x8x2048xf32, #tpu.memory_space<vmem>> -> memref<8x2048xf32, #tpu.memory_space<vmem>>
      %dma_start3A_536 = arith.constant 0 : i32
      %dma_start3A_537 = tpu.memref_slice %arg2[%add3A_103, %dma_start3A_536] : memref<16384x2048xf32, #tpu.memory_space<hbm>> -> memref<8x2048xf32, #tpu.memory_space<hbm>>
      %dma_start3A_538 = arith.constant 0 : i32
      %dma_start3A_539 = arith.constant 0 : i32
      %dma_start3A_540 = tpu.memref_slice %arg6[%dma_start3A_531, %dma_start3A_538, %dma_start3A_539] : memref<5x8x2048xf32, #tpu.memory_space<vmem>> -> memref<1x8x2048xf32, #tpu.memory_space<vmem>>
      %dma_start3A_541 = tpu.memref_squeeze %dma_start3A_540 : memref<1x8x2048xf32, #tpu.memory_space<vmem>> -> memref<8x2048xf32, #tpu.memory_space<vmem>>
      %dma_start3A_542 = arith.constant 0 : i32
      %dma_start3A_543 = tpu.memref_slice %arg2[%add3A_103, %dma_start3A_542] : memref<16384x2048xf32, #tpu.memory_space<hbm>> -> memref<8x2048xf32, #tpu.memory_space<hbm>>
      tpu.enqueue_dma source(%dma_start3A_543 : memref<8x2048xf32, #tpu.memory_space<hbm>>) target(%dma_start3A_541 : memref<8x2048xf32, #tpu.memory_space<vmem>>) target_semaphore(%arg7 : memref<!tpu.dma_semaphore, #tpu.memory_space<semaphore_mem>>)
    } else {
    }
    %jit3A_107 = arith.constant true
    %select_n3A_108 = arith.select %jit3A_107, %squeeze3A_10, %squeeze3A : i32
    %jit3A_109 = arith.constant true
    %select_n3A_110 = arith.select %jit3A_109, %squeeze3A_12, %squeeze3A_8 : i32
    %sub3A_111 = arith.constant 224 : i32
    %sub3A_112 = arith.subi %select_n3A_108, %sub3A_111 : i32
    %jit3A_113 = arith.constant 0 : i32
    %jit3A_114 = arith.constant 8 : i32
    %max3A_115 = arith.maxsi %jit3A_113, %sub3A_112 : i32
    %min3A_116 = arith.minsi %jit3A_114, %max3A_115 : i32
    %sub3A_117 = arith.constant 224 : i32
    %sub3A_118 = arith.subi %select_n3A_110, %sub3A_117 : i32
    %jit3A_119 = arith.constant 0 : i32
    %jit3A_120 = arith.constant 8 : i32
    %max3A_121 = arith.maxsi %jit3A_119, %sub3A_118 : i32
    %min3A_122 = arith.minsi %jit3A_120, %max3A_121 : i32
    %eq3A_123 = arith.constant 0 : i32
    %eq3A_124 = arith.cmpi eq, %min3A_116, %eq3A_123 : i32
    %eq3A_125 = arith.constant 8 : i32
    %eq3A_126 = arith.cmpi eq, %min3A_122, %eq3A_125 : i32
    %and3A_127 = arith.andi %eq3A_124, %eq3A_126 : i1
    %not3A_128 = arith.constant true
    %not3A_129 = arith.xori %and3A_127, %not3A_128 : i1
    %add3A_130 = arith.constant 480 : i32
    %add3A_131 = arith.addi %mul3A_2, %add3A_130 : i32
    %convert_element_type3A_132 = arith.extui %not3A_129 : i1 to i32
    %cond3A_133 = arith.constant 0 : i32
    %cond3A_134 = arith.cmpi ne, %convert_element_type3A_132, %cond3A_133 : i32
    scf.if %cond3A_134 {
      %dma_wait3A_531 = arith.constant 0 : i32
      %dma_wait3A_532 = arith.constant 0 : i32
      %dma_wait3A_533 = arith.constant 0 : i32
      %dma_wait3A_534 = tpu.memref_slice %arg6[%dma_wait3A_531, %dma_wait3A_532, %dma_wait3A_533] : memref<5x8x2048xf32, #tpu.memory_space<vmem>> -> memref<1x8x2048xf32, #tpu.memory_space<vmem>>
      %dma_wait3A_535 = tpu.memref_squeeze %dma_wait3A_534 : memref<1x8x2048xf32, #tpu.memory_space<vmem>> -> memref<8x2048xf32, #tpu.memory_space<vmem>>
      %dma_wait3A_536 = arith.constant 0 : i32
      %dma_wait3A_537 = arith.constant 0 : i32
      %dma_wait3A_538 = tpu.memref_slice %arg2[%dma_wait3A_536, %dma_wait3A_537] : memref<16384x2048xf32, #tpu.memory_space<hbm>> -> memref<8x2048xf32, #tpu.memory_space<hbm>>
      %dma_wait3A_539 = arith.constant 0 : i32
      %dma_wait3A_540 = arith.constant 0 : i32
      %dma_wait3A_541 = tpu.memref_slice %arg6[%dma_wait3A_531, %dma_wait3A_539, %dma_wait3A_540] : memref<5x8x2048xf32, #tpu.memory_space<vmem>> -> memref<1x8x2048xf32, #tpu.memory_space<vmem>>
      %dma_wait3A_542 = tpu.memref_squeeze %dma_wait3A_541 : memref<1x8x2048xf32, #tpu.memory_space<vmem>> -> memref<8x2048xf32, #tpu.memory_space<vmem>>
      %dma_wait3A_543 = arith.constant 0 : i32
      %dma_wait3A_544 = arith.constant 0 : i32
      %dma_wait3A_545 = tpu.memref_slice %arg2[%dma_wait3A_543, %dma_wait3A_544] : memref<16384x2048xf32, #tpu.memory_space<hbm>> -> memref<8x2048xf32, #tpu.memory_space<hbm>>
      tpu.wait_dma2 semaphore(%arg7 : memref<!tpu.dma_semaphore, #tpu.memory_space<semaphore_mem>>) src(%dma_wait3A_545 : memref<8x2048xf32, #tpu.memory_space<hbm>>) dst(%dma_wait3A_542 : memref<8x2048xf32, #tpu.memory_space<vmem>>)
    } else {
    }
    %jit3A_135 = arith.constant true
    %select_n3A_136 = arith.select %jit3A_135, %squeeze3A_10, %squeeze3A : i32
    %jit3A_137 = arith.constant true
    %select_n3A_138 = arith.select %jit3A_137, %squeeze3A_12, %squeeze3A_8 : i32
    %sub3A_139 = arith.constant 224 : i32
    %sub3A_140 = arith.subi %select_n3A_136, %sub3A_139 : i32
    %jit3A_141 = arith.constant 0 : i32
    %jit3A_142 = arith.constant 8 : i32
    %max3A_143 = arith.maxsi %jit3A_141, %sub3A_140 : i32
    %min3A_144 = arith.minsi %jit3A_142, %max3A_143 : i32
    %sub3A_145 = arith.constant 224 : i32
    %sub3A_146 = arith.subi %select_n3A_138, %sub3A_145 : i32
    %jit3A_147 = arith.constant 0 : i32
    %jit3A_148 = arith.constant 8 : i32
    %max3A_149 = arith.maxsi %jit3A_147, %sub3A_146 : i32
    %min3A_150 = arith.minsi %jit3A_148, %max3A_149 : i32
    %eq3A_151 = arith.constant 0 : i32
    %eq3A_152 = arith.cmpi eq, %min3A_144, %eq3A_151 : i32
    %eq3A_153 = arith.constant 8 : i32
    %eq3A_154 = arith.cmpi eq, %min3A_150, %eq3A_153 : i32
    %and3A_155 = arith.andi %eq3A_152, %eq3A_154 : i1
    %not3A_156 = arith.constant true
    %not3A_157 = arith.xori %and3A_155, %not3A_156 : i1
    %add3A_158 = arith.constant 480 : i32
    %add3A_159 = arith.addi %mul3A_2, %add3A_158 : i32
    %while3A = arith.constant 0 : i32
    %while3A_160 = arith.subi %min3A_150, %min3A_144 : i32
    %while3A_161 = arith.addi %min3A_144, %while3A_160 : i32
    %while3A_162 = arith.constant 1 : i32
    %while3A_163 = arith.divsi %while3A_160, %while3A_162 : i32
    %while3A_164 = arith.muli %while3A_163, %while3A_162 : i32
    %while3A_165 = arith.addi %min3A_144, %while3A_164 : i32
    %while3A_166 = arith.constant 1 : i32
    %while3A_167 = scf.for %while3A_531 = %min3A_144 to %while3A_165 step %while3A_166 iter_args(%while3A_532 = %while3A) -> (i32)  : i32 {
      %scan3A_533 = arith.constant 0 : i32
      %scan3A_534 = arith.constant 0 : i32
      %scan3A_535 = arith.constant 128 : i32
      %scan3A_536 = arith.addi %scan3A_534, %scan3A_535 : i32
      %scan3A_537 = arith.constant 8 : i32
      %scan3A_538 = scf.for %scan3A_541 = %scan3A_534 to %scan3A_536 step %scan3A_537 iter_args(%scan3A_542 = %scan3A_533) -> (i32)  : i32 {
        %broadcast_in_dim3A = arith.constant -8.000000e+01 : f32
        %broadcast_in_dim3A_543 = vector.broadcast %broadcast_in_dim3A : f32 to vector<16xf32>
        %mul3A_544 = arith.constant 16 : i32
        %mul3A_545 = arith.muli %scan3A_541, %mul3A_544 : i32
        %swap3A = arith.constant 0 : i32
        %swap3A_546 = arith.index_cast %swap3A : i32 to index
        %swap3A_547 = arith.index_cast %while3A_531 : i32 to index
        %swap3A_548 = arith.index_cast %mul3A_545 : i32 to index
        %swap3A_549 = tpu.vector_load %arg6[%swap3A_546, %swap3A_547, %swap3A_548] {strides = array<i32>} : memref<5x8x2048xf32, #tpu.memory_space<vmem>>, vector<1x1x16xf32>,
        %swap3A_550 = vector.shape_cast %swap3A_549 : vector<1x1x16xf32> to vector<16xf32>
        %swap3A_551 = vector.shape_cast %broadcast_in_dim3A_543 : vector<16xf32> to vector<1x1x16xf32>
        tpu.vector_store %arg6[%swap3A_546, %swap3A_547, %swap3A_548], %swap3A_551 {strides = array<i32>} : memref<5x8x2048xf32, #tpu.memory_space<vmem>>, vector<1x1x16xf32>,
        %scan3A_552 = arith.constant 0 : i32
        %scan3A_553 = arith.constant 1 : i32
        %scan3A_554 = arith.addi %scan3A_541, %scan3A_553 : i32
        %broadcast_in_dim3A_555 = arith.constant -8.000000e+01 : f32
        %broadcast_in_dim3A_556 = vector.broadcast %broadcast_in_dim3A_555 : f32 to vector<16xf32>
        %mul3A_557 = arith.constant 16 : i32
        %mul3A_558 = arith.muli %scan3A_554, %mul3A_557 : i32
        %swap3A_559 = arith.constant 0 : i32
        %swap3A_560 = arith.index_cast %swap3A_559 : i32 to index
        %swap3A_561 = arith.index_cast %while3A_531 : i32 to index
        %swap3A_562 = arith.index_cast %mul3A_558 : i32 to index
        %swap3A_563 = tpu.vector_load %arg6[%swap3A_560, %swap3A_561, %swap3A_562] {strides = array<i32>} : memref<5x8x2048xf32, #tpu.memory_space<vmem>>, vector<1x1x16xf32>,
        %swap3A_564 = vector.shape_cast %swap3A_563 : vector<1x1x16xf32> to vector<16xf32>
        %swap3A_565 = vector.shape_cast %broadcast_in_dim3A_556 : vector<16xf32> to vector<1x1x16xf32>
        tpu.vector_store %arg6[%swap3A_560, %swap3A_561, %swap3A_562], %swap3A_565 {strides = array<i32>} : memref<5x8x2048xf32, #tpu.memory_space<vmem>>, vector<1x1x16xf32>,
        %scan3A_566 = arith.constant 0 : i32
        %scan3A_567 = arith.constant 2 : i32
        %scan3A_568 = arith.addi %scan3A_541, %scan3A_567 : i32
        %broadcast_in_dim3A_569 = arith.constant -8.000000e+01 : f32
        %broadcast_in_dim3A_570 = vector.broadcast %broadcast_in_dim3A_569 : f32 to vector<16xf32>
        %mul3A_571 = arith.constant 16 : i32
        %mul3A_572 = arith.muli %scan3A_568, %mul3A_571 : i32
        %swap3A_573 = arith.constant 0 : i32
        %swap3A_574 = arith.index_cast %swap3A_573 : i32 to index
        %swap3A_575 = arith.index_cast %while3A_531 : i32 to index
        %swap3A_576 = arith.index_cast %mul3A_572 : i32 to index
        %swap3A_577 = tpu.vector_load %arg6[%swap3A_574, %swap3A_575, %swap3A_576] {strides = array<i32>} : memref<5x8x2048xf32, #tpu.memory_space<vmem>>, vector<1x1x16xf32>,
        %swap3A_578 = vector.shape_cast %swap3A_577 : vector<1x1x16xf32> to vector<16xf32>
        %swap3A_579 = vector.shape_cast %broadcast_in_dim3A_570 : vector<16xf32> to vector<1x1x16xf32>
        tpu.vector_store %arg6[%swap3A_574, %swap3A_575, %swap3A_576], %swap3A_579 {strides = array<i32>} : memref<5x8x2048xf32, #tpu.memory_space<vmem>>, vector<1x1x16xf32>,
        %scan3A_580 = arith.constant 0 : i32
        %scan3A_581 = arith.constant 3 : i32
        %scan3A_582 = arith.addi %scan3A_541, %scan3A_581 : i32
        %broadcast_in_dim3A_583 = arith.constant -8.000000e+01 : f32
        %broadcast_in_dim3A_584 = vector.broadcast %broadcast_in_dim3A_583 : f32 to vector<16xf32>
        %mul3A_585 = arith.constant 16 : i32
        %mul3A_586 = arith.muli %scan3A_582, %mul3A_585 : i32
        %swap3A_587 = arith.constant 0 : i32
        %swap3A_588 = arith.index_cast %swap3A_587 : i32 to index
        %swap3A_589 = arith.index_cast %while3A_531 : i32 to index
        %swap3A_590 = arith.index_cast %mul3A_586 : i32 to index
        %swap3A_591 = tpu.vector_load %arg6[%swap3A_588, %swap3A_589, %swap3A_590] {strides = array<i32>} : memref<5x8x2048xf32, #tpu.memory_space<vmem>>, vector<1x1x16xf32>,
        %swap3A_592 = vector.shape_cast %swap3A_591 : vector<1x1x16xf32> to vector<16xf32>
        %swap3A_593 = vector.shape_cast %broadcast_in_dim3A_584 : vector<16xf32> to vector<1x1x16xf32>
        tpu.vector_store %arg6[%swap3A_588, %swap3A_589, %swap3A_590], %swap3A_593 {strides = array<i32>} : memref<5x8x2048xf32, #tpu.memory_space<vmem>>, vector<1x1x16xf32>,
        %scan3A_594 = arith.constant 0 : i32
        %scan3A_595 = arith.constant 4 : i32
        %scan3A_596 = arith.addi %scan3A_541, %scan3A_595 : i32
        %broadcast_in_dim3A_597 = arith.constant -8.000000e+01 : f32
        %broadcast_in_dim3A_598 = vector.broadcast %broadcast_in_dim3A_597 : f32 to vector<16xf32>
        %mul3A_599 = arith.constant 16 : i32
        %mul3A_600 = arith.muli %scan3A_596, %mul3A_599 : i32
        %swap3A_601 = arith.constant 0 : i32
        %swap3A_602 = arith.index_cast %swap3A_601 : i32 to index
        %swap3A_603 = arith.index_cast %while3A_531 : i32 to index
        %swap3A_604 = arith.index_cast %mul3A_600 : i32 to index
        %swap3A_605 = tpu.vector_load %arg6[%swap3A_602, %swap3A_603, %swap3A_604] {strides = array<i32>} : memref<5x8x2048xf32, #tpu.memory_space<vmem>>, vector<1x1x16xf32>,
        %swap3A_606 = vector.shape_cast %swap3A_605 : vector<1x1x16xf32> to vector<16xf32>
        %swap3A_607 = vector.shape_cast %broadcast_in_dim3A_598 : vector<16xf32> to vector<1x1x16xf32>
        tpu.vector_store %arg6[%swap3A_602, %swap3A_603, %swap3A_604], %swap3A_607 {strides = array<i32>} : memref<5x8x2048xf32, #tpu.memory_space<vmem>>, vector<1x1x16xf32>,
        %scan3A_608 = arith.constant 0 : i32
        %scan3A_609 = arith.constant 5 : i32
        %scan3A_610 = arith.addi %scan3A_541, %scan3A_609 : i32
        %broadcast_in_dim3A_611 = arith.constant -8.000000e+01 : f32
        %broadcast_in_dim3A_612 = vector.broadcast %broadcast_in_dim3A_611 : f32 to vector<16xf32>
        %mul3A_613 = arith.constant 16 : i32
        %mul3A_614 = arith.muli %scan3A_610, %mul3A_613 : i32
        %swap3A_615 = arith.constant 0 : i32
        %swap3A_616 = arith.index_cast %swap3A_615 : i32 to index
        %swap3A_617 = arith.index_cast %while3A_531 : i32 to index
        %swap3A_618 = arith.index_cast %mul3A_614 : i32 to index
        %swap3A_619 = tpu.vector_load %arg6[%swap3A_616, %swap3A_617, %swap3A_618] {strides = array<i32>} : memref<5x8x2048xf32, #tpu.memory_space<vmem>>, vector<1x1x16xf32>,
        %swap3A_620 = vector.shape_cast %swap3A_619 : vector<1x1x16xf32> to vector<16xf32>
        %swap3A_621 = vector.shape_cast %broadcast_in_dim3A_612 : vector<16xf32> to vector<1x1x16xf32>
        tpu.vector_store %arg6[%swap3A_616, %swap3A_617, %swap3A_618], %swap3A_621 {strides = array<i32>} : memref<5x8x2048xf32, #tpu.memory_space<vmem>>, vector<1x1x16xf32>,
        %scan3A_622 = arith.constant 0 : i32
        %scan3A_623 = arith.constant 6 : i32
        %scan3A_624 = arith.addi %scan3A_541, %scan3A_623 : i32
        %broadcast_in_dim3A_625 = arith.constant -8.000000e+01 : f32
        %broadcast_in_dim3A_626 = vector.broadcast %broadcast_in_dim3A_625 : f32 to vector<16xf32>
        %mul3A_627 = arith.constant 16 : i32
        %mul3A_628 = arith.muli %scan3A_624, %mul3A_627 : i32
        %swap3A_629 = arith.constant 0 : i32
        %swap3A_630 = arith.index_cast %swap3A_629 : i32 to index
        %swap3A_631 = arith.index_cast %while3A_531 : i32 to index
        %swap3A_632 = arith.index_cast %mul3A_628 : i32 to index
        %swap3A_633 = tpu.vector_load %arg6[%swap3A_630, %swap3A_631, %swap3A_632] {strides = array<i32>} : memref<5x8x2048xf32, #tpu.memory_space<vmem>>, vector<1x1x16xf32>,
        %swap3A_634 = vector.shape_cast %swap3A_633 : vector<1x1x16xf32> to vector<16xf32>
        %swap3A_635 = vector.shape_cast %broadcast_in_dim3A_626 : vector<16xf32> to vector<1x1x16xf32>
        tpu.vector_store %arg6[%swap3A_630, %swap3A_631, %swap3A_632], %swap3A_635 {strides = array<i32>} : memref<5x8x2048xf32, #tpu.memory_space<vmem>>, vector<1x1x16xf32>,
        %scan3A_636 = arith.constant 0 : i32
        %scan3A_637 = arith.constant 7 : i32
        %scan3A_638 = arith.addi %scan3A_541, %scan3A_637 : i32
        %broadcast_in_dim3A_639 = arith.constant -8.000000e+01 : f32
        %broadcast_in_dim3A_640 = vector.broadcast %broadcast_in_dim3A_639 : f32 to vector<16xf32>
        %mul3A_641 = arith.constant 16 : i32
        %mul3A_642 = arith.muli %scan3A_638, %mul3A_641 : i32
        %swap3A_643 = arith.constant 0 : i32
        %swap3A_644 = arith.index_cast %swap3A_643 : i32 to index
        %swap3A_645 = arith.index_cast %while3A_531 : i32 to index
        %swap3A_646 = arith.index_cast %mul3A_642 : i32 to index
        %swap3A_647 = tpu.vector_load %arg6[%swap3A_644, %swap3A_645, %swap3A_646] {strides = array<i32>} : memref<5x8x2048xf32, #tpu.memory_space<vmem>>, vector<1x1x16xf32>,
        %swap3A_648 = vector.shape_cast %swap3A_647 : vector<1x1x16xf32> to vector<16xf32>
        %swap3A_649 = vector.shape_cast %broadcast_in_dim3A_640 : vector<16xf32> to vector<1x1x16xf32>
        tpu.vector_store %arg6[%swap3A_644, %swap3A_645, %swap3A_646], %swap3A_649 {strides = array<i32>} : memref<5x8x2048xf32, #tpu.memory_space<vmem>>, vector<1x1x16xf32>,
        %scan3A_650 = arith.constant 0 : i32
        scf.yield %scan3A_650 : i32
      }
      %scan3A_539 = arith.constant 128 : i32
      %while3A_540 = arith.constant 0 : i32
      scf.yield %while3A_540 : i32
    }
    %while3A_168 = arith.constant 1 : i32
    %while3A_169 = scf.for %while3A_531 = %while3A_165 to %while3A_161 step %while3A_168 iter_args(%while3A_532 = %while3A_167) -> (i32)  : i32 {
      %scan3A_533 = arith.constant 0 : i32
      %scan3A_534 = arith.constant 0 : i32
      %scan3A_535 = arith.constant 128 : i32
      %scan3A_536 = arith.addi %scan3A_534, %scan3A_535 : i32
      %scan3A_537 = arith.constant 8 : i32
      %scan3A_538 = scf.for %scan3A_541 = %scan3A_534 to %scan3A_536 step %scan3A_537 iter_args(%scan3A_542 = %scan3A_533) -> (i32)  : i32 {
        %broadcast_in_dim3A = arith.constant -8.000000e+01 : f32
        %broadcast_in_dim3A_543 = vector.broadcast %broadcast_in_dim3A : f32 to vector<16xf32>
        %mul3A_544 = arith.constant 16 : i32
        %mul3A_545 = arith.muli %scan3A_541, %mul3A_544 : i32
        %swap3A = arith.constant 0 : i32
        %swap3A_546 = arith.index_cast %swap3A : i32 to index
        %swap3A_547 = arith.index_cast %while3A_531 : i32 to index
        %swap3A_548 = arith.index_cast %mul3A_545 : i32 to index
        %swap3A_549 = tpu.vector_load %arg6[%swap3A_546, %swap3A_547, %swap3A_548] {strides = array<i32>} : memref<5x8x2048xf32, #tpu.memory_space<vmem>>, vector<1x1x16xf32>,
        %swap3A_550 = vector.shape_cast %swap3A_549 : vector<1x1x16xf32> to vector<16xf32>
        %swap3A_551 = vector.shape_cast %broadcast_in_dim3A_543 : vector<16xf32> to vector<1x1x16xf32>
        tpu.vector_store %arg6[%swap3A_546, %swap3A_547, %swap3A_548], %swap3A_551 {strides = array<i32>} : memref<5x8x2048xf32, #tpu.memory_space<vmem>>, vector<1x1x16xf32>,
        %scan3A_552 = arith.constant 0 : i32
        %scan3A_553 = arith.constant 1 : i32
        %scan3A_554 = arith.addi %scan3A_541, %scan3A_553 : i32
        %broadcast_in_dim3A_555 = arith.constant -8.000000e+01 : f32
        %broadcast_in_dim3A_556 = vector.broadcast %broadcast_in_dim3A_555 : f32 to vector<16xf32>
        %mul3A_557 = arith.constant 16 : i32
        %mul3A_558 = arith.muli %scan3A_554, %mul3A_557 : i32
        %swap3A_559 = arith.constant 0 : i32
        %swap3A_560 = arith.index_cast %swap3A_559 : i32 to index
        %swap3A_561 = arith.index_cast %while3A_531 : i32 to index
        %swap3A_562 = arith.index_cast %mul3A_558 : i32 to index
        %swap3A_563 = tpu.vector_load %arg6[%swap3A_560, %swap3A_561, %swap3A_562] {strides = array<i32>} : memref<5x8x2048xf32, #tpu.memory_space<vmem>>, vector<1x1x16xf32>,
        %swap3A_564 = vector.shape_cast %swap3A_563 : vector<1x1x16xf32> to vector<16xf32>
        %swap3A_565 = vector.shape_cast %broadcast_in_dim3A_556 : vector<16xf32> to vector<1x1x16xf32>
        tpu.vector_store %arg6[%swap3A_560, %swap3A_561, %swap3A_562], %swap3A_565 {strides = array<i32>} : memref<5x8x2048xf32, #tpu.memory_space<vmem>>, vector<1x1x16xf32>,
        %scan3A_566 = arith.constant 0 : i32
        %scan3A_567 = arith.constant 2 : i32
        %scan3A_568 = arith.addi %scan3A_541, %scan3A_567 : i32
        %broadcast_in_dim3A_569 = arith.constant -8.000000e+01 : f32
        %broadcast_in_dim3A_570 = vector.broadcast %broadcast_in_dim3A_569 : f32 to vector<16xf32>
        %mul3A_571 = arith.constant 16 : i32
        %mul3A_572 = arith.muli %scan3A_568, %mul3A_571 : i32
        %swap3A_573 = arith.constant 0 : i32
        %swap3A_574 = arith.index_cast %swap3A_573 : i32 to index
        %swap3A_575 = arith.index_cast %while3A_531 : i32 to index
        %swap3A_576 = arith.index_cast %mul3A_572 : i32 to index
        %swap3A_577 = tpu.vector_load %arg6[%swap3A_574, %swap3A_575, %swap3A_576] {strides = array<i32>} : memref<5x8x2048xf32, #tpu.memory_space<vmem>>, vector<1x1x16xf32>,
        %swap3A_578 = vector.shape_cast %swap3A_577 : vector<1x1x16xf32> to vector<16xf32>
        %swap3A_579 = vector.shape_cast %broadcast_in_dim3A_570 : vector<16xf32> to vector<1x1x16xf32>
        tpu.vector_store %arg6[%swap3A_574, %swap3A_575, %swap3A_576], %swap3A_579 {strides = array<i32>} : memref<5x8x2048xf32, #tpu.memory_space<vmem>>, vector<1x1x16xf32>,
        %scan3A_580 = arith.constant 0 : i32
        %scan3A_581 = arith.constant 3 : i32
        %scan3A_582 = arith.addi %scan3A_541, %scan3A_581 : i32
        %broadcast_in_dim3A_583 = arith.constant -8.000000e+01 : f32
        %broadcast_in_dim3A_584 = vector.broadcast %broadcast_in_dim3A_583 : f32 to vector<16xf32>
        %mul3A_585 = arith.constant 16 : i32
        %mul3A_586 = arith.muli %scan3A_582, %mul3A_585 : i32
        %swap3A_587 = arith.constant 0 : i32
        %swap3A_588 = arith.index_cast %swap3A_587 : i32 to index
        %swap3A_589 = arith.index_cast %while3A_531 : i32 to index
        %swap3A_590 = arith.index_cast %mul3A_586 : i32 to index
        %swap3A_591 = tpu.vector_load %arg6[%swap3A_588, %swap3A_589, %swap3A_590] {strides = array<i32>} : memref<5x8x2048xf32, #tpu.memory_space<vmem>>, vector<1x1x16xf32>,
        %swap3A_592 = vector.shape_cast %swap3A_591 : vector<1x1x16xf32> to vector<16xf32>
        %swap3A_593 = vector.shape_cast %broadcast_in_dim3A_584 : vector<16xf32> to vector<1x1x16xf32>
        tpu.vector_store %arg6[%swap3A_588, %swap3A_589, %swap3A_590], %swap3A_593 {strides = array<i32>} : memref<5x8x2048xf32, #tpu.memory_space<vmem>>, vector<1x1x16xf32>,
        %scan3A_594 = arith.constant 0 : i32
        %scan3A_595 = arith.constant 4 : i32
        %scan3A_596 = arith.addi %scan3A_541, %scan3A_595 : i32
        %broadcast_in_dim3A_597 = arith.constant -8.000000e+01 : f32
        %broadcast_in_dim3A_598 = vector.broadcast %broadcast_in_dim3A_597 : f32 to vector<16xf32>
        %mul3A_599 = arith.constant 16 : i32
        %mul3A_600 = arith.muli %scan3A_596, %mul3A_599 : i32
        %swap3A_601 = arith.constant 0 : i32
        %swap3A_602 = arith.index_cast %swap3A_601 : i32 to index
        %swap3A_603 = arith.index_cast %while3A_531 : i32 to index
        %swap3A_604 = arith.index_cast %mul3A_600 : i32 to index
        %swap3A_605 = tpu.vector_load %arg6[%swap3A_602, %swap3A_603, %swap3A_604] {strides = array<i32>} : memref<5x8x2048xf32, #tpu.memory_space<vmem>>, vector<1x1x16xf32>,
        %swap3A_606 = vector.shape_cast %swap3A_605 : vector<1x1x16xf32> to vector<16xf32>
        %swap3A_607 = vector.shape_cast %broadcast_in_dim3A_598 : vector<16xf32> to vector<1x1x16xf32>
        tpu.vector_store %arg6[%swap3A_602, %swap3A_603, %swap3A_604], %swap3A_607 {strides = array<i32>} : memref<5x8x2048xf32, #tpu.memory_space<vmem>>, vector<1x1x16xf32>,
        %scan3A_608 = arith.constant 0 : i32
        %scan3A_609 = arith.constant 5 : i32
        %scan3A_610 = arith.addi %scan3A_541, %scan3A_609 : i32
        %broadcast_in_dim3A_611 = arith.constant -8.000000e+01 : f32
        %broadcast_in_dim3A_612 = vector.broadcast %broadcast_in_dim3A_611 : f32 to vector<16xf32>
        %mul3A_613 = arith.constant 16 : i32
        %mul3A_614 = arith.muli %scan3A_610, %mul3A_613 : i32
        %swap3A_615 = arith.constant 0 : i32
        %swap3A_616 = arith.index_cast %swap3A_615 : i32 to index
        %swap3A_617 = arith.index_cast %while3A_531 : i32 to index
        %swap3A_618 = arith.index_cast %mul3A_614 : i32 to index
        %swap3A_619 = tpu.vector_load %arg6[%swap3A_616, %swap3A_617, %swap3A_618] {strides = array<i32>} : memref<5x8x2048xf32, #tpu.memory_space<vmem>>, vector<1x1x16xf32>,
        %swap3A_620 = vector.shape_cast %swap3A_619 : vector<1x1x16xf32> to vector<16xf32>
        %swap3A_621 = vector.shape_cast %broadcast_in_dim3A_612 : vector<16xf32> to vector<1x1x16xf32>
        tpu.vector_store %arg6[%swap3A_616, %swap3A_617, %swap3A_618], %swap3A_621 {strides = array<i32>} : memref<5x8x2048xf32, #tpu.memory_space<vmem>>, vector<1x1x16xf32>,
        %scan3A_622 = arith.constant 0 : i32
        %scan3A_623 = arith.constant 6 : i32
        %scan3A_624 = arith.addi %scan3A_541, %scan3A_623 : i32
        %broadcast_in_dim3A_625 = arith.constant -8.000000e+01 : f32
        %broadcast_in_dim3A_626 = vector.broadcast %broadcast_in_dim3A_625 : f32 to vector<16xf32>
        %mul3A_627 = arith.constant 16 : i32
        %mul3A_628 = arith.muli %scan3A_624, %mul3A_627 : i32
        %swap3A_629 = arith.constant 0 : i32
        %swap3A_630 = arith.index_cast %swap3A_629 : i32 to index
        %swap3A_631 = arith.index_cast %while3A_531 : i32 to index
        %swap3A_632 = arith.index_cast %mul3A_628 : i32 to index
        %swap3A_633 = tpu.vector_load %arg6[%swap3A_630, %swap3A_631, %swap3A_632] {strides = array<i32>} : memref<5x8x2048xf32, #tpu.memory_space<vmem>>, vector<1x1x16xf32>,
        %swap3A_634 = vector.shape_cast %swap3A_633 : vector<1x1x16xf32> to vector<16xf32>
        %swap3A_635 = vector.shape_cast %broadcast_in_dim3A_626 : vector<16xf32> to vector<1x1x16xf32>
        tpu.vector_store %arg6[%swap3A_630, %swap3A_631, %swap3A_632], %swap3A_635 {strides = array<i32>} : memref<5x8x2048xf32, #tpu.memory_space<vmem>>, vector<1x1x16xf32>,
        %scan3A_636 = arith.constant 0 : i32
        %scan3A_637 = arith.constant 7 : i32
        %scan3A_638 = arith.addi %scan3A_541, %scan3A_637 : i32
        %broadcast_in_dim3A_639 = arith.constant -8.000000e+01 : f32
        %broadcast_in_dim3A_640 = vector.broadcast %broadcast_in_dim3A_639 : f32 to vector<16xf32>
        %mul3A_641 = arith.constant 16 : i32
        %mul3A_642 = arith.muli %scan3A_638, %mul3A_641 : i32
        %swap3A_643 = arith.constant 0 : i32
        %swap3A_644 = arith.index_cast %swap3A_643 : i32 to index
        %swap3A_645 = arith.index_cast %while3A_531 : i32 to index
        %swap3A_646 = arith.index_cast %mul3A_642 : i32 to index
        %swap3A_647 = tpu.vector_load %arg6[%swap3A_644, %swap3A_645, %swap3A_646] {strides = array<i32>} : memref<5x8x2048xf32, #tpu.memory_space<vmem>>, vector<1x1x16xf32>,
        %swap3A_648 = vector.shape_cast %swap3A_647 : vector<1x1x16xf32> to vector<16xf32>
        %swap3A_649 = vector.shape_cast %broadcast_in_dim3A_640 : vector<16xf32> to vector<1x1x16xf32>
        tpu.vector_store %arg6[%swap3A_644, %swap3A_645, %swap3A_646], %swap3A_649 {strides = array<i32>} : memref<5x8x2048xf32, #tpu.memory_space<vmem>>, vector<1x1x16xf32>,
        %scan3A_650 = arith.constant 0 : i32
        scf.yield %scan3A_650 : i32
      }
      %scan3A_539 = arith.constant 128 : i32
      %while3A_540 = arith.constant 0 : i32
      scf.yield %while3A_540 : i32
    }
    %dma_start3A = arith.constant 0 : i32
    %dma_start3A_170 = arith.constant 0 : i32
    %dma_start3A_171 = arith.constant 0 : i32
    %dma_start3A_172 = tpu.memref_slice %arg6[%dma_start3A, %dma_start3A_170, %dma_start3A_171] : memref<5x8x2048xf32, #tpu.memory_space<vmem>> -> memref<1x8x2048xf32, #tpu.memory_space<vmem>>
    %dma_start3A_173 = tpu.memref_squeeze %dma_start3A_172 : memref<1x8x2048xf32, #tpu.memory_space<vmem>> -> memref<8x2048xf32, #tpu.memory_space<vmem>>
    %dma_start3A_174 = arith.constant 0 : i32
    %dma_start3A_175 = tpu.memref_slice %arg4[%add3A_159, %dma_start3A_174] : memref<16384x2048xf32, #tpu.memory_space<hbm>> -> memref<8x2048xf32, #tpu.memory_space<hbm>>
    %dma_start3A_176 = arith.constant 0 : i32
    %dma_start3A_177 = tpu.memref_slice %arg4[%add3A_159, %dma_start3A_176] : memref<16384x2048xf32, #tpu.memory_space<hbm>> -> memref<8x2048xf32, #tpu.memory_space<hbm>>
    %dma_start3A_178 = arith.constant 0 : i32
    %dma_start3A_179 = arith.constant 0 : i32
    %dma_start3A_180 = tpu.memref_slice %arg6[%dma_start3A, %dma_start3A_178, %dma_start3A_179] : memref<5x8x2048xf32, #tpu.memory_space<vmem>> -> memref<1x8x2048xf32, #tpu.memory_space<vmem>>
    %dma_start3A_181 = tpu.memref_squeeze %dma_start3A_180 : memref<1x8x2048xf32, #tpu.memory_space<vmem>> -> memref<8x2048xf32, #tpu.memory_space<vmem>>
    tpu.enqueue_dma source(%dma_start3A_181 : memref<8x2048xf32, #tpu.memory_space<vmem>>) target(%dma_start3A_177 : memref<8x2048xf32, #tpu.memory_space<hbm>>) target_semaphore(%arg8 : memref<!tpu.dma_semaphore, #tpu.memory_space<semaphore_mem>>)
    %dma_wait3A_182 = arith.constant 3 : i32
    %dma_wait3A_183 = arith.constant 0 : i32
    %dma_wait3A_184 = arith.constant 0 : i32
    %dma_wait3A_185 = tpu.memref_slice %arg6[%dma_wait3A_182, %dma_wait3A_183, %dma_wait3A_184] : memref<5x8x2048xf32, #tpu.memory_space<vmem>> -> memref<1x8x2048xf32, #tpu.memory_space<vmem>>
    %dma_wait3A_186 = tpu.memref_squeeze %dma_wait3A_185 : memref<1x8x2048xf32, #tpu.memory_space<vmem>> -> memref<8x2048xf32, #tpu.memory_space<vmem>>
    %dma_wait3A_187 = arith.constant 0 : i32
    %dma_wait3A_188 = arith.constant 0 : i32
    %dma_wait3A_189 = tpu.memref_slice %arg4[%dma_wait3A_187, %dma_wait3A_188] : memref<16384x2048xf32, #tpu.memory_space<hbm>> -> memref<8x2048xf32, #tpu.memory_space<hbm>>
    %dma_wait3A_190 = arith.constant 0 : i32
    %dma_wait3A_191 = arith.constant 0 : i32
    %dma_wait3A_192 = tpu.memref_slice %arg4[%dma_wait3A_190, %dma_wait3A_191] : memref<16384x2048xf32, #tpu.memory_space<hbm>> -> memref<8x2048xf32, #tpu.memory_space<hbm>>
    %dma_wait3A_193 = arith.constant 0 : i32
    %dma_wait3A_194 = arith.constant 0 : i32
    %dma_wait3A_195 = tpu.memref_slice %arg6[%dma_wait3A_182, %dma_wait3A_193, %dma_wait3A_194] : memref<5x8x2048xf32, #tpu.memory_space<vmem>> -> memref<1x8x2048xf32, #tpu.memory_space<vmem>>
    %dma_wait3A_196 = tpu.memref_squeeze %dma_wait3A_195 : memref<1x8x2048xf32, #tpu.memory_space<vmem>> -> memref<8x2048xf32, #tpu.memory_space<vmem>>
    tpu.wait_dma2 semaphore(%arg8 : memref<!tpu.dma_semaphore, #tpu.memory_space<semaphore_mem>>) src(%dma_wait3A_196 : memref<8x2048xf32, #tpu.memory_space<vmem>>) dst(%dma_wait3A_192 : memref<8x2048xf32, #tpu.memory_space<hbm>>)
    %jit3A_197 = arith.constant true
    %select_n3A_198 = arith.select %jit3A_197, %squeeze3A_10, %squeeze3A : i32
    %jit3A_199 = arith.constant true
    %select_n3A_200 = arith.select %jit3A_199, %squeeze3A_12, %squeeze3A_8 : i32
    %sub3A_201 = arith.constant 248 : i32
    %sub3A_202 = arith.subi %select_n3A_198, %sub3A_201 : i32
    %jit3A_203 = arith.constant 0 : i32
    %jit3A_204 = arith.constant 8 : i32
    %max3A_205 = arith.maxsi %jit3A_203, %sub3A_202 : i32
    %min3A_206 = arith.minsi %jit3A_204, %max3A_205 : i32
    %sub3A_207 = arith.constant 248 : i32
    %sub3A_208 = arith.subi %select_n3A_200, %sub3A_207 : i32
    %jit3A_209 = arith.constant 0 : i32
    %jit3A_210 = arith.constant 8 : i32
    %max3A_211 = arith.maxsi %jit3A_209, %sub3A_208 : i32
    %min3A_212 = arith.minsi %jit3A_210, %max3A_211 : i32
    %eq3A_213 = arith.constant 0 : i32
    %eq3A_214 = arith.cmpi eq, %min3A_206, %eq3A_213 : i32
    %eq3A_215 = arith.constant 8 : i32
    %eq3A_216 = arith.cmpi eq, %min3A_212, %eq3A_215 : i32
    %and3A_217 = arith.andi %eq3A_214, %eq3A_216 : i1
    %not3A_218 = arith.constant true
    %not3A_219 = arith.xori %and3A_217, %not3A_218 : i1
    %add3A_220 = arith.constant 504 : i32
    %add3A_221 = arith.addi %mul3A_2, %add3A_220 : i32
    %convert_element_type3A_222 = arith.extui %not3A_219 : i1 to i32
    %cond3A_223 = arith.constant 0 : i32
    %cond3A_224 = arith.cmpi ne, %convert_element_type3A_222, %cond3A_223 : i32
    scf.if %cond3A_224 {
      %dma_start3A_531 = arith.constant 3 : i32
      %dma_start3A_532 = arith.constant 0 : i32
      %dma_start3A_533 = arith.constant 0 : i32
      %dma_start3A_534 = tpu.memref_slice %arg6[%dma_start3A_531, %dma_start3A_532, %dma_start3A_533] : memref<5x8x2048xf32, #tpu.memory_space<vmem>> -> memref<1x8x2048xf32, #tpu.memory_space<vmem>>
      %dma_start3A_535 = tpu.memref_squeeze %dma_start3A_534 : memref<1x8x2048xf32, #tpu.memory_space<vmem>> -> memref<8x2048xf32, #tpu.memory_space<vmem>>
      %dma_start3A_536 = arith.constant 0 : i32
      %dma_start3A_537 = tpu.memref_slice %arg2[%add3A_221, %dma_start3A_536] : memref<16384x2048xf32, #tpu.memory_space<hbm>> -> memref<8x2048xf32, #tpu.memory_space<hbm>>
      %dma_start3A_538 = arith.constant 0 : i32
      %dma_start3A_539 = arith.constant 0 : i32
      %dma_start3A_540 = tpu.memref_slice %arg6[%dma_start3A_531, %dma_start3A_538, %dma_start3A_539] : memref<5x8x2048xf32, #tpu.memory_space<vmem>> -> memref<1x8x2048xf32, #tpu.memory_space<vmem>>
      %dma_start3A_541 = tpu.memref_squeeze %dma_start3A_540 : memref<1x8x2048xf32, #tpu.memory_space<vmem>> -> memref<8x2048xf32, #tpu.memory_space<vmem>>
      %dma_start3A_542 = arith.constant 0 : i32
      %dma_start3A_543 = tpu.memref_slice %arg2[%add3A_221, %dma_start3A_542] : memref<16384x2048xf32, #tpu.memory_space<hbm>> -> memref<8x2048xf32, #tpu.memory_space<hbm>>
      tpu.enqueue_dma source(%dma_start3A_543 : memref<8x2048xf32, #tpu.memory_space<hbm>>) target(%dma_start3A_541 : memref<8x2048xf32, #tpu.memory_space<vmem>>) target_semaphore(%arg7 : memref<!tpu.dma_semaphore, #tpu.memory_space<semaphore_mem>>)
    } else {
    }
    %jit3A_225 = arith.constant true
    %select_n3A_226 = arith.select %jit3A_225, %squeeze3A_10, %squeeze3A : i32
    %jit3A_227 = arith.constant true
    %select_n3A_228 = arith.select %jit3A_227, %squeeze3A_12, %squeeze3A_8 : i32
    %sub3A_229 = arith.constant 232 : i32
    %sub3A_230 = arith.subi %select_n3A_226, %sub3A_229 : i32
    %jit3A_231 = arith.constant 0 : i32
    %jit3A_232 = arith.constant 8 : i32
    %max3A_233 = arith.maxsi %jit3A_231, %sub3A_230 : i32
    %min3A_234 = arith.minsi %jit3A_232, %max3A_233 : i32
    %sub3A_235 = arith.constant 232 : i32
    %sub3A_236 = arith.subi %select_n3A_228, %sub3A_235 : i32
    %jit3A_237 = arith.constant 0 : i32
    %jit3A_238 = arith.constant 8 : i32
    %max3A_239 = arith.maxsi %jit3A_237, %sub3A_236 : i32
    %min3A_240 = arith.minsi %jit3A_238, %max3A_239 : i32
    %eq3A_241 = arith.constant 0 : i32
    %eq3A_242 = arith.cmpi eq, %min3A_234, %eq3A_241 : i32
    %eq3A_243 = arith.constant 8 : i32
    %eq3A_244 = arith.cmpi eq, %min3A_240, %eq3A_243 : i32
    %and3A_245 = arith.andi %eq3A_242, %eq3A_244 : i1
    %not3A_246 = arith.constant true
    %not3A_247 = arith.xori %and3A_245, %not3A_246 : i1
    %add3A_248 = arith.constant 488 : i32
    %add3A_249 = arith.addi %mul3A_2, %add3A_248 : i32
    %convert_element_type3A_250 = arith.extui %not3A_247 : i1 to i32
    %cond3A_251 = arith.constant 0 : i32
    %cond3A_252 = arith.cmpi ne, %convert_element_type3A_250, %cond3A_251 : i32
    scf.if %cond3A_252 {
      %dma_wait3A_531 = arith.constant 1 : i32
      %dma_wait3A_532 = arith.constant 0 : i32
      %dma_wait3A_533 = arith.constant 0 : i32
      %dma_wait3A_534 = tpu.memref_slice %arg6[%dma_wait3A_531, %dma_wait3A_532, %dma_wait3A_533] : memref<5x8x2048xf32, #tpu.memory_space<vmem>> -> memref<1x8x2048xf32, #tpu.memory_space<vmem>>
      %dma_wait3A_535 = tpu.memref_squeeze %dma_wait3A_534 : memref<1x8x2048xf32, #tpu.memory_space<vmem>> -> memref<8x2048xf32, #tpu.memory_space<vmem>>
      %dma_wait3A_536 = arith.constant 0 : i32
      %dma_wait3A_537 = arith.constant 0 : i32
      %dma_wait3A_538 = tpu.memref_slice %arg2[%dma_wait3A_536, %dma_wait3A_537] : memref<16384x2048xf32, #tpu.memory_space<hbm>> -> memref<8x2048xf32, #tpu.memory_space<hbm>>
      %dma_wait3A_539 = arith.constant 0 : i32
      %dma_wait3A_540 = arith.constant 0 : i32
      %dma_wait3A_541 = tpu.memref_slice %arg6[%dma_wait3A_531, %dma_wait3A_539, %dma_wait3A_540] : memref<5x8x2048xf32, #tpu.memory_space<vmem>> -> memref<1x8x2048xf32, #tpu.memory_space<vmem>>
      %dma_wait3A_542 = tpu.memref_squeeze %dma_wait3A_541 : memref<1x8x2048xf32, #tpu.memory_space<vmem>> -> memref<8x2048xf32, #tpu.memory_space<vmem>>
      %dma_wait3A_543 = arith.constant 0 : i32
      %dma_wait3A_544 = arith.constant 0 : i32
      %dma_wait3A_545 = tpu.memref_slice %arg2[%dma_wait3A_543, %dma_wait3A_544] : memref<16384x2048xf32, #tpu.memory_space<hbm>> -> memref<8x2048xf32, #tpu.memory_space<hbm>>
      tpu.wait_dma2 semaphore(%arg7 : memref<!tpu.dma_semaphore, #tpu.memory_space<semaphore_mem>>) src(%dma_wait3A_545 : memref<8x2048xf32, #tpu.memory_space<hbm>>) dst(%dma_wait3A_542 : memref<8x2048xf32, #tpu.memory_space<vmem>>)
    } else {
    }
    %jit3A_253 = arith.constant true
    %select_n3A_254 = arith.select %jit3A_253, %squeeze3A_10, %squeeze3A : i32
    %jit3A_255 = arith.constant true
    %select_n3A_256 = arith.select %jit3A_255, %squeeze3A_12, %squeeze3A_8 : i32
    %sub3A_257 = arith.constant 232 : i32
    %sub3A_258 = arith.subi %select_n3A_254, %sub3A_257 : i32
    %jit3A_259 = arith.constant 0 : i32
    %jit3A_260 = arith.constant 8 : i32
    %max3A_261 = arith.maxsi %jit3A_259, %sub3A_258 : i32
    %min3A_262 = arith.minsi %jit3A_260, %max3A_261 : i32
    %sub3A_263 = arith.constant 232 : i32
    %sub3A_264 = arith.subi %select_n3A_256, %sub3A_263 : i32
    %jit3A_265 = arith.constant 0 : i32
    %jit3A_266 = arith.constant 8 : i32
    %max3A_267 = arith.maxsi %jit3A_265, %sub3A_264 : i32
    %min3A_268 = arith.minsi %jit3A_266, %max3A_267 : i32
    %eq3A_269 = arith.constant 0 : i32
    %eq3A_270 = arith.cmpi eq, %min3A_262, %eq3A_269 : i32
    %eq3A_271 = arith.constant 8 : i32
    %eq3A_272 = arith.cmpi eq, %min3A_268, %eq3A_271 : i32
    %and3A_273 = arith.andi %eq3A_270, %eq3A_272 : i1
    %not3A_274 = arith.constant true
    %not3A_275 = arith.xori %and3A_273, %not3A_274 : i1
    %add3A_276 = arith.constant 488 : i32
    %add3A_277 = arith.addi %mul3A_2, %add3A_276 : i32
    %while3A_278 = arith.constant 0 : i32
    %while3A_279 = arith.subi %min3A_268, %min3A_262 : i32
    %while3A_280 = arith.addi %min3A_262, %while3A_279 : i32
    %while3A_281 = arith.constant 1 : i32
    %while3A_282 = arith.divsi %while3A_279, %while3A_281 : i32
    %while3A_283 = arith.muli %while3A_282, %while3A_281 : i32
    %while3A_284 = arith.addi %min3A_262, %while3A_283 : i32
    %while3A_285 = arith.constant 1 : i32
    %while3A_286 = scf.for %while3A_531 = %min3A_262 to %while3A_284 step %while3A_285 iter_args(%while3A_532 = %while3A_278) -> (i32)  : i32 {
      %scan3A_533 = arith.constant 0 : i32
      %scan3A_534 = arith.constant 0 : i32
      %scan3A_535 = arith.constant 128 : i32
      %scan3A_536 = arith.addi %scan3A_534, %scan3A_535 : i32
      %scan3A_537 = arith.constant 8 : i32
      %scan3A_538 = scf.for %scan3A_541 = %scan3A_534 to %scan3A_536 step %scan3A_537 iter_args(%scan3A_542 = %scan3A_533) -> (i32)  : i32 {
        %broadcast_in_dim3A = arith.constant -8.000000e+01 : f32
        %broadcast_in_dim3A_543 = vector.broadcast %broadcast_in_dim3A : f32 to vector<16xf32>
        %mul3A_544 = arith.constant 16 : i32
        %mul3A_545 = arith.muli %scan3A_541, %mul3A_544 : i32
        %swap3A = arith.constant 1 : i32
        %swap3A_546 = arith.index_cast %swap3A : i32 to index
        %swap3A_547 = arith.index_cast %while3A_531 : i32 to index
        %swap3A_548 = arith.index_cast %mul3A_545 : i32 to index
        %swap3A_549 = tpu.vector_load %arg6[%swap3A_546, %swap3A_547, %swap3A_548] {strides = array<i32>} : memref<5x8x2048xf32, #tpu.memory_space<vmem>>, vector<1x1x16xf32>,
        %swap3A_550 = vector.shape_cast %swap3A_549 : vector<1x1x16xf32> to vector<16xf32>
        %swap3A_551 = vector.shape_cast %broadcast_in_dim3A_543 : vector<16xf32> to vector<1x1x16xf32>
        tpu.vector_store %arg6[%swap3A_546, %swap3A_547, %swap3A_548], %swap3A_551 {strides = array<i32>} : memref<5x8x2048xf32, #tpu.memory_space<vmem>>, vector<1x1x16xf32>,
        %scan3A_552 = arith.constant 0 : i32
        %scan3A_553 = arith.constant 1 : i32
        %scan3A_554 = arith.addi %scan3A_541, %scan3A_553 : i32
        %broadcast_in_dim3A_555 = arith.constant -8.000000e+01 : f32
        %broadcast_in_dim3A_556 = vector.broadcast %broadcast_in_dim3A_555 : f32 to vector<16xf32>
        %mul3A_557 = arith.constant 16 : i32
        %mul3A_558 = arith.muli %scan3A_554, %mul3A_557 : i32
        %swap3A_559 = arith.constant 1 : i32
        %swap3A_560 = arith.index_cast %swap3A_559 : i32 to index
        %swap3A_561 = arith.index_cast %while3A_531 : i32 to index
        %swap3A_562 = arith.index_cast %mul3A_558 : i32 to index
        %swap3A_563 = tpu.vector_load %arg6[%swap3A_560, %swap3A_561, %swap3A_562] {strides = array<i32>} : memref<5x8x2048xf32, #tpu.memory_space<vmem>>, vector<1x1x16xf32>,
        %swap3A_564 = vector.shape_cast %swap3A_563 : vector<1x1x16xf32> to vector<16xf32>
        %swap3A_565 = vector.shape_cast %broadcast_in_dim3A_556 : vector<16xf32> to vector<1x1x16xf32>
        tpu.vector_store %arg6[%swap3A_560, %swap3A_561, %swap3A_562], %swap3A_565 {strides = array<i32>} : memref<5x8x2048xf32, #tpu.memory_space<vmem>>, vector<1x1x16xf32>,
        %scan3A_566 = arith.constant 0 : i32
        %scan3A_567 = arith.constant 2 : i32
        %scan3A_568 = arith.addi %scan3A_541, %scan3A_567 : i32
        %broadcast_in_dim3A_569 = arith.constant -8.000000e+01 : f32
        %broadcast_in_dim3A_570 = vector.broadcast %broadcast_in_dim3A_569 : f32 to vector<16xf32>
        %mul3A_571 = arith.constant 16 : i32
        %mul3A_572 = arith.muli %scan3A_568, %mul3A_571 : i32
        %swap3A_573 = arith.constant 1 : i32
        %swap3A_574 = arith.index_cast %swap3A_573 : i32 to index
        %swap3A_575 = arith.index_cast %while3A_531 : i32 to index
        %swap3A_576 = arith.index_cast %mul3A_572 : i32 to index
        %swap3A_577 = tpu.vector_load %arg6[%swap3A_574, %swap3A_575, %swap3A_576] {strides = array<i32>} : memref<5x8x2048xf32, #tpu.memory_space<vmem>>, vector<1x1x16xf32>,
        %swap3A_578 = vector.shape_cast %swap3A_577 : vector<1x1x16xf32> to vector<16xf32>
        %swap3A_579 = vector.shape_cast %broadcast_in_dim3A_570 : vector<16xf32> to vector<1x1x16xf32>
        tpu.vector_store %arg6[%swap3A_574, %swap3A_575, %swap3A_576], %swap3A_579 {strides = array<i32>} : memref<5x8x2048xf32, #tpu.memory_space<vmem>>, vector<1x1x16xf32>,
        %scan3A_580 = arith.constant 0 : i32
        %scan3A_581 = arith.constant 3 : i32
        %scan3A_582 = arith.addi %scan3A_541, %scan3A_581 : i32
        %broadcast_in_dim3A_583 = arith.constant -8.000000e+01 : f32
        %broadcast_in_dim3A_584 = vector.broadcast %broadcast_in_dim3A_583 : f32 to vector<16xf32>
        %mul3A_585 = arith.constant 16 : i32
        %mul3A_586 = arith.muli %scan3A_582, %mul3A_585 : i32
        %swap3A_587 = arith.constant 1 : i32
        %swap3A_588 = arith.index_cast %swap3A_587 : i32 to index
        %swap3A_589 = arith.index_cast %while3A_531 : i32 to index
        %swap3A_590 = arith.index_cast %mul3A_586 : i32 to index
        %swap3A_591 = tpu.vector_load %arg6[%swap3A_588, %swap3A_589, %swap3A_590] {strides = array<i32>} : memref<5x8x2048xf32, #tpu.memory_space<vmem>>, vector<1x1x16xf32>,
        %swap3A_592 = vector.shape_cast %swap3A_591 : vector<1x1x16xf32> to vector<16xf32>
        %swap3A_593 = vector.shape_cast %broadcast_in_dim3A_584 : vector<16xf32> to vector<1x1x16xf32>
        tpu.vector_store %arg6[%swap3A_588, %swap3A_589, %swap3A_590], %swap3A_593 {strides = array<i32>} : memref<5x8x2048xf32, #tpu.memory_space<vmem>>, vector<1x1x16xf32>,
        %scan3A_594 = arith.constant 0 : i32
        %scan3A_595 = arith.constant 4 : i32
        %scan3A_596 = arith.addi %scan3A_541, %scan3A_595 : i32
        %broadcast_in_dim3A_597 = arith.constant -8.000000e+01 : f32
        %broadcast_in_dim3A_598 = vector.broadcast %broadcast_in_dim3A_597 : f32 to vector<16xf32>
        %mul3A_599 = arith.constant 16 : i32
        %mul3A_600 = arith.muli %scan3A_596, %mul3A_599 : i32
        %swap3A_601 = arith.constant 1 : i32
        %swap3A_602 = arith.index_cast %swap3A_601 : i32 to index
        %swap3A_603 = arith.index_cast %while3A_531 : i32 to index
        %swap3A_604 = arith.index_cast %mul3A_600 : i32 to index
        %swap3A_605 = tpu.vector_load %arg6[%swap3A_602, %swap3A_603, %swap3A_604] {strides = array<i32>} : memref<5x8x2048xf32, #tpu.memory_space<vmem>>, vector<1x1x16xf32>,
        %swap3A_606 = vector.shape_cast %swap3A_605 : vector<1x1x16xf32> to vector<16xf32>
        %swap3A_607 = vector.shape_cast %broadcast_in_dim3A_598 : vector<16xf32> to vector<1x1x16xf32>
        tpu.vector_store %arg6[%swap3A_602, %swap3A_603, %swap3A_604], %swap3A_607 {strides = array<i32>} : memref<5x8x2048xf32, #tpu.memory_space<vmem>>, vector<1x1x16xf32>,
        %scan3A_608 = arith.constant 0 : i32
        %scan3A_609 = arith.constant 5 : i32
        %scan3A_610 = arith.addi %scan3A_541, %scan3A_609 : i32
        %broadcast_in_dim3A_611 = arith.constant -8.000000e+01 : f32
        %broadcast_in_dim3A_612 = vector.broadcast %broadcast_in_dim3A_611 : f32 to vector<16xf32>
        %mul3A_613 = arith.constant 16 : i32
        %mul3A_614 = arith.muli %scan3A_610, %mul3A_613 : i32
        %swap3A_615 = arith.constant 1 : i32
        %swap3A_616 = arith.index_cast %swap3A_615 : i32 to index
        %swap3A_617 = arith.index_cast %while3A_531 : i32 to index
        %swap3A_618 = arith.index_cast %mul3A_614 : i32 to index
        %swap3A_619 = tpu.vector_load %arg6[%swap3A_616, %swap3A_617, %swap3A_618] {strides = array<i32>} : memref<5x8x2048xf32, #tpu.memory_space<vmem>>, vector<1x1x16xf32>,
        %swap3A_620 = vector.shape_cast %swap3A_619 : vector<1x1x16xf32> to vector<16xf32>
        %swap3A_621 = vector.shape_cast %broadcast_in_dim3A_612 : vector<16xf32> to vector<1x1x16xf32>
        tpu.vector_store %arg6[%swap3A_616, %swap3A_617, %swap3A_618], %swap3A_621 {strides = array<i32>} : memref<5x8x2048xf32, #tpu.memory_space<vmem>>, vector<1x1x16xf32>,
        %scan3A_622 = arith.constant 0 : i32
        %scan3A_623 = arith.constant 6 : i32
        %scan3A_624 = arith.addi %scan3A_541, %scan3A_623 : i32
        %broadcast_in_dim3A_625 = arith.constant -8.000000e+01 : f32
        %broadcast_in_dim3A_626 = vector.broadcast %broadcast_in_dim3A_625 : f32 to vector<16xf32>
        %mul3A_627 = arith.constant 16 : i32
        %mul3A_628 = arith.muli %scan3A_624, %mul3A_627 : i32
        %swap3A_629 = arith.constant 1 : i32
        %swap3A_630 = arith.index_cast %swap3A_629 : i32 to index
        %swap3A_631 = arith.index_cast %while3A_531 : i32 to index
        %swap3A_632 = arith.index_cast %mul3A_628 : i32 to index
        %swap3A_633 = tpu.vector_load %arg6[%swap3A_630, %swap3A_631, %swap3A_632] {strides = array<i32>} : memref<5x8x2048xf32, #tpu.memory_space<vmem>>, vector<1x1x16xf32>,
        %swap3A_634 = vector.shape_cast %swap3A_633 : vector<1x1x16xf32> to vector<16xf32>
        %swap3A_635 = vector.shape_cast %broadcast_in_dim3A_626 : vector<16xf32> to vector<1x1x16xf32>
        tpu.vector_store %arg6[%swap3A_630, %swap3A_631, %swap3A_632], %swap3A_635 {strides = array<i32>} : memref<5x8x2048xf32, #tpu.memory_space<vmem>>, vector<1x1x16xf32>,
        %scan3A_636 = arith.constant 0 : i32
        %scan3A_637 = arith.constant 7 : i32
        %scan3A_638 = arith.addi %scan3A_541, %scan3A_637 : i32
        %broadcast_in_dim3A_639 = arith.constant -8.000000e+01 : f32
        %broadcast_in_dim3A_640 = vector.broadcast %broadcast_in_dim3A_639 : f32 to vector<16xf32>
        %mul3A_641 = arith.constant 16 : i32
        %mul3A_642 = arith.muli %scan3A_638, %mul3A_641 : i32
        %swap3A_643 = arith.constant 1 : i32
        %swap3A_644 = arith.index_cast %swap3A_643 : i32 to index
        %swap3A_645 = arith.index_cast %while3A_531 : i32 to index
        %swap3A_646 = arith.index_cast %mul3A_642 : i32 to index
        %swap3A_647 = tpu.vector_load %arg6[%swap3A_644, %swap3A_645, %swap3A_646] {strides = array<i32>} : memref<5x8x2048xf32, #tpu.memory_space<vmem>>, vector<1x1x16xf32>,
        %swap3A_648 = vector.shape_cast %swap3A_647 : vector<1x1x16xf32> to vector<16xf32>
        %swap3A_649 = vector.shape_cast %broadcast_in_dim3A_640 : vector<16xf32> to vector<1x1x16xf32>
        tpu.vector_store %arg6[%swap3A_644, %swap3A_645, %swap3A_646], %swap3A_649 {strides = array<i32>} : memref<5x8x2048xf32, #tpu.memory_space<vmem>>, vector<1x1x16xf32>,
        %scan3A_650 = arith.constant 0 : i32
        scf.yield %scan3A_650 : i32
      }
      %scan3A_539 = arith.constant 128 : i32
      %while3A_540 = arith.constant 0 : i32
      scf.yield %while3A_540 : i32
    }
    %while3A_287 = arith.constant 1 : i32
    %while3A_288 = scf.for %while3A_531 = %while3A_284 to %while3A_280 step %while3A_287 iter_args(%while3A_532 = %while3A_286) -> (i32)  : i32 {
      %scan3A_533 = arith.constant 0 : i32
      %scan3A_534 = arith.constant 0 : i32
      %scan3A_535 = arith.constant 128 : i32
      %scan3A_536 = arith.addi %scan3A_534, %scan3A_535 : i32
      %scan3A_537 = arith.constant 8 : i32
      %scan3A_538 = scf.for %scan3A_541 = %scan3A_534 to %scan3A_536 step %scan3A_537 iter_args(%scan3A_542 = %scan3A_533) -> (i32)  : i32 {
        %broadcast_in_dim3A = arith.constant -8.000000e+01 : f32
        %broadcast_in_dim3A_543 = vector.broadcast %broadcast_in_dim3A : f32 to vector<16xf32>
        %mul3A_544 = arith.constant 16 : i32
        %mul3A_545 = arith.muli %scan3A_541, %mul3A_544 : i32
        %swap3A = arith.constant 1 : i32
        %swap3A_546 = arith.index_cast %swap3A : i32 to index
        %swap3A_547 = arith.index_cast %while3A_531 : i32 to index
        %swap3A_548 = arith.index_cast %mul3A_545 : i32 to index
        %swap3A_549 = tpu.vector_load %arg6[%swap3A_546, %swap3A_547, %swap3A_548] {strides = array<i32>} : memref<5x8x2048xf32, #tpu.memory_space<vmem>>, vector<1x1x16xf32>,
        %swap3A_550 = vector.shape_cast %swap3A_549 : vector<1x1x16xf32> to vector<16xf32>
        %swap3A_551 = vector.shape_cast %broadcast_in_dim3A_543 : vector<16xf32> to vector<1x1x16xf32>
        tpu.vector_store %arg6[%swap3A_546, %swap3A_547, %swap3A_548], %swap3A_551 {strides = array<i32>} : memref<5x8x2048xf32, #tpu.memory_space<vmem>>, vector<1x1x16xf32>,
        %scan3A_552 = arith.constant 0 : i32
        %scan3A_553 = arith.constant 1 : i32
        %scan3A_554 = arith.addi %scan3A_541, %scan3A_553 : i32
        %broadcast_in_dim3A_555 = arith.constant -8.000000e+01 : f32
        %broadcast_in_dim3A_556 = vector.broadcast %broadcast_in_dim3A_555 : f32 to vector<16xf32>
        %mul3A_557 = arith.constant 16 : i32
        %mul3A_558 = arith.muli %scan3A_554, %mul3A_557 : i32
        %swap3A_559 = arith.constant 1 : i32
        %swap3A_560 = arith.index_cast %swap3A_559 : i32 to index
        %swap3A_561 = arith.index_cast %while3A_531 : i32 to index
        %swap3A_562 = arith.index_cast %mul3A_558 : i32 to index
        %swap3A_563 = tpu.vector_load %arg6[%swap3A_560, %swap3A_561, %swap3A_562] {strides = array<i32>} : memref<5x8x2048xf32, #tpu.memory_space<vmem>>, vector<1x1x16xf32>,
        %swap3A_564 = vector.shape_cast %swap3A_563 : vector<1x1x16xf32> to vector<16xf32>
        %swap3A_565 = vector.shape_cast %broadcast_in_dim3A_556 : vector<16xf32> to vector<1x1x16xf32>
        tpu.vector_store %arg6[%swap3A_560, %swap3A_561, %swap3A_562], %swap3A_565 {strides = array<i32>} : memref<5x8x2048xf32, #tpu.memory_space<vmem>>, vector<1x1x16xf32>,
        %scan3A_566 = arith.constant 0 : i32
        %scan3A_567 = arith.constant 2 : i32
        %scan3A_568 = arith.addi %scan3A_541, %scan3A_567 : i32
        %broadcast_in_dim3A_569 = arith.constant -8.000000e+01 : f32
        %broadcast_in_dim3A_570 = vector.broadcast %broadcast_in_dim3A_569 : f32 to vector<16xf32>
        %mul3A_571 = arith.constant 16 : i32
        %mul3A_572 = arith.muli %scan3A_568, %mul3A_571 : i32
        %swap3A_573 = arith.constant 1 : i32
        %swap3A_574 = arith.index_cast %swap3A_573 : i32 to index
        %swap3A_575 = arith.index_cast %while3A_531 : i32 to index
        %swap3A_576 = arith.index_cast %mul3A_572 : i32 to index
        %swap3A_577 = tpu.vector_load %arg6[%swap3A_574, %swap3A_575, %swap3A_576] {strides = array<i32>} : memref<5x8x2048xf32, #tpu.memory_space<vmem>>, vector<1x1x16xf32>,
        %swap3A_578 = vector.shape_cast %swap3A_577 : vector<1x1x16xf32> to vector<16xf32>
        %swap3A_579 = vector.shape_cast %broadcast_in_dim3A_570 : vector<16xf32> to vector<1x1x16xf32>
        tpu.vector_store %arg6[%swap3A_574, %swap3A_575, %swap3A_576], %swap3A_579 {strides = array<i32>} : memref<5x8x2048xf32, #tpu.memory_space<vmem>>, vector<1x1x16xf32>,
        %scan3A_580 = arith.constant 0 : i32
        %scan3A_581 = arith.constant 3 : i32
        %scan3A_582 = arith.addi %scan3A_541, %scan3A_581 : i32
        %broadcast_in_dim3A_583 = arith.constant -8.000000e+01 : f32
        %broadcast_in_dim3A_584 = vector.broadcast %broadcast_in_dim3A_583 : f32 to vector<16xf32>
        %mul3A_585 = arith.constant 16 : i32
        %mul3A_586 = arith.muli %scan3A_582, %mul3A_585 : i32
        %swap3A_587 = arith.constant 1 : i32
        %swap3A_588 = arith.index_cast %swap3A_587 : i32 to index
        %swap3A_589 = arith.index_cast %while3A_531 : i32 to index
        %swap3A_590 = arith.index_cast %mul3A_586 : i32 to index
        %swap3A_591 = tpu.vector_load %arg6[%swap3A_588, %swap3A_589, %swap3A_590] {strides = array<i32>} : memref<5x8x2048xf32, #tpu.memory_space<vmem>>, vector<1x1x16xf32>,
        %swap3A_592 = vector.shape_cast %swap3A_591 : vector<1x1x16xf32> to vector<16xf32>
        %swap3A_593 = vector.shape_cast %broadcast_in_dim3A_584 : vector<16xf32> to vector<1x1x16xf32>
        tpu.vector_store %arg6[%swap3A_588, %swap3A_589, %swap3A_590], %swap3A_593 {strides = array<i32>} : memref<5x8x2048xf32, #tpu.memory_space<vmem>>, vector<1x1x16xf32>,
        %scan3A_594 = arith.constant 0 : i32
        %scan3A_595 = arith.constant 4 : i32
        %scan3A_596 = arith.addi %scan3A_541, %scan3A_595 : i32
        %broadcast_in_dim3A_597 = arith.constant -8.000000e+01 : f32
        %broadcast_in_dim3A_598 = vector.broadcast %broadcast_in_dim3A_597 : f32 to vector<16xf32>
        %mul3A_599 = arith.constant 16 : i32
        %mul3A_600 = arith.muli %scan3A_596, %mul3A_599 : i32
        %swap3A_601 = arith.constant 1 : i32
        %swap3A_602 = arith.index_cast %swap3A_601 : i32 to index
        %swap3A_603 = arith.index_cast %while3A_531 : i32 to index
        %swap3A_604 = arith.index_cast %mul3A_600 : i32 to index
        %swap3A_605 = tpu.vector_load %arg6[%swap3A_602, %swap3A_603, %swap3A_604] {strides = array<i32>} : memref<5x8x2048xf32, #tpu.memory_space<vmem>>, vector<1x1x16xf32>,
        %swap3A_606 = vector.shape_cast %swap3A_605 : vector<1x1x16xf32> to vector<16xf32>
        %swap3A_607 = vector.shape_cast %broadcast_in_dim3A_598 : vector<16xf32> to vector<1x1x16xf32>
        tpu.vector_store %arg6[%swap3A_602, %swap3A_603, %swap3A_604], %swap3A_607 {strides = array<i32>} : memref<5x8x2048xf32, #tpu.memory_space<vmem>>, vector<1x1x16xf32>,
        %scan3A_608 = arith.constant 0 : i32
        %scan3A_609 = arith.constant 5 : i32
        %scan3A_610 = arith.addi %scan3A_541, %scan3A_609 : i32
        %broadcast_in_dim3A_611 = arith.constant -8.000000e+01 : f32
        %broadcast_in_dim3A_612 = vector.broadcast %broadcast_in_dim3A_611 : f32 to vector<16xf32>
        %mul3A_613 = arith.constant 16 : i32
        %mul3A_614 = arith.muli %scan3A_610, %mul3A_613 : i32
        %swap3A_615 = arith.constant 1 : i32
        %swap3A_616 = arith.index_cast %swap3A_615 : i32 to index
        %swap3A_617 = arith.index_cast %while3A_531 : i32 to index
        %swap3A_618 = arith.index_cast %mul3A_614 : i32 to index
        %swap3A_619 = tpu.vector_load %arg6[%swap3A_616, %swap3A_617, %swap3A_618] {strides = array<i32>} : memref<5x8x2048xf32, #tpu.memory_space<vmem>>, vector<1x1x16xf32>,
        %swap3A_620 = vector.shape_cast %swap3A_619 : vector<1x1x16xf32> to vector<16xf32>
        %swap3A_621 = vector.shape_cast %broadcast_in_dim3A_612 : vector<16xf32> to vector<1x1x16xf32>
        tpu.vector_store %arg6[%swap3A_616, %swap3A_617, %swap3A_618], %swap3A_621 {strides = array<i32>} : memref<5x8x2048xf32, #tpu.memory_space<vmem>>, vector<1x1x16xf32>,
        %scan3A_622 = arith.constant 0 : i32
        %scan3A_623 = arith.constant 6 : i32
        %scan3A_624 = arith.addi %scan3A_541, %scan3A_623 : i32
        %broadcast_in_dim3A_625 = arith.constant -8.000000e+01 : f32
        %broadcast_in_dim3A_626 = vector.broadcast %broadcast_in_dim3A_625 : f32 to vector<16xf32>
        %mul3A_627 = arith.constant 16 : i32
        %mul3A_628 = arith.muli %scan3A_624, %mul3A_627 : i32
        %swap3A_629 = arith.constant 1 : i32
        %swap3A_630 = arith.index_cast %swap3A_629 : i32 to index
        %swap3A_631 = arith.index_cast %while3A_531 : i32 to index
        %swap3A_632 = arith.index_cast %mul3A_628 : i32 to index
        %swap3A_633 = tpu.vector_load %arg6[%swap3A_630, %swap3A_631, %swap3A_632] {strides = array<i32>} : memref<5x8x2048xf32, #tpu.memory_space<vmem>>, vector<1x1x16xf32>,
        %swap3A_634 = vector.shape_cast %swap3A_633 : vector<1x1x16xf32> to vector<16xf32>
        %swap3A_635 = vector.shape_cast %broadcast_in_dim3A_626 : vector<16xf32> to vector<1x1x16xf32>
        tpu.vector_store %arg6[%swap3A_630, %swap3A_631, %swap3A_632], %swap3A_635 {strides = array<i32>} : memref<5x8x2048xf32, #tpu.memory_space<vmem>>, vector<1x1x16xf32>,
        %scan3A_636 = arith.constant 0 : i32
        %scan3A_637 = arith.constant 7 : i32
        %scan3A_638 = arith.addi %scan3A_541, %scan3A_637 : i32
        %broadcast_in_dim3A_639 = arith.constant -8.000000e+01 : f32
        %broadcast_in_dim3A_640 = vector.broadcast %broadcast_in_dim3A_639 : f32 to vector<16xf32>
        %mul3A_641 = arith.constant 16 : i32
        %mul3A_642 = arith.muli %scan3A_638, %mul3A_641 : i32
        %swap3A_643 = arith.constant 1 : i32
        %swap3A_644 = arith.index_cast %swap3A_643 : i32 to index
        %swap3A_645 = arith.index_cast %while3A_531 : i32 to index
        %swap3A_646 = arith.index_cast %mul3A_642 : i32 to index
        %swap3A_647 = tpu.vector_load %arg6[%swap3A_644, %swap3A_645, %swap3A_646] {strides = array<i32>} : memref<5x8x2048xf32, #tpu.memory_space<vmem>>, vector<1x1x16xf32>,
        %swap3A_648 = vector.shape_cast %swap3A_647 : vector<1x1x16xf32> to vector<16xf32>
        %swap3A_649 = vector.shape_cast %broadcast_in_dim3A_640 : vector<16xf32> to vector<1x1x16xf32>
        tpu.vector_store %arg6[%swap3A_644, %swap3A_645, %swap3A_646], %swap3A_649 {strides = array<i32>} : memref<5x8x2048xf32, #tpu.memory_space<vmem>>, vector<1x1x16xf32>,
        %scan3A_650 = arith.constant 0 : i32
        scf.yield %scan3A_650 : i32
      }
      %scan3A_539 = arith.constant 128 : i32
      %while3A_540 = arith.constant 0 : i32
      scf.yield %while3A_540 : i32
    }
    %dma_start3A_289 = arith.constant 1 : i32
    %dma_start3A_290 = arith.constant 0 : i32
    %dma_start3A_291 = arith.constant 0 : i32
    %dma_start3A_292 = tpu.memref_slice %arg6[%dma_start3A_289, %dma_start3A_290, %dma_start3A_291] : memref<5x8x2048xf32, #tpu.memory_space<vmem>> -> memref<1x8x2048xf32, #tpu.memory_space<vmem>>
    %dma_start3A_293 = tpu.memref_squeeze %dma_start3A_292 : memref<1x8x2048xf32, #tpu.memory_space<vmem>> -> memref<8x2048xf32, #tpu.memory_space<vmem>>
    %dma_start3A_294 = arith.constant 0 : i32
    %dma_start3A_295 = tpu.memref_slice %arg4[%add3A_277, %dma_start3A_294] : memref<16384x2048xf32, #tpu.memory_space<hbm>> -> memref<8x2048xf32, #tpu.memory_space<hbm>>
    %dma_start3A_296 = arith.constant 0 : i32
    %dma_start3A_297 = tpu.memref_slice %arg4[%add3A_277, %dma_start3A_296] : memref<16384x2048xf32, #tpu.memory_space<hbm>> -> memref<8x2048xf32, #tpu.memory_space<hbm>>
    %dma_start3A_298 = arith.constant 0 : i32
    %dma_start3A_299 = arith.constant 0 : i32
    %dma_start3A_300 = tpu.memref_slice %arg6[%dma_start3A_289, %dma_start3A_298, %dma_start3A_299] : memref<5x8x2048xf32, #tpu.memory_space<vmem>> -> memref<1x8x2048xf32, #tpu.memory_space<vmem>>
    %dma_start3A_301 = tpu.memref_squeeze %dma_start3A_300 : memref<1x8x2048xf32, #tpu.memory_space<vmem>> -> memref<8x2048xf32, #tpu.memory_space<vmem>>
    tpu.enqueue_dma source(%dma_start3A_301 : memref<8x2048xf32, #tpu.memory_space<vmem>>) target(%dma_start3A_297 : memref<8x2048xf32, #tpu.memory_space<hbm>>) target_semaphore(%arg8 : memref<!tpu.dma_semaphore, #tpu.memory_space<semaphore_mem>>)
    %jit3A_302 = arith.constant true
    %select_n3A_303 = arith.select %jit3A_302, %squeeze3A_10, %squeeze3A : i32
    %jit3A_304 = arith.constant true
    %select_n3A_305 = arith.select %jit3A_304, %squeeze3A_12, %squeeze3A_8 : i32
    %sub3A_306 = arith.constant 240 : i32
    %sub3A_307 = arith.subi %select_n3A_303, %sub3A_306 : i32
    %jit3A_308 = arith.constant 0 : i32
    %jit3A_309 = arith.constant 8 : i32
    %max3A_310 = arith.maxsi %jit3A_308, %sub3A_307 : i32
    %min3A_311 = arith.minsi %jit3A_309, %max3A_310 : i32
    %sub3A_312 = arith.constant 240 : i32
    %sub3A_313 = arith.subi %select_n3A_305, %sub3A_312 : i32
    %jit3A_314 = arith.constant 0 : i32
    %jit3A_315 = arith.constant 8 : i32
    %max3A_316 = arith.maxsi %jit3A_314, %sub3A_313 : i32
    %min3A_317 = arith.minsi %jit3A_315, %max3A_316 : i32
    %eq3A_318 = arith.constant 0 : i32
    %eq3A_319 = arith.cmpi eq, %min3A_311, %eq3A_318 : i32
    %eq3A_320 = arith.constant 8 : i32
    %eq3A_321 = arith.cmpi eq, %min3A_317, %eq3A_320 : i32
    %and3A_322 = arith.andi %eq3A_319, %eq3A_321 : i1
    %not3A_323 = arith.constant true
    %not3A_324 = arith.xori %and3A_322, %not3A_323 : i1
    %add3A_325 = arith.constant 496 : i32
    %add3A_326 = arith.addi %mul3A_2, %add3A_325 : i32
    %convert_element_type3A_327 = arith.extui %not3A_324 : i1 to i32
    %cond3A_328 = arith.constant 0 : i32
    %cond3A_329 = arith.cmpi ne, %convert_element_type3A_327, %cond3A_328 : i32
    scf.if %cond3A_329 {
      %dma_wait3A_531 = arith.constant 2 : i32
      %dma_wait3A_532 = arith.constant 0 : i32
      %dma_wait3A_533 = arith.constant 0 : i32
      %dma_wait3A_534 = tpu.memref_slice %arg6[%dma_wait3A_531, %dma_wait3A_532, %dma_wait3A_533] : memref<5x8x2048xf32, #tpu.memory_space<vmem>> -> memref<1x8x2048xf32, #tpu.memory_space<vmem>>
      %dma_wait3A_535 = tpu.memref_squeeze %dma_wait3A_534 : memref<1x8x2048xf32, #tpu.memory_space<vmem>> -> memref<8x2048xf32, #tpu.memory_space<vmem>>
      %dma_wait3A_536 = arith.constant 0 : i32
      %dma_wait3A_537 = arith.constant 0 : i32
      %dma_wait3A_538 = tpu.memref_slice %arg2[%dma_wait3A_536, %dma_wait3A_537] : memref<16384x2048xf32, #tpu.memory_space<hbm>> -> memref<8x2048xf32, #tpu.memory_space<hbm>>
      %dma_wait3A_539 = arith.constant 0 : i32
      %dma_wait3A_540 = arith.constant 0 : i32
      %dma_wait3A_541 = tpu.memref_slice %arg6[%dma_wait3A_531, %dma_wait3A_539, %dma_wait3A_540] : memref<5x8x2048xf32, #tpu.memory_space<vmem>> -> memref<1x8x2048xf32, #tpu.memory_space<vmem>>
      %dma_wait3A_542 = tpu.memref_squeeze %dma_wait3A_541 : memref<1x8x2048xf32, #tpu.memory_space<vmem>> -> memref<8x2048xf32, #tpu.memory_space<vmem>>
      %dma_wait3A_543 = arith.constant 0 : i32
      %dma_wait3A_544 = arith.constant 0 : i32
      %dma_wait3A_545 = tpu.memref_slice %arg2[%dma_wait3A_543, %dma_wait3A_544] : memref<16384x2048xf32, #tpu.memory_space<hbm>> -> memref<8x2048xf32, #tpu.memory_space<hbm>>
      tpu.wait_dma2 semaphore(%arg7 : memref<!tpu.dma_semaphore, #tpu.memory_space<semaphore_mem>>) src(%dma_wait3A_545 : memref<8x2048xf32, #tpu.memory_space<hbm>>) dst(%dma_wait3A_542 : memref<8x2048xf32, #tpu.memory_space<vmem>>)
    } else {
    }
    %jit3A_330 = arith.constant true
    %select_n3A_331 = arith.select %jit3A_330, %squeeze3A_10, %squeeze3A : i32
    %jit3A_332 = arith.constant true
    %select_n3A_333 = arith.select %jit3A_332, %squeeze3A_12, %squeeze3A_8 : i32
    %sub3A_334 = arith.constant 240 : i32
    %sub3A_335 = arith.subi %select_n3A_331, %sub3A_334 : i32
    %jit3A_336 = arith.constant 0 : i32
    %jit3A_337 = arith.constant 8 : i32
    %max3A_338 = arith.maxsi %jit3A_336, %sub3A_335 : i32
    %min3A_339 = arith.minsi %jit3A_337, %max3A_338 : i32
    %sub3A_340 = arith.constant 240 : i32
    %sub3A_341 = arith.subi %select_n3A_333, %sub3A_340 : i32
    %jit3A_342 = arith.constant 0 : i32
    %jit3A_343 = arith.constant 8 : i32
    %max3A_344 = arith.maxsi %jit3A_342, %sub3A_341 : i32
    %min3A_345 = arith.minsi %jit3A_343, %max3A_344 : i32
    %eq3A_346 = arith.constant 0 : i32
    %eq3A_347 = arith.cmpi eq, %min3A_339, %eq3A_346 : i32
    %eq3A_348 = arith.constant 8 : i32
    %eq3A_349 = arith.cmpi eq, %min3A_345, %eq3A_348 : i32
    %and3A_350 = arith.andi %eq3A_347, %eq3A_349 : i1
    %not3A_351 = arith.constant true
    %not3A_352 = arith.xori %and3A_350, %not3A_351 : i1
    %add3A_353 = arith.constant 496 : i32
    %add3A_354 = arith.addi %mul3A_2, %add3A_353 : i32
    %while3A_355 = arith.constant 0 : i32
    %while3A_356 = arith.subi %min3A_345, %min3A_339 : i32
    %while3A_357 = arith.addi %min3A_339, %while3A_356 : i32
    %while3A_358 = arith.constant 1 : i32
    %while3A_359 = arith.divsi %while3A_356, %while3A_358 : i32
    %while3A_360 = arith.muli %while3A_359, %while3A_358 : i32
    %while3A_361 = arith.addi %min3A_339, %while3A_360 : i32
    %while3A_362 = arith.constant 1 : i32
    %while3A_363 = scf.for %while3A_531 = %min3A_339 to %while3A_361 step %while3A_362 iter_args(%while3A_532 = %while3A_355) -> (i32)  : i32 {
      %scan3A_533 = arith.constant 0 : i32
      %scan3A_534 = arith.constant 0 : i32
      %scan3A_535 = arith.constant 128 : i32
      %scan3A_536 = arith.addi %scan3A_534, %scan3A_535 : i32
      %scan3A_537 = arith.constant 8 : i32
      %scan3A_538 = scf.for %scan3A_541 = %scan3A_534 to %scan3A_536 step %scan3A_537 iter_args(%scan3A_542 = %scan3A_533) -> (i32)  : i32 {
        %broadcast_in_dim3A = arith.constant -8.000000e+01 : f32
        %broadcast_in_dim3A_543 = vector.broadcast %broadcast_in_dim3A : f32 to vector<16xf32>
        %mul3A_544 = arith.constant 16 : i32
        %mul3A_545 = arith.muli %scan3A_541, %mul3A_544 : i32
        %swap3A = arith.constant 2 : i32
        %swap3A_546 = arith.index_cast %swap3A : i32 to index
        %swap3A_547 = arith.index_cast %while3A_531 : i32 to index
        %swap3A_548 = arith.index_cast %mul3A_545 : i32 to index
        %swap3A_549 = tpu.vector_load %arg6[%swap3A_546, %swap3A_547, %swap3A_548] {strides = array<i32>} : memref<5x8x2048xf32, #tpu.memory_space<vmem>>, vector<1x1x16xf32>,
        %swap3A_550 = vector.shape_cast %swap3A_549 : vector<1x1x16xf32> to vector<16xf32>
        %swap3A_551 = vector.shape_cast %broadcast_in_dim3A_543 : vector<16xf32> to vector<1x1x16xf32>
        tpu.vector_store %arg6[%swap3A_546, %swap3A_547, %swap3A_548], %swap3A_551 {strides = array<i32>} : memref<5x8x2048xf32, #tpu.memory_space<vmem>>, vector<1x1x16xf32>,
        %scan3A_552 = arith.constant 0 : i32
        %scan3A_553 = arith.constant 1 : i32
        %scan3A_554 = arith.addi %scan3A_541, %scan3A_553 : i32
        %broadcast_in_dim3A_555 = arith.constant -8.000000e+01 : f32
        %broadcast_in_dim3A_556 = vector.broadcast %broadcast_in_dim3A_555 : f32 to vector<16xf32>
        %mul3A_557 = arith.constant 16 : i32
        %mul3A_558 = arith.muli %scan3A_554, %mul3A_557 : i32
        %swap3A_559 = arith.constant 2 : i32
        %swap3A_560 = arith.index_cast %swap3A_559 : i32 to index
        %swap3A_561 = arith.index_cast %while3A_531 : i32 to index
        %swap3A_562 = arith.index_cast %mul3A_558 : i32 to index
        %swap3A_563 = tpu.vector_load %arg6[%swap3A_560, %swap3A_561, %swap3A_562] {strides = array<i32>} : memref<5x8x2048xf32, #tpu.memory_space<vmem>>, vector<1x1x16xf32>,
        %swap3A_564 = vector.shape_cast %swap3A_563 : vector<1x1x16xf32> to vector<16xf32>
        %swap3A_565 = vector.shape_cast %broadcast_in_dim3A_556 : vector<16xf32> to vector<1x1x16xf32>
        tpu.vector_store %arg6[%swap3A_560, %swap3A_561, %swap3A_562], %swap3A_565 {strides = array<i32>} : memref<5x8x2048xf32, #tpu.memory_space<vmem>>, vector<1x1x16xf32>,
        %scan3A_566 = arith.constant 0 : i32
        %scan3A_567 = arith.constant 2 : i32
        %scan3A_568 = arith.addi %scan3A_541, %scan3A_567 : i32
        %broadcast_in_dim3A_569 = arith.constant -8.000000e+01 : f32
        %broadcast_in_dim3A_570 = vector.broadcast %broadcast_in_dim3A_569 : f32 to vector<16xf32>
        %mul3A_571 = arith.constant 16 : i32
        %mul3A_572 = arith.muli %scan3A_568, %mul3A_571 : i32
        %swap3A_573 = arith.constant 2 : i32
        %swap3A_574 = arith.index_cast %swap3A_573 : i32 to index
        %swap3A_575 = arith.index_cast %while3A_531 : i32 to index
        %swap3A_576 = arith.index_cast %mul3A_572 : i32 to index
        %swap3A_577 = tpu.vector_load %arg6[%swap3A_574, %swap3A_575, %swap3A_576] {strides = array<i32>} : memref<5x8x2048xf32, #tpu.memory_space<vmem>>, vector<1x1x16xf32>,
        %swap3A_578 = vector.shape_cast %swap3A_577 : vector<1x1x16xf32> to vector<16xf32>
        %swap3A_579 = vector.shape_cast %broadcast_in_dim3A_570 : vector<16xf32> to vector<1x1x16xf32>
        tpu.vector_store %arg6[%swap3A_574, %swap3A_575, %swap3A_576], %swap3A_579 {strides = array<i32>} : memref<5x8x2048xf32, #tpu.memory_space<vmem>>, vector<1x1x16xf32>,
        %scan3A_580 = arith.constant 0 : i32
        %scan3A_581 = arith.constant 3 : i32
        %scan3A_582 = arith.addi %scan3A_541, %scan3A_581 : i32
        %broadcast_in_dim3A_583 = arith.constant -8.000000e+01 : f32
        %broadcast_in_dim3A_584 = vector.broadcast %broadcast_in_dim3A_583 : f32 to vector<16xf32>
        %mul3A_585 = arith.constant 16 : i32
        %mul3A_586 = arith.muli %scan3A_582, %mul3A_585 : i32
        %swap3A_587 = arith.constant 2 : i32
        %swap3A_588 = arith.index_cast %swap3A_587 : i32 to index
        %swap3A_589 = arith.index_cast %while3A_531 : i32 to index
        %swap3A_590 = arith.index_cast %mul3A_586 : i32 to index
        %swap3A_591 = tpu.vector_load %arg6[%swap3A_588, %swap3A_589, %swap3A_590] {strides = array<i32>} : memref<5x8x2048xf32, #tpu.memory_space<vmem>>, vector<1x1x16xf32>,
        %swap3A_592 = vector.shape_cast %swap3A_591 : vector<1x1x16xf32> to vector<16xf32>
        %swap3A_593 = vector.shape_cast %broadcast_in_dim3A_584 : vector<16xf32> to vector<1x1x16xf32>
        tpu.vector_store %arg6[%swap3A_588, %swap3A_589, %swap3A_590], %swap3A_593 {strides = array<i32>} : memref<5x8x2048xf32, #tpu.memory_space<vmem>>, vector<1x1x16xf32>,
        %scan3A_594 = arith.constant 0 : i32
        %scan3A_595 = arith.constant 4 : i32
        %scan3A_596 = arith.addi %scan3A_541, %scan3A_595 : i32
        %broadcast_in_dim3A_597 = arith.constant -8.000000e+01 : f32
        %broadcast_in_dim3A_598 = vector.broadcast %broadcast_in_dim3A_597 : f32 to vector<16xf32>
        %mul3A_599 = arith.constant 16 : i32
        %mul3A_600 = arith.muli %scan3A_596, %mul3A_599 : i32
        %swap3A_601 = arith.constant 2 : i32
        %swap3A_602 = arith.index_cast %swap3A_601 : i32 to index
        %swap3A_603 = arith.index_cast %while3A_531 : i32 to index
        %swap3A_604 = arith.index_cast %mul3A_600 : i32 to index
        %swap3A_605 = tpu.vector_load %arg6[%swap3A_602, %swap3A_603, %swap3A_604] {strides = array<i32>} : memref<5x8x2048xf32, #tpu.memory_space<vmem>>, vector<1x1x16xf32>,
        %swap3A_606 = vector.shape_cast %swap3A_605 : vector<1x1x16xf32> to vector<16xf32>
        %swap3A_607 = vector.shape_cast %broadcast_in_dim3A_598 : vector<16xf32> to vector<1x1x16xf32>
        tpu.vector_store %arg6[%swap3A_602, %swap3A_603, %swap3A_604], %swap3A_607 {strides = array<i32>} : memref<5x8x2048xf32, #tpu.memory_space<vmem>>, vector<1x1x16xf32>,
        %scan3A_608 = arith.constant 0 : i32
        %scan3A_609 = arith.constant 5 : i32
        %scan3A_610 = arith.addi %scan3A_541, %scan3A_609 : i32
        %broadcast_in_dim3A_611 = arith.constant -8.000000e+01 : f32
        %broadcast_in_dim3A_612 = vector.broadcast %broadcast_in_dim3A_611 : f32 to vector<16xf32>
        %mul3A_613 = arith.constant 16 : i32
        %mul3A_614 = arith.muli %scan3A_610, %mul3A_613 : i32
        %swap3A_615 = arith.constant 2 : i32
        %swap3A_616 = arith.index_cast %swap3A_615 : i32 to index
        %swap3A_617 = arith.index_cast %while3A_531 : i32 to index
        %swap3A_618 = arith.index_cast %mul3A_614 : i32 to index
        %swap3A_619 = tpu.vector_load %arg6[%swap3A_616, %swap3A_617, %swap3A_618] {strides = array<i32>} : memref<5x8x2048xf32, #tpu.memory_space<vmem>>, vector<1x1x16xf32>,
        %swap3A_620 = vector.shape_cast %swap3A_619 : vector<1x1x16xf32> to vector<16xf32>
        %swap3A_621 = vector.shape_cast %broadcast_in_dim3A_612 : vector<16xf32> to vector<1x1x16xf32>
        tpu.vector_store %arg6[%swap3A_616, %swap3A_617, %swap3A_618], %swap3A_621 {strides = array<i32>} : memref<5x8x2048xf32, #tpu.memory_space<vmem>>, vector<1x1x16xf32>,
        %scan3A_622 = arith.constant 0 : i32
        %scan3A_623 = arith.constant 6 : i32
        %scan3A_624 = arith.addi %scan3A_541, %scan3A_623 : i32
        %broadcast_in_dim3A_625 = arith.constant -8.000000e+01 : f32
        %broadcast_in_dim3A_626 = vector.broadcast %broadcast_in_dim3A_625 : f32 to vector<16xf32>
        %mul3A_627 = arith.constant 16 : i32
        %mul3A_628 = arith.muli %scan3A_624, %mul3A_627 : i32
        %swap3A_629 = arith.constant 2 : i32
        %swap3A_630 = arith.index_cast %swap3A_629 : i32 to index
        %swap3A_631 = arith.index_cast %while3A_531 : i32 to index
        %swap3A_632 = arith.index_cast %mul3A_628 : i32 to index
        %swap3A_633 = tpu.vector_load %arg6[%swap3A_630, %swap3A_631, %swap3A_632] {strides = array<i32>} : memref<5x8x2048xf32, #tpu.memory_space<vmem>>, vector<1x1x16xf32>,
        %swap3A_634 = vector.shape_cast %swap3A_633 : vector<1x1x16xf32> to vector<16xf32>
        %swap3A_635 = vector.shape_cast %broadcast_in_dim3A_626 : vector<16xf32> to vector<1x1x16xf32>
        tpu.vector_store %arg6[%swap3A_630, %swap3A_631, %swap3A_632], %swap3A_635 {strides = array<i32>} : memref<5x8x2048xf32, #tpu.memory_space<vmem>>, vector<1x1x16xf32>,
        %scan3A_636 = arith.constant 0 : i32
        %scan3A_637 = arith.constant 7 : i32
        %scan3A_638 = arith.addi %scan3A_541, %scan3A_637 : i32
        %broadcast_in_dim3A_639 = arith.constant -8.000000e+01 : f32
        %broadcast_in_dim3A_640 = vector.broadcast %broadcast_in_dim3A_639 : f32 to vector<16xf32>
        %mul3A_641 = arith.constant 16 : i32
        %mul3A_642 = arith.muli %scan3A_638, %mul3A_641 : i32
        %swap3A_643 = arith.constant 2 : i32
        %swap3A_644 = arith.index_cast %swap3A_643 : i32 to index
        %swap3A_645 = arith.index_cast %while3A_531 : i32 to index
        %swap3A_646 = arith.index_cast %mul3A_642 : i32 to index
        %swap3A_647 = tpu.vector_load %arg6[%swap3A_644, %swap3A_645, %swap3A_646] {strides = array<i32>} : memref<5x8x2048xf32, #tpu.memory_space<vmem>>, vector<1x1x16xf32>,
        %swap3A_648 = vector.shape_cast %swap3A_647 : vector<1x1x16xf32> to vector<16xf32>
        %swap3A_649 = vector.shape_cast %broadcast_in_dim3A_640 : vector<16xf32> to vector<1x1x16xf32>
        tpu.vector_store %arg6[%swap3A_644, %swap3A_645, %swap3A_646], %swap3A_649 {strides = array<i32>} : memref<5x8x2048xf32, #tpu.memory_space<vmem>>, vector<1x1x16xf32>,
        %scan3A_650 = arith.constant 0 : i32
        scf.yield %scan3A_650 : i32
      }
      %scan3A_539 = arith.constant 128 : i32
      %while3A_540 = arith.constant 0 : i32
      scf.yield %while3A_540 : i32
    }
    %while3A_364 = arith.constant 1 : i32
    %while3A_365 = scf.for %while3A_531 = %while3A_361 to %while3A_357 step %while3A_364 iter_args(%while3A_532 = %while3A_363) -> (i32)  : i32 {
      %scan3A_533 = arith.constant 0 : i32
      %scan3A_534 = arith.constant 0 : i32
      %scan3A_535 = arith.constant 128 : i32
      %scan3A_536 = arith.addi %scan3A_534, %scan3A_535 : i32
      %scan3A_537 = arith.constant 8 : i32
      %scan3A_538 = scf.for %scan3A_541 = %scan3A_534 to %scan3A_536 step %scan3A_537 iter_args(%scan3A_542 = %scan3A_533) -> (i32)  : i32 {
        %broadcast_in_dim3A = arith.constant -8.000000e+01 : f32
        %broadcast_in_dim3A_543 = vector.broadcast %broadcast_in_dim3A : f32 to vector<16xf32>
        %mul3A_544 = arith.constant 16 : i32
        %mul3A_545 = arith.muli %scan3A_541, %mul3A_544 : i32
        %swap3A = arith.constant 2 : i32
        %swap3A_546 = arith.index_cast %swap3A : i32 to index
        %swap3A_547 = arith.index_cast %while3A_531 : i32 to index
        %swap3A_548 = arith.index_cast %mul3A_545 : i32 to index
        %swap3A_549 = tpu.vector_load %arg6[%swap3A_546, %swap3A_547, %swap3A_548] {strides = array<i32>} : memref<5x8x2048xf32, #tpu.memory_space<vmem>>, vector<1x1x16xf32>,
        %swap3A_550 = vector.shape_cast %swap3A_549 : vector<1x1x16xf32> to vector<16xf32>
        %swap3A_551 = vector.shape_cast %broadcast_in_dim3A_543 : vector<16xf32> to vector<1x1x16xf32>
        tpu.vector_store %arg6[%swap3A_546, %swap3A_547, %swap3A_548], %swap3A_551 {strides = array<i32>} : memref<5x8x2048xf32, #tpu.memory_space<vmem>>, vector<1x1x16xf32>,
        %scan3A_552 = arith.constant 0 : i32
        %scan3A_553 = arith.constant 1 : i32
        %scan3A_554 = arith.addi %scan3A_541, %scan3A_553 : i32
        %broadcast_in_dim3A_555 = arith.constant -8.000000e+01 : f32
        %broadcast_in_dim3A_556 = vector.broadcast %broadcast_in_dim3A_555 : f32 to vector<16xf32>
        %mul3A_557 = arith.constant 16 : i32
        %mul3A_558 = arith.muli %scan3A_554, %mul3A_557 : i32
        %swap3A_559 = arith.constant 2 : i32
        %swap3A_560 = arith.index_cast %swap3A_559 : i32 to index
        %swap3A_561 = arith.index_cast %while3A_531 : i32 to index
        %swap3A_562 = arith.index_cast %mul3A_558 : i32 to index
        %swap3A_563 = tpu.vector_load %arg6[%swap3A_560, %swap3A_561, %swap3A_562] {strides = array<i32>} : memref<5x8x2048xf32, #tpu.memory_space<vmem>>, vector<1x1x16xf32>,
        %swap3A_564 = vector.shape_cast %swap3A_563 : vector<1x1x16xf32> to vector<16xf32>
        %swap3A_565 = vector.shape_cast %broadcast_in_dim3A_556 : vector<16xf32> to vector<1x1x16xf32>
        tpu.vector_store %arg6[%swap3A_560, %swap3A_561, %swap3A_562], %swap3A_565 {strides = array<i32>} : memref<5x8x2048xf32, #tpu.memory_space<vmem>>, vector<1x1x16xf32>,
        %scan3A_566 = arith.constant 0 : i32
        %scan3A_567 = arith.constant 2 : i32
        %scan3A_568 = arith.addi %scan3A_541, %scan3A_567 : i32
        %broadcast_in_dim3A_569 = arith.constant -8.000000e+01 : f32
        %broadcast_in_dim3A_570 = vector.broadcast %broadcast_in_dim3A_569 : f32 to vector<16xf32>
        %mul3A_571 = arith.constant 16 : i32
        %mul3A_572 = arith.muli %scan3A_568, %mul3A_571 : i32
        %swap3A_573 = arith.constant 2 : i32
        %swap3A_574 = arith.index_cast %swap3A_573 : i32 to index
        %swap3A_575 = arith.index_cast %while3A_531 : i32 to index
        %swap3A_576 = arith.index_cast %mul3A_572 : i32 to index
        %swap3A_577 = tpu.vector_load %arg6[%swap3A_574, %swap3A_575, %swap3A_576] {strides = array<i32>} : memref<5x8x2048xf32, #tpu.memory_space<vmem>>, vector<1x1x16xf32>,
        %swap3A_578 = vector.shape_cast %swap3A_577 : vector<1x1x16xf32> to vector<16xf32>
        %swap3A_579 = vector.shape_cast %broadcast_in_dim3A_570 : vector<16xf32> to vector<1x1x16xf32>
        tpu.vector_store %arg6[%swap3A_574, %swap3A_575, %swap3A_576], %swap3A_579 {strides = array<i32>} : memref<5x8x2048xf32, #tpu.memory_space<vmem>>, vector<1x1x16xf32>,
        %scan3A_580 = arith.constant 0 : i32
        %scan3A_581 = arith.constant 3 : i32
        %scan3A_582 = arith.addi %scan3A_541, %scan3A_581 : i32
        %broadcast_in_dim3A_583 = arith.constant -8.000000e+01 : f32
        %broadcast_in_dim3A_584 = vector.broadcast %broadcast_in_dim3A_583 : f32 to vector<16xf32>
        %mul3A_585 = arith.constant 16 : i32
        %mul3A_586 = arith.muli %scan3A_582, %mul3A_585 : i32
        %swap3A_587 = arith.constant 2 : i32
        %swap3A_588 = arith.index_cast %swap3A_587 : i32 to index
        %swap3A_589 = arith.index_cast %while3A_531 : i32 to index
        %swap3A_590 = arith.index_cast %mul3A_586 : i32 to index
        %swap3A_591 = tpu.vector_load %arg6[%swap3A_588, %swap3A_589, %swap3A_590] {strides = array<i32>} : memref<5x8x2048xf32, #tpu.memory_space<vmem>>, vector<1x1x16xf32>,
        %swap3A_592 = vector.shape_cast %swap3A_591 : vector<1x1x16xf32> to vector<16xf32>
        %swap3A_593 = vector.shape_cast %broadcast_in_dim3A_584 : vector<16xf32> to vector<1x1x16xf32>
        tpu.vector_store %arg6[%swap3A_588, %swap3A_589, %swap3A_590], %swap3A_593 {strides = array<i32>} : memref<5x8x2048xf32, #tpu.memory_space<vmem>>, vector<1x1x16xf32>,
        %scan3A_594 = arith.constant 0 : i32
        %scan3A_595 = arith.constant 4 : i32
        %scan3A_596 = arith.addi %scan3A_541, %scan3A_595 : i32
        %broadcast_in_dim3A_597 = arith.constant -8.000000e+01 : f32
        %broadcast_in_dim3A_598 = vector.broadcast %broadcast_in_dim3A_597 : f32 to vector<16xf32>
        %mul3A_599 = arith.constant 16 : i32
        %mul3A_600 = arith.muli %scan3A_596, %mul3A_599 : i32
        %swap3A_601 = arith.constant 2 : i32
        %swap3A_602 = arith.index_cast %swap3A_601 : i32 to index
        %swap3A_603 = arith.index_cast %while3A_531 : i32 to index
        %swap3A_604 = arith.index_cast %mul3A_600 : i32 to index
        %swap3A_605 = tpu.vector_load %arg6[%swap3A_602, %swap3A_603, %swap3A_604] {strides = array<i32>} : memref<5x8x2048xf32, #tpu.memory_space<vmem>>, vector<1x1x16xf32>,
        %swap3A_606 = vector.shape_cast %swap3A_605 : vector<1x1x16xf32> to vector<16xf32>
        %swap3A_607 = vector.shape_cast %broadcast_in_dim3A_598 : vector<16xf32> to vector<1x1x16xf32>
        tpu.vector_store %arg6[%swap3A_602, %swap3A_603, %swap3A_604], %swap3A_607 {strides = array<i32>} : memref<5x8x2048xf32, #tpu.memory_space<vmem>>, vector<1x1x16xf32>,
        %scan3A_608 = arith.constant 0 : i32
        %scan3A_609 = arith.constant 5 : i32
        %scan3A_610 = arith.addi %scan3A_541, %scan3A_609 : i32
        %broadcast_in_dim3A_611 = arith.constant -8.000000e+01 : f32
        %broadcast_in_dim3A_612 = vector.broadcast %broadcast_in_dim3A_611 : f32 to vector<16xf32>
        %mul3A_613 = arith.constant 16 : i32
        %mul3A_614 = arith.muli %scan3A_610, %mul3A_613 : i32
        %swap3A_615 = arith.constant 2 : i32
        %swap3A_616 = arith.index_cast %swap3A_615 : i32 to index
        %swap3A_617 = arith.index_cast %while3A_531 : i32 to index
        %swap3A_618 = arith.index_cast %mul3A_614 : i32 to index
        %swap3A_619 = tpu.vector_load %arg6[%swap3A_616, %swap3A_617, %swap3A_618] {strides = array<i32>} : memref<5x8x2048xf32, #tpu.memory_space<vmem>>, vector<1x1x16xf32>,
        %swap3A_620 = vector.shape_cast %swap3A_619 : vector<1x1x16xf32> to vector<16xf32>
        %swap3A_621 = vector.shape_cast %broadcast_in_dim3A_612 : vector<16xf32> to vector<1x1x16xf32>
        tpu.vector_store %arg6[%swap3A_616, %swap3A_617, %swap3A_618], %swap3A_621 {strides = array<i32>} : memref<5x8x2048xf32, #tpu.memory_space<vmem>>, vector<1x1x16xf32>,
        %scan3A_622 = arith.constant 0 : i32
        %scan3A_623 = arith.constant 6 : i32
        %scan3A_624 = arith.addi %scan3A_541, %scan3A_623 : i32
        %broadcast_in_dim3A_625 = arith.constant -8.000000e+01 : f32
        %broadcast_in_dim3A_626 = vector.broadcast %broadcast_in_dim3A_625 : f32 to vector<16xf32>
        %mul3A_627 = arith.constant 16 : i32
        %mul3A_628 = arith.muli %scan3A_624, %mul3A_627 : i32
        %swap3A_629 = arith.constant 2 : i32
        %swap3A_630 = arith.index_cast %swap3A_629 : i32 to index
        %swap3A_631 = arith.index_cast %while3A_531 : i32 to index
        %swap3A_632 = arith.index_cast %mul3A_628 : i32 to index
        %swap3A_633 = tpu.vector_load %arg6[%swap3A_630, %swap3A_631, %swap3A_632] {strides = array<i32>} : memref<5x8x2048xf32, #tpu.memory_space<vmem>>, vector<1x1x16xf32>,
        %swap3A_634 = vector.shape_cast %swap3A_633 : vector<1x1x16xf32> to vector<16xf32>
        %swap3A_635 = vector.shape_cast %broadcast_in_dim3A_626 : vector<16xf32> to vector<1x1x16xf32>
        tpu.vector_store %arg6[%swap3A_630, %swap3A_631, %swap3A_632], %swap3A_635 {strides = array<i32>} : memref<5x8x2048xf32, #tpu.memory_space<vmem>>, vector<1x1x16xf32>,
        %scan3A_636 = arith.constant 0 : i32
        %scan3A_637 = arith.constant 7 : i32
        %scan3A_638 = arith.addi %scan3A_541, %scan3A_637 : i32
        %broadcast_in_dim3A_639 = arith.constant -8.000000e+01 : f32
        %broadcast_in_dim3A_640 = vector.broadcast %broadcast_in_dim3A_639 : f32 to vector<16xf32>
        %mul3A_641 = arith.constant 16 : i32
        %mul3A_642 = arith.muli %scan3A_638, %mul3A_641 : i32
        %swap3A_643 = arith.constant 2 : i32
        %swap3A_644 = arith.index_cast %swap3A_643 : i32 to index
        %swap3A_645 = arith.index_cast %while3A_531 : i32 to index
        %swap3A_646 = arith.index_cast %mul3A_642 : i32 to index
        %swap3A_647 = tpu.vector_load %arg6[%swap3A_644, %swap3A_645, %swap3A_646] {strides = array<i32>} : memref<5x8x2048xf32, #tpu.memory_space<vmem>>, vector<1x1x16xf32>,
        %swap3A_648 = vector.shape_cast %swap3A_647 : vector<1x1x16xf32> to vector<16xf32>
        %swap3A_649 = vector.shape_cast %broadcast_in_dim3A_640 : vector<16xf32> to vector<1x1x16xf32>
        tpu.vector_store %arg6[%swap3A_644, %swap3A_645, %swap3A_646], %swap3A_649 {strides = array<i32>} : memref<5x8x2048xf32, #tpu.memory_space<vmem>>, vector<1x1x16xf32>,
        %scan3A_650 = arith.constant 0 : i32
        scf.yield %scan3A_650 : i32
      }
      %scan3A_539 = arith.constant 128 : i32
      %while3A_540 = arith.constant 0 : i32
      scf.yield %while3A_540 : i32
    }
    %dma_start3A_366 = arith.constant 2 : i32
    %dma_start3A_367 = arith.constant 0 : i32
    %dma_start3A_368 = arith.constant 0 : i32
    %dma_start3A_369 = tpu.memref_slice %arg6[%dma_start3A_366, %dma_start3A_367, %dma_start3A_368] : memref<5x8x2048xf32, #tpu.memory_space<vmem>> -> memref<1x8x2048xf32, #tpu.memory_space<vmem>>
    %dma_start3A_370 = tpu.memref_squeeze %dma_start3A_369 : memref<1x8x2048xf32, #tpu.memory_space<vmem>> -> memref<8x2048xf32, #tpu.memory_space<vmem>>
    %dma_start3A_371 = arith.constant 0 : i32
    %dma_start3A_372 = tpu.memref_slice %arg4[%add3A_354, %dma_start3A_371] : memref<16384x2048xf32, #tpu.memory_space<hbm>> -> memref<8x2048xf32, #tpu.memory_space<hbm>>
    %dma_start3A_373 = arith.constant 0 : i32
    %dma_start3A_374 = tpu.memref_slice %arg4[%add3A_354, %dma_start3A_373] : memref<16384x2048xf32, #tpu.memory_space<hbm>> -> memref<8x2048xf32, #tpu.memory_space<hbm>>
    %dma_start3A_375 = arith.constant 0 : i32
    %dma_start3A_376 = arith.constant 0 : i32
    %dma_start3A_377 = tpu.memref_slice %arg6[%dma_start3A_366, %dma_start3A_375, %dma_start3A_376] : memref<5x8x2048xf32, #tpu.memory_space<vmem>> -> memref<1x8x2048xf32, #tpu.memory_space<vmem>>
    %dma_start3A_378 = tpu.memref_squeeze %dma_start3A_377 : memref<1x8x2048xf32, #tpu.memory_space<vmem>> -> memref<8x2048xf32, #tpu.memory_space<vmem>>
    tpu.enqueue_dma source(%dma_start3A_378 : memref<8x2048xf32, #tpu.memory_space<vmem>>) target(%dma_start3A_374 : memref<8x2048xf32, #tpu.memory_space<hbm>>) target_semaphore(%arg8 : memref<!tpu.dma_semaphore, #tpu.memory_space<semaphore_mem>>)
    %jit3A_379 = arith.constant true
    %select_n3A_380 = arith.select %jit3A_379, %squeeze3A_10, %squeeze3A : i32
    %jit3A_381 = arith.constant true
    %select_n3A_382 = arith.select %jit3A_381, %squeeze3A_12, %squeeze3A_8 : i32
    %sub3A_383 = arith.constant 248 : i32
    %sub3A_384 = arith.subi %select_n3A_380, %sub3A_383 : i32
    %jit3A_385 = arith.constant 0 : i32
    %jit3A_386 = arith.constant 8 : i32
    %max3A_387 = arith.maxsi %jit3A_385, %sub3A_384 : i32
    %min3A_388 = arith.minsi %jit3A_386, %max3A_387 : i32
    %sub3A_389 = arith.constant 248 : i32
    %sub3A_390 = arith.subi %select_n3A_382, %sub3A_389 : i32
    %jit3A_391 = arith.constant 0 : i32
    %jit3A_392 = arith.constant 8 : i32
    %max3A_393 = arith.maxsi %jit3A_391, %sub3A_390 : i32
    %min3A_394 = arith.minsi %jit3A_392, %max3A_393 : i32
    %eq3A_395 = arith.constant 0 : i32
    %eq3A_396 = arith.cmpi eq, %min3A_388, %eq3A_395 : i32
    %eq3A_397 = arith.constant 8 : i32
    %eq3A_398 = arith.cmpi eq, %min3A_394, %eq3A_397 : i32
    %and3A_399 = arith.andi %eq3A_396, %eq3A_398 : i1
    %not3A_400 = arith.constant true
    %not3A_401 = arith.xori %and3A_399, %not3A_400 : i1
    %add3A_402 = arith.constant 504 : i32
    %add3A_403 = arith.addi %mul3A_2, %add3A_402 : i32
    %convert_element_type3A_404 = arith.extui %not3A_401 : i1 to i32
    %cond3A_405 = arith.constant 0 : i32
    %cond3A_406 = arith.cmpi ne, %convert_element_type3A_404, %cond3A_405 : i32
    scf.if %cond3A_406 {
      %dma_wait3A_531 = arith.constant 3 : i32
      %dma_wait3A_532 = arith.constant 0 : i32
      %dma_wait3A_533 = arith.constant 0 : i32
      %dma_wait3A_534 = tpu.memref_slice %arg6[%dma_wait3A_531, %dma_wait3A_532, %dma_wait3A_533] : memref<5x8x2048xf32, #tpu.memory_space<vmem>> -> memref<1x8x2048xf32, #tpu.memory_space<vmem>>
      %dma_wait3A_535 = tpu.memref_squeeze %dma_wait3A_534 : memref<1x8x2048xf32, #tpu.memory_space<vmem>> -> memref<8x2048xf32, #tpu.memory_space<vmem>>
      %dma_wait3A_536 = arith.constant 0 : i32
      %dma_wait3A_537 = arith.constant 0 : i32
      %dma_wait3A_538 = tpu.memref_slice %arg2[%dma_wait3A_536, %dma_wait3A_537] : memref<16384x2048xf32, #tpu.memory_space<hbm>> -> memref<8x2048xf32, #tpu.memory_space<hbm>>
      %dma_wait3A_539 = arith.constant 0 : i32
      %dma_wait3A_540 = arith.constant 0 : i32
      %dma_wait3A_541 = tpu.memref_slice %arg6[%dma_wait3A_531, %dma_wait3A_539, %dma_wait3A_540] : memref<5x8x2048xf32, #tpu.memory_space<vmem>> -> memref<1x8x2048xf32, #tpu.memory_space<vmem>>
      %dma_wait3A_542 = tpu.memref_squeeze %dma_wait3A_541 : memref<1x8x2048xf32, #tpu.memory_space<vmem>> -> memref<8x2048xf32, #tpu.memory_space<vmem>>
      %dma_wait3A_543 = arith.constant 0 : i32
      %dma_wait3A_544 = arith.constant 0 : i32
      %dma_wait3A_545 = tpu.memref_slice %arg2[%dma_wait3A_543, %dma_wait3A_544] : memref<16384x2048xf32, #tpu.memory_space<hbm>> -> memref<8x2048xf32, #tpu.memory_space<hbm>>
      tpu.wait_dma2 semaphore(%arg7 : memref<!tpu.dma_semaphore, #tpu.memory_space<semaphore_mem>>) src(%dma_wait3A_545 : memref<8x2048xf32, #tpu.memory_space<hbm>>) dst(%dma_wait3A_542 : memref<8x2048xf32, #tpu.memory_space<vmem>>)
    } else {
    }
    %jit3A_407 = arith.constant true
    %select_n3A_408 = arith.select %jit3A_407, %squeeze3A_10, %squeeze3A : i32
    %jit3A_409 = arith.constant true
    %select_n3A_410 = arith.select %jit3A_409, %squeeze3A_12, %squeeze3A_8 : i32
    %sub3A_411 = arith.constant 248 : i32
    %sub3A_412 = arith.subi %select_n3A_408, %sub3A_411 : i32
    %jit3A_413 = arith.constant 0 : i32
    %jit3A_414 = arith.constant 8 : i32
    %max3A_415 = arith.maxsi %jit3A_413, %sub3A_412 : i32
    %min3A_416 = arith.minsi %jit3A_414, %max3A_415 : i32
    %sub3A_417 = arith.constant 248 : i32
    %sub3A_418 = arith.subi %select_n3A_410, %sub3A_417 : i32
    %jit3A_419 = arith.constant 0 : i32
    %jit3A_420 = arith.constant 8 : i32
    %max3A_421 = arith.maxsi %jit3A_419, %sub3A_418 : i32
    %min3A_422 = arith.minsi %jit3A_420, %max3A_421 : i32
    %eq3A_423 = arith.constant 0 : i32
    %eq3A_424 = arith.cmpi eq, %min3A_416, %eq3A_423 : i32
    %eq3A_425 = arith.constant 8 : i32
    %eq3A_426 = arith.cmpi eq, %min3A_422, %eq3A_425 : i32
    %and3A_427 = arith.andi %eq3A_424, %eq3A_426 : i1
    %not3A_428 = arith.constant true
    %not3A_429 = arith.xori %and3A_427, %not3A_428 : i1
    %add3A_430 = arith.constant 504 : i32
    %add3A_431 = arith.addi %mul3A_2, %add3A_430 : i32
    %while3A_432 = arith.constant 0 : i32
    %while3A_433 = arith.subi %min3A_422, %min3A_416 : i32
    %while3A_434 = arith.addi %min3A_416, %while3A_433 : i32
    %while3A_435 = arith.constant 1 : i32
    %while3A_436 = arith.divsi %while3A_433, %while3A_435 : i32
    %while3A_437 = arith.muli %while3A_436, %while3A_435 : i32
    %while3A_438 = arith.addi %min3A_416, %while3A_437 : i32
    %while3A_439 = arith.constant 1 : i32
    %while3A_440 = scf.for %while3A_531 = %min3A_416 to %while3A_438 step %while3A_439 iter_args(%while3A_532 = %while3A_432) -> (i32)  : i32 {
      %scan3A_533 = arith.constant 0 : i32
      %scan3A_534 = arith.constant 0 : i32
      %scan3A_535 = arith.constant 128 : i32
      %scan3A_536 = arith.addi %scan3A_534, %scan3A_535 : i32
      %scan3A_537 = arith.constant 8 : i32
      %scan3A_538 = scf.for %scan3A_541 = %scan3A_534 to %scan3A_536 step %scan3A_537 iter_args(%scan3A_542 = %scan3A_533) -> (i32)  : i32 {
        %broadcast_in_dim3A = arith.constant -8.000000e+01 : f32
        %broadcast_in_dim3A_543 = vector.broadcast %broadcast_in_dim3A : f32 to vector<16xf32>
        %mul3A_544 = arith.constant 16 : i32
        %mul3A_545 = arith.muli %scan3A_541, %mul3A_544 : i32
        %swap3A = arith.constant 3 : i32
        %swap3A_546 = arith.index_cast %swap3A : i32 to index
        %swap3A_547 = arith.index_cast %while3A_531 : i32 to index
        %swap3A_548 = arith.index_cast %mul3A_545 : i32 to index
        %swap3A_549 = tpu.vector_load %arg6[%swap3A_546, %swap3A_547, %swap3A_548] {strides = array<i32>} : memref<5x8x2048xf32, #tpu.memory_space<vmem>>, vector<1x1x16xf32>,
        %swap3A_550 = vector.shape_cast %swap3A_549 : vector<1x1x16xf32> to vector<16xf32>
        %swap3A_551 = vector.shape_cast %broadcast_in_dim3A_543 : vector<16xf32> to vector<1x1x16xf32>
        tpu.vector_store %arg6[%swap3A_546, %swap3A_547, %swap3A_548], %swap3A_551 {strides = array<i32>} : memref<5x8x2048xf32, #tpu.memory_space<vmem>>, vector<1x1x16xf32>,
        %scan3A_552 = arith.constant 0 : i32
        %scan3A_553 = arith.constant 1 : i32
        %scan3A_554 = arith.addi %scan3A_541, %scan3A_553 : i32
        %broadcast_in_dim3A_555 = arith.constant -8.000000e+01 : f32
        %broadcast_in_dim3A_556 = vector.broadcast %broadcast_in_dim3A_555 : f32 to vector<16xf32>
        %mul3A_557 = arith.constant 16 : i32
        %mul3A_558 = arith.muli %scan3A_554, %mul3A_557 : i32
        %swap3A_559 = arith.constant 3 : i32
        %swap3A_560 = arith.index_cast %swap3A_559 : i32 to index
        %swap3A_561 = arith.index_cast %while3A_531 : i32 to index
        %swap3A_562 = arith.index_cast %mul3A_558 : i32 to index
        %swap3A_563 = tpu.vector_load %arg6[%swap3A_560, %swap3A_561, %swap3A_562] {strides = array<i32>} : memref<5x8x2048xf32, #tpu.memory_space<vmem>>, vector<1x1x16xf32>,
        %swap3A_564 = vector.shape_cast %swap3A_563 : vector<1x1x16xf32> to vector<16xf32>
        %swap3A_565 = vector.shape_cast %broadcast_in_dim3A_556 : vector<16xf32> to vector<1x1x16xf32>
        tpu.vector_store %arg6[%swap3A_560, %swap3A_561, %swap3A_562], %swap3A_565 {strides = array<i32>} : memref<5x8x2048xf32, #tpu.memory_space<vmem>>, vector<1x1x16xf32>,
        %scan3A_566 = arith.constant 0 : i32
        %scan3A_567 = arith.constant 2 : i32
        %scan3A_568 = arith.addi %scan3A_541, %scan3A_567 : i32
        %broadcast_in_dim3A_569 = arith.constant -8.000000e+01 : f32
        %broadcast_in_dim3A_570 = vector.broadcast %broadcast_in_dim3A_569 : f32 to vector<16xf32>
        %mul3A_571 = arith.constant 16 : i32
        %mul3A_572 = arith.muli %scan3A_568, %mul3A_571 : i32
        %swap3A_573 = arith.constant 3 : i32
        %swap3A_574 = arith.index_cast %swap3A_573 : i32 to index
        %swap3A_575 = arith.index_cast %while3A_531 : i32 to index
        %swap3A_576 = arith.index_cast %mul3A_572 : i32 to index
        %swap3A_577 = tpu.vector_load %arg6[%swap3A_574, %swap3A_575, %swap3A_576] {strides = array<i32>} : memref<5x8x2048xf32, #tpu.memory_space<vmem>>, vector<1x1x16xf32>,
        %swap3A_578 = vector.shape_cast %swap3A_577 : vector<1x1x16xf32> to vector<16xf32>
        %swap3A_579 = vector.shape_cast %broadcast_in_dim3A_570 : vector<16xf32> to vector<1x1x16xf32>
        tpu.vector_store %arg6[%swap3A_574, %swap3A_575, %swap3A_576], %swap3A_579 {strides = array<i32>} : memref<5x8x2048xf32, #tpu.memory_space<vmem>>, vector<1x1x16xf32>,
        %scan3A_580 = arith.constant 0 : i32
        %scan3A_581 = arith.constant 3 : i32
        %scan3A_582 = arith.addi %scan3A_541, %scan3A_581 : i32
        %broadcast_in_dim3A_583 = arith.constant -8.000000e+01 : f32
        %broadcast_in_dim3A_584 = vector.broadcast %broadcast_in_dim3A_583 : f32 to vector<16xf32>
        %mul3A_585 = arith.constant 16 : i32
        %mul3A_586 = arith.muli %scan3A_582, %mul3A_585 : i32
        %swap3A_587 = arith.constant 3 : i32
        %swap3A_588 = arith.index_cast %swap3A_587 : i32 to index
        %swap3A_589 = arith.index_cast %while3A_531 : i32 to index
        %swap3A_590 = arith.index_cast %mul3A_586 : i32 to index
        %swap3A_591 = tpu.vector_load %arg6[%swap3A_588, %swap3A_589, %swap3A_590] {strides = array<i32>} : memref<5x8x2048xf32, #tpu.memory_space<vmem>>, vector<1x1x16xf32>,
        %swap3A_592 = vector.shape_cast %swap3A_591 : vector<1x1x16xf32> to vector<16xf32>
        %swap3A_593 = vector.shape_cast %broadcast_in_dim3A_584 : vector<16xf32> to vector<1x1x16xf32>
        tpu.vector_store %arg6[%swap3A_588, %swap3A_589, %swap3A_590], %swap3A_593 {strides = array<i32>} : memref<5x8x2048xf32, #tpu.memory_space<vmem>>, vector<1x1x16xf32>,
        %scan3A_594 = arith.constant 0 : i32
        %scan3A_595 = arith.constant 4 : i32
        %scan3A_596 = arith.addi %scan3A_541, %scan3A_595 : i32
        %broadcast_in_dim3A_597 = arith.constant -8.000000e+01 : f32
        %broadcast_in_dim3A_598 = vector.broadcast %broadcast_in_dim3A_597 : f32 to vector<16xf32>
        %mul3A_599 = arith.constant 16 : i32
        %mul3A_600 = arith.muli %scan3A_596, %mul3A_599 : i32
        %swap3A_601 = arith.constant 3 : i32
        %swap3A_602 = arith.index_cast %swap3A_601 : i32 to index
        %swap3A_603 = arith.index_cast %while3A_531 : i32 to index
        %swap3A_604 = arith.index_cast %mul3A_600 : i32 to index
        %swap3A_605 = tpu.vector_load %arg6[%swap3A_602, %swap3A_603, %swap3A_604] {strides = array<i32>} : memref<5x8x2048xf32, #tpu.memory_space<vmem>>, vector<1x1x16xf32>,
        %swap3A_606 = vector.shape_cast %swap3A_605 : vector<1x1x16xf32> to vector<16xf32>
        %swap3A_607 = vector.shape_cast %broadcast_in_dim3A_598 : vector<16xf32> to vector<1x1x16xf32>
        tpu.vector_store %arg6[%swap3A_602, %swap3A_603, %swap3A_604], %swap3A_607 {strides = array<i32>} : memref<5x8x2048xf32, #tpu.memory_space<vmem>>, vector<1x1x16xf32>,
        %scan3A_608 = arith.constant 0 : i32
        %scan3A_609 = arith.constant 5 : i32
        %scan3A_610 = arith.addi %scan3A_541, %scan3A_609 : i32
        %broadcast_in_dim3A_611 = arith.constant -8.000000e+01 : f32
        %broadcast_in_dim3A_612 = vector.broadcast %broadcast_in_dim3A_611 : f32 to vector<16xf32>
        %mul3A_613 = arith.constant 16 : i32
        %mul3A_614 = arith.muli %scan3A_610, %mul3A_613 : i32
        %swap3A_615 = arith.constant 3 : i32
        %swap3A_616 = arith.index_cast %swap3A_615 : i32 to index
        %swap3A_617 = arith.index_cast %while3A_531 : i32 to index
        %swap3A_618 = arith.index_cast %mul3A_614 : i32 to index
        %swap3A_619 = tpu.vector_load %arg6[%swap3A_616, %swap3A_617, %swap3A_618] {strides = array<i32>} : memref<5x8x2048xf32, #tpu.memory_space<vmem>>, vector<1x1x16xf32>,
        %swap3A_620 = vector.shape_cast %swap3A_619 : vector<1x1x16xf32> to vector<16xf32>
        %swap3A_621 = vector.shape_cast %broadcast_in_dim3A_612 : vector<16xf32> to vector<1x1x16xf32>
        tpu.vector_store %arg6[%swap3A_616, %swap3A_617, %swap3A_618], %swap3A_621 {strides = array<i32>} : memref<5x8x2048xf32, #tpu.memory_space<vmem>>, vector<1x1x16xf32>,
        %scan3A_622 = arith.constant 0 : i32
        %scan3A_623 = arith.constant 6 : i32
        %scan3A_624 = arith.addi %scan3A_541, %scan3A_623 : i32
        %broadcast_in_dim3A_625 = arith.constant -8.000000e+01 : f32
        %broadcast_in_dim3A_626 = vector.broadcast %broadcast_in_dim3A_625 : f32 to vector<16xf32>
        %mul3A_627 = arith.constant 16 : i32
        %mul3A_628 = arith.muli %scan3A_624, %mul3A_627 : i32
        %swap3A_629 = arith.constant 3 : i32
        %swap3A_630 = arith.index_cast %swap3A_629 : i32 to index
        %swap3A_631 = arith.index_cast %while3A_531 : i32 to index
        %swap3A_632 = arith.index_cast %mul3A_628 : i32 to index
        %swap3A_633 = tpu.vector_load %arg6[%swap3A_630, %swap3A_631, %swap3A_632] {strides = array<i32>} : memref<5x8x2048xf32, #tpu.memory_space<vmem>>, vector<1x1x16xf32>,
        %swap3A_634 = vector.shape_cast %swap3A_633 : vector<1x1x16xf32> to vector<16xf32>
        %swap3A_635 = vector.shape_cast %broadcast_in_dim3A_626 : vector<16xf32> to vector<1x1x16xf32>
        tpu.vector_store %arg6[%swap3A_630, %swap3A_631, %swap3A_632], %swap3A_635 {strides = array<i32>} : memref<5x8x2048xf32, #tpu.memory_space<vmem>>, vector<1x1x16xf32>,
        %scan3A_636 = arith.constant 0 : i32
        %scan3A_637 = arith.constant 7 : i32
        %scan3A_638 = arith.addi %scan3A_541, %scan3A_637 : i32
        %broadcast_in_dim3A_639 = arith.constant -8.000000e+01 : f32
        %broadcast_in_dim3A_640 = vector.broadcast %broadcast_in_dim3A_639 : f32 to vector<16xf32>
        %mul3A_641 = arith.constant 16 : i32
        %mul3A_642 = arith.muli %scan3A_638, %mul3A_641 : i32
        %swap3A_643 = arith.constant 3 : i32
        %swap3A_644 = arith.index_cast %swap3A_643 : i32 to index
        %swap3A_645 = arith.index_cast %while3A_531 : i32 to index
        %swap3A_646 = arith.index_cast %mul3A_642 : i32 to index
        %swap3A_647 = tpu.vector_load %arg6[%swap3A_644, %swap3A_645, %swap3A_646] {strides = array<i32>} : memref<5x8x2048xf32, #tpu.memory_space<vmem>>, vector<1x1x16xf32>,
        %swap3A_648 = vector.shape_cast %swap3A_647 : vector<1x1x16xf32> to vector<16xf32>
        %swap3A_649 = vector.shape_cast %broadcast_in_dim3A_640 : vector<16xf32> to vector<1x1x16xf32>
        tpu.vector_store %arg6[%swap3A_644, %swap3A_645, %swap3A_646], %swap3A_649 {strides = array<i32>} : memref<5x8x2048xf32, #tpu.memory_space<vmem>>, vector<1x1x16xf32>,
        %scan3A_650 = arith.constant 0 : i32
        scf.yield %scan3A_650 : i32
      }
      %scan3A_539 = arith.constant 128 : i32
      %while3A_540 = arith.constant 0 : i32
      scf.yield %while3A_540 : i32
    }
    %while3A_441 = arith.constant 1 : i32
    %while3A_442 = scf.for %while3A_531 = %while3A_438 to %while3A_434 step %while3A_441 iter_args(%while3A_532 = %while3A_440) -> (i32)  : i32 {
      %scan3A_533 = arith.constant 0 : i32
      %scan3A_534 = arith.constant 0 : i32
      %scan3A_535 = arith.constant 128 : i32
      %scan3A_536 = arith.addi %scan3A_534, %scan3A_535 : i32
      %scan3A_537 = arith.constant 8 : i32
      %scan3A_538 = scf.for %scan3A_541 = %scan3A_534 to %scan3A_536 step %scan3A_537 iter_args(%scan3A_542 = %scan3A_533) -> (i32)  : i32 {
        %broadcast_in_dim3A = arith.constant -8.000000e+01 : f32
        %broadcast_in_dim3A_543 = vector.broadcast %broadcast_in_dim3A : f32 to vector<16xf32>
        %mul3A_544 = arith.constant 16 : i32
        %mul3A_545 = arith.muli %scan3A_541, %mul3A_544 : i32
        %swap3A = arith.constant 3 : i32
        %swap3A_546 = arith.index_cast %swap3A : i32 to index
        %swap3A_547 = arith.index_cast %while3A_531 : i32 to index
        %swap3A_548 = arith.index_cast %mul3A_545 : i32 to index
        %swap3A_549 = tpu.vector_load %arg6[%swap3A_546, %swap3A_547, %swap3A_548] {strides = array<i32>} : memref<5x8x2048xf32, #tpu.memory_space<vmem>>, vector<1x1x16xf32>,
        %swap3A_550 = vector.shape_cast %swap3A_549 : vector<1x1x16xf32> to vector<16xf32>
        %swap3A_551 = vector.shape_cast %broadcast_in_dim3A_543 : vector<16xf32> to vector<1x1x16xf32>
        tpu.vector_store %arg6[%swap3A_546, %swap3A_547, %swap3A_548], %swap3A_551 {strides = array<i32>} : memref<5x8x2048xf32, #tpu.memory_space<vmem>>, vector<1x1x16xf32>,
        %scan3A_552 = arith.constant 0 : i32
        %scan3A_553 = arith.constant 1 : i32
        %scan3A_554 = arith.addi %scan3A_541, %scan3A_553 : i32
        %broadcast_in_dim3A_555 = arith.constant -8.000000e+01 : f32
        %broadcast_in_dim3A_556 = vector.broadcast %broadcast_in_dim3A_555 : f32 to vector<16xf32>
        %mul3A_557 = arith.constant 16 : i32
        %mul3A_558 = arith.muli %scan3A_554, %mul3A_557 : i32
        %swap3A_559 = arith.constant 3 : i32
        %swap3A_560 = arith.index_cast %swap3A_559 : i32 to index
        %swap3A_561 = arith.index_cast %while3A_531 : i32 to index
        %swap3A_562 = arith.index_cast %mul3A_558 : i32 to index
        %swap3A_563 = tpu.vector_load %arg6[%swap3A_560, %swap3A_561, %swap3A_562] {strides = array<i32>} : memref<5x8x2048xf32, #tpu.memory_space<vmem>>, vector<1x1x16xf32>,
        %swap3A_564 = vector.shape_cast %swap3A_563 : vector<1x1x16xf32> to vector<16xf32>
        %swap3A_565 = vector.shape_cast %broadcast_in_dim3A_556 : vector<16xf32> to vector<1x1x16xf32>
        tpu.vector_store %arg6[%swap3A_560, %swap3A_561, %swap3A_562], %swap3A_565 {strides = array<i32>} : memref<5x8x2048xf32, #tpu.memory_space<vmem>>, vector<1x1x16xf32>,
        %scan3A_566 = arith.constant 0 : i32
        %scan3A_567 = arith.constant 2 : i32
        %scan3A_568 = arith.addi %scan3A_541, %scan3A_567 : i32
        %broadcast_in_dim3A_569 = arith.constant -8.000000e+01 : f32
        %broadcast_in_dim3A_570 = vector.broadcast %broadcast_in_dim3A_569 : f32 to vector<16xf32>
        %mul3A_571 = arith.constant 16 : i32
        %mul3A_572 = arith.muli %scan3A_568, %mul3A_571 : i32
        %swap3A_573 = arith.constant 3 : i32
        %swap3A_574 = arith.index_cast %swap3A_573 : i32 to index
        %swap3A_575 = arith.index_cast %while3A_531 : i32 to index
        %swap3A_576 = arith.index_cast %mul3A_572 : i32 to index
        %swap3A_577 = tpu.vector_load %arg6[%swap3A_574, %swap3A_575, %swap3A_576] {strides = array<i32>} : memref<5x8x2048xf32, #tpu.memory_space<vmem>>, vector<1x1x16xf32>,
        %swap3A_578 = vector.shape_cast %swap3A_577 : vector<1x1x16xf32> to vector<16xf32>
        %swap3A_579 = vector.shape_cast %broadcast_in_dim3A_570 : vector<16xf32> to vector<1x1x16xf32>
        tpu.vector_store %arg6[%swap3A_574, %swap3A_575, %swap3A_576], %swap3A_579 {strides = array<i32>} : memref<5x8x2048xf32, #tpu.memory_space<vmem>>, vector<1x1x16xf32>,
        %scan3A_580 = arith.constant 0 : i32
        %scan3A_581 = arith.constant 3 : i32
        %scan3A_582 = arith.addi %scan3A_541, %scan3A_581 : i32
        %broadcast_in_dim3A_583 = arith.constant -8.000000e+01 : f32
        %broadcast_in_dim3A_584 = vector.broadcast %broadcast_in_dim3A_583 : f32 to vector<16xf32>
        %mul3A_585 = arith.constant 16 : i32
        %mul3A_586 = arith.muli %scan3A_582, %mul3A_585 : i32
        %swap3A_587 = arith.constant 3 : i32
        %swap3A_588 = arith.index_cast %swap3A_587 : i32 to index
        %swap3A_589 = arith.index_cast %while3A_531 : i32 to index
        %swap3A_590 = arith.index_cast %mul3A_586 : i32 to index
        %swap3A_591 = tpu.vector_load %arg6[%swap3A_588, %swap3A_589, %swap3A_590] {strides = array<i32>} : memref<5x8x2048xf32, #tpu.memory_space<vmem>>, vector<1x1x16xf32>,
        %swap3A_592 = vector.shape_cast %swap3A_591 : vector<1x1x16xf32> to vector<16xf32>
        %swap3A_593 = vector.shape_cast %broadcast_in_dim3A_584 : vector<16xf32> to vector<1x1x16xf32>
        tpu.vector_store %arg6[%swap3A_588, %swap3A_589, %swap3A_590], %swap3A_593 {strides = array<i32>} : memref<5x8x2048xf32, #tpu.memory_space<vmem>>, vector<1x1x16xf32>,
        %scan3A_594 = arith.constant 0 : i32
        %scan3A_595 = arith.constant 4 : i32
        %scan3A_596 = arith.addi %scan3A_541, %scan3A_595 : i32
        %broadcast_in_dim3A_597 = arith.constant -8.000000e+01 : f32
        %broadcast_in_dim3A_598 = vector.broadcast %broadcast_in_dim3A_597 : f32 to vector<16xf32>
        %mul3A_599 = arith.constant 16 : i32
        %mul3A_600 = arith.muli %scan3A_596, %mul3A_599 : i32
        %swap3A_601 = arith.constant 3 : i32
        %swap3A_602 = arith.index_cast %swap3A_601 : i32 to index
        %swap3A_603 = arith.index_cast %while3A_531 : i32 to index
        %swap3A_604 = arith.index_cast %mul3A_600 : i32 to index
        %swap3A_605 = tpu.vector_load %arg6[%swap3A_602, %swap3A_603, %swap3A_604] {strides = array<i32>} : memref<5x8x2048xf32, #tpu.memory_space<vmem>>, vector<1x1x16xf32>,
        %swap3A_606 = vector.shape_cast %swap3A_605 : vector<1x1x16xf32> to vector<16xf32>
        %swap3A_607 = vector.shape_cast %broadcast_in_dim3A_598 : vector<16xf32> to vector<1x1x16xf32>
        tpu.vector_store %arg6[%swap3A_602, %swap3A_603, %swap3A_604], %swap3A_607 {strides = array<i32>} : memref<5x8x2048xf32, #tpu.memory_space<vmem>>, vector<1x1x16xf32>,
        %scan3A_608 = arith.constant 0 : i32
        %scan3A_609 = arith.constant 5 : i32
        %scan3A_610 = arith.addi %scan3A_541, %scan3A_609 : i32
        %broadcast_in_dim3A_611 = arith.constant -8.000000e+01 : f32
        %broadcast_in_dim3A_612 = vector.broadcast %broadcast_in_dim3A_611 : f32 to vector<16xf32>
        %mul3A_613 = arith.constant 16 : i32
        %mul3A_614 = arith.muli %scan3A_610, %mul3A_613 : i32
        %swap3A_615 = arith.constant 3 : i32
        %swap3A_616 = arith.index_cast %swap3A_615 : i32 to index
        %swap3A_617 = arith.index_cast %while3A_531 : i32 to index
        %swap3A_618 = arith.index_cast %mul3A_614 : i32 to index
        %swap3A_619 = tpu.vector_load %arg6[%swap3A_616, %swap3A_617, %swap3A_618] {strides = array<i32>} : memref<5x8x2048xf32, #tpu.memory_space<vmem>>, vector<1x1x16xf32>,
        %swap3A_620 = vector.shape_cast %swap3A_619 : vector<1x1x16xf32> to vector<16xf32>
        %swap3A_621 = vector.shape_cast %broadcast_in_dim3A_612 : vector<16xf32> to vector<1x1x16xf32>
        tpu.vector_store %arg6[%swap3A_616, %swap3A_617, %swap3A_618], %swap3A_621 {strides = array<i32>} : memref<5x8x2048xf32, #tpu.memory_space<vmem>>, vector<1x1x16xf32>,
        %scan3A_622 = arith.constant 0 : i32
        %scan3A_623 = arith.constant 6 : i32
        %scan3A_624 = arith.addi %scan3A_541, %scan3A_623 : i32
        %broadcast_in_dim3A_625 = arith.constant -8.000000e+01 : f32
        %broadcast_in_dim3A_626 = vector.broadcast %broadcast_in_dim3A_625 : f32 to vector<16xf32>
        %mul3A_627 = arith.constant 16 : i32
        %mul3A_628 = arith.muli %scan3A_624, %mul3A_627 : i32
        %swap3A_629 = arith.constant 3 : i32
        %swap3A_630 = arith.index_cast %swap3A_629 : i32 to index
        %swap3A_631 = arith.index_cast %while3A_531 : i32 to index
        %swap3A_632 = arith.index_cast %mul3A_628 : i32 to index
        %swap3A_633 = tpu.vector_load %arg6[%swap3A_630, %swap3A_631, %swap3A_632] {strides = array<i32>} : memref<5x8x2048xf32, #tpu.memory_space<vmem>>, vector<1x1x16xf32>,
        %swap3A_634 = vector.shape_cast %swap3A_633 : vector<1x1x16xf32> to vector<16xf32>
        %swap3A_635 = vector.shape_cast %broadcast_in_dim3A_626 : vector<16xf32> to vector<1x1x16xf32>
        tpu.vector_store %arg6[%swap3A_630, %swap3A_631, %swap3A_632], %swap3A_635 {strides = array<i32>} : memref<5x8x2048xf32, #tpu.memory_space<vmem>>, vector<1x1x16xf32>,
        %scan3A_636 = arith.constant 0 : i32
        %scan3A_637 = arith.constant 7 : i32
        %scan3A_638 = arith.addi %scan3A_541, %scan3A_637 : i32
        %broadcast_in_dim3A_639 = arith.constant -8.000000e+01 : f32
        %broadcast_in_dim3A_640 = vector.broadcast %broadcast_in_dim3A_639 : f32 to vector<16xf32>
        %mul3A_641 = arith.constant 16 : i32
        %mul3A_642 = arith.muli %scan3A_638, %mul3A_641 : i32
        %swap3A_643 = arith.constant 3 : i32
        %swap3A_644 = arith.index_cast %swap3A_643 : i32 to index
        %swap3A_645 = arith.index_cast %while3A_531 : i32 to index
        %swap3A_646 = arith.index_cast %mul3A_642 : i32 to index
        %swap3A_647 = tpu.vector_load %arg6[%swap3A_644, %swap3A_645, %swap3A_646] {strides = array<i32>} : memref<5x8x2048xf32, #tpu.memory_space<vmem>>, vector<1x1x16xf32>,
        %swap3A_648 = vector.shape_cast %swap3A_647 : vector<1x1x16xf32> to vector<16xf32>
        %swap3A_649 = vector.shape_cast %broadcast_in_dim3A_640 : vector<16xf32> to vector<1x1x16xf32>
        tpu.vector_store %arg6[%swap3A_644, %swap3A_645, %swap3A_646], %swap3A_649 {strides = array<i32>} : memref<5x8x2048xf32, #tpu.memory_space<vmem>>, vector<1x1x16xf32>,
        %scan3A_650 = arith.constant 0 : i32
        scf.yield %scan3A_650 : i32
      }
      %scan3A_539 = arith.constant 128 : i32
      %while3A_540 = arith.constant 0 : i32
      scf.yield %while3A_540 : i32
    }
    %dma_start3A_443 = arith.constant 3 : i32
    %dma_start3A_444 = arith.constant 0 : i32
    %dma_start3A_445 = arith.constant 0 : i32
    %dma_start3A_446 = tpu.memref_slice %arg6[%dma_start3A_443, %dma_start3A_444, %dma_start3A_445] : memref<5x8x2048xf32, #tpu.memory_space<vmem>> -> memref<1x8x2048xf32, #tpu.memory_space<vmem>>
    %dma_start3A_447 = tpu.memref_squeeze %dma_start3A_446 : memref<1x8x2048xf32, #tpu.memory_space<vmem>> -> memref<8x2048xf32, #tpu.memory_space<vmem>>
    %dma_start3A_448 = arith.constant 0 : i32
    %dma_start3A_449 = tpu.memref_slice %arg4[%add3A_431, %dma_start3A_448] : memref<16384x2048xf32, #tpu.memory_space<hbm>> -> memref<8x2048xf32, #tpu.memory_space<hbm>>
    %dma_start3A_450 = arith.constant 0 : i32
    %dma_start3A_451 = tpu.memref_slice %arg4[%add3A_431, %dma_start3A_450] : memref<16384x2048xf32, #tpu.memory_space<hbm>> -> memref<8x2048xf32, #tpu.memory_space<hbm>>
    %dma_start3A_452 = arith.constant 0 : i32
    %dma_start3A_453 = arith.constant 0 : i32
    %dma_start3A_454 = tpu.memref_slice %arg6[%dma_start3A_443, %dma_start3A_452, %dma_start3A_453] : memref<5x8x2048xf32, #tpu.memory_space<vmem>> -> memref<1x8x2048xf32, #tpu.memory_space<vmem>>
    %dma_start3A_455 = tpu.memref_squeeze %dma_start3A_454 : memref<1x8x2048xf32, #tpu.memory_space<vmem>> -> memref<8x2048xf32, #tpu.memory_space<vmem>>
    tpu.enqueue_dma source(%dma_start3A_455 : memref<8x2048xf32, #tpu.memory_space<vmem>>) target(%dma_start3A_451 : memref<8x2048xf32, #tpu.memory_space<hbm>>) target_semaphore(%arg8 : memref<!tpu.dma_semaphore, #tpu.memory_space<semaphore_mem>>)
    %dma_wait3A_456 = arith.constant 4 : i32
    %dma_wait3A_457 = arith.constant 0 : i32
    %dma_wait3A_458 = arith.constant 0 : i32
    %dma_wait3A_459 = tpu.memref_slice %arg6[%dma_wait3A_456, %dma_wait3A_457, %dma_wait3A_458] : memref<5x8x2048xf32, #tpu.memory_space<vmem>> -> memref<1x8x2048xf32, #tpu.memory_space<vmem>>
    %dma_wait3A_460 = tpu.memref_squeeze %dma_wait3A_459 : memref<1x8x2048xf32, #tpu.memory_space<vmem>> -> memref<8x2048xf32, #tpu.memory_space<vmem>>
    %dma_wait3A_461 = arith.constant 0 : i32
    %dma_wait3A_462 = arith.constant 0 : i32
    %dma_wait3A_463 = tpu.memref_slice %arg4[%dma_wait3A_461, %dma_wait3A_462] : memref<16384x2048xf32, #tpu.memory_space<hbm>> -> memref<8x2048xf32, #tpu.memory_space<hbm>>
    %dma_wait3A_464 = arith.constant 0 : i32
    %dma_wait3A_465 = arith.constant 0 : i32
    %dma_wait3A_466 = tpu.memref_slice %arg4[%dma_wait3A_464, %dma_wait3A_465] : memref<16384x2048xf32, #tpu.memory_space<hbm>> -> memref<8x2048xf32, #tpu.memory_space<hbm>>
    %dma_wait3A_467 = arith.constant 0 : i32
    %dma_wait3A_468 = arith.constant 0 : i32
    %dma_wait3A_469 = tpu.memref_slice %arg6[%dma_wait3A_456, %dma_wait3A_467, %dma_wait3A_468] : memref<5x8x2048xf32, #tpu.memory_space<vmem>> -> memref<1x8x2048xf32, #tpu.memory_space<vmem>>
    %dma_wait3A_470 = tpu.memref_squeeze %dma_wait3A_469 : memref<1x8x2048xf32, #tpu.memory_space<vmem>> -> memref<8x2048xf32, #tpu.memory_space<vmem>>
    tpu.wait_dma2 semaphore(%arg8 : memref<!tpu.dma_semaphore, #tpu.memory_space<semaphore_mem>>) src(%dma_wait3A_470 : memref<8x2048xf32, #tpu.memory_space<vmem>>) dst(%dma_wait3A_466 : memref<8x2048xf32, #tpu.memory_space<hbm>>)
    %dma_wait3A_471 = arith.constant 0 : i32
    %dma_wait3A_472 = arith.constant 0 : i32
    %dma_wait3A_473 = arith.constant 0 : i32
    %dma_wait3A_474 = tpu.memref_slice %arg6[%dma_wait3A_471, %dma_wait3A_472, %dma_wait3A_473] : memref<5x8x2048xf32, #tpu.memory_space<vmem>> -> memref<1x8x2048xf32, #tpu.memory_space<vmem>>
    %dma_wait3A_475 = tpu.memref_squeeze %dma_wait3A_474 : memref<1x8x2048xf32, #tpu.memory_space<vmem>> -> memref<8x2048xf32, #tpu.memory_space<vmem>>
    %dma_wait3A_476 = arith.constant 0 : i32
    %dma_wait3A_477 = arith.constant 0 : i32
    %dma_wait3A_478 = tpu.memref_slice %arg4[%dma_wait3A_476, %dma_wait3A_477] : memref<16384x2048xf32, #tpu.memory_space<hbm>> -> memref<8x2048xf32, #tpu.memory_space<hbm>>
    %dma_wait3A_479 = arith.constant 0 : i32
    %dma_wait3A_480 = arith.constant 0 : i32
    %dma_wait3A_481 = tpu.memref_slice %arg4[%dma_wait3A_479, %dma_wait3A_480] : memref<16384x2048xf32, #tpu.memory_space<hbm>> -> memref<8x2048xf32, #tpu.memory_space<hbm>>
    %dma_wait3A_482 = arith.constant 0 : i32
    %dma_wait3A_483 = arith.constant 0 : i32
    %dma_wait3A_484 = tpu.memref_slice %arg6[%dma_wait3A_471, %dma_wait3A_482, %dma_wait3A_483] : memref<5x8x2048xf32, #tpu.memory_space<vmem>> -> memref<1x8x2048xf32, #tpu.memory_space<vmem>>
    %dma_wait3A_485 = tpu.memref_squeeze %dma_wait3A_484 : memref<1x8x2048xf32, #tpu.memory_space<vmem>> -> memref<8x2048xf32, #tpu.memory_space<vmem>>
    tpu.wait_dma2 semaphore(%arg8 : memref<!tpu.dma_semaphore, #tpu.memory_space<semaphore_mem>>) src(%dma_wait3A_485 : memref<8x2048xf32, #tpu.memory_space<vmem>>) dst(%dma_wait3A_481 : memref<8x2048xf32, #tpu.memory_space<hbm>>)
    %dma_wait3A_486 = arith.constant 1 : i32
    %dma_wait3A_487 = arith.constant 0 : i32
    %dma_wait3A_488 = arith.constant 0 : i32
    %dma_wait3A_489 = tpu.memref_slice %arg6[%dma_wait3A_486, %dma_wait3A_487, %dma_wait3A_488] : memref<5x8x2048xf32, #tpu.memory_space<vmem>> -> memref<1x8x2048xf32, #tpu.memory_space<vmem>>
    %dma_wait3A_490 = tpu.memref_squeeze %dma_wait3A_489 : memref<1x8x2048xf32, #tpu.memory_space<vmem>> -> memref<8x2048xf32, #tpu.memory_space<vmem>>
    %dma_wait3A_491 = arith.constant 0 : i32
    %dma_wait3A_492 = arith.constant 0 : i32
    %dma_wait3A_493 = tpu.memref_slice %arg4[%dma_wait3A_491, %dma_wait3A_492] : memref<16384x2048xf32, #tpu.memory_space<hbm>> -> memref<8x2048xf32, #tpu.memory_space<hbm>>
    %dma_wait3A_494 = arith.constant 0 : i32
    %dma_wait3A_495 = arith.constant 0 : i32
    %dma_wait3A_496 = tpu.memref_slice %arg4[%dma_wait3A_494, %dma_wait3A_495] : memref<16384x2048xf32, #tpu.memory_space<hbm>> -> memref<8x2048xf32, #tpu.memory_space<hbm>>
    %dma_wait3A_497 = arith.constant 0 : i32
    %dma_wait3A_498 = arith.constant 0 : i32
    %dma_wait3A_499 = tpu.memref_slice %arg6[%dma_wait3A_486, %dma_wait3A_497, %dma_wait3A_498] : memref<5x8x2048xf32, #tpu.memory_space<vmem>> -> memref<1x8x2048xf32, #tpu.memory_space<vmem>>
    %dma_wait3A_500 = tpu.memref_squeeze %dma_wait3A_499 : memref<1x8x2048xf32, #tpu.memory_space<vmem>> -> memref<8x2048xf32, #tpu.memory_space<vmem>>
    tpu.wait_dma2 semaphore(%arg8 : memref<!tpu.dma_semaphore, #tpu.memory_space<semaphore_mem>>) src(%dma_wait3A_500 : memref<8x2048xf32, #tpu.memory_space<vmem>>) dst(%dma_wait3A_496 : memref<8x2048xf32, #tpu.memory_space<hbm>>)
    %dma_wait3A_501 = arith.constant 2 : i32
    %dma_wait3A_502 = arith.constant 0 : i32
    %dma_wait3A_503 = arith.constant 0 : i32
    %dma_wait3A_504 = tpu.memref_slice %arg6[%dma_wait3A_501, %dma_wait3A_502, %dma_wait3A_503] : memref<5x8x2048xf32, #tpu.memory_space<vmem>> -> memref<1x8x2048xf32, #tpu.memory_space<vmem>>
    %dma_wait3A_505 = tpu.memref_squeeze %dma_wait3A_504 : memref<1x8x2048xf32, #tpu.memory_space<vmem>> -> memref<8x2048xf32, #tpu.memory_space<vmem>>
    %dma_wait3A_506 = arith.constant 0 : i32
    %dma_wait3A_507 = arith.constant 0 : i32
    %dma_wait3A_508 = tpu.memref_slice %arg4[%dma_wait3A_506, %dma_wait3A_507] : memref<16384x2048xf32, #tpu.memory_space<hbm>> -> memref<8x2048xf32, #tpu.memory_space<hbm>>
    %dma_wait3A_509 = arith.constant 0 : i32
    %dma_wait3A_510 = arith.constant 0 : i32
    %dma_wait3A_511 = tpu.memref_slice %arg4[%dma_wait3A_509, %dma_wait3A_510] : memref<16384x2048xf32, #tpu.memory_space<hbm>> -> memref<8x2048xf32, #tpu.memory_space<hbm>>
    %dma_wait3A_512 = arith.constant 0 : i32
    %dma_wait3A_513 = arith.constant 0 : i32
    %dma_wait3A_514 = tpu.memref_slice %arg6[%dma_wait3A_501, %dma_wait3A_512, %dma_wait3A_513] : memref<5x8x2048xf32, #tpu.memory_space<vmem>> -> memref<1x8x2048xf32, #tpu.memory_space<vmem>>
    %dma_wait3A_515 = tpu.memref_squeeze %dma_wait3A_514 : memref<1x8x2048xf32, #tpu.memory_space<vmem>> -> memref<8x2048xf32, #tpu.memory_space<vmem>>
    tpu.wait_dma2 semaphore(%arg8 : memref<!tpu.dma_semaphore, #tpu.memory_space<semaphore_mem>>) src(%dma_wait3A_515 : memref<8x2048xf32, #tpu.memory_space<vmem>>) dst(%dma_wait3A_511 : memref<8x2048xf32, #tpu.memory_space<hbm>>)
    %dma_wait3A_516 = arith.constant 3 : i32
    %dma_wait3A_517 = arith.constant 0 : i32
    %dma_wait3A_518 = arith.constant 0 : i32
    %dma_wait3A_519 = tpu.memref_slice %arg6[%dma_wait3A_516, %dma_wait3A_517, %dma_wait3A_518] : memref<5x8x2048xf32, #tpu.memory_space<vmem>> -> memref<1x8x2048xf32, #tpu.memory_space<vmem>>
    %dma_wait3A_520 = tpu.memref_squeeze %dma_wait3A_519 : memref<1x8x2048xf32, #tpu.memory_space<vmem>> -> memref<8x2048xf32, #tpu.memory_space<vmem>>
    %dma_wait3A_521 = arith.constant 0 : i32
    %dma_wait3A_522 = arith.constant 0 : i32
    %dma_wait3A_523 = tpu.memref_slice %arg4[%dma_wait3A_521, %dma_wait3A_522] : memref<16384x2048xf32, #tpu.memory_space<hbm>> -> memref<8x2048xf32, #tpu.memory_space<hbm>>
    %dma_wait3A_524 = arith.constant 0 : i32
    %dma_wait3A_525 = arith.constant 0 : i32
    %dma_wait3A_526 = tpu.memref_slice %arg4[%dma_wait3A_524, %dma_wait3A_525] : memref<16384x2048xf32, #tpu.memory_space<hbm>> -> memref<8x2048xf32, #tpu.memory_space<hbm>>
    %dma_wait3A_527 = arith.constant 0 : i32
    %dma_wait3A_528 = arith.constant 0 : i32
    %dma_wait3A_529 = tpu.memref_slice %arg6[%dma_wait3A_516, %dma_wait3A_527, %dma_wait3A_528] : memref<5x8x2048xf32, #tpu.memory_space<vmem>> -> memref<1x8x2048xf32, #tpu.memory_space<vmem>>
    %dma_wait3A_530 = tpu.memref_squeeze %dma_wait3A_529 : memref<1x8x2048xf32, #tpu.memory_space<vmem>> -> memref<8x2048xf32, #tpu.memory_space<vmem>>
    tpu.wait_dma2 semaphore(%arg8 : memref<!tpu.dma_semaphore, #tpu.memory_space<semaphore_mem>>) src(%dma_wait3A_530 : memref<8x2048xf32, #tpu.memory_space<vmem>>) dst(%dma_wait3A_526 : memref<8x2048xf32, #tpu.memory_space<hbm>>)
    return
  }
}

</mosaic_0001>

<sc_bundles>
// kernel: kernel.3.cloned.1.call-start
scs
__scs_entry_jumppad:
0x0: {  	(pc) =	sbr.rel $0x88, $3  }
0x1: {  	(tag) =	ssettag $0x0;
	lr =	simm.s32 $0x1  }
0x2: {  	[smem:$0x3FA0] =	sst lr;
	_ =	strace $0xD0000000  }
0x3: {  	_ = 	snop  }
0x4: {  	_ = 	snop  }
0x5: {  	_ = 	snop  }
0x6: {  	_ = 	snop  }
0x7: {  	_ = 	snop  }
__scs_overlays_trampoline_lowered:
0x8: {  	[smem:$0x3FAF] =	sst s0  }
0x9: {  	[smem:$0x3FB0] =	sst s1  }
0xa: {  	[smem:$0x3FB1] =	sst s2  }
0xb: {  	[smem:$0x3FB2] =	sst s3  }
0xc: {  	[smem:$0x3FB3] =	sst s4  }
0xd: {  	[smem:$0x3FB4] =	sst s5  }
0xe: {  	[smem:$0x3FB5] =	sst s6  }
0xf: {  	[smem:$0x3FB6] =	sst s7  }
0x10: {  	[smem:$0x3FB7] =	sst s8  }
0x11: {  	[smem:$0x3FB8] =	sst s9;
	s0 =	simm.s32 @!p0 $0x0  }
0x12: {  	s1 =	sld [smem:$0x3F9E];
	s0 =	simm.s32 @p0 $0x1  }
0x13: {  	[smem:$0x3FB9] =	sst s0;
	s0 =	simm.s32 @!p1 $0x0  }
0x14: {  	s2 =	sld [smem:$0x3F9D];
	s0 =	simm.s32 @p1 $0x1  }
0x15: {  	[smem:$0x3FBA] =	sst s0;
	s0 =	simm.s32 @!p2 $0x0  }
0x16: {  	s3 =	sld [smem:$0x3FDB];
	s0 =	simm.s32 @p2 $0x1  }
0x17: {  	s4 =	simm.s32 $0x1BF5;
	[smem:$0x3FBC] =	sst s0  }
0x18: {  	s0 =	sld [smem:$0x3F9F];
	_ =	swait.ge [sflag:s4], $0x0  }
0x19: {  	s7 =	sld [smem:$0x3FA0]  }
0x1a: {  	s8 =	sadd.s32 $0xFFFFE003, lr  }
0x1b: {  	s9 =	sadd.s32 $0xFFFFFEF7, lr;
	s5 =	simm.s32 $0xFFFFFFFF;
	p2 =	slt.u32 s8, $0xFFFFF086  }
0x1c: {  	p1 =	slt.u32 s9, $0xF7A;
	s5 =	simm.s32 @!p2 $0x0  }
0x1d: {  	s5 =	simm.s32 @p1 $0x1;
	p0 =	seq.s32 s7, s2  }
0x1e: {  	s7 =	smul.u32 @!p0 $0xF7A, s2;
	p2 =	seq.s32 @!p0 s5, $0x0  }
0x1f: {  	s9 =	smul.u32 $0xF7A, s1;
	s8 =	simm.s32 @!p0 $0x1BF5;
	p2 =	por !p2, p0  }
0x20: {  	[sflag:s8] =	ssyncset.s32 @!p0 $0xFFFFF086;
	s6 =	sadd.s32 @!p0 s3, s7;
	s7 =	simm.s32 @!p0 $0x108  }
0x21: {  	s3 =	sadd.s32 s3, s9;
	s6 =	sadd.s32 @!p0 $0x88, s6;
	s7 =	simm.s32 @p2 $0x1082  }
0x22: {  	[simem:s7], [sflag:s8] =	dma.local @!p0 [hbm:s6], $0xF7A  }
0x23: {  	s9 =	sor.u32 $0xD0000000, s2;
	s6 =	simm.s32 $0x108;
	_ =	swait.ge @!p0 [sflag:s8], $0x0  }
0x24: {  	s3 =	sadd.s32 $0x88, s3;
	s6 =	simm.s32 @!p1 $0x1082;
	[sflag:s4] =	ssyncset.s32 $0xFFFFF086  }
0x25: {  	[simem:s6], [sflag:s4] =	dma.local [hbm:s3], $0xF7A  }
0x26: {  	[smem:$0x3FA0] =	sst s1;
	(tag) =	ssettag s2;
	_ =	strace s9  }
0x27: {  	s1 =	sld [smem:$0x3FB0]  }
0x28: {  	s2 =	sld [smem:$0x3FB1]  }
0x29: {  	s4 =	sld [smem:$0x3FB3]  }
0x2a: {  	p0 =	seq.s32 s5, $0x0;
	s5 =	sld [smem:$0x3FB4]  }
0x2b: {  	s6 =	sld [smem:$0x3FB5]  }
0x2c: {  	s7 =	sld [smem:$0x3FB6]  }
0x2d: {  	s3 =	simm.s32 $0x108;
	s8 =	sld [smem:$0x3FB7]  }
0x2e: {  	s3 =	simm.s32 @!p0 $0x1082;
	s9 =	sld [smem:$0x3FB8]  }
0x2f: {  	lr =	sadd.s32 s0, s3;
	s0 =	sld [smem:$0x3FAF]  }
0x30: {  	s3 =	sld [smem:$0x3FB2]  }
0x31: {  	[smem:$0x3FBB] =	sst s10  }
0x32: {  	s10 =	sld [smem:$0x3FB9];
	_ =	sdelay $0x3  }
0x33: {  	p0 =	seq.s32 s10, $0x1;
	s10 =	sld [smem:$0x3FBB];
	_ =	sdelay $0x3  }
0x34: {  	[smem:$0x3FBB] =	sst s10  }
0x35: {  	s10 =	sld [smem:$0x3FBA];
	_ =	sdelay $0x3  }
0x36: {  	p1 =	seq.s32 s10, $0x1;
	s10 =	sld [smem:$0x3FBB];
	_ =	sdelay $0x3  }
0x37: {  	[smem:$0x3FBB] =	sst s10  }
0x38: {  	s10 =	sld [smem:$0x3FBC]  }
0x39: {  	_ = 	snop;
	(pc) =	sbr.ind lr, $3  }
0x3a: {  	_ = 	snop  }
0x3b: {  	_ = 	snop  }
0x3c: {  	p2 =	seq.s32 s10, $0x1;
	s10 =	sld [smem:$0x3FBB]  }
0x3d: {  	_ =	shalt  }
0x3e: {  	_ =	shalt  }
0x3f: {  	_ =	shalt  }
0x40: {  	_ =	shalt  }
0x41: {  	_ =	shalt  }
0x42: {  	_ =	shalt  }
0x43: {  	_ =	shalt  }
0x44: {  	_ =	shalt  }
0x45: {  	_ =	shalt  }
0x46: {  	_ =	shalt  }
0x47: {  	_ =	shalt  }
0x48: {  	_ =	shalt  }
0x49: {  	_ =	shalt  }
0x4a: {  	_ =	shalt  }
0x4b: {  	_ =	shalt  }
0x4c: {  	_ =	shalt  }
0x4d: {  	_ =	shalt  }
0x4e: {  	_ =	shalt  }
0x4f: {  	_ =	shalt  }
0x50: {  	_ =	shalt  }
0x51: {  	_ =	shalt  }
0x52: {  	_ =	shalt  }
0x53: {  	_ =	shalt  }
0x54: {  	_ =	shalt  }
0x55: {  	_ =	shalt  }
0x56: {  	_ =	shalt  }
0x57: {  	_ =	shalt  }
0x58: {  	_ =	shalt  }
0x59: {  	_ =	shalt  }
0x5a: {  	_ =	shalt  }
0x5b: {  	_ =	shalt  }
0x5c: {  	_ =	shalt  }
0x5d: {  	_ =	shalt  }
0x5e: {  	_ =	shalt  }
0x5f: {  	_ =	shalt  }
0x60: {  	_ =	shalt  }
0x61: {  	_ =	shalt  }
0x62: {  	_ =	shalt  }
0x63: {  	_ =	shalt  }
0x64: {  	_ =	shalt  }
0x65: {  	_ =	shalt  }
0x66: {  	_ =	shalt  }
0x67: {  	_ =	shalt  }
0x68: {  	_ =	shalt  }
0x69: {  	_ =	shalt  }
0x6a: {  	_ =	shalt  }
0x6b: {  	_ =	shalt  }
0x6c: {  	_ =	shalt  }
0x6d: {  	_ =	shalt  }
0x6e: {  	_ =	shalt  }
0x6f: {  	_ =	shalt  }
0x70: {  	_ =	shalt  }
0x71: {  	_ =	shalt  }
0x72: {  	_ =	shalt  }
0x73: {  	_ =	shalt  }
0x74: {  	_ =	shalt  }
0x75: {  	_ =	shalt  }
0x76: {  	_ =	shalt  }
0x77: {  	_ =	shalt  }
0x78: {  	_ =	shalt  }
0x79: {  	_ =	shalt  }
0x7a: {  	_ =	shalt  }
0x7b: {  	_ =	shalt  }
0x7c: {  	_ =	shalt  }
0x7d: {  	_ =	shalt  }
0x7e: {  	_ =	shalt  }
0x7f: {  	_ =	shalt  }
0x80: {  	_ =	shalt  }
0x81: {  	_ =	shalt  }
0x82: {  	_ =	shalt  }
0x83: {  	_ =	shalt  }
0x84: {  	_ =	shalt  }
0x85: {  	_ =	shalt  }
0x86: {  	_ =	shalt  }
0x87: {  	_ =	shalt  }
.Lfunc_end0:
.L_simem_size_0:
called_computation_lowered:
.L_overlay_start_0:
0x88: {  	s2 =	sld [smem:$0x3FD9]  }
0x89: {  	s3 =	sld [smem:$0x3FFE];
	_ =	sdelay $0x1  }
0x8a: {  	s1 =	srdreg.scid  }
0x8b: {  	s0 =	sand.u32 $0x1, s1  }
0x8c: {  	s17 =	sshll.u32 s0, $0xA;
	s2 =	sadd.s32 s3, s2  }
0x8d: {  	s2 =	sadd.s32 s2, s17  }
0x8e: {  	[smem:$0x3FC7] =	sst s2  }
0x8f: {  	_ = 	snop  }
0x90: {  	s2 =	sld [smem:$0x3FC9]  }
0x91: {  	s18 =	sld [smem:$0x3FD0];
	(tm) =	ssettm $0x1  }
0x92: {  	s4 =	sld [smem:$0x3FFB];
	_ =	sdelay $0x3  }
0x93: {  	_ =	strace s4  }
0x94: {  	s4 =	sld [smem:$0x3FFC];
	_ =	sdelay $0x3  }
0x95: {  	_ =	strace s4  }
0x96: {  	s4 =	sld [smem:$0x3FFD];
	_ =	sdelay $0x3  }
0x97: {  	_ =	strace s4  }
0x98: {  	_ =	strace $0x8FFFFFFF  }
0x99: {  	s19 =	sld [smem:$0x3FDB];
	_ =	sdelay $0x1  }
0x9a: {  	s5 =	simm.s32 $_scs_section_size  }
0x9b: {  	s6 =	simm.s32 $_size__tile_overlayer_lowered;
	s7 =	simm.s32 $_tile_overlayer_lowered  }
0x9c: {  	s22 =	simm.s32 $0x1BFF;
	s21 =	sshll.u32 s7, $0x1;
	s4 =	sadd.s32 s5, s19  }
0x9d: {  	s8 =	simm.s32 $0x0;
	s20 =	sshll.u32 s6, $0x1;
	s6 =	sadd.s32 s21, s4  }
0x9e: {  	[timem:s8], [sflag:s22] =	dma.local [hbm:s6], s20  }
0x9f: {  	_ =	swait.ge [sflag:s22], s20  }
0xa0: {  	s5 =	ssub.s32 $0x0, s20;
	[sflag:s22] =	ssyncset.done $0x0  }
0xa1: {  	[sflag:s22] =	ssyncadd.s32 s5;
	_ =	sdelay $0x1  }
0xa2: {  	s23 =	simm.s32 $0x1B8B  }
0xa3: {  	_ =	swait.ge [sflag:s23], $0x1  }
0xa4: {  	[sflag:s23] =	ssyncset.done $0x0  }
0xa5: {  	s25 =	simm.s32 $0x1B8E;
	s24 =	sld [smem:$0x3FFE];
	[sflag:s23] =	ssyncadd.s32 $0xFFFFFFFF  }
0xa6: {  	s26 =	simm.s32 $execute0_lowered;
	[smem:$0x3FD2] =	sst s25  }
0xa7: {  	s6 =	sshll.u32 s26, $0x1;
	_ =	strace $0x80000046;
	[dreg:$0x1] =	wrdreg $0xFFFFFFFF  }
0xa8: {  	s28 =	simm.s32 $_size_execute0_lowered;
	s4 =	sadd.s32 s4, s6;
	[dreg:$0x0] =	wrdreg $0x0  }
0xa9: {  	s6 =	sshll.u32 s28, $0x1;
	[dreg:$0x2] =	wrdreg s4  }
0xaa: {  	[dreg:$0x3] =	wrdreg s6  }
0xab: {  	[dreg:$0x4] =	wrdreg $0xC0  }
0xac: {  	_ =	task [dreg:s8], $0x5FFFF  }
0xad: {  	[dreg:$0x1] =	wrdreg $0xFFFFFFFF  }
0xae: {  	[dreg:$0x0] =	wrdreg $0x60  }
0xaf: {  	[dreg:$0x2] =	wrdreg s2  }
0xb0: {  	[dreg:$0x3] =	wrdreg s24  }
0xb1: {  	[dreg:$0x4] =	wrdreg s18  }
0xb2: {  	[dreg:$0x5] =	wrdreg $0x9  }
0xb3: {  	_ =	task.clear_ibuf [dreg:s8], $0x6FFFF;
	_ =	strace $0x90000046  }
0xb4: {  	s29 =	simm.s32 $0x9;
	_ =	strace $0x80000048  }
0xb5: {  	_ =	swait.ge [sflag:s29], $0x1  }
0xb6: {  	[sflag:s29] =	ssyncadd.s32 $0xFFFFFFFF  }
0xb7: {  	_ =	strace $0x90000048  }
0xb8: {  	_ =	sfence  }
0xb9: {  	s30 =	sld [smem:$0x0];
	_ =	sdelay $0x2  }
0xba: {  	s31 =	sshll.u32 s1, $0xD;
	s1 =	sshrl.u32 s1, $0x2  }
0xbb: {  	s3 =	sand.u32 $0x4000, s31;
	s1 =	sadd.s32 s1, s30  }
0xbc: {  	s0 =	sor.u32 s3, s0;
	s1 =	sshll.u32 s1, $0x11  }
0xbd: {  	s0 =	sor.u32 s1, s0  }
0xbe: {  	s0 =	sadd.s32 $0x8F2B, s0  }
0xbf: {  	[sflag:s0] =	ssyncadd.remote.s32 $0x1  }
0xc0: {  	_ =	sfence.sel $0xFFFF  }
0xc1: {  	[dreg:$0x0] =	wrdreg $0xFFFFFFFF;
	(pc) =	sbr.abs _section_cstart, $3  }
0xc2: {  	[dreg:$0x1] =	wrdreg $0xFFFFFFFF  }
0xc3: {  	_ =	task.clear_ibuf [dreg:s8], $0x2FFFF;
	_ =	strace $0x9FFFFFFF  }
0xc4: {  	(tm) =	ssettm $0x7FFFFFFF  }
0xc5: {  	_ =	shalt  }
tec
execute0_lowered:
.L_overlay_start_1:
0x0: {  	(tag) =	ssettag $0x1  }
0x1: {  	s0 =	rddreg [dreg:$0x0]  }
0x2: {  	s1 =	rddreg [dreg:$0x1]  }
0x3: {  	s4 =	rddreg [dreg:$0x2]  }
0x4: {  	s3 =	srdreg.scid;
	s5 =	stileid.u32  }
0x5: {  	s2 =	simm.s32 $0x0;
	s3 =	sand.u32 $0x1, s3;
	s5 =	sshll.u32 s5, $0x1  }
0x6: {  	[smem:$0x7FF] =	sst s2;
	s5 =	sor.u32 s3, s5  }
0x7: {  	_ =	strace $0x80000047;
	s3 =	ssub.s32 $0x2, s3;
	s6 =	sshll.u32 s5, $0x4  }
0x8: {  	s7 =	sshrl.u32 s3, $0x1;
	s5 =	sshll.u32 s5, $0x11;
	s1 =	sadd.s32 s6, s1  }
0x9: {  	s7 =	ssub.s32 s3, s7;
	s3 =	sadd.s32 s0, s5;
	s1 =	sadd.s32 $0xA00, s1  }
0xa: {  	s25 =	sor.u32 $0x1F000, s5;
	s24 =	sadd.s32 $0x800, s3;
	[dreg:$0x4] =	wrdreg s1  }
0xb: {  	s6 =	sadd.s32 s4, s5;
	s8 =	sadd.s32 s0, s25;
	[dreg:$0x5] =	wrdreg s24  }
0xc: {  	s5 =	sor.u32 $0x1F800, s5;
	s26 =	sadd.s32 $0x1E000, s6;
	[dreg:$0x6] =	wrdreg s8  }
0xd: {  	s0 =	sadd.s32 s0, s5;
	[dreg:$0x7] =	wrdreg s26  }
.Ltmp0:
0xe: {  	s28 =	sadd.s32 $0x1E800, s6;
	[dreg:$0x8] =	wrdreg s0;
	(pc) =	sbr.rel .LBB2_1-.Ltmp0, $4  }
0xf: {  	s29 =	sadd.s32 s4, s25;
	[dreg:$0x9] =	wrdreg s28  }
0x10: {  	s16 =	simm.s32 $0x4080;
	s30 =	sadd.s32 s4, s5;
	[dreg:$0xa] =	wrdreg s29  }
0x11: {  	s17 =	simm.s32 $0x1;
	s31 =	smax.u32 s7, $0x1;
	[dreg:$0xb] =	wrdreg s30  }
0x12: {  	s19 =	simm.s32 $0x2;
	v0 =	vimm.f32 $-8.000000000e+01;
	[dreg:$0xc] =	wrdreg s31;
	s1 =	simm.s32 $0x0  }
.LBB2_48:
0x13: {  	s0 =	rddreg [dreg:$0xb];
	s1 =	simm.s32 $0xC080  }
0x14: {  	[hbm4b:s0+s2] =	stream.linear.scatter [tilespmem:s1], [sflag:$0x2], $0x4000, $0x38;
	[tilespmem:$0x14080] =	vst v63  }
0x15: {  	_ =	swait.ge [sflag:s19], $0x4000  }
0x16: {  	[sflag:s19] =	ssyncset.done $0x0  }
0x17: {  	[sflag:s19] =	ssyncadd.s32 $0xFFFFC000  }
0x18: {  	_ =	swait.ge [sflag:s19], $0x4000  }
0x19: {  	[sflag:s19] =	ssyncset.done $0x0  }
0x1a: {  	[sflag:s19] =	ssyncadd.s32 $0xFFFFC000  }
0x1b: {  	_ =	swait.ge [sflag:s19], $0x4000  }
0x1c: {  	[sflag:s19] =	ssyncset.done $0x0  }
0x1d: {  	[sflag:s19] =	ssyncadd.s32 $0xFFFFC000  }
0x1e: {  	_ =	swait.ge [sflag:s19], $0x4000  }
0x1f: {  	[sflag:s19] =	ssyncset.done $0x0  }
0x20: {  	[sflag:s19] =	ssyncadd.s32 $0xFFFFC000  }
0x21: {  	_ =	swait.ge [sflag:s19], $0x4000  }
0x22: {  	s30 =	rddreg [dreg:$0xd]  }
0x23: {  	s31 =	rddreg [dreg:$0xc];
	s1 =	sadd.s32 $0x1, s30  }
0x24: {  	p0 =	sne.s32 s1, s31  }
.Ltmp1:
0x25: {  	_ = 	snop;
	(pc) =	sbr.rel @!p0 .LBB2_49-.Ltmp1, $3  }
0x26: {  	_ =	sdelay $0x1  }
0x27: {  	[sflag:s19] =	ssyncset.done $0x0  }
0x28: {  	[sflag:s19] =	ssyncadd.s32 $0xFFFFC000  }
.LBB2_1:
0x29: {  	[dreg:$0xd] =	wrdreg s1  }
0x2a: {  	s0 =	rddreg [dreg:$0x4];
	s25 =	simm.s32 $0x3  }
0x2b: {  	[tilespmem:s2], [sflag:$0x3] =	stream.linear.gather [hbm4b:s0+s2], $0x80, $0x38;
	[tilespmem:$0x14080] =	vst v63  }
0x2c: {  	_ =	swait.ge [sflag:s25], $0x80  }
0x2d: {  	[sflag:s25] =	ssyncset.done $0x0  }
0x2e: {  	[sflag:s25] =	ssyncadd.s32 $0xFFFFFF80  }
0x2f: {  	v1 =	vld [tilespmem:$0x0];
	_ =	sdelay $0x4  }
0x30: {  	(v2sf) =	vpush v1, $0x0  }
0x31: {  	(v2sf) =	vpush v1, $0x1;
	_ =	sdelay $0x7  }
0x32: {  	(v2sf) =	vpush v1, $0x2;
	_ =	sdelay $0x1  }
0x33: {  	(v2sf) =	vpush v1, $0x3;
	_ =	sdelay $0x3  }
0x34: {  	s5 =	spop (v2sf)  }
0x35: {  	s7 =	spop (v2sf);
	p0 =	sgt.s32 s5, $0x0  }
0x36: {  	p1 =	sgt.s32 @!p0 s7, $0x7  }
0x37: {  	p0 =	por p0, !p1  }
0x38: {  	s26 =	sadd.s32 $0xFFFFFFF8, s5;
	s0 =	simm.s32 @p0 $0x80  }
0x39: {  	[tilespmem:s0], [sflag:$0x1] =	stream.linear.gather @p0 [hbm4b:s3+s2], $0x4000, $0x38;
	[tilespmem:$0x14080] =	vst v63  }
0x3a: {  	s1 =	sadd.s32 $0xFFFFFFF8, s7;
	p0 =	sgt.s32 s26, $0x0  }
.Ltmp2:
0x3b: {  	s28 =	simm.s32 $0x0;
	p1 =	sgt.s32 @!p0 s1, $0x7;
	(pc) =	sbr.rel .LBB2_2-.Ltmp2, $4  }
0x3c: {  	s29 =	simm.s32 $0x1;
	s30 =	simm.s32 $0x2;
	p0 =	por p0, !p1  }
0x3d: {  	s31 =	simm.s32 $0x3;
	s23 =	spop (v2sf);
	s0 =	rddreg @p0 [dreg:$0x5]  }
0x3e: {  	[tilespmem:s16], [sflag:$0x1] =	stream.linear.gather @p0 [hbm4b:s0+s2], $0x4000, $0x38;
	[tilespmem:$0x14080] =	vst v63  }
0x3f: {  	s24 =	spop (v2sf);
	s1 =	simm.s32 $0x0;
	s0 =	simm.s32 $0x4  }
.LBB2_27:
0x40: {  	s1 =	sadd.s32 $0x1, s1  }
0x41: {  	p0 =	sne.s32 s1, $0xC  }
.Ltmp3:
0x42: {  	_ = 	snop;
	(pc) =	sbr.rel @!p0 .LBB2_28-.Ltmp3, $4  }
0x43: {  	s4 =	sshll.u32 s10, $0xB;
	s8 =	simm.s32 $0x10080  }
0x44: {  	s28 =	sadd.s32 $0x5, s28;
	s29 =	sadd.s32 $0x5, s29;
	s30 =	sadd.s32 $0x5, s30  }
0x45: {  	s31 =	sadd.s32 $0x5, s31;
	s0 =	sadd.s32 $0x5, s0;
	s4 =	sadd.s32 s4, s6  }
0x46: {  	[hbm4b:s4+s2] =	stream.linear.scatter [tilespmem:s8], [sflag:$0x2], $0x4000, $0x38;
	[tilespmem:$0x14080] =	vst v63  }
.LBB2_2:
0x47: {  	s4 =	smul.u32 $0x5, s1;
	_ =	sdelay $0x1  }
0x48: {  	p0 =	seq.s32 s1, $0x0;
	p1 =	sgt.u32 s1, $0x5;
	s8 =	sadd.s32 $0x2, s4  }
0x49: {  	s25 =	smov.u32 s5;
	s26 =	smov.u32 s7;
	s9 =	sshll.u32 s8, $0x3  }
0x4a: {  	s25 =	smov.u32 @p1 s23;
	s26 =	smov.u32 @p1 s24;
	s9 =	sand.u32 $0xF8, s9  }
0x4b: {  	s10 =	simm.s32 @!p0 $0x2;
	s11 =	ssub.s32 s25, s9;
	s13 =	ssub.s32 s26, s9  }
0x4c: {  	_ =	swait.ge @!p0 [sflag:s10], $0x4000;
	p2 =	sgt.s32 s11, $0x0;
	p6 =	slt.s32 s13, $0x8  }
0x4d: {  	[sflag:s10] =	ssyncset.done @!p0 $0x0;
	p1 =	por p2, p6  }
0x4e: {  	s22 =	smul.u32 $0x28, s1;
	[sflag:s10] =	ssyncadd.s32 @!p0 $0xFFFFC000;
	s9 =	sshll.u32 @p1 s8, $0xB  }
0x4f: {  	s10 =	simm.s32 @p1 $0x0;
	s12 =	simm.s32 @p1 $0x8080;
	s9 =	sadd.s32 @p1 s9, s3  }
0x50: {  	[tilespmem:s12], [sflag:$0x1] =	stream.linear.gather @p1 [hbm4b:s9+s10], $0x4000, $0x38;
	[tilespmem:$0x14080] =	vst v63  }
0x51: {  	p3 =	sgt.u32 s1, $0x6;
	s10 =	smov.u32 s5  }
0x52: {  	s14 =	smov.u32 s7;
	s9 =	sand.u32 $0xF8, s22;
	s10 =	smov.u32 @p3 s23  }
0x53: {  	s14 =	smov.u32 @p3 s24;
	s12 =	ssub.s32 s10, s9  }
0x54: {  	s9 =	ssub.s32 s14, s9;
	p3 =	sgt.s32 s12, $0x0  }
0x55: {  	p4 =	sgt.s32 @!p3 s9, $0x7  }
0x56: {  	p4 =	por p3, !p4  }
0x57: {  	_ =	swait.ge @p4 [sflag:s17], $0x4000  }
0x58: {  	[sflag:s17] =	ssyncset.done @p4 $0x0  }
0x59: {  	[sflag:s17] =	ssyncadd.s32 @p4 $0xFFFFC000;
	p4 =	sgt.s32 s9, $0x0  }
0x5a: {  	s9 =	simm.s32 @!p4 $0x0  }
0x5b: {  	s12 =	simm.s32 @!p3 $0x0;
	s9 =	smin.u32 s9, $0x8  }
0x5c: {  	p3 =	sge.u32 s12, s9  }
.Ltmp4:
0x5d: {  	_ = 	snop;
	(pc) =	sbr.rel @p3 .LBB2_7-.Ltmp4, $1  }
0x5e: {  	_ =	sdelay $0x3  }
0x5f: {  	s15 =	sand.u32 $0x1F, s28  }
0x60: {  	s15 =	sshll.u32 s15, $0x3  }
0x61: {  	s15 =	ssub.s32 s10, s15  }
0x62: {  	p3 =	sgt.s32 s15, $0x0  }
0x63: {  	s15 =	simm.s32 @!p3 $0x0  }
0x64: {  	s12 =	smin.u32 s12, $0x8;
	s21 =	smin.u32 s15, $0x8  }
.LBB2_4:
0x65: {  	s15 =	sand.u32 $0x7, s21  }
0x66: {  	s15 =	sshll.u32 s15, $0x7  }
0x67: {  	s18 =	sadd.s32 $0xC0, s15  }
0x68: {  	[tilespmem:s18+$0xFFFFFFC0] =	vst v0  }
0x69: {  	[tilespmem:s18+$0x30] =	vst v0  }
0x6a: {  	[tilespmem:s18+$0x20] =	vst v0  }
0x6b: {  	[tilespmem:s18+$0x10] =	vst v0  }
0x6c: {  	[tilespmem:s18+$0x0] =	vst v0  }
0x6d: {  	[tilespmem:s18+$0xFFFFFFF0] =	vst v0  }
0x6e: {  	s20 =	simm.s32 $0x0;
	[tilespmem:s18+$0xFFFFFFE0] =	vst v0  }
.LBB2_5:
0x6f: {  	s20 =	sadd.s32 $0x8, s20;
	[tilespmem:s18+$0xFFFFFFD0] =	vst v0;
	s18 =	sadd.s32 $0x400, s18  }
0x70: {  	[tilespmem:s18+$0xFFFFFFC0] =	vst v0;
	p3 =	slt.u32 s20, $0x78  }
0x71: {  	[tilespmem:s18+$0x30] =	vst v0  }
.Ltmp5:
0x72: {  	[tilespmem:s18+$0x20] =	vst v0;
	(pc) =	sbr.rel @p3 .LBB2_5-.Ltmp5, $4  }
0x73: {  	[tilespmem:s18+$0x10] =	vst v0  }
0x74: {  	[tilespmem:s18+$0x0] =	vst v0  }
0x75: {  	[tilespmem:s18+$0xFFFFFFF0] =	vst v0  }
0x76: {  	[tilespmem:s18+$0xFFFFFFE0] =	vst v0  }
0x77: {  	s12 =	sadd.s32 $0x1, s12  }
0x78: {  	p3 =	slt.u32 s12, s9  }
.Ltmp6:
0x79: {  	_ = 	snop;
	(pc) =	sbr.rel @p3 .LBB2_4-.Ltmp6, $2  }
0x7a: {  	_ =	sdelay $0x2  }
0x7b: {  	[tilespmem:s18+$0xFFFFFFD0] =	vst v0;
	s21 =	sadd.s32 $0x1, s21  }
.LBB2_7:
0x7c: {  	s9 =	smul.u32 $0x2800, s1;
	_ =	sdelay $0x1  }
0x7d: {  	s12 =	simm.s32 $0x80;
	s9 =	sadd.s32 s6, s9  }
0x7e: {  	[hbm4b:s9+s2] =	stream.linear.scatter [tilespmem:s12], [sflag:$0x2], $0x4000, $0x38;
	[tilespmem:$0x14080] =	vst v63  }
0x7f: {  	s9 =	sadd.s32 $0x3, s4  }
0x80: {  	s18 =	sshll.u32 s9, $0x3  }
0x81: {  	s15 =	sand.u32 $0xF8, s18  }
0x82: {  	s18 =	simm.s32 @!p0 $0x2;
	s12 =	ssub.s32 s25, s15;
	s22 =	ssub.s32 s26, s15  }
0x83: {  	_ =	swait.ge @!p0 [sflag:s18], $0x4000;
	p4 =	sgt.s32 s12, $0x0;
	p3 =	slt.s32 s22, $0x8  }
0x84: {  	[sflag:s18] =	ssyncset.done @!p0 $0x0;
	p3 =	por p4, p3  }
0x85: {  	s21 =	sadd.s32 $0x1, s4;
	[sflag:s18] =	ssyncadd.s32 @!p0 $0xFFFFC000;
	s15 =	sshll.u32 @p3 s9, $0xB  }
0x86: {  	s18 =	simm.s32 @p3 $0x0;
	s20 =	simm.s32 @p3 $0xC080;
	s15 =	sadd.s32 @p3 s15, s3  }
0x87: {  	[tilespmem:s20], [sflag:$0x1] =	stream.linear.gather @p3 [hbm4b:s15+s18], $0x4000, $0x38;
	[tilespmem:$0x14080] =	vst v63  }
0x88: {  	s20 =	sshll.u32 s21, $0x3  }
0x89: {  	s15 =	sand.u32 $0xF8, s20  }
0x8a: {  	s18 =	ssub.s32 s10, s15  }
0x8b: {  	s14 =	ssub.s32 s14, s15;
	p5 =	sgt.s32 s18, $0x0  }
0x8c: {  	p6 =	sgt.s32 @!p5 s14, $0x7  }
0x8d: {  	p6 =	por p5, !p6  }
0x8e: {  	_ =	swait.ge @p6 [sflag:s17], $0x4000  }
0x8f: {  	[sflag:s17] =	ssyncset.done @p6 $0x0  }
0x90: {  	[sflag:s17] =	ssyncadd.s32 @p6 $0xFFFFC000;
	p6 =	sgt.s32 s14, $0x0  }
0x91: {  	s14 =	simm.s32 @!p6 $0x0  }
0x92: {  	s18 =	simm.s32 @!p5 $0x0;
	s14 =	smin.u32 s14, $0x8  }
0x93: {  	p5 =	sge.u32 s18, s14  }
.Ltmp7:
0x94: {  	_ = 	snop;
	(pc) =	sbr.rel @p5 .LBB2_12-.Ltmp7, $1  }
0x95: {  	_ =	sdelay $0x3  }
0x96: {  	s15 =	sand.u32 $0x1F, s29  }
0x97: {  	s15 =	sshll.u32 s15, $0x3  }
0x98: {  	s15 =	ssub.s32 s10, s15  }
0x99: {  	p5 =	sgt.s32 s15, $0x0  }
0x9a: {  	s15 =	simm.s32 @!p5 $0x0  }
0x9b: {  	s10 =	smin.u32 s18, $0x8;
	s18 =	smin.u32 s15, $0x8  }
.LBB2_9:
0x9c: {  	s15 =	sand.u32 $0x7, s18  }
0x9d: {  	s15 =	sshll.u32 s15, $0x7  }
0x9e: {  	s20 =	sadd.s32 $0x40F0, s15  }
0x9f: {  	[tilespmem:s20+$0xFFFFFF90] =	vst v0  }
0xa0: {  	[tilespmem:s20+$0x0] =	vst v0  }
0xa1: {  	[tilespmem:s20+$0xFFFFFFF0] =	vst v0  }
0xa2: {  	[tilespmem:s20+$0xFFFFFFE0] =	vst v0  }
0xa3: {  	[tilespmem:s20+$0xFFFFFFD0] =	vst v0  }
0xa4: {  	[tilespmem:s20+$0xFFFFFFC0] =	vst v0  }
0xa5: {  	s15 =	simm.s32 $0x0;
	[tilespmem:s20+$0xFFFFFFB0] =	vst v0  }
.LBB2_10:
0xa6: {  	s15 =	sadd.s32 $0x8, s15;
	[tilespmem:s20+$0xFFFFFFA0] =	vst v0;
	s20 =	sadd.s32 $0x400, s20  }
0xa7: {  	[tilespmem:s20+$0xFFFFFF90] =	vst v0;
	p5 =	slt.u32 s15, $0x78  }
0xa8: {  	[tilespmem:s20+$0x0] =	vst v0  }
.Ltmp8:
0xa9: {  	[tilespmem:s20+$0xFFFFFFF0] =	vst v0;
	(pc) =	sbr.rel @p5 .LBB2_10-.Ltmp8, $4  }
0xaa: {  	[tilespmem:s20+$0xFFFFFFE0] =	vst v0  }
0xab: {  	[tilespmem:s20+$0xFFFFFFD0] =	vst v0  }
0xac: {  	[tilespmem:s20+$0xFFFFFFC0] =	vst v0  }
0xad: {  	[tilespmem:s20+$0xFFFFFFB0] =	vst v0  }
0xae: {  	s10 =	sadd.s32 $0x1, s10  }
0xaf: {  	p5 =	slt.u32 s10, s14  }
.Ltmp9:
0xb0: {  	_ = 	snop;
	(pc) =	sbr.rel @p5 .LBB2_9-.Ltmp9, $2  }
0xb1: {  	_ =	sdelay $0x2  }
0xb2: {  	[tilespmem:s20+$0xFFFFFFA0] =	vst v0;
	s18 =	sadd.s32 $0x1, s18  }
.LBB2_12:
0xb3: {  	s10 =	sshll.u32 s21, $0xB  }
0xb4: {  	s10 =	sadd.s32 s10, s6  }
0xb5: {  	[hbm4b:s10+s2] =	stream.linear.scatter [tilespmem:s16], [sflag:$0x2], $0x4000, $0x38;
	[tilespmem:$0x14080] =	vst v63  }
0xb6: {  	s18 =	simm.s32 @!p0 $0x2;
	s10 =	sadd.s32 $0x4, s4  }
0xb7: {  	s14 =	sshll.u32 s10, $0x3;
	_ =	swait.ge @!p0 [sflag:s18], $0x4000  }
0xb8: {  	s15 =	sand.u32 $0xF8, s14;
	[sflag:s18] =	ssyncset.done @!p0 $0x0  }
0xb9: {  	s14 =	ssub.s32 s25, s15;
	s21 =	ssub.s32 s26, s15;
	[sflag:s18] =	ssyncadd.s32 @!p0 $0xFFFFC000  }
0xba: {  	p0 =	sgt.s32 s13, $0x0;
	p6 =	sgt.s32 s14, $0x0;
	p5 =	slt.s32 s21, $0x8  }
0xbb: {  	s11 =	simm.s32 @!p2 $0x0;
	s13 =	simm.s32 @!p0 $0x0;
	p5 =	por p6, p5  }
0xbc: {  	s13 =	smin.u32 s13, $0x8;
	s15 =	sshll.u32 @p5 s10, $0xB;
	s18 =	simm.s32 @p5 $0x0  }
0xbd: {  	s20 =	simm.s32 @p5 $0x10080;
	p0 =	sge.u32 s11, s13;
	s15 =	sadd.s32 @p5 s15, s3  }
0xbe: {  	[tilespmem:s20], [sflag:$0x1] =	stream.linear.gather @p5 [hbm4b:s15+s18], $0x4000, $0x38;
	[tilespmem:$0x14080] =	vst v63  }
.Ltmp10:
0xbf: {  	_ = 	snop;
	(pc) =	sbr.rel @p0 .LBB2_17-.Ltmp10, $4  }
0xc0: {  	s15 =	simm.s32 @p1 $0x1  }
0xc1: {  	_ =	swait.ge @p1 [sflag:s15], $0x4000  }
0xc2: {  	[sflag:s15] =	ssyncset.done @p1 $0x0  }
0xc3: {  	[sflag:s15] =	ssyncadd.s32 @p1 $0xFFFFC000  }
0xc4: {  	s15 =	sand.u32 $0x1F, s30  }
0xc5: {  	s15 =	sshll.u32 s15, $0x3  }
0xc6: {  	s15 =	ssub.s32 s25, s15  }
0xc7: {  	p0 =	sgt.s32 s15, $0x0  }
0xc8: {  	s15 =	simm.s32 @!p0 $0x0  }
0xc9: {  	s11 =	smin.u32 s11, $0x8;
	s18 =	smin.u32 s15, $0x8  }
.LBB2_14:
0xca: {  	s15 =	sand.u32 $0x7, s18  }
0xcb: {  	s15 =	sshll.u32 s15, $0x7  }
0xcc: {  	s20 =	sadd.s32 $0x80F0, s15  }
0xcd: {  	[tilespmem:s20+$0xFFFFFF90] =	vst v0  }
0xce: {  	[tilespmem:s20+$0x0] =	vst v0  }
0xcf: {  	[tilespmem:s20+$0xFFFFFFF0] =	vst v0  }
0xd0: {  	[tilespmem:s20+$0xFFFFFFE0] =	vst v0  }
0xd1: {  	[tilespmem:s20+$0xFFFFFFD0] =	vst v0  }
0xd2: {  	[tilespmem:s20+$0xFFFFFFC0] =	vst v0  }
0xd3: {  	s15 =	simm.s32 $0x0;
	[tilespmem:s20+$0xFFFFFFB0] =	vst v0  }
.LBB2_15:
0xd4: {  	s15 =	sadd.s32 $0x8, s15;
	[tilespmem:s20+$0xFFFFFFA0] =	vst v0;
	s20 =	sadd.s32 $0x400, s20  }
0xd5: {  	[tilespmem:s20+$0xFFFFFF90] =	vst v0;
	p0 =	slt.u32 s15, $0x78  }
0xd6: {  	[tilespmem:s20+$0x0] =	vst v0  }
.Ltmp11:
0xd7: {  	[tilespmem:s20+$0xFFFFFFF0] =	vst v0;
	(pc) =	sbr.rel @p0 .LBB2_15-.Ltmp11, $4  }
0xd8: {  	[tilespmem:s20+$0xFFFFFFE0] =	vst v0  }
0xd9: {  	[tilespmem:s20+$0xFFFFFFD0] =	vst v0  }
0xda: {  	[tilespmem:s20+$0xFFFFFFC0] =	vst v0  }
0xdb: {  	[tilespmem:s20+$0xFFFFFFB0] =	vst v0  }
0xdc: {  	s11 =	sadd.s32 $0x1, s11  }
0xdd: {  	p0 =	slt.u32 s11, s13  }
.Ltmp12:
0xde: {  	_ = 	snop;
	(pc) =	sbr.rel @p0 .LBB2_14-.Ltmp12, $2  }
0xdf: {  	_ =	sdelay $0x2  }
0xe0: {  	[tilespmem:s20+$0xFFFFFFA0] =	vst v0;
	s18 =	sadd.s32 $0x1, s18  }
.LBB2_17:
0xe1: {  	s8 =	sshll.u32 s8, $0xB  }
0xe2: {  	s11 =	simm.s32 $0x8080;
	s8 =	sadd.s32 s8, s6  }
0xe3: {  	[hbm4b:s8+s2] =	stream.linear.scatter [tilespmem:s11], [sflag:$0x2], $0x4000, $0x38;
	[tilespmem:$0x14080] =	vst v63  }
0xe4: {  	s8 =	sadd.s32 $0x5, s4  }
0xe5: {  	s20 =	sshll.u32 s8, $0x3  }
0xe6: {  	s11 =	sand.u32 $0xF8, s20  }
0xe7: {  	s13 =	ssub.s32 s25, s11  }
0xe8: {  	s11 =	ssub.s32 s26, s11;
	p0 =	sgt.s32 s13, $0x0  }
0xe9: {  	p1 =	sgt.s32 @!p0 s11, $0x7  }
0xea: {  	_ =	swait.ge [sflag:s19], $0x4000;
	p0 =	por p0, !p1  }
0xeb: {  	[sflag:s19] =	ssyncset.done $0x0;
	s8 =	sshll.u32 @p0 s8, $0xB  }
0xec: {  	[sflag:s19] =	ssyncadd.s32 $0xFFFFC000;
	s11 =	simm.s32 @p0 $0x80;
	s8 =	sadd.s32 @p0 s8, s3  }
0xed: {  	[tilespmem:s11], [sflag:$0x1] =	stream.linear.gather @p0 [hbm4b:s8+s2], $0x4000, $0x38;
	[tilespmem:$0x14080] =	vst v63  }
0xee: {  	p0 =	sgt.s32 s22, $0x0  }
0xef: {  	s22 =	simm.s32 @!p0 $0x0  }
0xf0: {  	s12 =	simm.s32 @!p4 $0x0;
	s8 =	smin.u32 s22, $0x8  }
0xf1: {  	p0 =	sge.u32 s12, s8  }
.Ltmp13:
0xf2: {  	_ = 	snop;
	(pc) =	sbr.rel @p0 .LBB2_22-.Ltmp13, $4  }
0xf3: {  	s11 =	simm.s32 @p3 $0x1  }
0xf4: {  	_ =	swait.ge @p3 [sflag:s11], $0x4000  }
0xf5: {  	[sflag:s11] =	ssyncset.done @p3 $0x0  }
0xf6: {  	[sflag:s11] =	ssyncadd.s32 @p3 $0xFFFFC000  }
0xf7: {  	s11 =	sand.u32 $0x1F, s31  }
0xf8: {  	s11 =	sshll.u32 s11, $0x3  }
0xf9: {  	s13 =	ssub.s32 s25, s11  }
0xfa: {  	p0 =	sgt.s32 s13, $0x0  }
0xfb: {  	s13 =	simm.s32 @!p0 $0x0  }
0xfc: {  	s11 =	smin.u32 s12, $0x8;
	s12 =	smin.u32 s13, $0x8  }
.LBB2_19:
0xfd: {  	s13 =	sand.u32 $0x7, s12  }
0xfe: {  	s13 =	sshll.u32 s13, $0x7  }
0xff: {  	s13 =	sadd.s32 $0xC0F0, s13  }
0x100: {  	[tilespmem:s13+$0xFFFFFF90] =	vst v0  }
0x101: {  	[tilespmem:s13+$0x0] =	vst v0  }
0x102: {  	[tilespmem:s13+$0xFFFFFFF0] =	vst v0  }
0x103: {  	[tilespmem:s13+$0xFFFFFFE0] =	vst v0  }
0x104: {  	[tilespmem:s13+$0xFFFFFFD0] =	vst v0  }
0x105: {  	[tilespmem:s13+$0xFFFFFFC0] =	vst v0  }
0x106: {  	s15 =	simm.s32 $0x0;
	[tilespmem:s13+$0xFFFFFFB0] =	vst v0  }
.LBB2_20:
0x107: {  	s15 =	sadd.s32 $0x8, s15;
	[tilespmem:s13+$0xFFFFFFA0] =	vst v0;
	s13 =	sadd.s32 $0x400, s13  }
0x108: {  	[tilespmem:s13+$0xFFFFFF90] =	vst v0;
	p0 =	slt.u32 s15, $0x78  }
0x109: {  	[tilespmem:s13+$0x0] =	vst v0  }
.Ltmp14:
0x10a: {  	[tilespmem:s13+$0xFFFFFFF0] =	vst v0;
	(pc) =	sbr.rel @p0 .LBB2_20-.Ltmp14, $4  }
0x10b: {  	[tilespmem:s13+$0xFFFFFFE0] =	vst v0  }
0x10c: {  	[tilespmem:s13+$0xFFFFFFD0] =	vst v0  }
0x10d: {  	[tilespmem:s13+$0xFFFFFFC0] =	vst v0  }
0x10e: {  	[tilespmem:s13+$0xFFFFFFB0] =	vst v0  }
0x10f: {  	s11 =	sadd.s32 $0x1, s11  }
0x110: {  	p0 =	slt.u32 s11, s8  }
.Ltmp15:
0x111: {  	_ = 	snop;
	(pc) =	sbr.rel @p0 .LBB2_19-.Ltmp15, $2  }
0x112: {  	_ =	sdelay $0x2  }
0x113: {  	[tilespmem:s13+$0xFFFFFFA0] =	vst v0;
	s12 =	sadd.s32 $0x1, s12  }
.LBB2_22:
0x114: {  	s8 =	sshll.u32 s9, $0xB;
	s4 =	sadd.s32 $0x6, s4  }
0x115: {  	s18 =	simm.s32 $0xC080;
	s8 =	sadd.s32 s8, s6;
	s20 =	sshll.u32 s4, $0x3  }
0x116: {  	[hbm4b:s8+s2] =	stream.linear.scatter [tilespmem:s18], [sflag:$0x2], $0x4000, $0x38;
	[tilespmem:$0x14080] =	vst v63  }
0x117: {  	s8 =	sand.u32 $0xF8, s20  }
0x118: {  	s22 =	ssub.s32 s25, s8  }
0x119: {  	s8 =	ssub.s32 s26, s8;
	p0 =	sgt.s32 s22, $0x0  }
0x11a: {  	p1 =	sgt.s32 @!p0 s8, $0x7  }
0x11b: {  	_ =	swait.ge [sflag:s19], $0x4000;
	p0 =	por p0, !p1  }
0x11c: {  	[sflag:s19] =	ssyncset.done $0x0;
	s4 =	sshll.u32 @p0 s4, $0xB  }
0x11d: {  	[sflag:s19] =	ssyncadd.s32 $0xFFFFC000;
	s4 =	sadd.s32 @p0 s4, s3  }
0x11e: {  	[tilespmem:s16], [sflag:$0x1] =	stream.linear.gather @p0 [hbm4b:s4+s2], $0x4000, $0x38;
	[tilespmem:$0x14080] =	vst v63  }
0x11f: {  	p0 =	sgt.s32 s21, $0x0  }
0x120: {  	s21 =	simm.s32 @!p0 $0x0  }
0x121: {  	s14 =	simm.s32 @!p6 $0x0;
	s4 =	smin.u32 s21, $0x8  }
0x122: {  	p0 =	sge.u32 s14, s4  }
.Ltmp16:
0x123: {  	_ = 	snop;
	(pc) =	sbr.rel @p0 .LBB2_27-.Ltmp16, $4  }
0x124: {  	s8 =	simm.s32 @p5 $0x1  }
0x125: {  	_ =	swait.ge @p5 [sflag:s8], $0x4000  }
0x126: {  	[sflag:s8] =	ssyncset.done @p5 $0x0  }
0x127: {  	[sflag:s8] =	ssyncadd.s32 @p5 $0xFFFFC000  }
0x128: {  	s8 =	sand.u32 $0x1F, s0  }
0x129: {  	s8 =	sshll.u32 s8, $0x3  }
0x12a: {  	s9 =	ssub.s32 s25, s8  }
0x12b: {  	p0 =	sgt.s32 s9, $0x0  }
0x12c: {  	s9 =	simm.s32 @!p0 $0x0  }
0x12d: {  	s8 =	smin.u32 s14, $0x8;
	s9 =	smin.u32 s9, $0x8  }
.LBB2_24:
0x12e: {  	s11 =	sand.u32 $0x7, s9  }
0x12f: {  	s11 =	sshll.u32 s11, $0x7  }
0x130: {  	s11 =	sadd.s32 $0x100F0, s11  }
0x131: {  	[tilespmem:s11+$0xFFFFFF90] =	vst v0  }
0x132: {  	[tilespmem:s11+$0x0] =	vst v0  }
0x133: {  	[tilespmem:s11+$0xFFFFFFF0] =	vst v0  }
0x134: {  	[tilespmem:s11+$0xFFFFFFE0] =	vst v0  }
0x135: {  	[tilespmem:s11+$0xFFFFFFD0] =	vst v0  }
0x136: {  	[tilespmem:s11+$0xFFFFFFC0] =	vst v0  }
0x137: {  	s12 =	simm.s32 $0x0;
	[tilespmem:s11+$0xFFFFFFB0] =	vst v0  }
.LBB2_25:
0x138: {  	s12 =	sadd.s32 $0x8, s12;
	[tilespmem:s11+$0xFFFFFFA0] =	vst v0;
	s11 =	sadd.s32 $0x400, s11  }
0x139: {  	[tilespmem:s11+$0xFFFFFF90] =	vst v0;
	p0 =	slt.u32 s12, $0x78  }
0x13a: {  	[tilespmem:s11+$0x0] =	vst v0  }
.Ltmp17:
0x13b: {  	[tilespmem:s11+$0xFFFFFFF0] =	vst v0;
	(pc) =	sbr.rel @p0 .LBB2_25-.Ltmp17, $4  }
0x13c: {  	[tilespmem:s11+$0xFFFFFFE0] =	vst v0  }
0x13d: {  	[tilespmem:s11+$0xFFFFFFD0] =	vst v0  }
0x13e: {  	[tilespmem:s11+$0xFFFFFFC0] =	vst v0  }
0x13f: {  	[tilespmem:s11+$0xFFFFFFB0] =	vst v0  }
0x140: {  	s8 =	sadd.s32 $0x1, s8  }
0x141: {  	p0 =	slt.u32 s8, s4  }
.Ltmp18:
0x142: {  	_ = 	snop;
	(pc) =	sbr.rel @p0 .LBB2_24-.Ltmp18, $4  }
.Ltmp19:
0x143: {  	_ = 	snop;
	(pc) =	sbr.rel @!p0 .LBB2_27-.Ltmp19, $4  }
0x144: {  	_ = 	snop  }
0x145: {  	_ = 	snop  }
0x146: {  	[tilespmem:s11+$0xFFFFFFA0] =	vst v0;
	s9 =	sadd.s32 $0x1, s9  }
0x147: {  	_ = 	snop  }
.LBB2_28:
0x148: {  	s0 =	sadd.s32 $0xFFFFFF10, s23;
	s1 =	sadd.s32 $0xFFFFFF10, s24  }
0x149: {  	_ =	swait.ge [sflag:s19], $0x4000;
	p1 =	sgt.s32 s0, $0x0;
	p0 =	slt.s32 s1, $0x8  }
0x14a: {  	[sflag:s19] =	ssyncset.done $0x0;
	s7 =	rddreg [dreg:$0x6];
	p0 =	por p1, p0  }
0x14b: {  	[sflag:s19] =	ssyncadd.s32 $0xFFFFC000;
	s4 =	simm.s32 @p0 $0x0;
	s5 =	simm.s32 @p0 $0x8080  }
0x14c: {  	[tilespmem:s5], [sflag:$0x1] =	stream.linear.gather @p0 [hbm4b:s7+s4], $0x4000, $0x38;
	[tilespmem:$0x14080] =	vst v63  }
0x14d: {  	s5 =	sadd.s32 $0xFFFFFF20, s23  }
0x14e: {  	s4 =	sadd.s32 $0xFFFFFF20, s24;
	p2 =	sgt.s32 s5, $0x0  }
0x14f: {  	p3 =	sgt.s32 @!p2 s4, $0x7  }
0x150: {  	p3 =	por p2, !p3  }
0x151: {  	_ =	swait.ge @p3 [sflag:s17], $0x4000  }
0x152: {  	[sflag:s17] =	ssyncset.done @p3 $0x0  }
0x153: {  	[sflag:s17] =	ssyncadd.s32 @p3 $0xFFFFC000;
	p3 =	sgt.s32 s4, $0x0  }
0x154: {  	s4 =	simm.s32 @!p3 $0x0  }
0x155: {  	s5 =	simm.s32 @!p2 $0x0;
	s4 =	smin.u32 s4, $0x8  }
0x156: {  	p2 =	sge.u32 s5, s4  }
.Ltmp20:
0x157: {  	_ = 	snop;
	(pc) =	sbr.rel @p2 .LBB2_33-.Ltmp20, $1  }
0x158: {  	_ =	sdelay $0x3  }
0x159: {  	s5 =	smin.u32 s5, $0x8  }
0x15a: {  	s7 =	smov.u32 s5  }
.LBB2_30:
0x15b: {  	s8 =	sand.u32 $0x7, s5  }
0x15c: {  	s8 =	sshll.u32 s8, $0x7  }
0x15d: {  	s8 =	sadd.s32 $0xC0, s8  }
0x15e: {  	[tilespmem:s8+$0xFFFFFFC0] =	vst v0  }
0x15f: {  	[tilespmem:s8+$0x30] =	vst v0  }
0x160: {  	[tilespmem:s8+$0x20] =	vst v0  }
0x161: {  	[tilespmem:s8+$0x10] =	vst v0  }
0x162: {  	[tilespmem:s8+$0x0] =	vst v0  }
0x163: {  	[tilespmem:s8+$0xFFFFFFF0] =	vst v0  }
0x164: {  	s9 =	simm.s32 $0x0;
	[tilespmem:s8+$0xFFFFFFE0] =	vst v0  }
.LBB2_31:
0x165: {  	s9 =	sadd.s32 $0x8, s9;
	[tilespmem:s8+$0xFFFFFFD0] =	vst v0;
	s8 =	sadd.s32 $0x400, s8  }
0x166: {  	[tilespmem:s8+$0xFFFFFFC0] =	vst v0;
	p2 =	slt.u32 s9, $0x78  }
0x167: {  	[tilespmem:s8+$0x30] =	vst v0  }
.Ltmp21:
0x168: {  	[tilespmem:s8+$0x20] =	vst v0;
	(pc) =	sbr.rel @p2 .LBB2_31-.Ltmp21, $4  }
0x169: {  	[tilespmem:s8+$0x10] =	vst v0  }
0x16a: {  	[tilespmem:s8+$0x0] =	vst v0  }
0x16b: {  	[tilespmem:s8+$0xFFFFFFF0] =	vst v0  }
0x16c: {  	[tilespmem:s8+$0xFFFFFFE0] =	vst v0  }
0x16d: {  	s7 =	sadd.s32 $0x1, s7  }
0x16e: {  	p2 =	sne.s32 s7, s4  }
.Ltmp22:
0x16f: {  	_ = 	snop;
	(pc) =	sbr.rel @p2 .LBB2_30-.Ltmp22, $2  }
0x170: {  	_ =	sdelay $0x2  }
0x171: {  	[tilespmem:s8+$0xFFFFFFD0] =	vst v0;
	s5 =	sadd.s32 $0x1, s5  }
.LBB2_33:
0x172: {  	s4 =	rddreg [dreg:$0x7];
	s5 =	simm.s32 $0x80  }
0x173: {  	[hbm4b:s4+s2] =	stream.linear.scatter [tilespmem:s5], [sflag:$0x2], $0x4000, $0x38;
	[tilespmem:$0x14080] =	vst v63  }
0x174: {  	s4 =	sadd.s32 $0xFFFFFF08, s23;
	s5 =	sadd.s32 $0xFFFFFF08, s24  }
0x175: {  	_ =	swait.ge [sflag:s19], $0x4000;
	p3 =	sgt.s32 s4, $0x0;
	p2 =	slt.s32 s5, $0x8  }
0x176: {  	[sflag:s19] =	ssyncset.done $0x0;
	p2 =	por p3, p2;
	s9 =	rddreg [dreg:$0x8]  }
0x177: {  	[sflag:s19] =	ssyncadd.s32 $0xFFFFC000;
	s7 =	simm.s32 @p2 $0x0;
	s8 =	simm.s32 @p2 $0xC080  }
0x178: {  	[tilespmem:s8], [sflag:$0x1] =	stream.linear.gather @p2 [hbm4b:s9+s7], $0x4000, $0x38;
	[tilespmem:$0x14080] =	vst v63  }
0x179: {  	s8 =	sadd.s32 $0xFFFFFF18, s23  }
0x17a: {  	s7 =	sadd.s32 $0xFFFFFF18, s24;
	p4 =	sgt.s32 s8, $0x0  }
0x17b: {  	p5 =	sgt.s32 @!p4 s7, $0x7  }
0x17c: {  	p5 =	por p4, !p5  }
0x17d: {  	_ =	swait.ge @p5 [sflag:s17], $0x4000  }
0x17e: {  	[sflag:s17] =	ssyncset.done @p5 $0x0  }
0x17f: {  	[sflag:s17] =	ssyncadd.s32 @p5 $0xFFFFC000;
	p5 =	sgt.s32 s7, $0x0  }
0x180: {  	s7 =	simm.s32 @!p5 $0x0  }
0x181: {  	s8 =	simm.s32 @!p4 $0x0;
	s7 =	smin.u32 s7, $0x8  }
0x182: {  	p4 =	sge.u32 s8, s7  }
.Ltmp23:
0x183: {  	_ = 	snop;
	(pc) =	sbr.rel @p4 .LBB2_38-.Ltmp23, $1  }
0x184: {  	_ =	sdelay $0x3  }
0x185: {  	s8 =	smin.u32 s8, $0x8  }
0x186: {  	s9 =	smov.u32 s8  }
.LBB2_35:
0x187: {  	s10 =	sand.u32 $0x7, s8  }
0x188: {  	s10 =	sshll.u32 s10, $0x7  }
0x189: {  	s10 =	sadd.s32 $0x40F0, s10  }
0x18a: {  	[tilespmem:s10+$0xFFFFFF90] =	vst v0  }
0x18b: {  	[tilespmem:s10+$0x0] =	vst v0  }
0x18c: {  	[tilespmem:s10+$0xFFFFFFF0] =	vst v0  }
0x18d: {  	[tilespmem:s10+$0xFFFFFFE0] =	vst v0  }
0x18e: {  	[tilespmem:s10+$0xFFFFFFD0] =	vst v0  }
0x18f: {  	[tilespmem:s10+$0xFFFFFFC0] =	vst v0  }
0x190: {  	s11 =	simm.s32 $0x0;
	[tilespmem:s10+$0xFFFFFFB0] =	vst v0  }
.LBB2_36:
0x191: {  	s11 =	sadd.s32 $0x8, s11;
	[tilespmem:s10+$0xFFFFFFA0] =	vst v0;
	s10 =	sadd.s32 $0x400, s10  }
0x192: {  	[tilespmem:s10+$0xFFFFFF90] =	vst v0;
	p4 =	slt.u32 s11, $0x78  }
0x193: {  	[tilespmem:s10+$0x0] =	vst v0  }
.Ltmp24:
0x194: {  	[tilespmem:s10+$0xFFFFFFF0] =	vst v0;
	(pc) =	sbr.rel @p4 .LBB2_36-.Ltmp24, $4  }
0x195: {  	[tilespmem:s10+$0xFFFFFFE0] =	vst v0  }
0x196: {  	[tilespmem:s10+$0xFFFFFFD0] =	vst v0  }
0x197: {  	[tilespmem:s10+$0xFFFFFFC0] =	vst v0  }
0x198: {  	[tilespmem:s10+$0xFFFFFFB0] =	vst v0  }
0x199: {  	s9 =	sadd.s32 $0x1, s9  }
0x19a: {  	p4 =	sne.s32 s9, s7  }
.Ltmp25:
0x19b: {  	_ = 	snop;
	(pc) =	sbr.rel @p4 .LBB2_35-.Ltmp25, $2  }
0x19c: {  	_ =	sdelay $0x2  }
0x19d: {  	[tilespmem:s10+$0xFFFFFFA0] =	vst v0;
	s8 =	sadd.s32 $0x1, s8  }
.LBB2_38:
0x19e: {  	p4 =	sgt.s32 s1, $0x0;
	s7 =	rddreg [dreg:$0x9]  }
0x19f: {  	[hbm4b:s7+s2] =	stream.linear.scatter [tilespmem:s16], [sflag:$0x2], $0x4000, $0x38;
	[tilespmem:$0x14080] =	vst v63  }
0x1a0: {  	s1 =	simm.s32 @!p4 $0x0  }
0x1a1: {  	s0 =	simm.s32 @!p1 $0x0;
	s1 =	smin.u32 s1, $0x8  }
0x1a2: {  	p1 =	sge.u32 s0, s1  }
.Ltmp26:
0x1a3: {  	_ = 	snop;
	(pc) =	sbr.rel @p1 .LBB2_43-.Ltmp26, $4  }
0x1a4: {  	s7 =	simm.s32 @p0 $0x1  }
0x1a5: {  	_ =	swait.ge @p0 [sflag:s7], $0x4000  }
0x1a6: {  	[sflag:s7] =	ssyncset.done @p0 $0x0  }
0x1a7: {  	[sflag:s7] =	ssyncadd.s32 @p0 $0xFFFFC000  }
0x1a8: {  	s0 =	smin.u32 s0, $0x8  }
0x1a9: {  	s7 =	smov.u32 s0  }
.LBB2_40:
0x1aa: {  	s8 =	sand.u32 $0x7, s0  }
0x1ab: {  	s8 =	sshll.u32 s8, $0x7  }
0x1ac: {  	s8 =	sadd.s32 $0x80F0, s8  }
0x1ad: {  	[tilespmem:s8+$0xFFFFFF90] =	vst v0  }
0x1ae: {  	[tilespmem:s8+$0x0] =	vst v0  }
0x1af: {  	[tilespmem:s8+$0xFFFFFFF0] =	vst v0  }
0x1b0: {  	[tilespmem:s8+$0xFFFFFFE0] =	vst v0  }
0x1b1: {  	[tilespmem:s8+$0xFFFFFFD0] =	vst v0  }
0x1b2: {  	[tilespmem:s8+$0xFFFFFFC0] =	vst v0  }
0x1b3: {  	s9 =	simm.s32 $0x0;
	[tilespmem:s8+$0xFFFFFFB0] =	vst v0  }
.LBB2_41:
0x1b4: {  	s9 =	sadd.s32 $0x8, s9;
	[tilespmem:s8+$0xFFFFFFA0] =	vst v0;
	s8 =	sadd.s32 $0x400, s8  }
0x1b5: {  	[tilespmem:s8+$0xFFFFFF90] =	vst v0;
	p0 =	slt.u32 s9, $0x78  }
0x1b6: {  	[tilespmem:s8+$0x0] =	vst v0  }
.Ltmp27:
0x1b7: {  	[tilespmem:s8+$0xFFFFFFF0] =	vst v0;
	(pc) =	sbr.rel @p0 .LBB2_41-.Ltmp27, $4  }
0x1b8: {  	[tilespmem:s8+$0xFFFFFFE0] =	vst v0  }
0x1b9: {  	[tilespmem:s8+$0xFFFFFFD0] =	vst v0  }
0x1ba: {  	[tilespmem:s8+$0xFFFFFFC0] =	vst v0  }
0x1bb: {  	[tilespmem:s8+$0xFFFFFFB0] =	vst v0  }
0x1bc: {  	s7 =	sadd.s32 $0x1, s7  }
0x1bd: {  	p0 =	sne.s32 s7, s1  }
.Ltmp28:
0x1be: {  	_ = 	snop;
	(pc) =	sbr.rel @p0 .LBB2_40-.Ltmp28, $2  }
0x1bf: {  	_ =	sdelay $0x2  }
0x1c0: {  	[tilespmem:s8+$0xFFFFFFA0] =	vst v0;
	s0 =	sadd.s32 $0x1, s0  }
.LBB2_43:
0x1c1: {  	p0 =	sgt.s32 s5, $0x0;
	s0 =	rddreg [dreg:$0xa];
	s1 =	simm.s32 $0x8080  }
0x1c2: {  	[hbm4b:s0+s2] =	stream.linear.scatter [tilespmem:s1], [sflag:$0x2], $0x4000, $0x38;
	[tilespmem:$0x14080] =	vst v63  }
0x1c3: {  	s5 =	simm.s32 @!p0 $0x0  }
0x1c4: {  	s4 =	simm.s32 @!p3 $0x0;
	s0 =	smin.u32 s5, $0x8  }
0x1c5: {  	p0 =	sge.u32 s4, s0  }
.Ltmp29:
0x1c6: {  	_ = 	snop;
	(pc) =	sbr.rel @p0 .LBB2_48-.Ltmp29, $4  }
0x1c7: {  	s1 =	simm.s32 @p2 $0x1  }
0x1c8: {  	_ =	swait.ge @p2 [sflag:s1], $0x4000  }
0x1c9: {  	[sflag:s1] =	ssyncset.done @p2 $0x0  }
0x1ca: {  	[sflag:s1] =	ssyncadd.s32 @p2 $0xFFFFC000  }
0x1cb: {  	s1 =	smin.u32 s4, $0x8  }
0x1cc: {  	s4 =	smov.u32 s1  }
.LBB2_45:
0x1cd: {  	s5 =	sand.u32 $0x7, s1  }
0x1ce: {  	s5 =	sshll.u32 s5, $0x7  }
0x1cf: {  	s5 =	sadd.s32 $0xC0F0, s5  }
0x1d0: {  	[tilespmem:s5+$0xFFFFFF90] =	vst v0  }
0x1d1: {  	[tilespmem:s5+$0x0] =	vst v0  }
0x1d2: {  	[tilespmem:s5+$0xFFFFFFF0] =	vst v0  }
0x1d3: {  	[tilespmem:s5+$0xFFFFFFE0] =	vst v0  }
0x1d4: {  	[tilespmem:s5+$0xFFFFFFD0] =	vst v0  }
0x1d5: {  	[tilespmem:s5+$0xFFFFFFC0] =	vst v0  }
0x1d6: {  	s7 =	simm.s32 $0x0;
	[tilespmem:s5+$0xFFFFFFB0] =	vst v0  }
.LBB2_46:
0x1d7: {  	s7 =	sadd.s32 $0x8, s7;
	[tilespmem:s5+$0xFFFFFFA0] =	vst v0;
	s5 =	sadd.s32 $0x400, s5  }
0x1d8: {  	[tilespmem:s5+$0xFFFFFF90] =	vst v0;
	p0 =	slt.u32 s7, $0x78  }
0x1d9: {  	[tilespmem:s5+$0x0] =	vst v0  }
.Ltmp30:
0x1da: {  	[tilespmem:s5+$0xFFFFFFF0] =	vst v0;
	(pc) =	sbr.rel @p0 .LBB2_46-.Ltmp30, $4  }
0x1db: {  	[tilespmem:s5+$0xFFFFFFE0] =	vst v0  }
0x1dc: {  	[tilespmem:s5+$0xFFFFFFD0] =	vst v0  }
0x1dd: {  	[tilespmem:s5+$0xFFFFFFC0] =	vst v0  }
0x1de: {  	[tilespmem:s5+$0xFFFFFFB0] =	vst v0  }
0x1df: {  	s4 =	sadd.s32 $0x1, s4  }
0x1e0: {  	p0 =	sne.s32 s4, s0  }
.Ltmp31:
0x1e1: {  	_ = 	snop;
	(pc) =	sbr.rel @p0 .LBB2_45-.Ltmp31, $4  }
.Ltmp32:
0x1e2: {  	_ = 	snop;
	(pc) =	sbr.rel @!p0 .LBB2_48-.Ltmp32, $4  }
0x1e3: {  	_ = 	snop  }
0x1e4: {  	_ = 	snop  }
0x1e5: {  	[tilespmem:s5+$0xFFFFFFA0] =	vst v0;
	s1 =	sadd.s32 $0x1, s1  }
0x1e6: {  	_ = 	snop  }
.LBB2_49:
0x1e7: {  	_ =	sfence.sel $0x180000  }
0x1e8: {  	[bflag:$0x0] =	sbarrier.arrive $0xFFFF  }
0x1e9: {  	_ =	strace $0x90000047  }
0x1ea: {  	s0 =	stileid.u32;
	[bflag:$0x2] =	sbarrier.arrive $0xFFFF  }
0x1eb: {  	p0 =	sne.s32 s0, $0x0;
	s0 =	rddreg [dreg:$0x3]  }
0x1ec: {  	s0 =	sadd.s32 @!p0 $0x100000, s0  }
0x1ed: {  	[sflag:s0] =	ssyncadd.tile.s32 @!p0 $0x1;
	_ =	shalt  }
.Lfunc_end2:
_tile_overlayer_lowered:
.L_overlay_start_2:
0x1ee: {  	(tag) =	ssettag $0x2  }
0x1ef: {  	s0 =	rddreg [dreg:$0x0];
	s2 =	stileid.u32  }
0x1f0: {  	s1 =	rddreg [dreg:$0x1];
	p0 =	sne.s32 s2, $0x0  }
0x1f1: {  	s3 =	rddreg [dreg:$0x2];
	[bflag:$0x3] =	sbarrier.arrive $0xFFFF;
	s2 =	simm.s32 @!p0 $0x1C03  }
0x1f2: {  	[timem:s3], [sflag:s2] =	dma.local @!p0 [hbm:s0], s1  }
0x1f3: {  	s0 =	simm.s32 @!p0 $0x3  }
0x1f4: {  	_ =	swait.ge @!p0 [sflag:s0], s1  }
0x1f5: {  	s1 =	ssub.s32 @!p0 $0x0, s1;
	[sflag:s0] =	ssyncset.done @!p0 $0x0  }
0x1f6: {  	[sflag:s0] =	ssyncadd.s32 @!p0 s1  }
0x1f7: {  	[bflag:$0x3] =	sbarrier.arrive $0xFFFF  }
0x1f8: {  	_ =	shalt  }

</sc_bundles>
